<compile_context>
chip_gen: v7x
topology: tpu7x:2x2x1
jax: 0.10.2.dev20260603
libtpu: 0.0.44.dev20260713+nightly
codegen_flags: <defaults>
</compile_context>

<pallas_src>
import dataclasses
import functools

import jax
import jax.numpy as jnp
from jax import lax
from jax.experimental import pallas as pl
from jax.experimental.pallas import tpu as pltpu
from jax.experimental.pallas import tpu_sc as plsc

N = 10000
D = 128
OC = 256
H = OC // 4
E = 320000

NC = 2
NS = 16
CH = 80
BF = 5
EPT = E // (NC * NS)
CHUNKS = EPT // CH
NSB = CHUNKS // BF


def _sc_conv_agg(x, eidx3):
    mesh = plsc.VectorSubcoreMesh(core_axis_name="c", subcore_axis_name="s")
    cp = pltpu.CompilerParams()
    if "needs_layout_passes" in pltpu.CompilerParams.__dataclass_fields__:
        cp = dataclasses.replace(cp, needs_layout_passes=False)

    @functools.partial(
        pl.kernel,
        compiler_params=cp,
        out_type=(
            jax.ShapeDtypeStruct((NC, N, D), jnp.float32),
            jax.ShapeDtypeStruct((NC * NS * N,), jnp.float32),
        ),
        mesh=mesh,
        scratch_types=[
            pltpu.VMEM((BF, 2, CH), jnp.int32),
            pltpu.VMEM((BF, 2, CH), jnp.int32),
            pltpu.VMEM((CH, D), jnp.float32),
            pltpu.VMEM((CH, D), jnp.float32),
            pltpu.VMEM((N,), jnp.float32),
            pltpu.VMEM_SHARED((N, D), jnp.float32),
            pltpu.SemaphoreType.DMA,
            pltpu.SemaphoreType.DMA,
            pltpu.SemaphoreType.DMA,
        ],
    )
    def body(x_hbm, e_hbm, acc_hbm, cnt_hbm,
             ib0, ib1, rows0, rows1, cnt, acc_sh, sem_i, sem_g, sem_s):
        cid = lax.axis_index("c")
        sid = lax.axis_index("s")
        wid = cid * NS + sid

        @pl.loop(0, CH)
        def _(i):
            @pl.loop(0, D // 16)
            def _(j):
                rows0[i, pl.ds(j * 16, 16)] = jnp.zeros((16,), jnp.float32)

        @pl.loop(0, N // 16)
        def _(i):
            cnt[pl.ds(i * 16, 16)] = jnp.zeros((16,), jnp.float32)

        tail0 = (N // (NS * CH)) * NS * CH
        ntail = (N - tail0) // CH
        for k in range(N // (NS * CH)):
            zb = sid * CH + k * NS * CH
            pltpu.sync_copy(rows0, acc_sh.at[pl.ds(zb, CH), :])

        @pl.when(sid < ntail)
        def _():
            zb = tail0 + sid * CH
            pltpu.sync_copy(rows0, acc_sh.at[pl.ds(zb, CH), :])

        plsc.subcore_barrier()

        ones16 = jnp.ones((16,), jnp.float32)
        rowbufs = (rows0, rows1)
        base = wid * CHUNKS

        def do_sb(blk0, ib_cur, ib_nxt, prefetch):
            idma = None
            if prefetch:
                idma = pltpu.async_copy(
                    e_hbm.at[pl.ds(blk0 + BF, BF)], ib_nxt, sem_i)
            g = pltpu.async_copy(x_hbm.at[ib_cur.at[0, 0]], rowbufs[0], sem_g)
            sd = [None, None]
            for c in range(BF):
                if c < BF - 1:
                    if c >= 1:
                        sd[(c - 1) % 2].wait()
                    gn = pltpu.async_copy(
                        x_hbm.at[ib_cur.at[c + 1, 0]],
                        rowbufs[(c + 1) % 2], sem_g)
                g.wait()
                sd[c % 2] = pltpu.async_copy(
                    rowbufs[c % 2], acc_sh.at[ib_cur.at[c, 1]], sem_s,
                    add=True)
                for q in range(CH // 16):
                    d16 = ib_cur[c, 1, pl.ds(q * 16, 16)]
                    plsc.addupdate_scatter(cnt, [d16], ones16)
                if c < BF - 1:
                    g = gn
            sd[(BF - 2) % 2].wait()
            sd[(BF - 1) % 2].wait()
            if idma is not None:
                idma.wait()

        pltpu.sync_copy(e_hbm.at[pl.ds(base, BF)], ib0)

        @pl.loop(0, (NSB - 1) // 2)
        def _(t):
            blk_a = base + (2 * t) * BF
            do_sb(blk_a, ib0, ib1, True)
            do_sb(blk_a + BF, ib1, ib0, True)

        do_sb(base + (NSB - 1) * BF, ib0, ib1, False)

        plsc.subcore_barrier()

        for k in range(N // (NS * CH)):
            ob = sid * CH + k * NS * CH
            pltpu.sync_copy(acc_sh.at[pl.ds(ob, CH), :],
                            acc_hbm.at[cid, pl.ds(ob, CH), :])

        @pl.when(sid < ntail)
        def _():
            ob = tail0 + sid * CH
            pltpu.sync_copy(acc_sh.at[pl.ds(ob, CH), :],
                            acc_hbm.at[cid, pl.ds(ob, CH), :])

        cb = pl.multiple_of(wid * N, 8)
        pltpu.sync_copy(cnt, cnt_hbm.at[pl.ds(cb, N)])

    return body(x, eidx3)


def _dot_t(a, b):
    return lax.dot_general(a, b, (((1,), (1,)), ((), ())),
                           preferred_element_type=jnp.float32)


def _wsum(w, m):
    return jnp.sum(w * m, axis=0, keepdims=True)


def _make_modality_call(use_ln):
    def body(acc_ref, cnt_ref, x_ref, wl_ref, bl_ref, wr_ref,
             a1_ref, b1_ref, a2_ref, b2_ref, *rest):
        if use_ln:
            g_ref, b_ref, pool2_ref = rest
        else:
            (pool2_ref,) = rest
        s = acc_ref[0] + acc_ref[1]
        cnt = lax.dot_general(cnt_ref[...], jnp.ones((NC * NS, 8), jnp.float32),
                              (((0,), (0,)), ((), ())),
                              preferred_element_type=jnp.float32)[:, 0:1]
        agg = s / jnp.maximum(cnt, 1.0)
        x2 = _dot_t(agg, wl_ref[...]) + bl_ref[...] + _dot_t(x_ref[...], wr_ref[...])
        x2 = jnp.maximum(x2, 0.0)
        if use_ln:
            m = jnp.mean(x2, axis=-1, keepdims=True)
            v = jnp.mean((x2 - m) ** 2, axis=-1, keepdims=True)
            x2 = (x2 - m) / jnp.sqrt(v + 1e-5) * g_ref[...] + b_ref[...]
        h = jnp.maximum(_dot_t(x2, a1_ref[...]) + b1_ref[...], 0.0)
        l1 = _dot_t(h, a2_ref[...])[:, 0:1] + b2_ref[0, 0]
        e1 = jnp.exp(l1 - jnp.max(l1))
        w1 = e1 / (jnp.sum(e1) + 1e-16)
        pool1 = _wsum(w1, x2)
        x3 = x2 + pool1
        h2 = jnp.maximum(_dot_t(x3, a1_ref[...]) + b1_ref[...], 0.0)
        l2 = _dot_t(h2, a2_ref[...])[:, 0:1] + b2_ref[0, 0]
        e2 = jnp.exp(l2 - jnp.max(l2))
        w2 = e2 / (jnp.sum(e2) + 1e-16)
        pool2_ref[...] = _wsum(w2, x3)

    return pl.pallas_call(
        body, out_shape=jax.ShapeDtypeStruct((1, OC), jnp.float32))


def _head_call(pc, ps, l1c, l1bc, l1s, l1bs, ncg, ncb, nsg, nsb, wfc, bfc):
    def body(pc_ref, ps_ref, l1c_ref, l1bc_ref, l1s_ref, l1bs_ref,
             ncg_ref, ncb_ref, nsg_ref, nsb_ref, wfc_ref, bfc_ref, out_ref):
        def branch(p_ref, w_ref, b_row, g_row, bb_row):
            p = p_ref[...]
            nrm = jnp.sqrt(jnp.sum(p * p))
            p = p / jnp.maximum(nrm, 1e-12)
            xh = jnp.maximum(_dot_t(p, w_ref[...]) + b_row, 0.0)
            m = jnp.mean(xh, axis=-1, keepdims=True)
            v = jnp.mean((xh - m) ** 2, axis=-1, keepdims=True)
            return (xh - m) / jnp.sqrt(v + 1e-5) * g_row + bb_row

        xc = branch(pc_ref, l1c_ref, l1bc_ref[...], ncg_ref[...], ncb_ref[...])
        xs = branch(ps_ref, l1s_ref, l1bs_ref[...], nsg_ref[...], nsb_ref[...])
        cat = jnp.concatenate([xc, xs], axis=1)
        logits = _dot_t(cat, wfc_ref[...])[:, 0:3] + bfc_ref[...]
        out_ref[...] = 1.0 / (1.0 + jnp.exp(-logits))

    return pl.pallas_call(
        body, out_shape=jax.ShapeDtypeStruct((1, 3), jnp.float32))(
            pc, ps, l1c, l1bc, l1s, l1bs, ncg, ncb, nsg, nsb, wfc, bfc)


def kernel(node_image_path_cnn_fea, node_image_path_swim_fea, Wl_c, bl_c,
           Wr_c, Wl_s, bl_s, Wr_s, lnsw_g, lnsw_b, A1_c, b1_c, A2_c, b2_c,
           A1_s, b1_s, A2_s, b2_s, L1_c, L1b_c, L1_s, L1b_s, nc_g, nc_b,
           ns_g, ns_b, Wfc, bfc, edge_index_image_cnn, edge_index_image_swim):
    x_c = node_image_path_cnn_fea
    x_s = node_image_path_swim_fea
    ilv = lambda e: (e.astype(jnp.int32)
                     .reshape(2, E // CH, CH).transpose(1, 0, 2))
    e_c = ilv(edge_index_image_cnn)
    e_s = ilv(edge_index_image_swim)

    acc_c, cnt_c = _sc_conv_agg(x_c, e_c)
    dep = (acc_c[0, 0, 0] * 0.0).astype(jnp.int32)
    acc_s, cnt_s = _sc_conv_agg(x_s, e_s + dep)

    row = lambda a: a.reshape(1, -1)
    pad8 = lambda a: jnp.pad(a, ((0, 8 - a.shape[0]), (0, 0)))
    pool2_c = _make_modality_call(False)(
        acc_c, cnt_c.reshape(NC * NS, N), x_c, Wl_c, row(bl_c), Wr_c,
        A1_c, row(b1_c), pad8(A2_c), row(b2_c))
    pool2_s = _make_modality_call(True)(
        acc_s, cnt_s.reshape(NC * NS, N), x_s, Wl_s, row(bl_s), Wr_s,
        A1_s, row(b1_s), pad8(A2_s), row(b2_s), row(lnsw_g), row(lnsw_b))

    return _head_call(pool2_c, pool2_s, L1_c, row(L1b_c), L1_s, row(L1b_s),
                      row(nc_g), row(nc_b), row(ns_g), row(ns_b),
                      pad8(Wfc), row(bfc))

# --- scband reference (transcript-rebuilt; emitter-appended) ---
"""Pipeline reference for scband-fusion-model-our-21646635172735 (READ-ONLY COPY).

The authoritative reference and input builder live on the scoring server;
editing this copy changes nothing except your own understanding.
"""

import jax, jax.numpy as jnp
import numpy as np

N = 10000
E = 320000
D = 128
OC = 256
H = OC // 4

def _layer_norm(x, g, b, eps=1e-5):
    m = jnp.mean(x, axis=-1, keepdims=True)
    v = jnp.var(x, axis=-1, keepdims=True)
    return (x - m) / jnp.sqrt(v + eps) * g + b

def _sage_conv(x, edge_index, W_l, b_l, W_r):
    src = edge_index[0]
    dst = edge_index[1]
    n = x.shape[0]
    msg = x[src]
    s = jax.ops.segment_sum(msg, dst, num_segments=n)
    cnt = jax.ops.segment_sum(jnp.ones((msg.shape[0],), x.dtype), dst, num_segments=n)
    agg = s / jnp.clip(cnt, 1.0)[:, None]
    return agg @ W_l.T + b_l + x @ W_r.T

def _global_attention(x, A1, b1, A2, b2):
    h = jax.nn.relu(x @ A1.T + b1)
    gate = (h @ A2.T + b2).reshape(-1, 1)
    gate = gate - jnp.max(gate, axis=0, keepdims=True)
    e = jnp.exp(gate)
    gate = e / (jnp.sum(e, axis=0, keepdims=True) + 1e-16)
    out = jnp.sum(gate * x, axis=0, keepdims=True)
    return out, gate

def setup_inputs(seed: int = 0):
    key = jax.random.key(seed)
    ks = jax.random.split(key, 32)
    p = lambda i, shape: (jax.random.normal(ks[i], shape, dtype=jnp.float32) * 0.05)
    inp = {}
    inp["node_image_path_cnn_fea"] = jax.random.normal(ks[0], (N, D), dtype=jnp.float32)
    inp["node_image_path_swim_fea"] = jax.random.normal(ks[1], (N, D), dtype=jnp.float32)
    inp["Wl_c"] = p(2, (OC, D)); inp["bl_c"] = jnp.zeros((OC,), jnp.float32); inp["Wr_c"] = p(3, (OC, D))
    inp["Wl_s"] = p(4, (OC, D)); inp["bl_s"] = jnp.zeros((OC,), jnp.float32); inp["Wr_s"] = p(5, (OC, D))
    inp["lnsw_g"] = jnp.ones((OC,), jnp.float32); inp["lnsw_b"] = jnp.zeros((OC,), jnp.float32)
    inp["A1_c"] = p(6, (H, OC)); inp["b1_c"] = jnp.zeros((H,), jnp.float32)
    inp["A2_c"] = p(7, (1, H)); inp["b2_c"] = jnp.zeros((1,), jnp.float32)
    inp["A1_s"] = p(8, (H, OC)); inp["b1_s"] = jnp.zeros((H,), jnp.float32)
    inp["A2_s"] = p(9, (1, H)); inp["b2_s"] = jnp.zeros((1,), jnp.float32)
    inp["L1_c"] = p(10, (H, OC)); inp["L1b_c"] = jnp.zeros((H,), jnp.float32)
    inp["L1_s"] = p(11, (H, OC)); inp["L1b_s"] = jnp.zeros((H,), jnp.float32)
    inp["nc_g"] = jnp.ones((H,), jnp.float32); inp["nc_b"] = jnp.zeros((H,), jnp.float32)
    inp["ns_g"] = jnp.ones((H,), jnp.float32); inp["ns_b"] = jnp.zeros((H,), jnp.float32)
    inp["Wfc"] = p(12, (3, 2 * H)); inp["bfc"] = jnp.zeros((3,), jnp.float32)
    inp["edge_index_image_cnn"] = jax.random.randint(ks[13], (2, E), 0, N)
    inp["edge_index_image_swim"] = jax.random.randint(ks[14], (2, E), 0, N)
    return inp

def reference(node_image_path_cnn_fea, node_image_path_swim_fea, Wl_c, bl_c, Wr_c, Wl_s, bl_s, Wr_s, lnsw_g, lnsw_b, A1_c, b1_c, A2_c, b2_c, A1_s, b1_s, A2_s, b2_s, L1_c, L1b_c, L1_s, L1b_s, nc_g, nc_b, ns_g, ns_b, Wfc, bfc, edge_index_image_cnn, edge_index_image_swim):
    x_cnn = jax.nn.relu(_sage_conv(node_image_path_cnn_fea, edge_index_image_cnn, Wl_c, bl_c, Wr_c))
    pool_cnn, att_c = _global_attention(x_cnn, A1_c, b1_c, A2_c, b2_c)
    x_swim = _sage_conv(node_image_path_swim_fea, edge_index_image_swim, Wl_s, bl_s, Wr_s)
    x_swim = _layer_norm(jax.nn.relu(x_swim), lnsw_g, lnsw_b)
    pool_swim, att_s = _global_attention(x_swim, A1_s, b1_s, A2_s, b2_s)
    pool_stack = jnp.concatenate([pool_cnn, pool_swim], axis=0)
    x_cnn = x_cnn + pool_cnn[0]
    x_swim = x_swim + pool_stack[1]
    pool_cnn2, _ = _global_attention(x_cnn, A1_c, b1_c, A2_c, b2_c)
    pool_swim2, _ = _global_attention(x_swim, A1_s, b1_s, A2_s, b2_s)
    x = jnp.concatenate([pool_cnn2, pool_swim2], axis=0)
    x = x / jnp.clip(jnp.linalg.norm(x, axis=1, keepdims=True), 1e-12)
    xc = _layer_norm(jax.nn.relu(x[0] @ L1_c.T + L1b_c), nc_g, nc_b)
    xs = _layer_norm(jax.nn.relu(x[1] @ L1_s.T + L1b_s), ns_g, ns_b)
    cat = jnp.concatenate([xc, xs], axis=0)[None, :]
    out = jax.nn.sigmoid(cat @ Wfc.T + bfc)
    return out

if __name__ == "__main__":
    import jax
    _d = setup_inputs()
    print(jax.jit(kernel)(*tuple(_d.values())))

</pallas_src>

<mosaic_0001>
#map = affine_map<(d0, d1) -> (0, 0)>
#map1 = affine_map<(d0, d1) -> (0, 0, 0)>
#map2 = affine_map<(d0, d1) -> (0)>
module attributes {stable_mosaic.version = 14 : i64} {
  func.func @body(%arg0: i32, %arg1: i32, %arg2: memref<10000x128xf32, #tpu.memory_space<hbm>>, %arg3: memref<4000x2x80xi32, #tpu.memory_space<hbm>>, %arg4: memref<2x10000x128xf32, #tpu.memory_space<hbm>>, %arg5: memref<320000xf32, #tpu.memory_space<hbm>>, %arg6: memref<5x2x80xi32, #tpu.memory_space<vmem>>, %arg7: memref<5x2x80xi32, #tpu.memory_space<vmem>>, %arg8: memref<80x128xf32, #tpu.memory_space<vmem>>, %arg9: memref<80x128xf32, #tpu.memory_space<vmem>>, %arg10: memref<10000xf32, #tpu.memory_space<vmem>>, %arg11: memref<10000x128xf32, #tpu.memory_space<vmem_shared>>, %arg12: memref<!tpu.dma_semaphore, #tpu.memory_space<semaphore_mem>>, %arg13: memref<!tpu.dma_semaphore, #tpu.memory_space<semaphore_mem>>, %arg14: memref<!tpu.dma_semaphore, #tpu.memory_space<semaphore_mem>>) attributes {dimension_semantics = [#tpu.dimension_semantics<core_parallel>, #tpu.dimension_semantics<subcore_parallel>], iteration_bounds = array<i64: 2, 16>, scalar_prefetch = 0 : i64, scratch_operands = 9 : i64, tpu.core_type = #tpu.core_type<sc_vector_subcore>, window_params = [{transform_indices = #map}, {transform_indices = #map1}, {transform_indices = #map1}, {transform_indices = #map2}]} {
    %mul3A = arith.constant 16 : i32
    %mul3A_0 = arith.muli %arg0, %mul3A : i32
    %add3A = arith.addi %mul3A_0, %arg1 : i32
    %scan3A = arith.constant 0 : i32
    %scan3A_1 = arith.constant 80 : i32
    %scan3A_2 = arith.addi %scan3A, %scan3A_1 : i32
    %scan3A_3 = arith.constant 1 : i32
    scf.for %scan3A_393 = %scan3A to %scan3A_2 step %scan3A_3  : i32 {
      %mul3A_394 = arith.constant 1 : i32
      %mul3A_395 = arith.muli %scan3A_393, %mul3A_394 : i32
      %add3A_396 = arith.constant 0 : i32
      %add3A_397 = arith.addi %add3A_396, %mul3A_395 : i32
      %scan3A_398 = arith.constant 0 : i32
      %scan3A_399 = arith.constant 8 : i32
      %scan3A_400 = arith.addi %scan3A_398, %scan3A_399 : i32
      %scan3A_401 = arith.constant 1 : i32
      scf.for %scan3A_403 = %scan3A_398 to %scan3A_400 step %scan3A_401  : i32 {
        %mul3A_404 = arith.constant 1 : i32
        %mul3A_405 = arith.muli %scan3A_403, %mul3A_404 : i32
        %add3A_406 = arith.constant 0 : i32
        %add3A_407 = arith.addi %add3A_406, %mul3A_405 : i32
        %broadcast_in_dim3A_408 = arith.constant 0.000000e+00 : f32
        %broadcast_in_dim3A_409 = vector.broadcast %broadcast_in_dim3A_408 : f32 to vector<16xf32>
        %mul3A_410 = arith.constant 16 : i32
        %mul3A_411 = arith.muli %add3A_407, %mul3A_410 : i32
        %swap3A = arith.index_cast %add3A_397 : i32 to index
        %swap3A_412 = arith.index_cast %mul3A_411 : i32 to index
        %swap3A_413 = tpu.vector_load %arg8[%swap3A, %swap3A_412] {strides = array<i32>} : memref<80x128xf32, #tpu.memory_space<vmem>>, vector<16xf32>,
        tpu.vector_store %arg8[%swap3A, %swap3A_412], %broadcast_in_dim3A_409 {strides = array<i32>} : memref<80x128xf32, #tpu.memory_space<vmem>>, vector<16xf32>,
      }
      %scan3A_402 = arith.constant 8 : i32
    }
    %scan3A_4 = arith.constant 80 : i32
    %scan3A_5 = arith.constant 0 : i32
    %scan3A_6 = arith.constant 625 : i32
    %scan3A_7 = arith.addi %scan3A_5, %scan3A_6 : i32
    %scan3A_8 = arith.constant 1 : i32
    scf.for %scan3A_393 = %scan3A_5 to %scan3A_7 step %scan3A_8  : i32 {
      %mul3A_394 = arith.constant 1 : i32
      %mul3A_395 = arith.muli %scan3A_393, %mul3A_394 : i32
      %add3A_396 = arith.constant 0 : i32
      %add3A_397 = arith.addi %add3A_396, %mul3A_395 : i32
      %broadcast_in_dim3A_398 = arith.constant 0.000000e+00 : f32
      %broadcast_in_dim3A_399 = vector.broadcast %broadcast_in_dim3A_398 : f32 to vector<16xf32>
      %mul3A_400 = arith.constant 16 : i32
      %mul3A_401 = arith.muli %add3A_397, %mul3A_400 : i32
      %swap3A = arith.index_cast %mul3A_401 : i32 to index
      %swap3A_402 = tpu.vector_load %arg10[%swap3A] {strides = array<i32>} : memref<10000xf32, #tpu.memory_space<vmem>>, vector<16xf32>,
      tpu.vector_store %arg10[%swap3A], %broadcast_in_dim3A_399 {strides = array<i32>} : memref<10000xf32, #tpu.memory_space<vmem>>, vector<16xf32>,
    }
    %scan3A_9 = arith.constant 625 : i32
    %mul3A_10 = arith.constant 80 : i32
    %mul3A_11 = arith.muli %arg1, %mul3A_10 : i32
    %add3A_12 = arith.constant 0 : i32
    %add3A_13 = arith.addi %mul3A_11, %add3A_12 : i32
    "tpu.region"() ({
      %run_scoped3A = tpu.sem_alloc : memref<!tpu.dma_semaphore, #tpu.memory_space<semaphore_mem>>
      %dma_start3A_393 = arith.constant 0 : i32
      %dma_start3A_394 = tpu.memref_slice %arg11[%add3A_13, %dma_start3A_393] : memref<10000x128xf32, #tpu.memory_space<vmem_shared>> -> memref<80x128xf32, #tpu.memory_space<vmem_shared>>
      %dma_start3A_395 = arith.constant 0 : i32
      %dma_start3A_396 = tpu.memref_slice %arg11[%add3A_13, %dma_start3A_395] : memref<10000x128xf32, #tpu.memory_space<vmem_shared>> -> memref<80x128xf32, #tpu.memory_space<vmem_shared>>
      tpu.enqueue_dma source(%arg8 : memref<80x128xf32, #tpu.memory_space<vmem>>) target(%dma_start3A_396 : memref<80x128xf32, #tpu.memory_space<vmem_shared>>) target_semaphore(%run_scoped3A : memref<!tpu.dma_semaphore, #tpu.memory_space<semaphore_mem>>)
      %dma_wait3A_397 = arith.constant 0 : i32
      %dma_wait3A_398 = tpu.memref_slice %arg11[%add3A_13, %dma_wait3A_397] : memref<10000x128xf32, #tpu.memory_space<vmem_shared>> -> memref<80x128xf32, #tpu.memory_space<vmem_shared>>
      %dma_wait3A_399 = arith.constant 0 : i32
      %dma_wait3A_400 = tpu.memref_slice %arg11[%add3A_13, %dma_wait3A_399] : memref<10000x128xf32, #tpu.memory_space<vmem_shared>> -> memref<80x128xf32, #tpu.memory_space<vmem_shared>>
      tpu.wait_dma2 semaphore(%run_scoped3A : memref<!tpu.dma_semaphore, #tpu.memory_space<semaphore_mem>>) src(%arg8 : memref<80x128xf32, #tpu.memory_space<vmem>>) dst(%dma_wait3A_400 : memref<80x128xf32, #tpu.memory_space<vmem_shared>>)
      tpu.yield
    }) : () -> ()
    %mul3A_14 = arith.constant 80 : i32
    %mul3A_15 = arith.muli %arg1, %mul3A_14 : i32
    %add3A_16 = arith.constant 1280 : i32
    %add3A_17 = arith.addi %mul3A_15, %add3A_16 : i32
    "tpu.region"() ({
      %run_scoped3A = tpu.sem_alloc : memref<!tpu.dma_semaphore, #tpu.memory_space<semaphore_mem>>
      %dma_start3A_393 = arith.constant 0 : i32
      %dma_start3A_394 = tpu.memref_slice %arg11[%add3A_17, %dma_start3A_393] : memref<10000x128xf32, #tpu.memory_space<vmem_shared>> -> memref<80x128xf32, #tpu.memory_space<vmem_shared>>
      %dma_start3A_395 = arith.constant 0 : i32
      %dma_start3A_396 = tpu.memref_slice %arg11[%add3A_17, %dma_start3A_395] : memref<10000x128xf32, #tpu.memory_space<vmem_shared>> -> memref<80x128xf32, #tpu.memory_space<vmem_shared>>
      tpu.enqueue_dma source(%arg8 : memref<80x128xf32, #tpu.memory_space<vmem>>) target(%dma_start3A_396 : memref<80x128xf32, #tpu.memory_space<vmem_shared>>) target_semaphore(%run_scoped3A : memref<!tpu.dma_semaphore, #tpu.memory_space<semaphore_mem>>)
      %dma_wait3A_397 = arith.constant 0 : i32
      %dma_wait3A_398 = tpu.memref_slice %arg11[%add3A_17, %dma_wait3A_397] : memref<10000x128xf32, #tpu.memory_space<vmem_shared>> -> memref<80x128xf32, #tpu.memory_space<vmem_shared>>
      %dma_wait3A_399 = arith.constant 0 : i32
      %dma_wait3A_400 = tpu.memref_slice %arg11[%add3A_17, %dma_wait3A_399] : memref<10000x128xf32, #tpu.memory_space<vmem_shared>> -> memref<80x128xf32, #tpu.memory_space<vmem_shared>>
      tpu.wait_dma2 semaphore(%run_scoped3A : memref<!tpu.dma_semaphore, #tpu.memory_space<semaphore_mem>>) src(%arg8 : memref<80x128xf32, #tpu.memory_space<vmem>>) dst(%dma_wait3A_400 : memref<80x128xf32, #tpu.memory_space<vmem_shared>>)
      tpu.yield
    }) : () -> ()
    %mul3A_18 = arith.constant 80 : i32
    %mul3A_19 = arith.muli %arg1, %mul3A_18 : i32
    %add3A_20 = arith.constant 2560 : i32
    %add3A_21 = arith.addi %mul3A_19, %add3A_20 : i32
    "tpu.region"() ({
      %run_scoped3A = tpu.sem_alloc : memref<!tpu.dma_semaphore, #tpu.memory_space<semaphore_mem>>
      %dma_start3A_393 = arith.constant 0 : i32
      %dma_start3A_394 = tpu.memref_slice %arg11[%add3A_21, %dma_start3A_393] : memref<10000x128xf32, #tpu.memory_space<vmem_shared>> -> memref<80x128xf32, #tpu.memory_space<vmem_shared>>
      %dma_start3A_395 = arith.constant 0 : i32
      %dma_start3A_396 = tpu.memref_slice %arg11[%add3A_21, %dma_start3A_395] : memref<10000x128xf32, #tpu.memory_space<vmem_shared>> -> memref<80x128xf32, #tpu.memory_space<vmem_shared>>
      tpu.enqueue_dma source(%arg8 : memref<80x128xf32, #tpu.memory_space<vmem>>) target(%dma_start3A_396 : memref<80x128xf32, #tpu.memory_space<vmem_shared>>) target_semaphore(%run_scoped3A : memref<!tpu.dma_semaphore, #tpu.memory_space<semaphore_mem>>)
      %dma_wait3A_397 = arith.constant 0 : i32
      %dma_wait3A_398 = tpu.memref_slice %arg11[%add3A_21, %dma_wait3A_397] : memref<10000x128xf32, #tpu.memory_space<vmem_shared>> -> memref<80x128xf32, #tpu.memory_space<vmem_shared>>
      %dma_wait3A_399 = arith.constant 0 : i32
      %dma_wait3A_400 = tpu.memref_slice %arg11[%add3A_21, %dma_wait3A_399] : memref<10000x128xf32, #tpu.memory_space<vmem_shared>> -> memref<80x128xf32, #tpu.memory_space<vmem_shared>>
      tpu.wait_dma2 semaphore(%run_scoped3A : memref<!tpu.dma_semaphore, #tpu.memory_space<semaphore_mem>>) src(%arg8 : memref<80x128xf32, #tpu.memory_space<vmem>>) dst(%dma_wait3A_400 : memref<80x128xf32, #tpu.memory_space<vmem_shared>>)
      tpu.yield
    }) : () -> ()
    %mul3A_22 = arith.constant 80 : i32
    %mul3A_23 = arith.muli %arg1, %mul3A_22 : i32
    %add3A_24 = arith.constant 3840 : i32
    %add3A_25 = arith.addi %mul3A_23, %add3A_24 : i32
    "tpu.region"() ({
      %run_scoped3A = tpu.sem_alloc : memref<!tpu.dma_semaphore, #tpu.memory_space<semaphore_mem>>
      %dma_start3A_393 = arith.constant 0 : i32
      %dma_start3A_394 = tpu.memref_slice %arg11[%add3A_25, %dma_start3A_393] : memref<10000x128xf32, #tpu.memory_space<vmem_shared>> -> memref<80x128xf32, #tpu.memory_space<vmem_shared>>
      %dma_start3A_395 = arith.constant 0 : i32
      %dma_start3A_396 = tpu.memref_slice %arg11[%add3A_25, %dma_start3A_395] : memref<10000x128xf32, #tpu.memory_space<vmem_shared>> -> memref<80x128xf32, #tpu.memory_space<vmem_shared>>
      tpu.enqueue_dma source(%arg8 : memref<80x128xf32, #tpu.memory_space<vmem>>) target(%dma_start3A_396 : memref<80x128xf32, #tpu.memory_space<vmem_shared>>) target_semaphore(%run_scoped3A : memref<!tpu.dma_semaphore, #tpu.memory_space<semaphore_mem>>)
      %dma_wait3A_397 = arith.constant 0 : i32
      %dma_wait3A_398 = tpu.memref_slice %arg11[%add3A_25, %dma_wait3A_397] : memref<10000x128xf32, #tpu.memory_space<vmem_shared>> -> memref<80x128xf32, #tpu.memory_space<vmem_shared>>
      %dma_wait3A_399 = arith.constant 0 : i32
      %dma_wait3A_400 = tpu.memref_slice %arg11[%add3A_25, %dma_wait3A_399] : memref<10000x128xf32, #tpu.memory_space<vmem_shared>> -> memref<80x128xf32, #tpu.memory_space<vmem_shared>>
      tpu.wait_dma2 semaphore(%run_scoped3A : memref<!tpu.dma_semaphore, #tpu.memory_space<semaphore_mem>>) src(%arg8 : memref<80x128xf32, #tpu.memory_space<vmem>>) dst(%dma_wait3A_400 : memref<80x128xf32, #tpu.memory_space<vmem_shared>>)
      tpu.yield
    }) : () -> ()
    %mul3A_26 = arith.constant 80 : i32
    %mul3A_27 = arith.muli %arg1, %mul3A_26 : i32
    %add3A_28 = arith.constant 5120 : i32
    %add3A_29 = arith.addi %mul3A_27, %add3A_28 : i32
    "tpu.region"() ({
      %run_scoped3A = tpu.sem_alloc : memref<!tpu.dma_semaphore, #tpu.memory_space<semaphore_mem>>
      %dma_start3A_393 = arith.constant 0 : i32
      %dma_start3A_394 = tpu.memref_slice %arg11[%add3A_29, %dma_start3A_393] : memref<10000x128xf32, #tpu.memory_space<vmem_shared>> -> memref<80x128xf32, #tpu.memory_space<vmem_shared>>
      %dma_start3A_395 = arith.constant 0 : i32
      %dma_start3A_396 = tpu.memref_slice %arg11[%add3A_29, %dma_start3A_395] : memref<10000x128xf32, #tpu.memory_space<vmem_shared>> -> memref<80x128xf32, #tpu.memory_space<vmem_shared>>
      tpu.enqueue_dma source(%arg8 : memref<80x128xf32, #tpu.memory_space<vmem>>) target(%dma_start3A_396 : memref<80x128xf32, #tpu.memory_space<vmem_shared>>) target_semaphore(%run_scoped3A : memref<!tpu.dma_semaphore, #tpu.memory_space<semaphore_mem>>)
      %dma_wait3A_397 = arith.constant 0 : i32
      %dma_wait3A_398 = tpu.memref_slice %arg11[%add3A_29, %dma_wait3A_397] : memref<10000x128xf32, #tpu.memory_space<vmem_shared>> -> memref<80x128xf32, #tpu.memory_space<vmem_shared>>
      %dma_wait3A_399 = arith.constant 0 : i32
      %dma_wait3A_400 = tpu.memref_slice %arg11[%add3A_29, %dma_wait3A_399] : memref<10000x128xf32, #tpu.memory_space<vmem_shared>> -> memref<80x128xf32, #tpu.memory_space<vmem_shared>>
      tpu.wait_dma2 semaphore(%run_scoped3A : memref<!tpu.dma_semaphore, #tpu.memory_space<semaphore_mem>>) src(%arg8 : memref<80x128xf32, #tpu.memory_space<vmem>>) dst(%dma_wait3A_400 : memref<80x128xf32, #tpu.memory_space<vmem_shared>>)
      tpu.yield
    }) : () -> ()
    %mul3A_30 = arith.constant 80 : i32
    %mul3A_31 = arith.muli %arg1, %mul3A_30 : i32
    %add3A_32 = arith.constant 6400 : i32
    %add3A_33 = arith.addi %mul3A_31, %add3A_32 : i32
    "tpu.region"() ({
      %run_scoped3A = tpu.sem_alloc : memref<!tpu.dma_semaphore, #tpu.memory_space<semaphore_mem>>
      %dma_start3A_393 = arith.constant 0 : i32
      %dma_start3A_394 = tpu.memref_slice %arg11[%add3A_33, %dma_start3A_393] : memref<10000x128xf32, #tpu.memory_space<vmem_shared>> -> memref<80x128xf32, #tpu.memory_space<vmem_shared>>
      %dma_start3A_395 = arith.constant 0 : i32
      %dma_start3A_396 = tpu.memref_slice %arg11[%add3A_33, %dma_start3A_395] : memref<10000x128xf32, #tpu.memory_space<vmem_shared>> -> memref<80x128xf32, #tpu.memory_space<vmem_shared>>
      tpu.enqueue_dma source(%arg8 : memref<80x128xf32, #tpu.memory_space<vmem>>) target(%dma_start3A_396 : memref<80x128xf32, #tpu.memory_space<vmem_shared>>) target_semaphore(%run_scoped3A : memref<!tpu.dma_semaphore, #tpu.memory_space<semaphore_mem>>)
      %dma_wait3A_397 = arith.constant 0 : i32
      %dma_wait3A_398 = tpu.memref_slice %arg11[%add3A_33, %dma_wait3A_397] : memref<10000x128xf32, #tpu.memory_space<vmem_shared>> -> memref<80x128xf32, #tpu.memory_space<vmem_shared>>
      %dma_wait3A_399 = arith.constant 0 : i32
      %dma_wait3A_400 = tpu.memref_slice %arg11[%add3A_33, %dma_wait3A_399] : memref<10000x128xf32, #tpu.memory_space<vmem_shared>> -> memref<80x128xf32, #tpu.memory_space<vmem_shared>>
      tpu.wait_dma2 semaphore(%run_scoped3A : memref<!tpu.dma_semaphore, #tpu.memory_space<semaphore_mem>>) src(%arg8 : memref<80x128xf32, #tpu.memory_space<vmem>>) dst(%dma_wait3A_400 : memref<80x128xf32, #tpu.memory_space<vmem_shared>>)
      tpu.yield
    }) : () -> ()
    %mul3A_34 = arith.constant 80 : i32
    %mul3A_35 = arith.muli %arg1, %mul3A_34 : i32
    %add3A_36 = arith.constant 7680 : i32
    %add3A_37 = arith.addi %mul3A_35, %add3A_36 : i32
    "tpu.region"() ({
      %run_scoped3A = tpu.sem_alloc : memref<!tpu.dma_semaphore, #tpu.memory_space<semaphore_mem>>
      %dma_start3A_393 = arith.constant 0 : i32
      %dma_start3A_394 = tpu.memref_slice %arg11[%add3A_37, %dma_start3A_393] : memref<10000x128xf32, #tpu.memory_space<vmem_shared>> -> memref<80x128xf32, #tpu.memory_space<vmem_shared>>
      %dma_start3A_395 = arith.constant 0 : i32
      %dma_start3A_396 = tpu.memref_slice %arg11[%add3A_37, %dma_start3A_395] : memref<10000x128xf32, #tpu.memory_space<vmem_shared>> -> memref<80x128xf32, #tpu.memory_space<vmem_shared>>
      tpu.enqueue_dma source(%arg8 : memref<80x128xf32, #tpu.memory_space<vmem>>) target(%dma_start3A_396 : memref<80x128xf32, #tpu.memory_space<vmem_shared>>) target_semaphore(%run_scoped3A : memref<!tpu.dma_semaphore, #tpu.memory_space<semaphore_mem>>)
      %dma_wait3A_397 = arith.constant 0 : i32
      %dma_wait3A_398 = tpu.memref_slice %arg11[%add3A_37, %dma_wait3A_397] : memref<10000x128xf32, #tpu.memory_space<vmem_shared>> -> memref<80x128xf32, #tpu.memory_space<vmem_shared>>
      %dma_wait3A_399 = arith.constant 0 : i32
      %dma_wait3A_400 = tpu.memref_slice %arg11[%add3A_37, %dma_wait3A_399] : memref<10000x128xf32, #tpu.memory_space<vmem_shared>> -> memref<80x128xf32, #tpu.memory_space<vmem_shared>>
      tpu.wait_dma2 semaphore(%run_scoped3A : memref<!tpu.dma_semaphore, #tpu.memory_space<semaphore_mem>>) src(%arg8 : memref<80x128xf32, #tpu.memory_space<vmem>>) dst(%dma_wait3A_400 : memref<80x128xf32, #tpu.memory_space<vmem_shared>>)
      tpu.yield
    }) : () -> ()
    %lt3A = arith.constant 13 : i32
    %lt3A_38 = arith.cmpi slt, %arg1, %lt3A : i32
    %convert_element_type3A = arith.extui %lt3A_38 : i1 to i32
    %cond3A = arith.constant 0 : i32
    %cond3A_39 = arith.cmpi ne, %convert_element_type3A, %cond3A : i32
    scf.if %cond3A_39 {
      %mul3A_393 = arith.constant 80 : i32
      %mul3A_394 = arith.muli %arg1, %mul3A_393 : i32
      %add3A_395 = arith.constant 8960 : i32
      %add3A_396 = arith.addi %add3A_395, %mul3A_394 : i32
      "tpu.region"() ({
        %run_scoped3A = tpu.sem_alloc : memref<!tpu.dma_semaphore, #tpu.memory_space<semaphore_mem>>
        %dma_start3A_397 = arith.constant 0 : i32
        %dma_start3A_398 = tpu.memref_slice %arg11[%add3A_396, %dma_start3A_397] : memref<10000x128xf32, #tpu.memory_space<vmem_shared>> -> memref<80x128xf32, #tpu.memory_space<vmem_shared>>
        %dma_start3A_399 = arith.constant 0 : i32
        %dma_start3A_400 = tpu.memref_slice %arg11[%add3A_396, %dma_start3A_399] : memref<10000x128xf32, #tpu.memory_space<vmem_shared>> -> memref<80x128xf32, #tpu.memory_space<vmem_shared>>
        tpu.enqueue_dma source(%arg8 : memref<80x128xf32, #tpu.memory_space<vmem>>) target(%dma_start3A_400 : memref<80x128xf32, #tpu.memory_space<vmem_shared>>) target_semaphore(%run_scoped3A : memref<!tpu.dma_semaphore, #tpu.memory_space<semaphore_mem>>)
        %dma_wait3A_401 = arith.constant 0 : i32
        %dma_wait3A_402 = tpu.memref_slice %arg11[%add3A_396, %dma_wait3A_401] : memref<10000x128xf32, #tpu.memory_space<vmem_shared>> -> memref<80x128xf32, #tpu.memory_space<vmem_shared>>
        %dma_wait3A_403 = arith.constant 0 : i32
        %dma_wait3A_404 = tpu.memref_slice %arg11[%add3A_396, %dma_wait3A_403] : memref<10000x128xf32, #tpu.memory_space<vmem_shared>> -> memref<80x128xf32, #tpu.memory_space<vmem_shared>>
        tpu.wait_dma2 semaphore(%run_scoped3A : memref<!tpu.dma_semaphore, #tpu.memory_space<semaphore_mem>>) src(%arg8 : memref<80x128xf32, #tpu.memory_space<vmem>>) dst(%dma_wait3A_404 : memref<80x128xf32, #tpu.memory_space<vmem_shared>>)
        tpu.yield
      }) : () -> ()
    } else {
    }
    %barrier3A = arith.constant 0 : index
    tpu.barrier barrier_id(%barrier3A)
    %broadcast_in_dim3A = arith.constant 1.000000e+00 : f32
    %broadcast_in_dim3A_40 = vector.broadcast %broadcast_in_dim3A : f32 to vector<16xf32>
    %mul3A_41 = arith.constant 125 : i32
    %mul3A_42 = arith.muli %add3A, %mul3A_41 : i32
    "tpu.region"() ({
      %run_scoped3A = tpu.sem_alloc : memref<!tpu.dma_semaphore, #tpu.memory_space<semaphore_mem>>
      %dma_start3A_393 = arith.constant 0 : i32
      %dma_start3A_394 = arith.constant 0 : i32
      %dma_start3A_395 = tpu.memref_slice %arg3[%mul3A_42, %dma_start3A_393, %dma_start3A_394] : memref<4000x2x80xi32, #tpu.memory_space<hbm>> -> memref<5x2x80xi32, #tpu.memory_space<hbm>>
      %dma_start3A_396 = arith.constant 0 : i32
      %dma_start3A_397 = arith.constant 0 : i32
      %dma_start3A_398 = tpu.memref_slice %arg3[%mul3A_42, %dma_start3A_396, %dma_start3A_397] : memref<4000x2x80xi32, #tpu.memory_space<hbm>> -> memref<5x2x80xi32, #tpu.memory_space<hbm>>
      tpu.enqueue_dma source(%dma_start3A_398 : memref<5x2x80xi32, #tpu.memory_space<hbm>>) target(%arg6 : memref<5x2x80xi32, #tpu.memory_space<vmem>>) target_semaphore(%run_scoped3A : memref<!tpu.dma_semaphore, #tpu.memory_space<semaphore_mem>>)
      %dma_wait3A_399 = arith.constant 0 : i32
      %dma_wait3A_400 = arith.constant 0 : i32
      %dma_wait3A_401 = tpu.memref_slice %arg3[%mul3A_42, %dma_wait3A_399, %dma_wait3A_400] : memref<4000x2x80xi32, #tpu.memory_space<hbm>> -> memref<5x2x80xi32, #tpu.memory_space<hbm>>
      %dma_wait3A_402 = arith.constant 0 : i32
      %dma_wait3A_403 = arith.constant 0 : i32
      %dma_wait3A_404 = tpu.memref_slice %arg3[%mul3A_42, %dma_wait3A_402, %dma_wait3A_403] : memref<4000x2x80xi32, #tpu.memory_space<hbm>> -> memref<5x2x80xi32, #tpu.memory_space<hbm>>
      tpu.wait_dma2 semaphore(%run_scoped3A : memref<!tpu.dma_semaphore, #tpu.memory_space<semaphore_mem>>) src(%dma_wait3A_404 : memref<5x2x80xi32, #tpu.memory_space<hbm>>) dst(%arg6 : memref<5x2x80xi32, #tpu.memory_space<vmem>>)
      tpu.yield
    }) : () -> ()
    %scan3A_43 = arith.constant 0 : i32
    %scan3A_44 = arith.constant 12 : i32
    %scan3A_45 = arith.addi %scan3A_43, %scan3A_44 : i32
    %scan3A_46 = arith.constant 1 : i32
    scf.for %scan3A_393 = %scan3A_43 to %scan3A_45 step %scan3A_46  : i32 {
      %mul3A_394 = arith.constant 1 : i32
      %mul3A_395 = arith.muli %scan3A_393, %mul3A_394 : i32
      %add3A_396 = arith.constant 0 : i32
      %add3A_397 = arith.addi %add3A_396, %mul3A_395 : i32
      %mul3A_398 = arith.constant 2 : i32
      %mul3A_399 = arith.muli %mul3A_398, %add3A_397 : i32
      %mul3A_400 = arith.constant 5 : i32
      %mul3A_401 = arith.muli %mul3A_399, %mul3A_400 : i32
      %add3A_402 = arith.addi %mul3A_42, %mul3A_401 : i32
      %add3A_403 = arith.constant 5 : i32
      %add3A_404 = arith.addi %add3A_402, %add3A_403 : i32
      %dma_start3A_405 = arith.constant 0 : i32
      %dma_start3A_406 = arith.constant 0 : i32
      %dma_start3A_407 = tpu.memref_slice %arg3[%add3A_404, %dma_start3A_405, %dma_start3A_406] : memref<4000x2x80xi32, #tpu.memory_space<hbm>> -> memref<5x2x80xi32, #tpu.memory_space<hbm>>
      %dma_start3A_408 = arith.constant 0 : i32
      %dma_start3A_409 = arith.constant 0 : i32
      %dma_start3A_410 = tpu.memref_slice %arg3[%add3A_404, %dma_start3A_408, %dma_start3A_409] : memref<4000x2x80xi32, #tpu.memory_space<hbm>> -> memref<5x2x80xi32, #tpu.memory_space<hbm>>
      tpu.enqueue_dma source(%dma_start3A_410 : memref<5x2x80xi32, #tpu.memory_space<hbm>>) target(%arg7 : memref<5x2x80xi32, #tpu.memory_space<vmem>>) target_semaphore(%arg12 : memref<!tpu.dma_semaphore, #tpu.memory_space<semaphore_mem>>)
      %dma_start3A_411 = arith.constant 0 : i32
      %dma_start3A_412 = arith.constant 0 : i32
      %dma_start3A_413 = arith.constant 0 : i32
      %dma_start3A_414 = tpu.memref_slice %arg6[%dma_start3A_411, %dma_start3A_412, %dma_start3A_413] : memref<5x2x80xi32, #tpu.memory_space<vmem>> -> memref<1x1x80xi32, #tpu.memory_space<vmem>>
      %dma_start3A_415 = tpu.memref_squeeze %dma_start3A_414 : memref<1x1x80xi32, #tpu.memory_space<vmem>> -> memref<80xi32, #tpu.memory_space<vmem>>
      %dma_start3A_416 = arith.constant 0 : i32
      %dma_start3A_417 = arith.constant 0 : i32
      %dma_start3A_418 = tpu.memref_slice %arg2[%dma_start3A_416, %dma_start3A_417] : memref<10000x128xf32, #tpu.memory_space<hbm>> -> memref<10000x128xf32, #tpu.memory_space<hbm>>
      tpu.enqueue_indirect_dma source(%dma_start3A_418 : memref<10000x128xf32, #tpu.memory_space<hbm>>) target(%arg8 : memref<80x128xf32, #tpu.memory_space<vmem>>) offsets(%dma_start3A_415 : memref<80xi32, #tpu.memory_space<vmem>>) semaphore(%arg13 : memref<!tpu.dma_semaphore, #tpu.memory_space<semaphore_mem>>)
      %dma_start3A_419 = arith.constant 1 : i32
      %dma_start3A_420 = arith.constant 0 : i32
      %dma_start3A_421 = arith.constant 0 : i32
      %dma_start3A_422 = tpu.memref_slice %arg6[%dma_start3A_419, %dma_start3A_420, %dma_start3A_421] : memref<5x2x80xi32, #tpu.memory_space<vmem>> -> memref<1x1x80xi32, #tpu.memory_space<vmem>>
      %dma_start3A_423 = tpu.memref_squeeze %dma_start3A_422 : memref<1x1x80xi32, #tpu.memory_space<vmem>> -> memref<80xi32, #tpu.memory_space<vmem>>
      %dma_start3A_424 = arith.constant 0 : i32
      %dma_start3A_425 = arith.constant 0 : i32
      %dma_start3A_426 = tpu.memref_slice %arg2[%dma_start3A_424, %dma_start3A_425] : memref<10000x128xf32, #tpu.memory_space<hbm>> -> memref<10000x128xf32, #tpu.memory_space<hbm>>
      tpu.enqueue_indirect_dma source(%dma_start3A_426 : memref<10000x128xf32, #tpu.memory_space<hbm>>) target(%arg9 : memref<80x128xf32, #tpu.memory_space<vmem>>) offsets(%dma_start3A_423 : memref<80xi32, #tpu.memory_space<vmem>>) semaphore(%arg13 : memref<!tpu.dma_semaphore, #tpu.memory_space<semaphore_mem>>)
      %dma_wait3A_427 = arith.constant 0 : i32
      %dma_wait3A_428 = arith.constant 0 : i32
      %dma_wait3A_429 = arith.constant 0 : i32
      %dma_wait3A_430 = tpu.memref_slice %arg6[%dma_wait3A_427, %dma_wait3A_428, %dma_wait3A_429] : memref<5x2x80xi32, #tpu.memory_space<vmem>> -> memref<1x1x80xi32, #tpu.memory_space<vmem>>
      %dma_wait3A_431 = tpu.memref_squeeze %dma_wait3A_430 : memref<1x1x80xi32, #tpu.memory_space<vmem>> -> memref<80xi32, #tpu.memory_space<vmem>>
      %dma_wait3A_432 = arith.constant 0 : i32
      %dma_wait3A_433 = arith.constant 0 : i32
      %dma_wait3A_434 = tpu.memref_slice %arg2[%dma_wait3A_432, %dma_wait3A_433] : memref<10000x128xf32, #tpu.memory_space<hbm>> -> memref<10000x128xf32, #tpu.memory_space<hbm>>
      tpu.wait_indirect_dma semaphore(%arg13 : memref<!tpu.dma_semaphore, #tpu.memory_space<semaphore_mem>>) src(%dma_wait3A_434 : memref<10000x128xf32, #tpu.memory_space<hbm>>) dst(%arg8 : memref<80x128xf32, #tpu.memory_space<vmem>>)
      %dma_start3A_435 = arith.constant 0 : i32
      %dma_start3A_436 = arith.constant 1 : i32
      %dma_start3A_437 = arith.constant 0 : i32
      %dma_start3A_438 = tpu.memref_slice %arg6[%dma_start3A_435, %dma_start3A_436, %dma_start3A_437] : memref<5x2x80xi32, #tpu.memory_space<vmem>> -> memref<1x1x80xi32, #tpu.memory_space<vmem>>
      %dma_start3A_439 = tpu.memref_squeeze %dma_start3A_438 : memref<1x1x80xi32, #tpu.memory_space<vmem>> -> memref<80xi32, #tpu.memory_space<vmem>>
      %dma_start3A_440 = arith.constant 0 : i32
      %dma_start3A_441 = arith.constant 0 : i32
      %dma_start3A_442 = tpu.memref_slice %arg11[%dma_start3A_440, %dma_start3A_441] : memref<10000x128xf32, #tpu.memory_space<vmem_shared>> -> memref<10000x128xf32, #tpu.memory_space<vmem_shared>>
      tpu.enqueue_indirect_dma source(%arg8 : memref<80x128xf32, #tpu.memory_space<vmem>>) target(%dma_start3A_442 : memref<10000x128xf32, #tpu.memory_space<vmem_shared>>) offsets(%dma_start3A_439 : memref<80xi32, #tpu.memory_space<vmem>>) semaphore(%arg14 : memref<!tpu.dma_semaphore, #tpu.memory_space<semaphore_mem>>) {add = true}
      %get3A_443 = arith.constant 0 : i32
      %get3A_444 = arith.constant 1 : i32
      %get3A_445 = arith.index_cast %get3A_443 : i32 to index
      %get3A_446 = arith.index_cast %get3A_444 : i32 to index
      %get3A_447 = arith.constant 0 : index
      %get3A_448 = tpu.vector_load %arg6[%get3A_445, %get3A_446, %get3A_447] {strides = array<i32>} : memref<5x2x80xi32, #tpu.memory_space<vmem>>, vector<16xi32>,
      tpu.vector_store_idx %arg10[%get3A_448], %broadcast_in_dim3A_40 {add = true} : memref<10000xf32, #tpu.memory_space<vmem>>[vector<16xi32>], vector<16xf32>,
      %get3A_449 = arith.constant 0 : i32
      %get3A_450 = arith.constant 1 : i32
      %get3A_451 = arith.index_cast %get3A_449 : i32 to index
      %get3A_452 = arith.index_cast %get3A_450 : i32 to index
      %get3A_453 = arith.constant 16 : index
      %get3A_454 = tpu.vector_load %arg6[%get3A_451, %get3A_452, %get3A_453] {strides = array<i32>} : memref<5x2x80xi32, #tpu.memory_space<vmem>>, vector<16xi32>,
      tpu.vector_store_idx %arg10[%get3A_454], %broadcast_in_dim3A_40 {add = true} : memref<10000xf32, #tpu.memory_space<vmem>>[vector<16xi32>], vector<16xf32>,
      %get3A_455 = arith.constant 0 : i32
      %get3A_456 = arith.constant 1 : i32
      %get3A_457 = arith.index_cast %get3A_455 : i32 to index
      %get3A_458 = arith.index_cast %get3A_456 : i32 to index
      %get3A_459 = arith.constant 32 : index
      %get3A_460 = tpu.vector_load %arg6[%get3A_457, %get3A_458, %get3A_459] {strides = array<i32>} : memref<5x2x80xi32, #tpu.memory_space<vmem>>, vector<16xi32>,
      tpu.vector_store_idx %arg10[%get3A_460], %broadcast_in_dim3A_40 {add = true} : memref<10000xf32, #tpu.memory_space<vmem>>[vector<16xi32>], vector<16xf32>,
      %get3A_461 = arith.constant 0 : i32
      %get3A_462 = arith.constant 1 : i32
      %get3A_463 = arith.index_cast %get3A_461 : i32 to index
      %get3A_464 = arith.index_cast %get3A_462 : i32 to index
      %get3A_465 = arith.constant 48 : index
      %get3A_466 = tpu.vector_load %arg6[%get3A_463, %get3A_464, %get3A_465] {strides = array<i32>} : memref<5x2x80xi32, #tpu.memory_space<vmem>>, vector<16xi32>,
      tpu.vector_store_idx %arg10[%get3A_466], %broadcast_in_dim3A_40 {add = true} : memref<10000xf32, #tpu.memory_space<vmem>>[vector<16xi32>], vector<16xf32>,
      %get3A_467 = arith.constant 0 : i32
      %get3A_468 = arith.constant 1 : i32
      %get3A_469 = arith.index_cast %get3A_467 : i32 to index
      %get3A_470 = arith.index_cast %get3A_468 : i32 to index
      %get3A_471 = arith.constant 64 : index
      %get3A_472 = tpu.vector_load %arg6[%get3A_469, %get3A_470, %get3A_471] {strides = array<i32>} : memref<5x2x80xi32, #tpu.memory_space<vmem>>, vector<16xi32>,
      tpu.vector_store_idx %arg10[%get3A_472], %broadcast_in_dim3A_40 {add = true} : memref<10000xf32, #tpu.memory_space<vmem>>[vector<16xi32>], vector<16xf32>,
      %dma_wait3A_473 = arith.constant 0 : i32
      %dma_wait3A_474 = arith.constant 1 : i32
      %dma_wait3A_475 = arith.constant 0 : i32
      %dma_wait3A_476 = tpu.memref_slice %arg6[%dma_wait3A_473, %dma_wait3A_474, %dma_wait3A_475] : memref<5x2x80xi32, #tpu.memory_space<vmem>> -> memref<1x1x80xi32, #tpu.memory_space<vmem>>
      %dma_wait3A_477 = tpu.memref_squeeze %dma_wait3A_476 : memref<1x1x80xi32, #tpu.memory_space<vmem>> -> memref<80xi32, #tpu.memory_space<vmem>>
      %dma_wait3A_478 = arith.constant 0 : i32
      %dma_wait3A_479 = arith.constant 0 : i32
      %dma_wait3A_480 = tpu.memref_slice %arg11[%dma_wait3A_478, %dma_wait3A_479] : memref<10000x128xf32, #tpu.memory_space<vmem_shared>> -> memref<10000x128xf32, #tpu.memory_space<vmem_shared>>
      tpu.wait_indirect_dma semaphore(%arg14 : memref<!tpu.dma_semaphore, #tpu.memory_space<semaphore_mem>>) src(%arg8 : memref<80x128xf32, #tpu.memory_space<vmem>>) dst(%dma_wait3A_480 : memref<10000x128xf32, #tpu.memory_space<vmem_shared>>)
      %dma_start3A_481 = arith.constant 2 : i32
      %dma_start3A_482 = arith.constant 0 : i32
      %dma_start3A_483 = arith.constant 0 : i32
      %dma_start3A_484 = tpu.memref_slice %arg6[%dma_start3A_481, %dma_start3A_482, %dma_start3A_483] : memref<5x2x80xi32, #tpu.memory_space<vmem>> -> memref<1x1x80xi32, #tpu.memory_space<vmem>>
      %dma_start3A_485 = tpu.memref_squeeze %dma_start3A_484 : memref<1x1x80xi32, #tpu.memory_space<vmem>> -> memref<80xi32, #tpu.memory_space<vmem>>
      %dma_start3A_486 = arith.constant 0 : i32
      %dma_start3A_487 = arith.constant 0 : i32
      %dma_start3A_488 = tpu.memref_slice %arg2[%dma_start3A_486, %dma_start3A_487] : memref<10000x128xf32, #tpu.memory_space<hbm>> -> memref<10000x128xf32, #tpu.memory_space<hbm>>
      tpu.enqueue_indirect_dma source(%dma_start3A_488 : memref<10000x128xf32, #tpu.memory_space<hbm>>) target(%arg8 : memref<80x128xf32, #tpu.memory_space<vmem>>) offsets(%dma_start3A_485 : memref<80xi32, #tpu.memory_space<vmem>>) semaphore(%arg13 : memref<!tpu.dma_semaphore, #tpu.memory_space<semaphore_mem>>)
      %dma_wait3A_489 = arith.constant 1 : i32
      %dma_wait3A_490 = arith.constant 0 : i32
      %dma_wait3A_491 = arith.constant 0 : i32
      %dma_wait3A_492 = tpu.memref_slice %arg6[%dma_wait3A_489, %dma_wait3A_490, %dma_wait3A_491] : memref<5x2x80xi32, #tpu.memory_space<vmem>> -> memref<1x1x80xi32, #tpu.memory_space<vmem>>
      %dma_wait3A_493 = tpu.memref_squeeze %dma_wait3A_492 : memref<1x1x80xi32, #tpu.memory_space<vmem>> -> memref<80xi32, #tpu.memory_space<vmem>>
      %dma_wait3A_494 = arith.constant 0 : i32
      %dma_wait3A_495 = arith.constant 0 : i32
      %dma_wait3A_496 = tpu.memref_slice %arg2[%dma_wait3A_494, %dma_wait3A_495] : memref<10000x128xf32, #tpu.memory_space<hbm>> -> memref<10000x128xf32, #tpu.memory_space<hbm>>
      tpu.wait_indirect_dma semaphore(%arg13 : memref<!tpu.dma_semaphore, #tpu.memory_space<semaphore_mem>>) src(%dma_wait3A_496 : memref<10000x128xf32, #tpu.memory_space<hbm>>) dst(%arg9 : memref<80x128xf32, #tpu.memory_space<vmem>>)
      %dma_start3A_497 = arith.constant 1 : i32
      %dma_start3A_498 = arith.constant 1 : i32
      %dma_start3A_499 = arith.constant 0 : i32
      %dma_start3A_500 = tpu.memref_slice %arg6[%dma_start3A_497, %dma_start3A_498, %dma_start3A_499] : memref<5x2x80xi32, #tpu.memory_space<vmem>> -> memref<1x1x80xi32, #tpu.memory_space<vmem>>
      %dma_start3A_501 = tpu.memref_squeeze %dma_start3A_500 : memref<1x1x80xi32, #tpu.memory_space<vmem>> -> memref<80xi32, #tpu.memory_space<vmem>>
      %dma_start3A_502 = arith.constant 0 : i32
      %dma_start3A_503 = arith.constant 0 : i32
      %dma_start3A_504 = tpu.memref_slice %arg11[%dma_start3A_502, %dma_start3A_503] : memref<10000x128xf32, #tpu.memory_space<vmem_shared>> -> memref<10000x128xf32, #tpu.memory_space<vmem_shared>>
      tpu.enqueue_indirect_dma source(%arg9 : memref<80x128xf32, #tpu.memory_space<vmem>>) target(%dma_start3A_504 : memref<10000x128xf32, #tpu.memory_space<vmem_shared>>) offsets(%dma_start3A_501 : memref<80xi32, #tpu.memory_space<vmem>>) semaphore(%arg14 : memref<!tpu.dma_semaphore, #tpu.memory_space<semaphore_mem>>) {add = true}
      %get3A_505 = arith.constant 1 : i32
      %get3A_506 = arith.constant 1 : i32
      %get3A_507 = arith.index_cast %get3A_505 : i32 to index
      %get3A_508 = arith.index_cast %get3A_506 : i32 to index
      %get3A_509 = arith.constant 0 : index
      %get3A_510 = tpu.vector_load %arg6[%get3A_507, %get3A_508, %get3A_509] {strides = array<i32>} : memref<5x2x80xi32, #tpu.memory_space<vmem>>, vector<16xi32>,
      tpu.vector_store_idx %arg10[%get3A_510], %broadcast_in_dim3A_40 {add = true} : memref<10000xf32, #tpu.memory_space<vmem>>[vector<16xi32>], vector<16xf32>,
      %get3A_511 = arith.constant 1 : i32
      %get3A_512 = arith.constant 1 : i32
      %get3A_513 = arith.index_cast %get3A_511 : i32 to index
      %get3A_514 = arith.index_cast %get3A_512 : i32 to index
      %get3A_515 = arith.constant 16 : index
      %get3A_516 = tpu.vector_load %arg6[%get3A_513, %get3A_514, %get3A_515] {strides = array<i32>} : memref<5x2x80xi32, #tpu.memory_space<vmem>>, vector<16xi32>,
      tpu.vector_store_idx %arg10[%get3A_516], %broadcast_in_dim3A_40 {add = true} : memref<10000xf32, #tpu.memory_space<vmem>>[vector<16xi32>], vector<16xf32>,
      %get3A_517 = arith.constant 1 : i32
      %get3A_518 = arith.constant 1 : i32
      %get3A_519 = arith.index_cast %get3A_517 : i32 to index
      %get3A_520 = arith.index_cast %get3A_518 : i32 to index
      %get3A_521 = arith.constant 32 : index
      %get3A_522 = tpu.vector_load %arg6[%get3A_519, %get3A_520, %get3A_521] {strides = array<i32>} : memref<5x2x80xi32, #tpu.memory_space<vmem>>, vector<16xi32>,
      tpu.vector_store_idx %arg10[%get3A_522], %broadcast_in_dim3A_40 {add = true} : memref<10000xf32, #tpu.memory_space<vmem>>[vector<16xi32>], vector<16xf32>,
      %get3A_523 = arith.constant 1 : i32
      %get3A_524 = arith.constant 1 : i32
      %get3A_525 = arith.index_cast %get3A_523 : i32 to index
      %get3A_526 = arith.index_cast %get3A_524 : i32 to index
      %get3A_527 = arith.constant 48 : index
      %get3A_528 = tpu.vector_load %arg6[%get3A_525, %get3A_526, %get3A_527] {strides = array<i32>} : memref<5x2x80xi32, #tpu.memory_space<vmem>>, vector<16xi32>,
      tpu.vector_store_idx %arg10[%get3A_528], %broadcast_in_dim3A_40 {add = true} : memref<10000xf32, #tpu.memory_space<vmem>>[vector<16xi32>], vector<16xf32>,
      %get3A_529 = arith.constant 1 : i32
      %get3A_530 = arith.constant 1 : i32
      %get3A_531 = arith.index_cast %get3A_529 : i32 to index
      %get3A_532 = arith.index_cast %get3A_530 : i32 to index
      %get3A_533 = arith.constant 64 : index
      %get3A_534 = tpu.vector_load %arg6[%get3A_531, %get3A_532, %get3A_533] {strides = array<i32>} : memref<5x2x80xi32, #tpu.memory_space<vmem>>, vector<16xi32>,
      tpu.vector_store_idx %arg10[%get3A_534], %broadcast_in_dim3A_40 {add = true} : memref<10000xf32, #tpu.memory_space<vmem>>[vector<16xi32>], vector<16xf32>,
      %dma_wait3A_535 = arith.constant 1 : i32
      %dma_wait3A_536 = arith.constant 1 : i32
      %dma_wait3A_537 = arith.constant 0 : i32
      %dma_wait3A_538 = tpu.memref_slice %arg6[%dma_wait3A_535, %dma_wait3A_536, %dma_wait3A_537] : memref<5x2x80xi32, #tpu.memory_space<vmem>> -> memref<1x1x80xi32, #tpu.memory_space<vmem>>
      %dma_wait3A_539 = tpu.memref_squeeze %dma_wait3A_538 : memref<1x1x80xi32, #tpu.memory_space<vmem>> -> memref<80xi32, #tpu.memory_space<vmem>>
      %dma_wait3A_540 = arith.constant 0 : i32
      %dma_wait3A_541 = arith.constant 0 : i32
      %dma_wait3A_542 = tpu.memref_slice %arg11[%dma_wait3A_540, %dma_wait3A_541] : memref<10000x128xf32, #tpu.memory_space<vmem_shared>> -> memref<10000x128xf32, #tpu.memory_space<vmem_shared>>
      tpu.wait_indirect_dma semaphore(%arg14 : memref<!tpu.dma_semaphore, #tpu.memory_space<semaphore_mem>>) src(%arg9 : memref<80x128xf32, #tpu.memory_space<vmem>>) dst(%dma_wait3A_542 : memref<10000x128xf32, #tpu.memory_space<vmem_shared>>)
      %dma_start3A_543 = arith.constant 3 : i32
      %dma_start3A_544 = arith.constant 0 : i32
      %dma_start3A_545 = arith.constant 0 : i32
      %dma_start3A_546 = tpu.memref_slice %arg6[%dma_start3A_543, %dma_start3A_544, %dma_start3A_545] : memref<5x2x80xi32, #tpu.memory_space<vmem>> -> memref<1x1x80xi32, #tpu.memory_space<vmem>>
      %dma_start3A_547 = tpu.memref_squeeze %dma_start3A_546 : memref<1x1x80xi32, #tpu.memory_space<vmem>> -> memref<80xi32, #tpu.memory_space<vmem>>
      %dma_start3A_548 = arith.constant 0 : i32
      %dma_start3A_549 = arith.constant 0 : i32
      %dma_start3A_550 = tpu.memref_slice %arg2[%dma_start3A_548, %dma_start3A_549] : memref<10000x128xf32, #tpu.memory_space<hbm>> -> memref<10000x128xf32, #tpu.memory_space<hbm>>
      tpu.enqueue_indirect_dma source(%dma_start3A_550 : memref<10000x128xf32, #tpu.memory_space<hbm>>) target(%arg9 : memref<80x128xf32, #tpu.memory_space<vmem>>) offsets(%dma_start3A_547 : memref<80xi32, #tpu.memory_space<vmem>>) semaphore(%arg13 : memref<!tpu.dma_semaphore, #tpu.memory_space<semaphore_mem>>)
      %dma_wait3A_551 = arith.constant 2 : i32
      %dma_wait3A_552 = arith.constant 0 : i32
      %dma_wait3A_553 = arith.constant 0 : i32
      %dma_wait3A_554 = tpu.memref_slice %arg6[%dma_wait3A_551, %dma_wait3A_552, %dma_wait3A_553] : memref<5x2x80xi32, #tpu.memory_space<vmem>> -> memref<1x1x80xi32, #tpu.memory_space<vmem>>
      %dma_wait3A_555 = tpu.memref_squeeze %dma_wait3A_554 : memref<1x1x80xi32, #tpu.memory_space<vmem>> -> memref<80xi32, #tpu.memory_space<vmem>>
      %dma_wait3A_556 = arith.constant 0 : i32
      %dma_wait3A_557 = arith.constant 0 : i32
      %dma_wait3A_558 = tpu.memref_slice %arg2[%dma_wait3A_556, %dma_wait3A_557] : memref<10000x128xf32, #tpu.memory_space<hbm>> -> memref<10000x128xf32, #tpu.memory_space<hbm>>
      tpu.wait_indirect_dma semaphore(%arg13 : memref<!tpu.dma_semaphore, #tpu.memory_space<semaphore_mem>>) src(%dma_wait3A_558 : memref<10000x128xf32, #tpu.memory_space<hbm>>) dst(%arg8 : memref<80x128xf32, #tpu.memory_space<vmem>>)
      %dma_start3A_559 = arith.constant 2 : i32
      %dma_start3A_560 = arith.constant 1 : i32
      %dma_start3A_561 = arith.constant 0 : i32
      %dma_start3A_562 = tpu.memref_slice %arg6[%dma_start3A_559, %dma_start3A_560, %dma_start3A_561] : memref<5x2x80xi32, #tpu.memory_space<vmem>> -> memref<1x1x80xi32, #tpu.memory_space<vmem>>
      %dma_start3A_563 = tpu.memref_squeeze %dma_start3A_562 : memref<1x1x80xi32, #tpu.memory_space<vmem>> -> memref<80xi32, #tpu.memory_space<vmem>>
      %dma_start3A_564 = arith.constant 0 : i32
      %dma_start3A_565 = arith.constant 0 : i32
      %dma_start3A_566 = tpu.memref_slice %arg11[%dma_start3A_564, %dma_start3A_565] : memref<10000x128xf32, #tpu.memory_space<vmem_shared>> -> memref<10000x128xf32, #tpu.memory_space<vmem_shared>>
      tpu.enqueue_indirect_dma source(%arg8 : memref<80x128xf32, #tpu.memory_space<vmem>>) target(%dma_start3A_566 : memref<10000x128xf32, #tpu.memory_space<vmem_shared>>) offsets(%dma_start3A_563 : memref<80xi32, #tpu.memory_space<vmem>>) semaphore(%arg14 : memref<!tpu.dma_semaphore, #tpu.memory_space<semaphore_mem>>) {add = true}
      %get3A_567 = arith.constant 2 : i32
      %get3A_568 = arith.constant 1 : i32
      %get3A_569 = arith.index_cast %get3A_567 : i32 to index
      %get3A_570 = arith.index_cast %get3A_568 : i32 to index
      %get3A_571 = arith.constant 0 : index
      %get3A_572 = tpu.vector_load %arg6[%get3A_569, %get3A_570, %get3A_571] {strides = array<i32>} : memref<5x2x80xi32, #tpu.memory_space<vmem>>, vector<16xi32>,
      tpu.vector_store_idx %arg10[%get3A_572], %broadcast_in_dim3A_40 {add = true} : memref<10000xf32, #tpu.memory_space<vmem>>[vector<16xi32>], vector<16xf32>,
      %get3A_573 = arith.constant 2 : i32
      %get3A_574 = arith.constant 1 : i32
      %get3A_575 = arith.index_cast %get3A_573 : i32 to index
      %get3A_576 = arith.index_cast %get3A_574 : i32 to index
      %get3A_577 = arith.constant 16 : index
      %get3A_578 = tpu.vector_load %arg6[%get3A_575, %get3A_576, %get3A_577] {strides = array<i32>} : memref<5x2x80xi32, #tpu.memory_space<vmem>>, vector<16xi32>,
      tpu.vector_store_idx %arg10[%get3A_578], %broadcast_in_dim3A_40 {add = true} : memref<10000xf32, #tpu.memory_space<vmem>>[vector<16xi32>], vector<16xf32>,
      %get3A_579 = arith.constant 2 : i32
      %get3A_580 = arith.constant 1 : i32
      %get3A_581 = arith.index_cast %get3A_579 : i32 to index
      %get3A_582 = arith.index_cast %get3A_580 : i32 to index
      %get3A_583 = arith.constant 32 : index
      %get3A_584 = tpu.vector_load %arg6[%get3A_581, %get3A_582, %get3A_583] {strides = array<i32>} : memref<5x2x80xi32, #tpu.memory_space<vmem>>, vector<16xi32>,
      tpu.vector_store_idx %arg10[%get3A_584], %broadcast_in_dim3A_40 {add = true} : memref<10000xf32, #tpu.memory_space<vmem>>[vector<16xi32>], vector<16xf32>,
      %get3A_585 = arith.constant 2 : i32
      %get3A_586 = arith.constant 1 : i32
      %get3A_587 = arith.index_cast %get3A_585 : i32 to index
      %get3A_588 = arith.index_cast %get3A_586 : i32 to index
      %get3A_589 = arith.constant 48 : index
      %get3A_590 = tpu.vector_load %arg6[%get3A_587, %get3A_588, %get3A_589] {strides = array<i32>} : memref<5x2x80xi32, #tpu.memory_space<vmem>>, vector<16xi32>,
      tpu.vector_store_idx %arg10[%get3A_590], %broadcast_in_dim3A_40 {add = true} : memref<10000xf32, #tpu.memory_space<vmem>>[vector<16xi32>], vector<16xf32>,
      %get3A_591 = arith.constant 2 : i32
      %get3A_592 = arith.constant 1 : i32
      %get3A_593 = arith.index_cast %get3A_591 : i32 to index
      %get3A_594 = arith.index_cast %get3A_592 : i32 to index
      %get3A_595 = arith.constant 64 : index
      %get3A_596 = tpu.vector_load %arg6[%get3A_593, %get3A_594, %get3A_595] {strides = array<i32>} : memref<5x2x80xi32, #tpu.memory_space<vmem>>, vector<16xi32>,
      tpu.vector_store_idx %arg10[%get3A_596], %broadcast_in_dim3A_40 {add = true} : memref<10000xf32, #tpu.memory_space<vmem>>[vector<16xi32>], vector<16xf32>,
      %dma_wait3A_597 = arith.constant 2 : i32
      %dma_wait3A_598 = arith.constant 1 : i32
      %dma_wait3A_599 = arith.constant 0 : i32
      %dma_wait3A_600 = tpu.memref_slice %arg6[%dma_wait3A_597, %dma_wait3A_598, %dma_wait3A_599] : memref<5x2x80xi32, #tpu.memory_space<vmem>> -> memref<1x1x80xi32, #tpu.memory_space<vmem>>
      %dma_wait3A_601 = tpu.memref_squeeze %dma_wait3A_600 : memref<1x1x80xi32, #tpu.memory_space<vmem>> -> memref<80xi32, #tpu.memory_space<vmem>>
      %dma_wait3A_602 = arith.constant 0 : i32
      %dma_wait3A_603 = arith.constant 0 : i32
      %dma_wait3A_604 = tpu.memref_slice %arg11[%dma_wait3A_602, %dma_wait3A_603] : memref<10000x128xf32, #tpu.memory_space<vmem_shared>> -> memref<10000x128xf32, #tpu.memory_space<vmem_shared>>
      tpu.wait_indirect_dma semaphore(%arg14 : memref<!tpu.dma_semaphore, #tpu.memory_space<semaphore_mem>>) src(%arg8 : memref<80x128xf32, #tpu.memory_space<vmem>>) dst(%dma_wait3A_604 : memref<10000x128xf32, #tpu.memory_space<vmem_shared>>)
      %dma_start3A_605 = arith.constant 4 : i32
      %dma_start3A_606 = arith.constant 0 : i32
      %dma_start3A_607 = arith.constant 0 : i32
      %dma_start3A_608 = tpu.memref_slice %arg6[%dma_start3A_605, %dma_start3A_606, %dma_start3A_607] : memref<5x2x80xi32, #tpu.memory_space<vmem>> -> memref<1x1x80xi32, #tpu.memory_space<vmem>>
      %dma_start3A_609 = tpu.memref_squeeze %dma_start3A_608 : memref<1x1x80xi32, #tpu.memory_space<vmem>> -> memref<80xi32, #tpu.memory_space<vmem>>
      %dma_start3A_610 = arith.constant 0 : i32
      %dma_start3A_611 = arith.constant 0 : i32
      %dma_start3A_612 = tpu.memref_slice %arg2[%dma_start3A_610, %dma_start3A_611] : memref<10000x128xf32, #tpu.memory_space<hbm>> -> memref<10000x128xf32, #tpu.memory_space<hbm>>
      tpu.enqueue_indirect_dma source(%dma_start3A_612 : memref<10000x128xf32, #tpu.memory_space<hbm>>) target(%arg8 : memref<80x128xf32, #tpu.memory_space<vmem>>) offsets(%dma_start3A_609 : memref<80xi32, #tpu.memory_space<vmem>>) semaphore(%arg13 : memref<!tpu.dma_semaphore, #tpu.memory_space<semaphore_mem>>)
      %dma_wait3A_613 = arith.constant 3 : i32
      %dma_wait3A_614 = arith.constant 0 : i32
      %dma_wait3A_615 = arith.constant 0 : i32
      %dma_wait3A_616 = tpu.memref_slice %arg6[%dma_wait3A_613, %dma_wait3A_614, %dma_wait3A_615] : memref<5x2x80xi32, #tpu.memory_space<vmem>> -> memref<1x1x80xi32, #tpu.memory_space<vmem>>
      %dma_wait3A_617 = tpu.memref_squeeze %dma_wait3A_616 : memref<1x1x80xi32, #tpu.memory_space<vmem>> -> memref<80xi32, #tpu.memory_space<vmem>>
      %dma_wait3A_618 = arith.constant 0 : i32
      %dma_wait3A_619 = arith.constant 0 : i32
      %dma_wait3A_620 = tpu.memref_slice %arg2[%dma_wait3A_618, %dma_wait3A_619] : memref<10000x128xf32, #tpu.memory_space<hbm>> -> memref<10000x128xf32, #tpu.memory_space<hbm>>
      tpu.wait_indirect_dma semaphore(%arg13 : memref<!tpu.dma_semaphore, #tpu.memory_space<semaphore_mem>>) src(%dma_wait3A_620 : memref<10000x128xf32, #tpu.memory_space<hbm>>) dst(%arg9 : memref<80x128xf32, #tpu.memory_space<vmem>>)
      %dma_start3A_621 = arith.constant 3 : i32
      %dma_start3A_622 = arith.constant 1 : i32
      %dma_start3A_623 = arith.constant 0 : i32
      %dma_start3A_624 = tpu.memref_slice %arg6[%dma_start3A_621, %dma_start3A_622, %dma_start3A_623] : memref<5x2x80xi32, #tpu.memory_space<vmem>> -> memref<1x1x80xi32, #tpu.memory_space<vmem>>
      %dma_start3A_625 = tpu.memref_squeeze %dma_start3A_624 : memref<1x1x80xi32, #tpu.memory_space<vmem>> -> memref<80xi32, #tpu.memory_space<vmem>>
      %dma_start3A_626 = arith.constant 0 : i32
      %dma_start3A_627 = arith.constant 0 : i32
      %dma_start3A_628 = tpu.memref_slice %arg11[%dma_start3A_626, %dma_start3A_627] : memref<10000x128xf32, #tpu.memory_space<vmem_shared>> -> memref<10000x128xf32, #tpu.memory_space<vmem_shared>>
      tpu.enqueue_indirect_dma source(%arg9 : memref<80x128xf32, #tpu.memory_space<vmem>>) target(%dma_start3A_628 : memref<10000x128xf32, #tpu.memory_space<vmem_shared>>) offsets(%dma_start3A_625 : memref<80xi32, #tpu.memory_space<vmem>>) semaphore(%arg14 : memref<!tpu.dma_semaphore, #tpu.memory_space<semaphore_mem>>) {add = true}
      %get3A_629 = arith.constant 3 : i32
      %get3A_630 = arith.constant 1 : i32
      %get3A_631 = arith.index_cast %get3A_629 : i32 to index
      %get3A_632 = arith.index_cast %get3A_630 : i32 to index
      %get3A_633 = arith.constant 0 : index
      %get3A_634 = tpu.vector_load %arg6[%get3A_631, %get3A_632, %get3A_633] {strides = array<i32>} : memref<5x2x80xi32, #tpu.memory_space<vmem>>, vector<16xi32>,
      tpu.vector_store_idx %arg10[%get3A_634], %broadcast_in_dim3A_40 {add = true} : memref<10000xf32, #tpu.memory_space<vmem>>[vector<16xi32>], vector<16xf32>,
      %get3A_635 = arith.constant 3 : i32
      %get3A_636 = arith.constant 1 : i32
      %get3A_637 = arith.index_cast %get3A_635 : i32 to index
      %get3A_638 = arith.index_cast %get3A_636 : i32 to index
      %get3A_639 = arith.constant 16 : index
      %get3A_640 = tpu.vector_load %arg6[%get3A_637, %get3A_638, %get3A_639] {strides = array<i32>} : memref<5x2x80xi32, #tpu.memory_space<vmem>>, vector<16xi32>,
      tpu.vector_store_idx %arg10[%get3A_640], %broadcast_in_dim3A_40 {add = true} : memref<10000xf32, #tpu.memory_space<vmem>>[vector<16xi32>], vector<16xf32>,
      %get3A_641 = arith.constant 3 : i32
      %get3A_642 = arith.constant 1 : i32
      %get3A_643 = arith.index_cast %get3A_641 : i32 to index
      %get3A_644 = arith.index_cast %get3A_642 : i32 to index
      %get3A_645 = arith.constant 32 : index
      %get3A_646 = tpu.vector_load %arg6[%get3A_643, %get3A_644, %get3A_645] {strides = array<i32>} : memref<5x2x80xi32, #tpu.memory_space<vmem>>, vector<16xi32>,
      tpu.vector_store_idx %arg10[%get3A_646], %broadcast_in_dim3A_40 {add = true} : memref<10000xf32, #tpu.memory_space<vmem>>[vector<16xi32>], vector<16xf32>,
      %get3A_647 = arith.constant 3 : i32
      %get3A_648 = arith.constant 1 : i32
      %get3A_649 = arith.index_cast %get3A_647 : i32 to index
      %get3A_650 = arith.index_cast %get3A_648 : i32 to index
      %get3A_651 = arith.constant 48 : index
      %get3A_652 = tpu.vector_load %arg6[%get3A_649, %get3A_650, %get3A_651] {strides = array<i32>} : memref<5x2x80xi32, #tpu.memory_space<vmem>>, vector<16xi32>,
      tpu.vector_store_idx %arg10[%get3A_652], %broadcast_in_dim3A_40 {add = true} : memref<10000xf32, #tpu.memory_space<vmem>>[vector<16xi32>], vector<16xf32>,
      %get3A_653 = arith.constant 3 : i32
      %get3A_654 = arith.constant 1 : i32
      %get3A_655 = arith.index_cast %get3A_653 : i32 to index
      %get3A_656 = arith.index_cast %get3A_654 : i32 to index
      %get3A_657 = arith.constant 64 : index
      %get3A_658 = tpu.vector_load %arg6[%get3A_655, %get3A_656, %get3A_657] {strides = array<i32>} : memref<5x2x80xi32, #tpu.memory_space<vmem>>, vector<16xi32>,
      tpu.vector_store_idx %arg10[%get3A_658], %broadcast_in_dim3A_40 {add = true} : memref<10000xf32, #tpu.memory_space<vmem>>[vector<16xi32>], vector<16xf32>,
      %dma_wait3A_659 = arith.constant 4 : i32
      %dma_wait3A_660 = arith.constant 0 : i32
      %dma_wait3A_661 = arith.constant 0 : i32
      %dma_wait3A_662 = tpu.memref_slice %arg6[%dma_wait3A_659, %dma_wait3A_660, %dma_wait3A_661] : memref<5x2x80xi32, #tpu.memory_space<vmem>> -> memref<1x1x80xi32, #tpu.memory_space<vmem>>
      %dma_wait3A_663 = tpu.memref_squeeze %dma_wait3A_662 : memref<1x1x80xi32, #tpu.memory_space<vmem>> -> memref<80xi32, #tpu.memory_space<vmem>>
      %dma_wait3A_664 = arith.constant 0 : i32
      %dma_wait3A_665 = arith.constant 0 : i32
      %dma_wait3A_666 = tpu.memref_slice %arg2[%dma_wait3A_664, %dma_wait3A_665] : memref<10000x128xf32, #tpu.memory_space<hbm>> -> memref<10000x128xf32, #tpu.memory_space<hbm>>
      tpu.wait_indirect_dma semaphore(%arg13 : memref<!tpu.dma_semaphore, #tpu.memory_space<semaphore_mem>>) src(%dma_wait3A_666 : memref<10000x128xf32, #tpu.memory_space<hbm>>) dst(%arg8 : memref<80x128xf32, #tpu.memory_space<vmem>>)
      %dma_start3A_667 = arith.constant 4 : i32
      %dma_start3A_668 = arith.constant 1 : i32
      %dma_start3A_669 = arith.constant 0 : i32
      %dma_start3A_670 = tpu.memref_slice %arg6[%dma_start3A_667, %dma_start3A_668, %dma_start3A_669] : memref<5x2x80xi32, #tpu.memory_space<vmem>> -> memref<1x1x80xi32, #tpu.memory_space<vmem>>
      %dma_start3A_671 = tpu.memref_squeeze %dma_start3A_670 : memref<1x1x80xi32, #tpu.memory_space<vmem>> -> memref<80xi32, #tpu.memory_space<vmem>>
      %dma_start3A_672 = arith.constant 0 : i32
      %dma_start3A_673 = arith.constant 0 : i32
      %dma_start3A_674 = tpu.memref_slice %arg11[%dma_start3A_672, %dma_start3A_673] : memref<10000x128xf32, #tpu.memory_space<vmem_shared>> -> memref<10000x128xf32, #tpu.memory_space<vmem_shared>>
      tpu.enqueue_indirect_dma source(%arg8 : memref<80x128xf32, #tpu.memory_space<vmem>>) target(%dma_start3A_674 : memref<10000x128xf32, #tpu.memory_space<vmem_shared>>) offsets(%dma_start3A_671 : memref<80xi32, #tpu.memory_space<vmem>>) semaphore(%arg14 : memref<!tpu.dma_semaphore, #tpu.memory_space<semaphore_mem>>) {add = true}
      %get3A_675 = arith.constant 4 : i32
      %get3A_676 = arith.constant 1 : i32
      %get3A_677 = arith.index_cast %get3A_675 : i32 to index
      %get3A_678 = arith.index_cast %get3A_676 : i32 to index
      %get3A_679 = arith.constant 0 : index
      %get3A_680 = tpu.vector_load %arg6[%get3A_677, %get3A_678, %get3A_679] {strides = array<i32>} : memref<5x2x80xi32, #tpu.memory_space<vmem>>, vector<16xi32>,
      tpu.vector_store_idx %arg10[%get3A_680], %broadcast_in_dim3A_40 {add = true} : memref<10000xf32, #tpu.memory_space<vmem>>[vector<16xi32>], vector<16xf32>,
      %get3A_681 = arith.constant 4 : i32
      %get3A_682 = arith.constant 1 : i32
      %get3A_683 = arith.index_cast %get3A_681 : i32 to index
      %get3A_684 = arith.index_cast %get3A_682 : i32 to index
      %get3A_685 = arith.constant 16 : index
      %get3A_686 = tpu.vector_load %arg6[%get3A_683, %get3A_684, %get3A_685] {strides = array<i32>} : memref<5x2x80xi32, #tpu.memory_space<vmem>>, vector<16xi32>,
      tpu.vector_store_idx %arg10[%get3A_686], %broadcast_in_dim3A_40 {add = true} : memref<10000xf32, #tpu.memory_space<vmem>>[vector<16xi32>], vector<16xf32>,
      %get3A_687 = arith.constant 4 : i32
      %get3A_688 = arith.constant 1 : i32
      %get3A_689 = arith.index_cast %get3A_687 : i32 to index
      %get3A_690 = arith.index_cast %get3A_688 : i32 to index
      %get3A_691 = arith.constant 32 : index
      %get3A_692 = tpu.vector_load %arg6[%get3A_689, %get3A_690, %get3A_691] {strides = array<i32>} : memref<5x2x80xi32, #tpu.memory_space<vmem>>, vector<16xi32>,
      tpu.vector_store_idx %arg10[%get3A_692], %broadcast_in_dim3A_40 {add = true} : memref<10000xf32, #tpu.memory_space<vmem>>[vector<16xi32>], vector<16xf32>,
      %get3A_693 = arith.constant 4 : i32
      %get3A_694 = arith.constant 1 : i32
      %get3A_695 = arith.index_cast %get3A_693 : i32 to index
      %get3A_696 = arith.index_cast %get3A_694 : i32 to index
      %get3A_697 = arith.constant 48 : index
      %get3A_698 = tpu.vector_load %arg6[%get3A_695, %get3A_696, %get3A_697] {strides = array<i32>} : memref<5x2x80xi32, #tpu.memory_space<vmem>>, vector<16xi32>,
      tpu.vector_store_idx %arg10[%get3A_698], %broadcast_in_dim3A_40 {add = true} : memref<10000xf32, #tpu.memory_space<vmem>>[vector<16xi32>], vector<16xf32>,
      %get3A_699 = arith.constant 4 : i32
      %get3A_700 = arith.constant 1 : i32
      %get3A_701 = arith.index_cast %get3A_699 : i32 to index
      %get3A_702 = arith.index_cast %get3A_700 : i32 to index
      %get3A_703 = arith.constant 64 : index
      %get3A_704 = tpu.vector_load %arg6[%get3A_701, %get3A_702, %get3A_703] {strides = array<i32>} : memref<5x2x80xi32, #tpu.memory_space<vmem>>, vector<16xi32>,
      tpu.vector_store_idx %arg10[%get3A_704], %broadcast_in_dim3A_40 {add = true} : memref<10000xf32, #tpu.memory_space<vmem>>[vector<16xi32>], vector<16xf32>,
      %dma_wait3A_705 = arith.constant 3 : i32
      %dma_wait3A_706 = arith.constant 1 : i32
      %dma_wait3A_707 = arith.constant 0 : i32
      %dma_wait3A_708 = tpu.memref_slice %arg6[%dma_wait3A_705, %dma_wait3A_706, %dma_wait3A_707] : memref<5x2x80xi32, #tpu.memory_space<vmem>> -> memref<1x1x80xi32, #tpu.memory_space<vmem>>
      %dma_wait3A_709 = tpu.memref_squeeze %dma_wait3A_708 : memref<1x1x80xi32, #tpu.memory_space<vmem>> -> memref<80xi32, #tpu.memory_space<vmem>>
      %dma_wait3A_710 = arith.constant 0 : i32
      %dma_wait3A_711 = arith.constant 0 : i32
      %dma_wait3A_712 = tpu.memref_slice %arg11[%dma_wait3A_710, %dma_wait3A_711] : memref<10000x128xf32, #tpu.memory_space<vmem_shared>> -> memref<10000x128xf32, #tpu.memory_space<vmem_shared>>
      tpu.wait_indirect_dma semaphore(%arg14 : memref<!tpu.dma_semaphore, #tpu.memory_space<semaphore_mem>>) src(%arg9 : memref<80x128xf32, #tpu.memory_space<vmem>>) dst(%dma_wait3A_712 : memref<10000x128xf32, #tpu.memory_space<vmem_shared>>)
      %dma_wait3A_713 = arith.constant 4 : i32
      %dma_wait3A_714 = arith.constant 1 : i32
      %dma_wait3A_715 = arith.constant 0 : i32
      %dma_wait3A_716 = tpu.memref_slice %arg6[%dma_wait3A_713, %dma_wait3A_714, %dma_wait3A_715] : memref<5x2x80xi32, #tpu.memory_space<vmem>> -> memref<1x1x80xi32, #tpu.memory_space<vmem>>
      %dma_wait3A_717 = tpu.memref_squeeze %dma_wait3A_716 : memref<1x1x80xi32, #tpu.memory_space<vmem>> -> memref<80xi32, #tpu.memory_space<vmem>>
      %dma_wait3A_718 = arith.constant 0 : i32
      %dma_wait3A_719 = arith.constant 0 : i32
      %dma_wait3A_720 = tpu.memref_slice %arg11[%dma_wait3A_718, %dma_wait3A_719] : memref<10000x128xf32, #tpu.memory_space<vmem_shared>> -> memref<10000x128xf32, #tpu.memory_space<vmem_shared>>
      tpu.wait_indirect_dma semaphore(%arg14 : memref<!tpu.dma_semaphore, #tpu.memory_space<semaphore_mem>>) src(%arg8 : memref<80x128xf32, #tpu.memory_space<vmem>>) dst(%dma_wait3A_720 : memref<10000x128xf32, #tpu.memory_space<vmem_shared>>)
      %dma_wait3A_721 = arith.constant 0 : i32
      %dma_wait3A_722 = arith.constant 0 : i32
      %dma_wait3A_723 = tpu.memref_slice %arg3[%add3A_404, %dma_wait3A_721, %dma_wait3A_722] : memref<4000x2x80xi32, #tpu.memory_space<hbm>> -> memref<5x2x80xi32, #tpu.memory_space<hbm>>
      %dma_wait3A_724 = arith.constant 0 : i32
      %dma_wait3A_725 = arith.constant 0 : i32
      %dma_wait3A_726 = tpu.memref_slice %arg3[%add3A_404, %dma_wait3A_724, %dma_wait3A_725] : memref<4000x2x80xi32, #tpu.memory_space<hbm>> -> memref<5x2x80xi32, #tpu.memory_space<hbm>>
      tpu.wait_dma2 semaphore(%arg12 : memref<!tpu.dma_semaphore, #tpu.memory_space<semaphore_mem>>) src(%dma_wait3A_726 : memref<5x2x80xi32, #tpu.memory_space<hbm>>) dst(%arg7 : memref<5x2x80xi32, #tpu.memory_space<vmem>>)
      %add3A_727 = arith.constant 5 : i32
      %add3A_728 = arith.addi %add3A_402, %add3A_727 : i32
      %add3A_729 = arith.constant 5 : i32
      %add3A_730 = arith.addi %add3A_728, %add3A_729 : i32
      %dma_start3A_731 = arith.constant 0 : i32
      %dma_start3A_732 = arith.constant 0 : i32
      %dma_start3A_733 = tpu.memref_slice %arg3[%add3A_730, %dma_start3A_731, %dma_start3A_732] : memref<4000x2x80xi32, #tpu.memory_space<hbm>> -> memref<5x2x80xi32, #tpu.memory_space<hbm>>
      %dma_start3A_734 = arith.constant 0 : i32
      %dma_start3A_735 = arith.constant 0 : i32
      %dma_start3A_736 = tpu.memref_slice %arg3[%add3A_730, %dma_start3A_734, %dma_start3A_735] : memref<4000x2x80xi32, #tpu.memory_space<hbm>> -> memref<5x2x80xi32, #tpu.memory_space<hbm>>
      tpu.enqueue_dma source(%dma_start3A_736 : memref<5x2x80xi32, #tpu.memory_space<hbm>>) target(%arg6 : memref<5x2x80xi32, #tpu.memory_space<vmem>>) target_semaphore(%arg12 : memref<!tpu.dma_semaphore, #tpu.memory_space<semaphore_mem>>)
      %dma_start3A_737 = arith.constant 0 : i32
      %dma_start3A_738 = arith.constant 0 : i32
      %dma_start3A_739 = arith.constant 0 : i32
      %dma_start3A_740 = tpu.memref_slice %arg7[%dma_start3A_737, %dma_start3A_738, %dma_start3A_739] : memref<5x2x80xi32, #tpu.memory_space<vmem>> -> memref<1x1x80xi32, #tpu.memory_space<vmem>>
      %dma_start3A_741 = tpu.memref_squeeze %dma_start3A_740 : memref<1x1x80xi32, #tpu.memory_space<vmem>> -> memref<80xi32, #tpu.memory_space<vmem>>
      %dma_start3A_742 = arith.constant 0 : i32
      %dma_start3A_743 = arith.constant 0 : i32
      %dma_start3A_744 = tpu.memref_slice %arg2[%dma_start3A_742, %dma_start3A_743] : memref<10000x128xf32, #tpu.memory_space<hbm>> -> memref<10000x128xf32, #tpu.memory_space<hbm>>
      tpu.enqueue_indirect_dma source(%dma_start3A_744 : memref<10000x128xf32, #tpu.memory_space<hbm>>) target(%arg8 : memref<80x128xf32, #tpu.memory_space<vmem>>) offsets(%dma_start3A_741 : memref<80xi32, #tpu.memory_space<vmem>>) semaphore(%arg13 : memref<!tpu.dma_semaphore, #tpu.memory_space<semaphore_mem>>)
      %dma_start3A_745 = arith.constant 1 : i32
      %dma_start3A_746 = arith.constant 0 : i32
      %dma_start3A_747 = arith.constant 0 : i32
      %dma_start3A_748 = tpu.memref_slice %arg7[%dma_start3A_745, %dma_start3A_746, %dma_start3A_747] : memref<5x2x80xi32, #tpu.memory_space<vmem>> -> memref<1x1x80xi32, #tpu.memory_space<vmem>>
      %dma_start3A_749 = tpu.memref_squeeze %dma_start3A_748 : memref<1x1x80xi32, #tpu.memory_space<vmem>> -> memref<80xi32, #tpu.memory_space<vmem>>
      %dma_start3A_750 = arith.constant 0 : i32
      %dma_start3A_751 = arith.constant 0 : i32
      %dma_start3A_752 = tpu.memref_slice %arg2[%dma_start3A_750, %dma_start3A_751] : memref<10000x128xf32, #tpu.memory_space<hbm>> -> memref<10000x128xf32, #tpu.memory_space<hbm>>
      tpu.enqueue_indirect_dma source(%dma_start3A_752 : memref<10000x128xf32, #tpu.memory_space<hbm>>) target(%arg9 : memref<80x128xf32, #tpu.memory_space<vmem>>) offsets(%dma_start3A_749 : memref<80xi32, #tpu.memory_space<vmem>>) semaphore(%arg13 : memref<!tpu.dma_semaphore, #tpu.memory_space<semaphore_mem>>)
      %dma_wait3A_753 = arith.constant 0 : i32
      %dma_wait3A_754 = arith.constant 0 : i32
      %dma_wait3A_755 = arith.constant 0 : i32
      %dma_wait3A_756 = tpu.memref_slice %arg7[%dma_wait3A_753, %dma_wait3A_754, %dma_wait3A_755] : memref<5x2x80xi32, #tpu.memory_space<vmem>> -> memref<1x1x80xi32, #tpu.memory_space<vmem>>
      %dma_wait3A_757 = tpu.memref_squeeze %dma_wait3A_756 : memref<1x1x80xi32, #tpu.memory_space<vmem>> -> memref<80xi32, #tpu.memory_space<vmem>>
      %dma_wait3A_758 = arith.constant 0 : i32
      %dma_wait3A_759 = arith.constant 0 : i32
      %dma_wait3A_760 = tpu.memref_slice %arg2[%dma_wait3A_758, %dma_wait3A_759] : memref<10000x128xf32, #tpu.memory_space<hbm>> -> memref<10000x128xf32, #tpu.memory_space<hbm>>
      tpu.wait_indirect_dma semaphore(%arg13 : memref<!tpu.dma_semaphore, #tpu.memory_space<semaphore_mem>>) src(%dma_wait3A_760 : memref<10000x128xf32, #tpu.memory_space<hbm>>) dst(%arg8 : memref<80x128xf32, #tpu.memory_space<vmem>>)
      %dma_start3A_761 = arith.constant 0 : i32
      %dma_start3A_762 = arith.constant 1 : i32
      %dma_start3A_763 = arith.constant 0 : i32
      %dma_start3A_764 = tpu.memref_slice %arg7[%dma_start3A_761, %dma_start3A_762, %dma_start3A_763] : memref<5x2x80xi32, #tpu.memory_space<vmem>> -> memref<1x1x80xi32, #tpu.memory_space<vmem>>
      %dma_start3A_765 = tpu.memref_squeeze %dma_start3A_764 : memref<1x1x80xi32, #tpu.memory_space<vmem>> -> memref<80xi32, #tpu.memory_space<vmem>>
      %dma_start3A_766 = arith.constant 0 : i32
      %dma_start3A_767 = arith.constant 0 : i32
      %dma_start3A_768 = tpu.memref_slice %arg11[%dma_start3A_766, %dma_start3A_767] : memref<10000x128xf32, #tpu.memory_space<vmem_shared>> -> memref<10000x128xf32, #tpu.memory_space<vmem_shared>>
      tpu.enqueue_indirect_dma source(%arg8 : memref<80x128xf32, #tpu.memory_space<vmem>>) target(%dma_start3A_768 : memref<10000x128xf32, #tpu.memory_space<vmem_shared>>) offsets(%dma_start3A_765 : memref<80xi32, #tpu.memory_space<vmem>>) semaphore(%arg14 : memref<!tpu.dma_semaphore, #tpu.memory_space<semaphore_mem>>) {add = true}
      %get3A_769 = arith.constant 0 : i32
      %get3A_770 = arith.constant 1 : i32
      %get3A_771 = arith.index_cast %get3A_769 : i32 to index
      %get3A_772 = arith.index_cast %get3A_770 : i32 to index
      %get3A_773 = arith.constant 0 : index
      %get3A_774 = tpu.vector_load %arg7[%get3A_771, %get3A_772, %get3A_773] {strides = array<i32>} : memref<5x2x80xi32, #tpu.memory_space<vmem>>, vector<16xi32>,
      tpu.vector_store_idx %arg10[%get3A_774], %broadcast_in_dim3A_40 {add = true} : memref<10000xf32, #tpu.memory_space<vmem>>[vector<16xi32>], vector<16xf32>,
      %get3A_775 = arith.constant 0 : i32
      %get3A_776 = arith.constant 1 : i32
      %get3A_777 = arith.index_cast %get3A_775 : i32 to index
      %get3A_778 = arith.index_cast %get3A_776 : i32 to index
      %get3A_779 = arith.constant 16 : index
      %get3A_780 = tpu.vector_load %arg7[%get3A_777, %get3A_778, %get3A_779] {strides = array<i32>} : memref<5x2x80xi32, #tpu.memory_space<vmem>>, vector<16xi32>,
      tpu.vector_store_idx %arg10[%get3A_780], %broadcast_in_dim3A_40 {add = true} : memref<10000xf32, #tpu.memory_space<vmem>>[vector<16xi32>], vector<16xf32>,
      %get3A_781 = arith.constant 0 : i32
      %get3A_782 = arith.constant 1 : i32
      %get3A_783 = arith.index_cast %get3A_781 : i32 to index
      %get3A_784 = arith.index_cast %get3A_782 : i32 to index
      %get3A_785 = arith.constant 32 : index
      %get3A_786 = tpu.vector_load %arg7[%get3A_783, %get3A_784, %get3A_785] {strides = array<i32>} : memref<5x2x80xi32, #tpu.memory_space<vmem>>, vector<16xi32>,
      tpu.vector_store_idx %arg10[%get3A_786], %broadcast_in_dim3A_40 {add = true} : memref<10000xf32, #tpu.memory_space<vmem>>[vector<16xi32>], vector<16xf32>,
      %get3A_787 = arith.constant 0 : i32
      %get3A_788 = arith.constant 1 : i32
      %get3A_789 = arith.index_cast %get3A_787 : i32 to index
      %get3A_790 = arith.index_cast %get3A_788 : i32 to index
      %get3A_791 = arith.constant 48 : index
      %get3A_792 = tpu.vector_load %arg7[%get3A_789, %get3A_790, %get3A_791] {strides = array<i32>} : memref<5x2x80xi32, #tpu.memory_space<vmem>>, vector<16xi32>,
      tpu.vector_store_idx %arg10[%get3A_792], %broadcast_in_dim3A_40 {add = true} : memref<10000xf32, #tpu.memory_space<vmem>>[vector<16xi32>], vector<16xf32>,
      %get3A_793 = arith.constant 0 : i32
      %get3A_794 = arith.constant 1 : i32
      %get3A_795 = arith.index_cast %get3A_793 : i32 to index
      %get3A_796 = arith.index_cast %get3A_794 : i32 to index
      %get3A_797 = arith.constant 64 : index
      %get3A_798 = tpu.vector_load %arg7[%get3A_795, %get3A_796, %get3A_797] {strides = array<i32>} : memref<5x2x80xi32, #tpu.memory_space<vmem>>, vector<16xi32>,
      tpu.vector_store_idx %arg10[%get3A_798], %broadcast_in_dim3A_40 {add = true} : memref<10000xf32, #tpu.memory_space<vmem>>[vector<16xi32>], vector<16xf32>,
      %dma_wait3A_799 = arith.constant 0 : i32
      %dma_wait3A_800 = arith.constant 1 : i32
      %dma_wait3A_801 = arith.constant 0 : i32
      %dma_wait3A_802 = tpu.memref_slice %arg7[%dma_wait3A_799, %dma_wait3A_800, %dma_wait3A_801] : memref<5x2x80xi32, #tpu.memory_space<vmem>> -> memref<1x1x80xi32, #tpu.memory_space<vmem>>
      %dma_wait3A_803 = tpu.memref_squeeze %dma_wait3A_802 : memref<1x1x80xi32, #tpu.memory_space<vmem>> -> memref<80xi32, #tpu.memory_space<vmem>>
      %dma_wait3A_804 = arith.constant 0 : i32
      %dma_wait3A_805 = arith.constant 0 : i32
      %dma_wait3A_806 = tpu.memref_slice %arg11[%dma_wait3A_804, %dma_wait3A_805] : memref<10000x128xf32, #tpu.memory_space<vmem_shared>> -> memref<10000x128xf32, #tpu.memory_space<vmem_shared>>
      tpu.wait_indirect_dma semaphore(%arg14 : memref<!tpu.dma_semaphore, #tpu.memory_space<semaphore_mem>>) src(%arg8 : memref<80x128xf32, #tpu.memory_space<vmem>>) dst(%dma_wait3A_806 : memref<10000x128xf32, #tpu.memory_space<vmem_shared>>)
      %dma_start3A_807 = arith.constant 2 : i32
      %dma_start3A_808 = arith.constant 0 : i32
      %dma_start3A_809 = arith.constant 0 : i32
      %dma_start3A_810 = tpu.memref_slice %arg7[%dma_start3A_807, %dma_start3A_808, %dma_start3A_809] : memref<5x2x80xi32, #tpu.memory_space<vmem>> -> memref<1x1x80xi32, #tpu.memory_space<vmem>>
      %dma_start3A_811 = tpu.memref_squeeze %dma_start3A_810 : memref<1x1x80xi32, #tpu.memory_space<vmem>> -> memref<80xi32, #tpu.memory_space<vmem>>
      %dma_start3A_812 = arith.constant 0 : i32
      %dma_start3A_813 = arith.constant 0 : i32
      %dma_start3A_814 = tpu.memref_slice %arg2[%dma_start3A_812, %dma_start3A_813] : memref<10000x128xf32, #tpu.memory_space<hbm>> -> memref<10000x128xf32, #tpu.memory_space<hbm>>
      tpu.enqueue_indirect_dma source(%dma_start3A_814 : memref<10000x128xf32, #tpu.memory_space<hbm>>) target(%arg8 : memref<80x128xf32, #tpu.memory_space<vmem>>) offsets(%dma_start3A_811 : memref<80xi32, #tpu.memory_space<vmem>>) semaphore(%arg13 : memref<!tpu.dma_semaphore, #tpu.memory_space<semaphore_mem>>)
      %dma_wait3A_815 = arith.constant 1 : i32
      %dma_wait3A_816 = arith.constant 0 : i32
      %dma_wait3A_817 = arith.constant 0 : i32
      %dma_wait3A_818 = tpu.memref_slice %arg7[%dma_wait3A_815, %dma_wait3A_816, %dma_wait3A_817] : memref<5x2x80xi32, #tpu.memory_space<vmem>> -> memref<1x1x80xi32, #tpu.memory_space<vmem>>
      %dma_wait3A_819 = tpu.memref_squeeze %dma_wait3A_818 : memref<1x1x80xi32, #tpu.memory_space<vmem>> -> memref<80xi32, #tpu.memory_space<vmem>>
      %dma_wait3A_820 = arith.constant 0 : i32
      %dma_wait3A_821 = arith.constant 0 : i32
      %dma_wait3A_822 = tpu.memref_slice %arg2[%dma_wait3A_820, %dma_wait3A_821] : memref<10000x128xf32, #tpu.memory_space<hbm>> -> memref<10000x128xf32, #tpu.memory_space<hbm>>
      tpu.wait_indirect_dma semaphore(%arg13 : memref<!tpu.dma_semaphore, #tpu.memory_space<semaphore_mem>>) src(%dma_wait3A_822 : memref<10000x128xf32, #tpu.memory_space<hbm>>) dst(%arg9 : memref<80x128xf32, #tpu.memory_space<vmem>>)
      %dma_start3A_823 = arith.constant 1 : i32
      %dma_start3A_824 = arith.constant 1 : i32
      %dma_start3A_825 = arith.constant 0 : i32
      %dma_start3A_826 = tpu.memref_slice %arg7[%dma_start3A_823, %dma_start3A_824, %dma_start3A_825] : memref<5x2x80xi32, #tpu.memory_space<vmem>> -> memref<1x1x80xi32, #tpu.memory_space<vmem>>
      %dma_start3A_827 = tpu.memref_squeeze %dma_start3A_826 : memref<1x1x80xi32, #tpu.memory_space<vmem>> -> memref<80xi32, #tpu.memory_space<vmem>>
      %dma_start3A_828 = arith.constant 0 : i32
      %dma_start3A_829 = arith.constant 0 : i32
      %dma_start3A_830 = tpu.memref_slice %arg11[%dma_start3A_828, %dma_start3A_829] : memref<10000x128xf32, #tpu.memory_space<vmem_shared>> -> memref<10000x128xf32, #tpu.memory_space<vmem_shared>>
      tpu.enqueue_indirect_dma source(%arg9 : memref<80x128xf32, #tpu.memory_space<vmem>>) target(%dma_start3A_830 : memref<10000x128xf32, #tpu.memory_space<vmem_shared>>) offsets(%dma_start3A_827 : memref<80xi32, #tpu.memory_space<vmem>>) semaphore(%arg14 : memref<!tpu.dma_semaphore, #tpu.memory_space<semaphore_mem>>) {add = true}
      %get3A_831 = arith.constant 1 : i32
      %get3A_832 = arith.constant 1 : i32
      %get3A_833 = arith.index_cast %get3A_831 : i32 to index
      %get3A_834 = arith.index_cast %get3A_832 : i32 to index
      %get3A_835 = arith.constant 0 : index
      %get3A_836 = tpu.vector_load %arg7[%get3A_833, %get3A_834, %get3A_835] {strides = array<i32>} : memref<5x2x80xi32, #tpu.memory_space<vmem>>, vector<16xi32>,
      tpu.vector_store_idx %arg10[%get3A_836], %broadcast_in_dim3A_40 {add = true} : memref<10000xf32, #tpu.memory_space<vmem>>[vector<16xi32>], vector<16xf32>,
      %get3A_837 = arith.constant 1 : i32
      %get3A_838 = arith.constant 1 : i32
      %get3A_839 = arith.index_cast %get3A_837 : i32 to index
      %get3A_840 = arith.index_cast %get3A_838 : i32 to index
      %get3A_841 = arith.constant 16 : index
      %get3A_842 = tpu.vector_load %arg7[%get3A_839, %get3A_840, %get3A_841] {strides = array<i32>} : memref<5x2x80xi32, #tpu.memory_space<vmem>>, vector<16xi32>,
      tpu.vector_store_idx %arg10[%get3A_842], %broadcast_in_dim3A_40 {add = true} : memref<10000xf32, #tpu.memory_space<vmem>>[vector<16xi32>], vector<16xf32>,
      %get3A_843 = arith.constant 1 : i32
      %get3A_844 = arith.constant 1 : i32
      %get3A_845 = arith.index_cast %get3A_843 : i32 to index
      %get3A_846 = arith.index_cast %get3A_844 : i32 to index
      %get3A_847 = arith.constant 32 : index
      %get3A_848 = tpu.vector_load %arg7[%get3A_845, %get3A_846, %get3A_847] {strides = array<i32>} : memref<5x2x80xi32, #tpu.memory_space<vmem>>, vector<16xi32>,
      tpu.vector_store_idx %arg10[%get3A_848], %broadcast_in_dim3A_40 {add = true} : memref<10000xf32, #tpu.memory_space<vmem>>[vector<16xi32>], vector<16xf32>,
      %get3A_849 = arith.constant 1 : i32
      %get3A_850 = arith.constant 1 : i32
      %get3A_851 = arith.index_cast %get3A_849 : i32 to index
      %get3A_852 = arith.index_cast %get3A_850 : i32 to index
      %get3A_853 = arith.constant 48 : index
      %get3A_854 = tpu.vector_load %arg7[%get3A_851, %get3A_852, %get3A_853] {strides = array<i32>} : memref<5x2x80xi32, #tpu.memory_space<vmem>>, vector<16xi32>,
      tpu.vector_store_idx %arg10[%get3A_854], %broadcast_in_dim3A_40 {add = true} : memref<10000xf32, #tpu.memory_space<vmem>>[vector<16xi32>], vector<16xf32>,
      %get3A_855 = arith.constant 1 : i32
      %get3A_856 = arith.constant 1 : i32
      %get3A_857 = arith.index_cast %get3A_855 : i32 to index
      %get3A_858 = arith.index_cast %get3A_856 : i32 to index
      %get3A_859 = arith.constant 64 : index
      %get3A_860 = tpu.vector_load %arg7[%get3A_857, %get3A_858, %get3A_859] {strides = array<i32>} : memref<5x2x80xi32, #tpu.memory_space<vmem>>, vector<16xi32>,
      tpu.vector_store_idx %arg10[%get3A_860], %broadcast_in_dim3A_40 {add = true} : memref<10000xf32, #tpu.memory_space<vmem>>[vector<16xi32>], vector<16xf32>,
      %dma_wait3A_861 = arith.constant 1 : i32
      %dma_wait3A_862 = arith.constant 1 : i32
      %dma_wait3A_863 = arith.constant 0 : i32
      %dma_wait3A_864 = tpu.memref_slice %arg7[%dma_wait3A_861, %dma_wait3A_862, %dma_wait3A_863] : memref<5x2x80xi32, #tpu.memory_space<vmem>> -> memref<1x1x80xi32, #tpu.memory_space<vmem>>
      %dma_wait3A_865 = tpu.memref_squeeze %dma_wait3A_864 : memref<1x1x80xi32, #tpu.memory_space<vmem>> -> memref<80xi32, #tpu.memory_space<vmem>>
      %dma_wait3A_866 = arith.constant 0 : i32
      %dma_wait3A_867 = arith.constant 0 : i32
      %dma_wait3A_868 = tpu.memref_slice %arg11[%dma_wait3A_866, %dma_wait3A_867] : memref<10000x128xf32, #tpu.memory_space<vmem_shared>> -> memref<10000x128xf32, #tpu.memory_space<vmem_shared>>
      tpu.wait_indirect_dma semaphore(%arg14 : memref<!tpu.dma_semaphore, #tpu.memory_space<semaphore_mem>>) src(%arg9 : memref<80x128xf32, #tpu.memory_space<vmem>>) dst(%dma_wait3A_868 : memref<10000x128xf32, #tpu.memory_space<vmem_shared>>)
      %dma_start3A_869 = arith.constant 3 : i32
      %dma_start3A_870 = arith.constant 0 : i32
      %dma_start3A_871 = arith.constant 0 : i32
      %dma_start3A_872 = tpu.memref_slice %arg7[%dma_start3A_869, %dma_start3A_870, %dma_start3A_871] : memref<5x2x80xi32, #tpu.memory_space<vmem>> -> memref<1x1x80xi32, #tpu.memory_space<vmem>>
      %dma_start3A_873 = tpu.memref_squeeze %dma_start3A_872 : memref<1x1x80xi32, #tpu.memory_space<vmem>> -> memref<80xi32, #tpu.memory_space<vmem>>
      %dma_start3A_874 = arith.constant 0 : i32
      %dma_start3A_875 = arith.constant 0 : i32
      %dma_start3A_876 = tpu.memref_slice %arg2[%dma_start3A_874, %dma_start3A_875] : memref<10000x128xf32, #tpu.memory_space<hbm>> -> memref<10000x128xf32, #tpu.memory_space<hbm>>
      tpu.enqueue_indirect_dma source(%dma_start3A_876 : memref<10000x128xf32, #tpu.memory_space<hbm>>) target(%arg9 : memref<80x128xf32, #tpu.memory_space<vmem>>) offsets(%dma_start3A_873 : memref<80xi32, #tpu.memory_space<vmem>>) semaphore(%arg13 : memref<!tpu.dma_semaphore, #tpu.memory_space<semaphore_mem>>)
      %dma_wait3A_877 = arith.constant 2 : i32
      %dma_wait3A_878 = arith.constant 0 : i32
      %dma_wait3A_879 = arith.constant 0 : i32
      %dma_wait3A_880 = tpu.memref_slice %arg7[%dma_wait3A_877, %dma_wait3A_878, %dma_wait3A_879] : memref<5x2x80xi32, #tpu.memory_space<vmem>> -> memref<1x1x80xi32, #tpu.memory_space<vmem>>
      %dma_wait3A_881 = tpu.memref_squeeze %dma_wait3A_880 : memref<1x1x80xi32, #tpu.memory_space<vmem>> -> memref<80xi32, #tpu.memory_space<vmem>>
      %dma_wait3A_882 = arith.constant 0 : i32
      %dma_wait3A_883 = arith.constant 0 : i32
      %dma_wait3A_884 = tpu.memref_slice %arg2[%dma_wait3A_882, %dma_wait3A_883] : memref<10000x128xf32, #tpu.memory_space<hbm>> -> memref<10000x128xf32, #tpu.memory_space<hbm>>
      tpu.wait_indirect_dma semaphore(%arg13 : memref<!tpu.dma_semaphore, #tpu.memory_space<semaphore_mem>>) src(%dma_wait3A_884 : memref<10000x128xf32, #tpu.memory_space<hbm>>) dst(%arg8 : memref<80x128xf32, #tpu.memory_space<vmem>>)
      %dma_start3A_885 = arith.constant 2 : i32
      %dma_start3A_886 = arith.constant 1 : i32
      %dma_start3A_887 = arith.constant 0 : i32
      %dma_start3A_888 = tpu.memref_slice %arg7[%dma_start3A_885, %dma_start3A_886, %dma_start3A_887] : memref<5x2x80xi32, #tpu.memory_space<vmem>> -> memref<1x1x80xi32, #tpu.memory_space<vmem>>
      %dma_start3A_889 = tpu.memref_squeeze %dma_start3A_888 : memref<1x1x80xi32, #tpu.memory_space<vmem>> -> memref<80xi32, #tpu.memory_space<vmem>>
      %dma_start3A_890 = arith.constant 0 : i32
      %dma_start3A_891 = arith.constant 0 : i32
      %dma_start3A_892 = tpu.memref_slice %arg11[%dma_start3A_890, %dma_start3A_891] : memref<10000x128xf32, #tpu.memory_space<vmem_shared>> -> memref<10000x128xf32, #tpu.memory_space<vmem_shared>>
      tpu.enqueue_indirect_dma source(%arg8 : memref<80x128xf32, #tpu.memory_space<vmem>>) target(%dma_start3A_892 : memref<10000x128xf32, #tpu.memory_space<vmem_shared>>) offsets(%dma_start3A_889 : memref<80xi32, #tpu.memory_space<vmem>>) semaphore(%arg14 : memref<!tpu.dma_semaphore, #tpu.memory_space<semaphore_mem>>) {add = true}
      %get3A_893 = arith.constant 2 : i32
      %get3A_894 = arith.constant 1 : i32
      %get3A_895 = arith.index_cast %get3A_893 : i32 to index
      %get3A_896 = arith.index_cast %get3A_894 : i32 to index
      %get3A_897 = arith.constant 0 : index
      %get3A_898 = tpu.vector_load %arg7[%get3A_895, %get3A_896, %get3A_897] {strides = array<i32>} : memref<5x2x80xi32, #tpu.memory_space<vmem>>, vector<16xi32>,
      tpu.vector_store_idx %arg10[%get3A_898], %broadcast_in_dim3A_40 {add = true} : memref<10000xf32, #tpu.memory_space<vmem>>[vector<16xi32>], vector<16xf32>,
      %get3A_899 = arith.constant 2 : i32
      %get3A_900 = arith.constant 1 : i32
      %get3A_901 = arith.index_cast %get3A_899 : i32 to index
      %get3A_902 = arith.index_cast %get3A_900 : i32 to index
      %get3A_903 = arith.constant 16 : index
      %get3A_904 = tpu.vector_load %arg7[%get3A_901, %get3A_902, %get3A_903] {strides = array<i32>} : memref<5x2x80xi32, #tpu.memory_space<vmem>>, vector<16xi32>,
      tpu.vector_store_idx %arg10[%get3A_904], %broadcast_in_dim3A_40 {add = true} : memref<10000xf32, #tpu.memory_space<vmem>>[vector<16xi32>], vector<16xf32>,
      %get3A_905 = arith.constant 2 : i32
      %get3A_906 = arith.constant 1 : i32
      %get3A_907 = arith.index_cast %get3A_905 : i32 to index
      %get3A_908 = arith.index_cast %get3A_906 : i32 to index
      %get3A_909 = arith.constant 32 : index
      %get3A_910 = tpu.vector_load %arg7[%get3A_907, %get3A_908, %get3A_909] {strides = array<i32>} : memref<5x2x80xi32, #tpu.memory_space<vmem>>, vector<16xi32>,
      tpu.vector_store_idx %arg10[%get3A_910], %broadcast_in_dim3A_40 {add = true} : memref<10000xf32, #tpu.memory_space<vmem>>[vector<16xi32>], vector<16xf32>,
      %get3A_911 = arith.constant 2 : i32
      %get3A_912 = arith.constant 1 : i32
      %get3A_913 = arith.index_cast %get3A_911 : i32 to index
      %get3A_914 = arith.index_cast %get3A_912 : i32 to index
      %get3A_915 = arith.constant 48 : index
      %get3A_916 = tpu.vector_load %arg7[%get3A_913, %get3A_914, %get3A_915] {strides = array<i32>} : memref<5x2x80xi32, #tpu.memory_space<vmem>>, vector<16xi32>,
      tpu.vector_store_idx %arg10[%get3A_916], %broadcast_in_dim3A_40 {add = true} : memref<10000xf32, #tpu.memory_space<vmem>>[vector<16xi32>], vector<16xf32>,
      %get3A_917 = arith.constant 2 : i32
      %get3A_918 = arith.constant 1 : i32
      %get3A_919 = arith.index_cast %get3A_917 : i32 to index
      %get3A_920 = arith.index_cast %get3A_918 : i32 to index
      %get3A_921 = arith.constant 64 : index
      %get3A_922 = tpu.vector_load %arg7[%get3A_919, %get3A_920, %get3A_921] {strides = array<i32>} : memref<5x2x80xi32, #tpu.memory_space<vmem>>, vector<16xi32>,
      tpu.vector_store_idx %arg10[%get3A_922], %broadcast_in_dim3A_40 {add = true} : memref<10000xf32, #tpu.memory_space<vmem>>[vector<16xi32>], vector<16xf32>,
      %dma_wait3A_923 = arith.constant 2 : i32
      %dma_wait3A_924 = arith.constant 1 : i32
      %dma_wait3A_925 = arith.constant 0 : i32
      %dma_wait3A_926 = tpu.memref_slice %arg7[%dma_wait3A_923, %dma_wait3A_924, %dma_wait3A_925] : memref<5x2x80xi32, #tpu.memory_space<vmem>> -> memref<1x1x80xi32, #tpu.memory_space<vmem>>
      %dma_wait3A_927 = tpu.memref_squeeze %dma_wait3A_926 : memref<1x1x80xi32, #tpu.memory_space<vmem>> -> memref<80xi32, #tpu.memory_space<vmem>>
      %dma_wait3A_928 = arith.constant 0 : i32
      %dma_wait3A_929 = arith.constant 0 : i32
      %dma_wait3A_930 = tpu.memref_slice %arg11[%dma_wait3A_928, %dma_wait3A_929] : memref<10000x128xf32, #tpu.memory_space<vmem_shared>> -> memref<10000x128xf32, #tpu.memory_space<vmem_shared>>
      tpu.wait_indirect_dma semaphore(%arg14 : memref<!tpu.dma_semaphore, #tpu.memory_space<semaphore_mem>>) src(%arg8 : memref<80x128xf32, #tpu.memory_space<vmem>>) dst(%dma_wait3A_930 : memref<10000x128xf32, #tpu.memory_space<vmem_shared>>)
      %dma_start3A_931 = arith.constant 4 : i32
      %dma_start3A_932 = arith.constant 0 : i32
      %dma_start3A_933 = arith.constant 0 : i32
      %dma_start3A_934 = tpu.memref_slice %arg7[%dma_start3A_931, %dma_start3A_932, %dma_start3A_933] : memref<5x2x80xi32, #tpu.memory_space<vmem>> -> memref<1x1x80xi32, #tpu.memory_space<vmem>>
      %dma_start3A_935 = tpu.memref_squeeze %dma_start3A_934 : memref<1x1x80xi32, #tpu.memory_space<vmem>> -> memref<80xi32, #tpu.memory_space<vmem>>
      %dma_start3A_936 = arith.constant 0 : i32
      %dma_start3A_937 = arith.constant 0 : i32
      %dma_start3A_938 = tpu.memref_slice %arg2[%dma_start3A_936, %dma_start3A_937] : memref<10000x128xf32, #tpu.memory_space<hbm>> -> memref<10000x128xf32, #tpu.memory_space<hbm>>
      tpu.enqueue_indirect_dma source(%dma_start3A_938 : memref<10000x128xf32, #tpu.memory_space<hbm>>) target(%arg8 : memref<80x128xf32, #tpu.memory_space<vmem>>) offsets(%dma_start3A_935 : memref<80xi32, #tpu.memory_space<vmem>>) semaphore(%arg13 : memref<!tpu.dma_semaphore, #tpu.memory_space<semaphore_mem>>)
      %dma_wait3A_939 = arith.constant 3 : i32
      %dma_wait3A_940 = arith.constant 0 : i32
      %dma_wait3A_941 = arith.constant 0 : i32
      %dma_wait3A_942 = tpu.memref_slice %arg7[%dma_wait3A_939, %dma_wait3A_940, %dma_wait3A_941] : memref<5x2x80xi32, #tpu.memory_space<vmem>> -> memref<1x1x80xi32, #tpu.memory_space<vmem>>
      %dma_wait3A_943 = tpu.memref_squeeze %dma_wait3A_942 : memref<1x1x80xi32, #tpu.memory_space<vmem>> -> memref<80xi32, #tpu.memory_space<vmem>>
      %dma_wait3A_944 = arith.constant 0 : i32
      %dma_wait3A_945 = arith.constant 0 : i32
      %dma_wait3A_946 = tpu.memref_slice %arg2[%dma_wait3A_944, %dma_wait3A_945] : memref<10000x128xf32, #tpu.memory_space<hbm>> -> memref<10000x128xf32, #tpu.memory_space<hbm>>
      tpu.wait_indirect_dma semaphore(%arg13 : memref<!tpu.dma_semaphore, #tpu.memory_space<semaphore_mem>>) src(%dma_wait3A_946 : memref<10000x128xf32, #tpu.memory_space<hbm>>) dst(%arg9 : memref<80x128xf32, #tpu.memory_space<vmem>>)
      %dma_start3A_947 = arith.constant 3 : i32
      %dma_start3A_948 = arith.constant 1 : i32
      %dma_start3A_949 = arith.constant 0 : i32
      %dma_start3A_950 = tpu.memref_slice %arg7[%dma_start3A_947, %dma_start3A_948, %dma_start3A_949] : memref<5x2x80xi32, #tpu.memory_space<vmem>> -> memref<1x1x80xi32, #tpu.memory_space<vmem>>
      %dma_start3A_951 = tpu.memref_squeeze %dma_start3A_950 : memref<1x1x80xi32, #tpu.memory_space<vmem>> -> memref<80xi32, #tpu.memory_space<vmem>>
      %dma_start3A_952 = arith.constant 0 : i32
      %dma_start3A_953 = arith.constant 0 : i32
      %dma_start3A_954 = tpu.memref_slice %arg11[%dma_start3A_952, %dma_start3A_953] : memref<10000x128xf32, #tpu.memory_space<vmem_shared>> -> memref<10000x128xf32, #tpu.memory_space<vmem_shared>>
      tpu.enqueue_indirect_dma source(%arg9 : memref<80x128xf32, #tpu.memory_space<vmem>>) target(%dma_start3A_954 : memref<10000x128xf32, #tpu.memory_space<vmem_shared>>) offsets(%dma_start3A_951 : memref<80xi32, #tpu.memory_space<vmem>>) semaphore(%arg14 : memref<!tpu.dma_semaphore, #tpu.memory_space<semaphore_mem>>) {add = true}
      %get3A_955 = arith.constant 3 : i32
      %get3A_956 = arith.constant 1 : i32
      %get3A_957 = arith.index_cast %get3A_955 : i32 to index
      %get3A_958 = arith.index_cast %get3A_956 : i32 to index
      %get3A_959 = arith.constant 0 : index
      %get3A_960 = tpu.vector_load %arg7[%get3A_957, %get3A_958, %get3A_959] {strides = array<i32>} : memref<5x2x80xi32, #tpu.memory_space<vmem>>, vector<16xi32>,
      tpu.vector_store_idx %arg10[%get3A_960], %broadcast_in_dim3A_40 {add = true} : memref<10000xf32, #tpu.memory_space<vmem>>[vector<16xi32>], vector<16xf32>,
      %get3A_961 = arith.constant 3 : i32
      %get3A_962 = arith.constant 1 : i32
      %get3A_963 = arith.index_cast %get3A_961 : i32 to index
      %get3A_964 = arith.index_cast %get3A_962 : i32 to index
      %get3A_965 = arith.constant 16 : index
      %get3A_966 = tpu.vector_load %arg7[%get3A_963, %get3A_964, %get3A_965] {strides = array<i32>} : memref<5x2x80xi32, #tpu.memory_space<vmem>>, vector<16xi32>,
      tpu.vector_store_idx %arg10[%get3A_966], %broadcast_in_dim3A_40 {add = true} : memref<10000xf32, #tpu.memory_space<vmem>>[vector<16xi32>], vector<16xf32>,
      %get3A_967 = arith.constant 3 : i32
      %get3A_968 = arith.constant 1 : i32
      %get3A_969 = arith.index_cast %get3A_967 : i32 to index
      %get3A_970 = arith.index_cast %get3A_968 : i32 to index
      %get3A_971 = arith.constant 32 : index
      %get3A_972 = tpu.vector_load %arg7[%get3A_969, %get3A_970, %get3A_971] {strides = array<i32>} : memref<5x2x80xi32, #tpu.memory_space<vmem>>, vector<16xi32>,
      tpu.vector_store_idx %arg10[%get3A_972], %broadcast_in_dim3A_40 {add = true} : memref<10000xf32, #tpu.memory_space<vmem>>[vector<16xi32>], vector<16xf32>,
      %get3A_973 = arith.constant 3 : i32
      %get3A_974 = arith.constant 1 : i32
      %get3A_975 = arith.index_cast %get3A_973 : i32 to index
      %get3A_976 = arith.index_cast %get3A_974 : i32 to index
      %get3A_977 = arith.constant 48 : index
      %get3A_978 = tpu.vector_load %arg7[%get3A_975, %get3A_976, %get3A_977] {strides = array<i32>} : memref<5x2x80xi32, #tpu.memory_space<vmem>>, vector<16xi32>,
      tpu.vector_store_idx %arg10[%get3A_978], %broadcast_in_dim3A_40 {add = true} : memref<10000xf32, #tpu.memory_space<vmem>>[vector<16xi32>], vector<16xf32>,
      %get3A_979 = arith.constant 3 : i32
      %get3A_980 = arith.constant 1 : i32
      %get3A_981 = arith.index_cast %get3A_979 : i32 to index
      %get3A_982 = arith.index_cast %get3A_980 : i32 to index
      %get3A_983 = arith.constant 64 : index
      %get3A_984 = tpu.vector_load %arg7[%get3A_981, %get3A_982, %get3A_983] {strides = array<i32>} : memref<5x2x80xi32, #tpu.memory_space<vmem>>, vector<16xi32>,
      tpu.vector_store_idx %arg10[%get3A_984], %broadcast_in_dim3A_40 {add = true} : memref<10000xf32, #tpu.memory_space<vmem>>[vector<16xi32>], vector<16xf32>,
      %dma_wait3A_985 = arith.constant 4 : i32
      %dma_wait3A_986 = arith.constant 0 : i32
      %dma_wait3A_987 = arith.constant 0 : i32
      %dma_wait3A_988 = tpu.memref_slice %arg7[%dma_wait3A_985, %dma_wait3A_986, %dma_wait3A_987] : memref<5x2x80xi32, #tpu.memory_space<vmem>> -> memref<1x1x80xi32, #tpu.memory_space<vmem>>
      %dma_wait3A_989 = tpu.memref_squeeze %dma_wait3A_988 : memref<1x1x80xi32, #tpu.memory_space<vmem>> -> memref<80xi32, #tpu.memory_space<vmem>>
      %dma_wait3A_990 = arith.constant 0 : i32
      %dma_wait3A_991 = arith.constant 0 : i32
      %dma_wait3A_992 = tpu.memref_slice %arg2[%dma_wait3A_990, %dma_wait3A_991] : memref<10000x128xf32, #tpu.memory_space<hbm>> -> memref<10000x128xf32, #tpu.memory_space<hbm>>
      tpu.wait_indirect_dma semaphore(%arg13 : memref<!tpu.dma_semaphore, #tpu.memory_space<semaphore_mem>>) src(%dma_wait3A_992 : memref<10000x128xf32, #tpu.memory_space<hbm>>) dst(%arg8 : memref<80x128xf32, #tpu.memory_space<vmem>>)
      %dma_start3A_993 = arith.constant 4 : i32
      %dma_start3A_994 = arith.constant 1 : i32
      %dma_start3A_995 = arith.constant 0 : i32
      %dma_start3A_996 = tpu.memref_slice %arg7[%dma_start3A_993, %dma_start3A_994, %dma_start3A_995] : memref<5x2x80xi32, #tpu.memory_space<vmem>> -> memref<1x1x80xi32, #tpu.memory_space<vmem>>
      %dma_start3A_997 = tpu.memref_squeeze %dma_start3A_996 : memref<1x1x80xi32, #tpu.memory_space<vmem>> -> memref<80xi32, #tpu.memory_space<vmem>>
      %dma_start3A_998 = arith.constant 0 : i32
      %dma_start3A_999 = arith.constant 0 : i32
      %dma_start3A_1000 = tpu.memref_slice %arg11[%dma_start3A_998, %dma_start3A_999] : memref<10000x128xf32, #tpu.memory_space<vmem_shared>> -> memref<10000x128xf32, #tpu.memory_space<vmem_shared>>
      tpu.enqueue_indirect_dma source(%arg8 : memref<80x128xf32, #tpu.memory_space<vmem>>) target(%dma_start3A_1000 : memref<10000x128xf32, #tpu.memory_space<vmem_shared>>) offsets(%dma_start3A_997 : memref<80xi32, #tpu.memory_space<vmem>>) semaphore(%arg14 : memref<!tpu.dma_semaphore, #tpu.memory_space<semaphore_mem>>) {add = true}
      %get3A_1001 = arith.constant 4 : i32
      %get3A_1002 = arith.constant 1 : i32
      %get3A_1003 = arith.index_cast %get3A_1001 : i32 to index
      %get3A_1004 = arith.index_cast %get3A_1002 : i32 to index
      %get3A_1005 = arith.constant 0 : index
      %get3A_1006 = tpu.vector_load %arg7[%get3A_1003, %get3A_1004, %get3A_1005] {strides = array<i32>} : memref<5x2x80xi32, #tpu.memory_space<vmem>>, vector<16xi32>,
      tpu.vector_store_idx %arg10[%get3A_1006], %broadcast_in_dim3A_40 {add = true} : memref<10000xf32, #tpu.memory_space<vmem>>[vector<16xi32>], vector<16xf32>,
      %get3A_1007 = arith.constant 4 : i32
      %get3A_1008 = arith.constant 1 : i32
      %get3A_1009 = arith.index_cast %get3A_1007 : i32 to index
      %get3A_1010 = arith.index_cast %get3A_1008 : i32 to index
      %get3A_1011 = arith.constant 16 : index
      %get3A_1012 = tpu.vector_load %arg7[%get3A_1009, %get3A_1010, %get3A_1011] {strides = array<i32>} : memref<5x2x80xi32, #tpu.memory_space<vmem>>, vector<16xi32>,
      tpu.vector_store_idx %arg10[%get3A_1012], %broadcast_in_dim3A_40 {add = true} : memref<10000xf32, #tpu.memory_space<vmem>>[vector<16xi32>], vector<16xf32>,
      %get3A_1013 = arith.constant 4 : i32
      %get3A_1014 = arith.constant 1 : i32
      %get3A_1015 = arith.index_cast %get3A_1013 : i32 to index
      %get3A_1016 = arith.index_cast %get3A_1014 : i32 to index
      %get3A_1017 = arith.constant 32 : index
      %get3A_1018 = tpu.vector_load %arg7[%get3A_1015, %get3A_1016, %get3A_1017] {strides = array<i32>} : memref<5x2x80xi32, #tpu.memory_space<vmem>>, vector<16xi32>,
      tpu.vector_store_idx %arg10[%get3A_1018], %broadcast_in_dim3A_40 {add = true} : memref<10000xf32, #tpu.memory_space<vmem>>[vector<16xi32>], vector<16xf32>,
      %get3A_1019 = arith.constant 4 : i32
      %get3A_1020 = arith.constant 1 : i32
      %get3A_1021 = arith.index_cast %get3A_1019 : i32 to index
      %get3A_1022 = arith.index_cast %get3A_1020 : i32 to index
      %get3A_1023 = arith.constant 48 : index
      %get3A_1024 = tpu.vector_load %arg7[%get3A_1021, %get3A_1022, %get3A_1023] {strides = array<i32>} : memref<5x2x80xi32, #tpu.memory_space<vmem>>, vector<16xi32>,
      tpu.vector_store_idx %arg10[%get3A_1024], %broadcast_in_dim3A_40 {add = true} : memref<10000xf32, #tpu.memory_space<vmem>>[vector<16xi32>], vector<16xf32>,
      %get3A_1025 = arith.constant 4 : i32
      %get3A_1026 = arith.constant 1 : i32
      %get3A_1027 = arith.index_cast %get3A_1025 : i32 to index
      %get3A_1028 = arith.index_cast %get3A_1026 : i32 to index
      %get3A_1029 = arith.constant 64 : index
      %get3A_1030 = tpu.vector_load %arg7[%get3A_1027, %get3A_1028, %get3A_1029] {strides = array<i32>} : memref<5x2x80xi32, #tpu.memory_space<vmem>>, vector<16xi32>,
      tpu.vector_store_idx %arg10[%get3A_1030], %broadcast_in_dim3A_40 {add = true} : memref<10000xf32, #tpu.memory_space<vmem>>[vector<16xi32>], vector<16xf32>,
      %dma_wait3A_1031 = arith.constant 3 : i32
      %dma_wait3A_1032 = arith.constant 1 : i32
      %dma_wait3A_1033 = arith.constant 0 : i32
      %dma_wait3A_1034 = tpu.memref_slice %arg7[%dma_wait3A_1031, %dma_wait3A_1032, %dma_wait3A_1033] : memref<5x2x80xi32, #tpu.memory_space<vmem>> -> memref<1x1x80xi32, #tpu.memory_space<vmem>>
      %dma_wait3A_1035 = tpu.memref_squeeze %dma_wait3A_1034 : memref<1x1x80xi32, #tpu.memory_space<vmem>> -> memref<80xi32, #tpu.memory_space<vmem>>
      %dma_wait3A_1036 = arith.constant 0 : i32
      %dma_wait3A_1037 = arith.constant 0 : i32
      %dma_wait3A_1038 = tpu.memref_slice %arg11[%dma_wait3A_1036, %dma_wait3A_1037] : memref<10000x128xf32, #tpu.memory_space<vmem_shared>> -> memref<10000x128xf32, #tpu.memory_space<vmem_shared>>
      tpu.wait_indirect_dma semaphore(%arg14 : memref<!tpu.dma_semaphore, #tpu.memory_space<semaphore_mem>>) src(%arg9 : memref<80x128xf32, #tpu.memory_space<vmem>>) dst(%dma_wait3A_1038 : memref<10000x128xf32, #tpu.memory_space<vmem_shared>>)
      %dma_wait3A_1039 = arith.constant 4 : i32
      %dma_wait3A_1040 = arith.constant 1 : i32
      %dma_wait3A_1041 = arith.constant 0 : i32
      %dma_wait3A_1042 = tpu.memref_slice %arg7[%dma_wait3A_1039, %dma_wait3A_1040, %dma_wait3A_1041] : memref<5x2x80xi32, #tpu.memory_space<vmem>> -> memref<1x1x80xi32, #tpu.memory_space<vmem>>
      %dma_wait3A_1043 = tpu.memref_squeeze %dma_wait3A_1042 : memref<1x1x80xi32, #tpu.memory_space<vmem>> -> memref<80xi32, #tpu.memory_space<vmem>>
      %dma_wait3A_1044 = arith.constant 0 : i32
      %dma_wait3A_1045 = arith.constant 0 : i32
      %dma_wait3A_1046 = tpu.memref_slice %arg11[%dma_wait3A_1044, %dma_wait3A_1045] : memref<10000x128xf32, #tpu.memory_space<vmem_shared>> -> memref<10000x128xf32, #tpu.memory_space<vmem_shared>>
      tpu.wait_indirect_dma semaphore(%arg14 : memref<!tpu.dma_semaphore, #tpu.memory_space<semaphore_mem>>) src(%arg8 : memref<80x128xf32, #tpu.memory_space<vmem>>) dst(%dma_wait3A_1046 : memref<10000x128xf32, #tpu.memory_space<vmem_shared>>)
      %dma_wait3A_1047 = arith.constant 0 : i32
      %dma_wait3A_1048 = arith.constant 0 : i32
      %dma_wait3A_1049 = tpu.memref_slice %arg3[%add3A_730, %dma_wait3A_1047, %dma_wait3A_1048] : memref<4000x2x80xi32, #tpu.memory_space<hbm>> -> memref<5x2x80xi32, #tpu.memory_space<hbm>>
      %dma_wait3A_1050 = arith.constant 0 : i32
      %dma_wait3A_1051 = arith.constant 0 : i32
      %dma_wait3A_1052 = tpu.memref_slice %arg3[%add3A_730, %dma_wait3A_1050, %dma_wait3A_1051] : memref<4000x2x80xi32, #tpu.memory_space<hbm>> -> memref<5x2x80xi32, #tpu.memory_space<hbm>>
      tpu.wait_dma2 semaphore(%arg12 : memref<!tpu.dma_semaphore, #tpu.memory_space<semaphore_mem>>) src(%dma_wait3A_1052 : memref<5x2x80xi32, #tpu.memory_space<hbm>>) dst(%arg6 : memref<5x2x80xi32, #tpu.memory_space<vmem>>)
    }
    %scan3A_47 = arith.constant 12 : i32
    %add3A_48 = arith.constant 120 : i32
    %add3A_49 = arith.addi %mul3A_42, %add3A_48 : i32
    %dma_start3A = arith.constant 0 : i32
    %dma_start3A_50 = arith.constant 0 : i32
    %dma_start3A_51 = arith.constant 0 : i32
    %dma_start3A_52 = tpu.memref_slice %arg6[%dma_start3A, %dma_start3A_50, %dma_start3A_51] : memref<5x2x80xi32, #tpu.memory_space<vmem>> -> memref<1x1x80xi32, #tpu.memory_space<vmem>>
    %dma_start3A_53 = tpu.memref_squeeze %dma_start3A_52 : memref<1x1x80xi32, #tpu.memory_space<vmem>> -> memref<80xi32, #tpu.memory_space<vmem>>
    %dma_start3A_54 = arith.constant 0 : i32
    %dma_start3A_55 = arith.constant 0 : i32
    %dma_start3A_56 = tpu.memref_slice %arg2[%dma_start3A_54, %dma_start3A_55] : memref<10000x128xf32, #tpu.memory_space<hbm>> -> memref<10000x128xf32, #tpu.memory_space<hbm>>
    tpu.enqueue_indirect_dma source(%dma_start3A_56 : memref<10000x128xf32, #tpu.memory_space<hbm>>) target(%arg8 : memref<80x128xf32, #tpu.memory_space<vmem>>) offsets(%dma_start3A_53 : memref<80xi32, #tpu.memory_space<vmem>>) semaphore(%arg13 : memref<!tpu.dma_semaphore, #tpu.memory_space<semaphore_mem>>)
    %dma_start3A_57 = arith.constant 1 : i32
    %dma_start3A_58 = arith.constant 0 : i32
    %dma_start3A_59 = arith.constant 0 : i32
    %dma_start3A_60 = tpu.memref_slice %arg6[%dma_start3A_57, %dma_start3A_58, %dma_start3A_59] : memref<5x2x80xi32, #tpu.memory_space<vmem>> -> memref<1x1x80xi32, #tpu.memory_space<vmem>>
    %dma_start3A_61 = tpu.memref_squeeze %dma_start3A_60 : memref<1x1x80xi32, #tpu.memory_space<vmem>> -> memref<80xi32, #tpu.memory_space<vmem>>
    %dma_start3A_62 = arith.constant 0 : i32
    %dma_start3A_63 = arith.constant 0 : i32
    %dma_start3A_64 = tpu.memref_slice %arg2[%dma_start3A_62, %dma_start3A_63] : memref<10000x128xf32, #tpu.memory_space<hbm>> -> memref<10000x128xf32, #tpu.memory_space<hbm>>
    tpu.enqueue_indirect_dma source(%dma_start3A_64 : memref<10000x128xf32, #tpu.memory_space<hbm>>) target(%arg9 : memref<80x128xf32, #tpu.memory_space<vmem>>) offsets(%dma_start3A_61 : memref<80xi32, #tpu.memory_space<vmem>>) semaphore(%arg13 : memref<!tpu.dma_semaphore, #tpu.memory_space<semaphore_mem>>)
    %dma_wait3A = arith.constant 0 : i32
    %dma_wait3A_65 = arith.constant 0 : i32
    %dma_wait3A_66 = arith.constant 0 : i32
    %dma_wait3A_67 = tpu.memref_slice %arg6[%dma_wait3A, %dma_wait3A_65, %dma_wait3A_66] : memref<5x2x80xi32, #tpu.memory_space<vmem>> -> memref<1x1x80xi32, #tpu.memory_space<vmem>>
    %dma_wait3A_68 = tpu.memref_squeeze %dma_wait3A_67 : memref<1x1x80xi32, #tpu.memory_space<vmem>> -> memref<80xi32, #tpu.memory_space<vmem>>
    %dma_wait3A_69 = arith.constant 0 : i32
    %dma_wait3A_70 = arith.constant 0 : i32
    %dma_wait3A_71 = tpu.memref_slice %arg2[%dma_wait3A_69, %dma_wait3A_70] : memref<10000x128xf32, #tpu.memory_space<hbm>> -> memref<10000x128xf32, #tpu.memory_space<hbm>>
    tpu.wait_indirect_dma semaphore(%arg13 : memref<!tpu.dma_semaphore, #tpu.memory_space<semaphore_mem>>) src(%dma_wait3A_71 : memref<10000x128xf32, #tpu.memory_space<hbm>>) dst(%arg8 : memref<80x128xf32, #tpu.memory_space<vmem>>)
    %dma_start3A_72 = arith.constant 0 : i32
    %dma_start3A_73 = arith.constant 1 : i32
    %dma_start3A_74 = arith.constant 0 : i32
    %dma_start3A_75 = tpu.memref_slice %arg6[%dma_start3A_72, %dma_start3A_73, %dma_start3A_74] : memref<5x2x80xi32, #tpu.memory_space<vmem>> -> memref<1x1x80xi32, #tpu.memory_space<vmem>>
    %dma_start3A_76 = tpu.memref_squeeze %dma_start3A_75 : memref<1x1x80xi32, #tpu.memory_space<vmem>> -> memref<80xi32, #tpu.memory_space<vmem>>
    %dma_start3A_77 = arith.constant 0 : i32
    %dma_start3A_78 = arith.constant 0 : i32
    %dma_start3A_79 = tpu.memref_slice %arg11[%dma_start3A_77, %dma_start3A_78] : memref<10000x128xf32, #tpu.memory_space<vmem_shared>> -> memref<10000x128xf32, #tpu.memory_space<vmem_shared>>
    tpu.enqueue_indirect_dma source(%arg8 : memref<80x128xf32, #tpu.memory_space<vmem>>) target(%dma_start3A_79 : memref<10000x128xf32, #tpu.memory_space<vmem_shared>>) offsets(%dma_start3A_76 : memref<80xi32, #tpu.memory_space<vmem>>) semaphore(%arg14 : memref<!tpu.dma_semaphore, #tpu.memory_space<semaphore_mem>>) {add = true}
    %get3A = arith.constant 0 : i32
    %get3A_80 = arith.constant 1 : i32
    %get3A_81 = arith.index_cast %get3A : i32 to index
    %get3A_82 = arith.index_cast %get3A_80 : i32 to index
    %get3A_83 = arith.constant 0 : index
    %get3A_84 = tpu.vector_load %arg6[%get3A_81, %get3A_82, %get3A_83] {strides = array<i32>} : memref<5x2x80xi32, #tpu.memory_space<vmem>>, vector<16xi32>,
    tpu.vector_store_idx %arg10[%get3A_84], %broadcast_in_dim3A_40 {add = true} : memref<10000xf32, #tpu.memory_space<vmem>>[vector<16xi32>], vector<16xf32>,
    %get3A_85 = arith.constant 0 : i32
    %get3A_86 = arith.constant 1 : i32
    %get3A_87 = arith.index_cast %get3A_85 : i32 to index
    %get3A_88 = arith.index_cast %get3A_86 : i32 to index
    %get3A_89 = arith.constant 16 : index
    %get3A_90 = tpu.vector_load %arg6[%get3A_87, %get3A_88, %get3A_89] {strides = array<i32>} : memref<5x2x80xi32, #tpu.memory_space<vmem>>, vector<16xi32>,
    tpu.vector_store_idx %arg10[%get3A_90], %broadcast_in_dim3A_40 {add = true} : memref<10000xf32, #tpu.memory_space<vmem>>[vector<16xi32>], vector<16xf32>,
    %get3A_91 = arith.constant 0 : i32
    %get3A_92 = arith.constant 1 : i32
    %get3A_93 = arith.index_cast %get3A_91 : i32 to index
    %get3A_94 = arith.index_cast %get3A_92 : i32 to index
    %get3A_95 = arith.constant 32 : index
    %get3A_96 = tpu.vector_load %arg6[%get3A_93, %get3A_94, %get3A_95] {strides = array<i32>} : memref<5x2x80xi32, #tpu.memory_space<vmem>>, vector<16xi32>,
    tpu.vector_store_idx %arg10[%get3A_96], %broadcast_in_dim3A_40 {add = true} : memref<10000xf32, #tpu.memory_space<vmem>>[vector<16xi32>], vector<16xf32>,
    %get3A_97 = arith.constant 0 : i32
    %get3A_98 = arith.constant 1 : i32
    %get3A_99 = arith.index_cast %get3A_97 : i32 to index
    %get3A_100 = arith.index_cast %get3A_98 : i32 to index
    %get3A_101 = arith.constant 48 : index
    %get3A_102 = tpu.vector_load %arg6[%get3A_99, %get3A_100, %get3A_101] {strides = array<i32>} : memref<5x2x80xi32, #tpu.memory_space<vmem>>, vector<16xi32>,
    tpu.vector_store_idx %arg10[%get3A_102], %broadcast_in_dim3A_40 {add = true} : memref<10000xf32, #tpu.memory_space<vmem>>[vector<16xi32>], vector<16xf32>,
    %get3A_103 = arith.constant 0 : i32
    %get3A_104 = arith.constant 1 : i32
    %get3A_105 = arith.index_cast %get3A_103 : i32 to index
    %get3A_106 = arith.index_cast %get3A_104 : i32 to index
    %get3A_107 = arith.constant 64 : index
    %get3A_108 = tpu.vector_load %arg6[%get3A_105, %get3A_106, %get3A_107] {strides = array<i32>} : memref<5x2x80xi32, #tpu.memory_space<vmem>>, vector<16xi32>,
    tpu.vector_store_idx %arg10[%get3A_108], %broadcast_in_dim3A_40 {add = true} : memref<10000xf32, #tpu.memory_space<vmem>>[vector<16xi32>], vector<16xf32>,
    %dma_wait3A_109 = arith.constant 0 : i32
    %dma_wait3A_110 = arith.constant 1 : i32
    %dma_wait3A_111 = arith.constant 0 : i32
    %dma_wait3A_112 = tpu.memref_slice %arg6[%dma_wait3A_109, %dma_wait3A_110, %dma_wait3A_111] : memref<5x2x80xi32, #tpu.memory_space<vmem>> -> memref<1x1x80xi32, #tpu.memory_space<vmem>>
    %dma_wait3A_113 = tpu.memref_squeeze %dma_wait3A_112 : memref<1x1x80xi32, #tpu.memory_space<vmem>> -> memref<80xi32, #tpu.memory_space<vmem>>
    %dma_wait3A_114 = arith.constant 0 : i32
    %dma_wait3A_115 = arith.constant 0 : i32
    %dma_wait3A_116 = tpu.memref_slice %arg11[%dma_wait3A_114, %dma_wait3A_115] : memref<10000x128xf32, #tpu.memory_space<vmem_shared>> -> memref<10000x128xf32, #tpu.memory_space<vmem_shared>>
    tpu.wait_indirect_dma semaphore(%arg14 : memref<!tpu.dma_semaphore, #tpu.memory_space<semaphore_mem>>) src(%arg8 : memref<80x128xf32, #tpu.memory_space<vmem>>) dst(%dma_wait3A_116 : memref<10000x128xf32, #tpu.memory_space<vmem_shared>>)
    %dma_start3A_117 = arith.constant 2 : i32
    %dma_start3A_118 = arith.constant 0 : i32
    %dma_start3A_119 = arith.constant 0 : i32
    %dma_start3A_120 = tpu.memref_slice %arg6[%dma_start3A_117, %dma_start3A_118, %dma_start3A_119] : memref<5x2x80xi32, #tpu.memory_space<vmem>> -> memref<1x1x80xi32, #tpu.memory_space<vmem>>
    %dma_start3A_121 = tpu.memref_squeeze %dma_start3A_120 : memref<1x1x80xi32, #tpu.memory_space<vmem>> -> memref<80xi32, #tpu.memory_space<vmem>>
    %dma_start3A_122 = arith.constant 0 : i32
    %dma_start3A_123 = arith.constant 0 : i32
    %dma_start3A_124 = tpu.memref_slice %arg2[%dma_start3A_122, %dma_start3A_123] : memref<10000x128xf32, #tpu.memory_space<hbm>> -> memref<10000x128xf32, #tpu.memory_space<hbm>>
    tpu.enqueue_indirect_dma source(%dma_start3A_124 : memref<10000x128xf32, #tpu.memory_space<hbm>>) target(%arg8 : memref<80x128xf32, #tpu.memory_space<vmem>>) offsets(%dma_start3A_121 : memref<80xi32, #tpu.memory_space<vmem>>) semaphore(%arg13 : memref<!tpu.dma_semaphore, #tpu.memory_space<semaphore_mem>>)
    %dma_wait3A_125 = arith.constant 1 : i32
    %dma_wait3A_126 = arith.constant 0 : i32
    %dma_wait3A_127 = arith.constant 0 : i32
    %dma_wait3A_128 = tpu.memref_slice %arg6[%dma_wait3A_125, %dma_wait3A_126, %dma_wait3A_127] : memref<5x2x80xi32, #tpu.memory_space<vmem>> -> memref<1x1x80xi32, #tpu.memory_space<vmem>>
    %dma_wait3A_129 = tpu.memref_squeeze %dma_wait3A_128 : memref<1x1x80xi32, #tpu.memory_space<vmem>> -> memref<80xi32, #tpu.memory_space<vmem>>
    %dma_wait3A_130 = arith.constant 0 : i32
    %dma_wait3A_131 = arith.constant 0 : i32
    %dma_wait3A_132 = tpu.memref_slice %arg2[%dma_wait3A_130, %dma_wait3A_131] : memref<10000x128xf32, #tpu.memory_space<hbm>> -> memref<10000x128xf32, #tpu.memory_space<hbm>>
    tpu.wait_indirect_dma semaphore(%arg13 : memref<!tpu.dma_semaphore, #tpu.memory_space<semaphore_mem>>) src(%dma_wait3A_132 : memref<10000x128xf32, #tpu.memory_space<hbm>>) dst(%arg9 : memref<80x128xf32, #tpu.memory_space<vmem>>)
    %dma_start3A_133 = arith.constant 1 : i32
    %dma_start3A_134 = arith.constant 1 : i32
    %dma_start3A_135 = arith.constant 0 : i32
    %dma_start3A_136 = tpu.memref_slice %arg6[%dma_start3A_133, %dma_start3A_134, %dma_start3A_135] : memref<5x2x80xi32, #tpu.memory_space<vmem>> -> memref<1x1x80xi32, #tpu.memory_space<vmem>>
    %dma_start3A_137 = tpu.memref_squeeze %dma_start3A_136 : memref<1x1x80xi32, #tpu.memory_space<vmem>> -> memref<80xi32, #tpu.memory_space<vmem>>
    %dma_start3A_138 = arith.constant 0 : i32
    %dma_start3A_139 = arith.constant 0 : i32
    %dma_start3A_140 = tpu.memref_slice %arg11[%dma_start3A_138, %dma_start3A_139] : memref<10000x128xf32, #tpu.memory_space<vmem_shared>> -> memref<10000x128xf32, #tpu.memory_space<vmem_shared>>
    tpu.enqueue_indirect_dma source(%arg9 : memref<80x128xf32, #tpu.memory_space<vmem>>) target(%dma_start3A_140 : memref<10000x128xf32, #tpu.memory_space<vmem_shared>>) offsets(%dma_start3A_137 : memref<80xi32, #tpu.memory_space<vmem>>) semaphore(%arg14 : memref<!tpu.dma_semaphore, #tpu.memory_space<semaphore_mem>>) {add = true}
    %get3A_141 = arith.constant 1 : i32
    %get3A_142 = arith.constant 1 : i32
    %get3A_143 = arith.index_cast %get3A_141 : i32 to index
    %get3A_144 = arith.index_cast %get3A_142 : i32 to index
    %get3A_145 = arith.constant 0 : index
    %get3A_146 = tpu.vector_load %arg6[%get3A_143, %get3A_144, %get3A_145] {strides = array<i32>} : memref<5x2x80xi32, #tpu.memory_space<vmem>>, vector<16xi32>,
    tpu.vector_store_idx %arg10[%get3A_146], %broadcast_in_dim3A_40 {add = true} : memref<10000xf32, #tpu.memory_space<vmem>>[vector<16xi32>], vector<16xf32>,
    %get3A_147 = arith.constant 1 : i32
    %get3A_148 = arith.constant 1 : i32
    %get3A_149 = arith.index_cast %get3A_147 : i32 to index
    %get3A_150 = arith.index_cast %get3A_148 : i32 to index
    %get3A_151 = arith.constant 16 : index
    %get3A_152 = tpu.vector_load %arg6[%get3A_149, %get3A_150, %get3A_151] {strides = array<i32>} : memref<5x2x80xi32, #tpu.memory_space<vmem>>, vector<16xi32>,
    tpu.vector_store_idx %arg10[%get3A_152], %broadcast_in_dim3A_40 {add = true} : memref<10000xf32, #tpu.memory_space<vmem>>[vector<16xi32>], vector<16xf32>,
    %get3A_153 = arith.constant 1 : i32
    %get3A_154 = arith.constant 1 : i32
    %get3A_155 = arith.index_cast %get3A_153 : i32 to index
    %get3A_156 = arith.index_cast %get3A_154 : i32 to index
    %get3A_157 = arith.constant 32 : index
    %get3A_158 = tpu.vector_load %arg6[%get3A_155, %get3A_156, %get3A_157] {strides = array<i32>} : memref<5x2x80xi32, #tpu.memory_space<vmem>>, vector<16xi32>,
    tpu.vector_store_idx %arg10[%get3A_158], %broadcast_in_dim3A_40 {add = true} : memref<10000xf32, #tpu.memory_space<vmem>>[vector<16xi32>], vector<16xf32>,
    %get3A_159 = arith.constant 1 : i32
    %get3A_160 = arith.constant 1 : i32
    %get3A_161 = arith.index_cast %get3A_159 : i32 to index
    %get3A_162 = arith.index_cast %get3A_160 : i32 to index
    %get3A_163 = arith.constant 48 : index
    %get3A_164 = tpu.vector_load %arg6[%get3A_161, %get3A_162, %get3A_163] {strides = array<i32>} : memref<5x2x80xi32, #tpu.memory_space<vmem>>, vector<16xi32>,
    tpu.vector_store_idx %arg10[%get3A_164], %broadcast_in_dim3A_40 {add = true} : memref<10000xf32, #tpu.memory_space<vmem>>[vector<16xi32>], vector<16xf32>,
    %get3A_165 = arith.constant 1 : i32
    %get3A_166 = arith.constant 1 : i32
    %get3A_167 = arith.index_cast %get3A_165 : i32 to index
    %get3A_168 = arith.index_cast %get3A_166 : i32 to index
    %get3A_169 = arith.constant 64 : index
    %get3A_170 = tpu.vector_load %arg6[%get3A_167, %get3A_168, %get3A_169] {strides = array<i32>} : memref<5x2x80xi32, #tpu.memory_space<vmem>>, vector<16xi32>,
    tpu.vector_store_idx %arg10[%get3A_170], %broadcast_in_dim3A_40 {add = true} : memref<10000xf32, #tpu.memory_space<vmem>>[vector<16xi32>], vector<16xf32>,
    %dma_wait3A_171 = arith.constant 1 : i32
    %dma_wait3A_172 = arith.constant 1 : i32
    %dma_wait3A_173 = arith.constant 0 : i32
    %dma_wait3A_174 = tpu.memref_slice %arg6[%dma_wait3A_171, %dma_wait3A_172, %dma_wait3A_173] : memref<5x2x80xi32, #tpu.memory_space<vmem>> -> memref<1x1x80xi32, #tpu.memory_space<vmem>>
    %dma_wait3A_175 = tpu.memref_squeeze %dma_wait3A_174 : memref<1x1x80xi32, #tpu.memory_space<vmem>> -> memref<80xi32, #tpu.memory_space<vmem>>
    %dma_wait3A_176 = arith.constant 0 : i32
    %dma_wait3A_177 = arith.constant 0 : i32
    %dma_wait3A_178 = tpu.memref_slice %arg11[%dma_wait3A_176, %dma_wait3A_177] : memref<10000x128xf32, #tpu.memory_space<vmem_shared>> -> memref<10000x128xf32, #tpu.memory_space<vmem_shared>>
    tpu.wait_indirect_dma semaphore(%arg14 : memref<!tpu.dma_semaphore, #tpu.memory_space<semaphore_mem>>) src(%arg9 : memref<80x128xf32, #tpu.memory_space<vmem>>) dst(%dma_wait3A_178 : memref<10000x128xf32, #tpu.memory_space<vmem_shared>>)
    %dma_start3A_179 = arith.constant 3 : i32
    %dma_start3A_180 = arith.constant 0 : i32
    %dma_start3A_181 = arith.constant 0 : i32
    %dma_start3A_182 = tpu.memref_slice %arg6[%dma_start3A_179, %dma_start3A_180, %dma_start3A_181] : memref<5x2x80xi32, #tpu.memory_space<vmem>> -> memref<1x1x80xi32, #tpu.memory_space<vmem>>
    %dma_start3A_183 = tpu.memref_squeeze %dma_start3A_182 : memref<1x1x80xi32, #tpu.memory_space<vmem>> -> memref<80xi32, #tpu.memory_space<vmem>>
    %dma_start3A_184 = arith.constant 0 : i32
    %dma_start3A_185 = arith.constant 0 : i32
    %dma_start3A_186 = tpu.memref_slice %arg2[%dma_start3A_184, %dma_start3A_185] : memref<10000x128xf32, #tpu.memory_space<hbm>> -> memref<10000x128xf32, #tpu.memory_space<hbm>>
    tpu.enqueue_indirect_dma source(%dma_start3A_186 : memref<10000x128xf32, #tpu.memory_space<hbm>>) target(%arg9 : memref<80x128xf32, #tpu.memory_space<vmem>>) offsets(%dma_start3A_183 : memref<80xi32, #tpu.memory_space<vmem>>) semaphore(%arg13 : memref<!tpu.dma_semaphore, #tpu.memory_space<semaphore_mem>>)
    %dma_wait3A_187 = arith.constant 2 : i32
    %dma_wait3A_188 = arith.constant 0 : i32
    %dma_wait3A_189 = arith.constant 0 : i32
    %dma_wait3A_190 = tpu.memref_slice %arg6[%dma_wait3A_187, %dma_wait3A_188, %dma_wait3A_189] : memref<5x2x80xi32, #tpu.memory_space<vmem>> -> memref<1x1x80xi32, #tpu.memory_space<vmem>>
    %dma_wait3A_191 = tpu.memref_squeeze %dma_wait3A_190 : memref<1x1x80xi32, #tpu.memory_space<vmem>> -> memref<80xi32, #tpu.memory_space<vmem>>
    %dma_wait3A_192 = arith.constant 0 : i32
    %dma_wait3A_193 = arith.constant 0 : i32
    %dma_wait3A_194 = tpu.memref_slice %arg2[%dma_wait3A_192, %dma_wait3A_193] : memref<10000x128xf32, #tpu.memory_space<hbm>> -> memref<10000x128xf32, #tpu.memory_space<hbm>>
    tpu.wait_indirect_dma semaphore(%arg13 : memref<!tpu.dma_semaphore, #tpu.memory_space<semaphore_mem>>) src(%dma_wait3A_194 : memref<10000x128xf32, #tpu.memory_space<hbm>>) dst(%arg8 : memref<80x128xf32, #tpu.memory_space<vmem>>)
    %dma_start3A_195 = arith.constant 2 : i32
    %dma_start3A_196 = arith.constant 1 : i32
    %dma_start3A_197 = arith.constant 0 : i32
    %dma_start3A_198 = tpu.memref_slice %arg6[%dma_start3A_195, %dma_start3A_196, %dma_start3A_197] : memref<5x2x80xi32, #tpu.memory_space<vmem>> -> memref<1x1x80xi32, #tpu.memory_space<vmem>>
    %dma_start3A_199 = tpu.memref_squeeze %dma_start3A_198 : memref<1x1x80xi32, #tpu.memory_space<vmem>> -> memref<80xi32, #tpu.memory_space<vmem>>
    %dma_start3A_200 = arith.constant 0 : i32
    %dma_start3A_201 = arith.constant 0 : i32
    %dma_start3A_202 = tpu.memref_slice %arg11[%dma_start3A_200, %dma_start3A_201] : memref<10000x128xf32, #tpu.memory_space<vmem_shared>> -> memref<10000x128xf32, #tpu.memory_space<vmem_shared>>
    tpu.enqueue_indirect_dma source(%arg8 : memref<80x128xf32, #tpu.memory_space<vmem>>) target(%dma_start3A_202 : memref<10000x128xf32, #tpu.memory_space<vmem_shared>>) offsets(%dma_start3A_199 : memref<80xi32, #tpu.memory_space<vmem>>) semaphore(%arg14 : memref<!tpu.dma_semaphore, #tpu.memory_space<semaphore_mem>>) {add = true}
    %get3A_203 = arith.constant 2 : i32
    %get3A_204 = arith.constant 1 : i32
    %get3A_205 = arith.index_cast %get3A_203 : i32 to index
    %get3A_206 = arith.index_cast %get3A_204 : i32 to index
    %get3A_207 = arith.constant 0 : index
    %get3A_208 = tpu.vector_load %arg6[%get3A_205, %get3A_206, %get3A_207] {strides = array<i32>} : memref<5x2x80xi32, #tpu.memory_space<vmem>>, vector<16xi32>,
    tpu.vector_store_idx %arg10[%get3A_208], %broadcast_in_dim3A_40 {add = true} : memref<10000xf32, #tpu.memory_space<vmem>>[vector<16xi32>], vector<16xf32>,
    %get3A_209 = arith.constant 2 : i32
    %get3A_210 = arith.constant 1 : i32
    %get3A_211 = arith.index_cast %get3A_209 : i32 to index
    %get3A_212 = arith.index_cast %get3A_210 : i32 to index
    %get3A_213 = arith.constant 16 : index
    %get3A_214 = tpu.vector_load %arg6[%get3A_211, %get3A_212, %get3A_213] {strides = array<i32>} : memref<5x2x80xi32, #tpu.memory_space<vmem>>, vector<16xi32>,
    tpu.vector_store_idx %arg10[%get3A_214], %broadcast_in_dim3A_40 {add = true} : memref<10000xf32, #tpu.memory_space<vmem>>[vector<16xi32>], vector<16xf32>,
    %get3A_215 = arith.constant 2 : i32
    %get3A_216 = arith.constant 1 : i32
    %get3A_217 = arith.index_cast %get3A_215 : i32 to index
    %get3A_218 = arith.index_cast %get3A_216 : i32 to index
    %get3A_219 = arith.constant 32 : index
    %get3A_220 = tpu.vector_load %arg6[%get3A_217, %get3A_218, %get3A_219] {strides = array<i32>} : memref<5x2x80xi32, #tpu.memory_space<vmem>>, vector<16xi32>,
    tpu.vector_store_idx %arg10[%get3A_220], %broadcast_in_dim3A_40 {add = true} : memref<10000xf32, #tpu.memory_space<vmem>>[vector<16xi32>], vector<16xf32>,
    %get3A_221 = arith.constant 2 : i32
    %get3A_222 = arith.constant 1 : i32
    %get3A_223 = arith.index_cast %get3A_221 : i32 to index
    %get3A_224 = arith.index_cast %get3A_222 : i32 to index
    %get3A_225 = arith.constant 48 : index
    %get3A_226 = tpu.vector_load %arg6[%get3A_223, %get3A_224, %get3A_225] {strides = array<i32>} : memref<5x2x80xi32, #tpu.memory_space<vmem>>, vector<16xi32>,
    tpu.vector_store_idx %arg10[%get3A_226], %broadcast_in_dim3A_40 {add = true} : memref<10000xf32, #tpu.memory_space<vmem>>[vector<16xi32>], vector<16xf32>,
    %get3A_227 = arith.constant 2 : i32
    %get3A_228 = arith.constant 1 : i32
    %get3A_229 = arith.index_cast %get3A_227 : i32 to index
    %get3A_230 = arith.index_cast %get3A_228 : i32 to index
    %get3A_231 = arith.constant 64 : index
    %get3A_232 = tpu.vector_load %arg6[%get3A_229, %get3A_230, %get3A_231] {strides = array<i32>} : memref<5x2x80xi32, #tpu.memory_space<vmem>>, vector<16xi32>,
    tpu.vector_store_idx %arg10[%get3A_232], %broadcast_in_dim3A_40 {add = true} : memref<10000xf32, #tpu.memory_space<vmem>>[vector<16xi32>], vector<16xf32>,
    %dma_wait3A_233 = arith.constant 2 : i32
    %dma_wait3A_234 = arith.constant 1 : i32
    %dma_wait3A_235 = arith.constant 0 : i32
    %dma_wait3A_236 = tpu.memref_slice %arg6[%dma_wait3A_233, %dma_wait3A_234, %dma_wait3A_235] : memref<5x2x80xi32, #tpu.memory_space<vmem>> -> memref<1x1x80xi32, #tpu.memory_space<vmem>>
    %dma_wait3A_237 = tpu.memref_squeeze %dma_wait3A_236 : memref<1x1x80xi32, #tpu.memory_space<vmem>> -> memref<80xi32, #tpu.memory_space<vmem>>
    %dma_wait3A_238 = arith.constant 0 : i32
    %dma_wait3A_239 = arith.constant 0 : i32
    %dma_wait3A_240 = tpu.memref_slice %arg11[%dma_wait3A_238, %dma_wait3A_239] : memref<10000x128xf32, #tpu.memory_space<vmem_shared>> -> memref<10000x128xf32, #tpu.memory_space<vmem_shared>>
    tpu.wait_indirect_dma semaphore(%arg14 : memref<!tpu.dma_semaphore, #tpu.memory_space<semaphore_mem>>) src(%arg8 : memref<80x128xf32, #tpu.memory_space<vmem>>) dst(%dma_wait3A_240 : memref<10000x128xf32, #tpu.memory_space<vmem_shared>>)
    %dma_start3A_241 = arith.constant 4 : i32
    %dma_start3A_242 = arith.constant 0 : i32
    %dma_start3A_243 = arith.constant 0 : i32
    %dma_start3A_244 = tpu.memref_slice %arg6[%dma_start3A_241, %dma_start3A_242, %dma_start3A_243] : memref<5x2x80xi32, #tpu.memory_space<vmem>> -> memref<1x1x80xi32, #tpu.memory_space<vmem>>
    %dma_start3A_245 = tpu.memref_squeeze %dma_start3A_244 : memref<1x1x80xi32, #tpu.memory_space<vmem>> -> memref<80xi32, #tpu.memory_space<vmem>>
    %dma_start3A_246 = arith.constant 0 : i32
    %dma_start3A_247 = arith.constant 0 : i32
    %dma_start3A_248 = tpu.memref_slice %arg2[%dma_start3A_246, %dma_start3A_247] : memref<10000x128xf32, #tpu.memory_space<hbm>> -> memref<10000x128xf32, #tpu.memory_space<hbm>>
    tpu.enqueue_indirect_dma source(%dma_start3A_248 : memref<10000x128xf32, #tpu.memory_space<hbm>>) target(%arg8 : memref<80x128xf32, #tpu.memory_space<vmem>>) offsets(%dma_start3A_245 : memref<80xi32, #tpu.memory_space<vmem>>) semaphore(%arg13 : memref<!tpu.dma_semaphore, #tpu.memory_space<semaphore_mem>>)
    %dma_wait3A_249 = arith.constant 3 : i32
    %dma_wait3A_250 = arith.constant 0 : i32
    %dma_wait3A_251 = arith.constant 0 : i32
    %dma_wait3A_252 = tpu.memref_slice %arg6[%dma_wait3A_249, %dma_wait3A_250, %dma_wait3A_251] : memref<5x2x80xi32, #tpu.memory_space<vmem>> -> memref<1x1x80xi32, #tpu.memory_space<vmem>>
    %dma_wait3A_253 = tpu.memref_squeeze %dma_wait3A_252 : memref<1x1x80xi32, #tpu.memory_space<vmem>> -> memref<80xi32, #tpu.memory_space<vmem>>
    %dma_wait3A_254 = arith.constant 0 : i32
    %dma_wait3A_255 = arith.constant 0 : i32
    %dma_wait3A_256 = tpu.memref_slice %arg2[%dma_wait3A_254, %dma_wait3A_255] : memref<10000x128xf32, #tpu.memory_space<hbm>> -> memref<10000x128xf32, #tpu.memory_space<hbm>>
    tpu.wait_indirect_dma semaphore(%arg13 : memref<!tpu.dma_semaphore, #tpu.memory_space<semaphore_mem>>) src(%dma_wait3A_256 : memref<10000x128xf32, #tpu.memory_space<hbm>>) dst(%arg9 : memref<80x128xf32, #tpu.memory_space<vmem>>)
    %dma_start3A_257 = arith.constant 3 : i32
    %dma_start3A_258 = arith.constant 1 : i32
    %dma_start3A_259 = arith.constant 0 : i32
    %dma_start3A_260 = tpu.memref_slice %arg6[%dma_start3A_257, %dma_start3A_258, %dma_start3A_259] : memref<5x2x80xi32, #tpu.memory_space<vmem>> -> memref<1x1x80xi32, #tpu.memory_space<vmem>>
    %dma_start3A_261 = tpu.memref_squeeze %dma_start3A_260 : memref<1x1x80xi32, #tpu.memory_space<vmem>> -> memref<80xi32, #tpu.memory_space<vmem>>
    %dma_start3A_262 = arith.constant 0 : i32
    %dma_start3A_263 = arith.constant 0 : i32
    %dma_start3A_264 = tpu.memref_slice %arg11[%dma_start3A_262, %dma_start3A_263] : memref<10000x128xf32, #tpu.memory_space<vmem_shared>> -> memref<10000x128xf32, #tpu.memory_space<vmem_shared>>
    tpu.enqueue_indirect_dma source(%arg9 : memref<80x128xf32, #tpu.memory_space<vmem>>) target(%dma_start3A_264 : memref<10000x128xf32, #tpu.memory_space<vmem_shared>>) offsets(%dma_start3A_261 : memref<80xi32, #tpu.memory_space<vmem>>) semaphore(%arg14 : memref<!tpu.dma_semaphore, #tpu.memory_space<semaphore_mem>>) {add = true}
    %get3A_265 = arith.constant 3 : i32
    %get3A_266 = arith.constant 1 : i32
    %get3A_267 = arith.index_cast %get3A_265 : i32 to index
    %get3A_268 = arith.index_cast %get3A_266 : i32 to index
    %get3A_269 = arith.constant 0 : index
    %get3A_270 = tpu.vector_load %arg6[%get3A_267, %get3A_268, %get3A_269] {strides = array<i32>} : memref<5x2x80xi32, #tpu.memory_space<vmem>>, vector<16xi32>,
    tpu.vector_store_idx %arg10[%get3A_270], %broadcast_in_dim3A_40 {add = true} : memref<10000xf32, #tpu.memory_space<vmem>>[vector<16xi32>], vector<16xf32>,
    %get3A_271 = arith.constant 3 : i32
    %get3A_272 = arith.constant 1 : i32
    %get3A_273 = arith.index_cast %get3A_271 : i32 to index
    %get3A_274 = arith.index_cast %get3A_272 : i32 to index
    %get3A_275 = arith.constant 16 : index
    %get3A_276 = tpu.vector_load %arg6[%get3A_273, %get3A_274, %get3A_275] {strides = array<i32>} : memref<5x2x80xi32, #tpu.memory_space<vmem>>, vector<16xi32>,
    tpu.vector_store_idx %arg10[%get3A_276], %broadcast_in_dim3A_40 {add = true} : memref<10000xf32, #tpu.memory_space<vmem>>[vector<16xi32>], vector<16xf32>,
    %get3A_277 = arith.constant 3 : i32
    %get3A_278 = arith.constant 1 : i32
    %get3A_279 = arith.index_cast %get3A_277 : i32 to index
    %get3A_280 = arith.index_cast %get3A_278 : i32 to index
    %get3A_281 = arith.constant 32 : index
    %get3A_282 = tpu.vector_load %arg6[%get3A_279, %get3A_280, %get3A_281] {strides = array<i32>} : memref<5x2x80xi32, #tpu.memory_space<vmem>>, vector<16xi32>,
    tpu.vector_store_idx %arg10[%get3A_282], %broadcast_in_dim3A_40 {add = true} : memref<10000xf32, #tpu.memory_space<vmem>>[vector<16xi32>], vector<16xf32>,
    %get3A_283 = arith.constant 3 : i32
    %get3A_284 = arith.constant 1 : i32
    %get3A_285 = arith.index_cast %get3A_283 : i32 to index
    %get3A_286 = arith.index_cast %get3A_284 : i32 to index
    %get3A_287 = arith.constant 48 : index
    %get3A_288 = tpu.vector_load %arg6[%get3A_285, %get3A_286, %get3A_287] {strides = array<i32>} : memref<5x2x80xi32, #tpu.memory_space<vmem>>, vector<16xi32>,
    tpu.vector_store_idx %arg10[%get3A_288], %broadcast_in_dim3A_40 {add = true} : memref<10000xf32, #tpu.memory_space<vmem>>[vector<16xi32>], vector<16xf32>,
    %get3A_289 = arith.constant 3 : i32
    %get3A_290 = arith.constant 1 : i32
    %get3A_291 = arith.index_cast %get3A_289 : i32 to index
    %get3A_292 = arith.index_cast %get3A_290 : i32 to index
    %get3A_293 = arith.constant 64 : index
    %get3A_294 = tpu.vector_load %arg6[%get3A_291, %get3A_292, %get3A_293] {strides = array<i32>} : memref<5x2x80xi32, #tpu.memory_space<vmem>>, vector<16xi32>,
    tpu.vector_store_idx %arg10[%get3A_294], %broadcast_in_dim3A_40 {add = true} : memref<10000xf32, #tpu.memory_space<vmem>>[vector<16xi32>], vector<16xf32>,
    %dma_wait3A_295 = arith.constant 4 : i32
    %dma_wait3A_296 = arith.constant 0 : i32
    %dma_wait3A_297 = arith.constant 0 : i32
    %dma_wait3A_298 = tpu.memref_slice %arg6[%dma_wait3A_295, %dma_wait3A_296, %dma_wait3A_297] : memref<5x2x80xi32, #tpu.memory_space<vmem>> -> memref<1x1x80xi32, #tpu.memory_space<vmem>>
    %dma_wait3A_299 = tpu.memref_squeeze %dma_wait3A_298 : memref<1x1x80xi32, #tpu.memory_space<vmem>> -> memref<80xi32, #tpu.memory_space<vmem>>
    %dma_wait3A_300 = arith.constant 0 : i32
    %dma_wait3A_301 = arith.constant 0 : i32
    %dma_wait3A_302 = tpu.memref_slice %arg2[%dma_wait3A_300, %dma_wait3A_301] : memref<10000x128xf32, #tpu.memory_space<hbm>> -> memref<10000x128xf32, #tpu.memory_space<hbm>>
    tpu.wait_indirect_dma semaphore(%arg13 : memref<!tpu.dma_semaphore, #tpu.memory_space<semaphore_mem>>) src(%dma_wait3A_302 : memref<10000x128xf32, #tpu.memory_space<hbm>>) dst(%arg8 : memref<80x128xf32, #tpu.memory_space<vmem>>)
    %dma_start3A_303 = arith.constant 4 : i32
    %dma_start3A_304 = arith.constant 1 : i32
    %dma_start3A_305 = arith.constant 0 : i32
    %dma_start3A_306 = tpu.memref_slice %arg6[%dma_start3A_303, %dma_start3A_304, %dma_start3A_305] : memref<5x2x80xi32, #tpu.memory_space<vmem>> -> memref<1x1x80xi32, #tpu.memory_space<vmem>>
    %dma_start3A_307 = tpu.memref_squeeze %dma_start3A_306 : memref<1x1x80xi32, #tpu.memory_space<vmem>> -> memref<80xi32, #tpu.memory_space<vmem>>
    %dma_start3A_308 = arith.constant 0 : i32
    %dma_start3A_309 = arith.constant 0 : i32
    %dma_start3A_310 = tpu.memref_slice %arg11[%dma_start3A_308, %dma_start3A_309] : memref<10000x128xf32, #tpu.memory_space<vmem_shared>> -> memref<10000x128xf32, #tpu.memory_space<vmem_shared>>
    tpu.enqueue_indirect_dma source(%arg8 : memref<80x128xf32, #tpu.memory_space<vmem>>) target(%dma_start3A_310 : memref<10000x128xf32, #tpu.memory_space<vmem_shared>>) offsets(%dma_start3A_307 : memref<80xi32, #tpu.memory_space<vmem>>) semaphore(%arg14 : memref<!tpu.dma_semaphore, #tpu.memory_space<semaphore_mem>>) {add = true}
    %get3A_311 = arith.constant 4 : i32
    %get3A_312 = arith.constant 1 : i32
    %get3A_313 = arith.index_cast %get3A_311 : i32 to index
    %get3A_314 = arith.index_cast %get3A_312 : i32 to index
    %get3A_315 = arith.constant 0 : index
    %get3A_316 = tpu.vector_load %arg6[%get3A_313, %get3A_314, %get3A_315] {strides = array<i32>} : memref<5x2x80xi32, #tpu.memory_space<vmem>>, vector<16xi32>,
    tpu.vector_store_idx %arg10[%get3A_316], %broadcast_in_dim3A_40 {add = true} : memref<10000xf32, #tpu.memory_space<vmem>>[vector<16xi32>], vector<16xf32>,
    %get3A_317 = arith.constant 4 : i32
    %get3A_318 = arith.constant 1 : i32
    %get3A_319 = arith.index_cast %get3A_317 : i32 to index
    %get3A_320 = arith.index_cast %get3A_318 : i32 to index
    %get3A_321 = arith.constant 16 : index
    %get3A_322 = tpu.vector_load %arg6[%get3A_319, %get3A_320, %get3A_321] {strides = array<i32>} : memref<5x2x80xi32, #tpu.memory_space<vmem>>, vector<16xi32>,
    tpu.vector_store_idx %arg10[%get3A_322], %broadcast_in_dim3A_40 {add = true} : memref<10000xf32, #tpu.memory_space<vmem>>[vector<16xi32>], vector<16xf32>,
    %get3A_323 = arith.constant 4 : i32
    %get3A_324 = arith.constant 1 : i32
    %get3A_325 = arith.index_cast %get3A_323 : i32 to index
    %get3A_326 = arith.index_cast %get3A_324 : i32 to index
    %get3A_327 = arith.constant 32 : index
    %get3A_328 = tpu.vector_load %arg6[%get3A_325, %get3A_326, %get3A_327] {strides = array<i32>} : memref<5x2x80xi32, #tpu.memory_space<vmem>>, vector<16xi32>,
    tpu.vector_store_idx %arg10[%get3A_328], %broadcast_in_dim3A_40 {add = true} : memref<10000xf32, #tpu.memory_space<vmem>>[vector<16xi32>], vector<16xf32>,
    %get3A_329 = arith.constant 4 : i32
    %get3A_330 = arith.constant 1 : i32
    %get3A_331 = arith.index_cast %get3A_329 : i32 to index
    %get3A_332 = arith.index_cast %get3A_330 : i32 to index
    %get3A_333 = arith.constant 48 : index
    %get3A_334 = tpu.vector_load %arg6[%get3A_331, %get3A_332, %get3A_333] {strides = array<i32>} : memref<5x2x80xi32, #tpu.memory_space<vmem>>, vector<16xi32>,
    tpu.vector_store_idx %arg10[%get3A_334], %broadcast_in_dim3A_40 {add = true} : memref<10000xf32, #tpu.memory_space<vmem>>[vector<16xi32>], vector<16xf32>,
    %get3A_335 = arith.constant 4 : i32
    %get3A_336 = arith.constant 1 : i32
    %get3A_337 = arith.index_cast %get3A_335 : i32 to index
    %get3A_338 = arith.index_cast %get3A_336 : i32 to index
    %get3A_339 = arith.constant 64 : index
    %get3A_340 = tpu.vector_load %arg6[%get3A_337, %get3A_338, %get3A_339] {strides = array<i32>} : memref<5x2x80xi32, #tpu.memory_space<vmem>>, vector<16xi32>,
    tpu.vector_store_idx %arg10[%get3A_340], %broadcast_in_dim3A_40 {add = true} : memref<10000xf32, #tpu.memory_space<vmem>>[vector<16xi32>], vector<16xf32>,
    %dma_wait3A_341 = arith.constant 3 : i32
    %dma_wait3A_342 = arith.constant 1 : i32
    %dma_wait3A_343 = arith.constant 0 : i32
    %dma_wait3A_344 = tpu.memref_slice %arg6[%dma_wait3A_341, %dma_wait3A_342, %dma_wait3A_343] : memref<5x2x80xi32, #tpu.memory_space<vmem>> -> memref<1x1x80xi32, #tpu.memory_space<vmem>>
    %dma_wait3A_345 = tpu.memref_squeeze %dma_wait3A_344 : memref<1x1x80xi32, #tpu.memory_space<vmem>> -> memref<80xi32, #tpu.memory_space<vmem>>
    %dma_wait3A_346 = arith.constant 0 : i32
    %dma_wait3A_347 = arith.constant 0 : i32
    %dma_wait3A_348 = tpu.memref_slice %arg11[%dma_wait3A_346, %dma_wait3A_347] : memref<10000x128xf32, #tpu.memory_space<vmem_shared>> -> memref<10000x128xf32, #tpu.memory_space<vmem_shared>>
    tpu.wait_indirect_dma semaphore(%arg14 : memref<!tpu.dma_semaphore, #tpu.memory_space<semaphore_mem>>) src(%arg9 : memref<80x128xf32, #tpu.memory_space<vmem>>) dst(%dma_wait3A_348 : memref<10000x128xf32, #tpu.memory_space<vmem_shared>>)
    %dma_wait3A_349 = arith.constant 4 : i32
    %dma_wait3A_350 = arith.constant 1 : i32
    %dma_wait3A_351 = arith.constant 0 : i32
    %dma_wait3A_352 = tpu.memref_slice %arg6[%dma_wait3A_349, %dma_wait3A_350, %dma_wait3A_351] : memref<5x2x80xi32, #tpu.memory_space<vmem>> -> memref<1x1x80xi32, #tpu.memory_space<vmem>>
    %dma_wait3A_353 = tpu.memref_squeeze %dma_wait3A_352 : memref<1x1x80xi32, #tpu.memory_space<vmem>> -> memref<80xi32, #tpu.memory_space<vmem>>
    %dma_wait3A_354 = arith.constant 0 : i32
    %dma_wait3A_355 = arith.constant 0 : i32
    %dma_wait3A_356 = tpu.memref_slice %arg11[%dma_wait3A_354, %dma_wait3A_355] : memref<10000x128xf32, #tpu.memory_space<vmem_shared>> -> memref<10000x128xf32, #tpu.memory_space<vmem_shared>>
    tpu.wait_indirect_dma semaphore(%arg14 : memref<!tpu.dma_semaphore, #tpu.memory_space<semaphore_mem>>) src(%arg8 : memref<80x128xf32, #tpu.memory_space<vmem>>) dst(%dma_wait3A_356 : memref<10000x128xf32, #tpu.memory_space<vmem_shared>>)
    %barrier3A_357 = arith.constant 0 : index
    tpu.barrier barrier_id(%barrier3A_357)
    %mul3A_358 = arith.constant 80 : i32
    %mul3A_359 = arith.muli %arg1, %mul3A_358 : i32
    %add3A_360 = arith.constant 0 : i32
    %add3A_361 = arith.addi %mul3A_359, %add3A_360 : i32
    "tpu.region"() ({
      %run_scoped3A = tpu.sem_alloc : memref<!tpu.dma_semaphore, #tpu.memory_space<semaphore_mem>>
      %dma_start3A_393 = arith.constant 0 : i32
      %dma_start3A_394 = tpu.memref_slice %arg4[%arg0, %add3A_361, %dma_start3A_393] : memref<2x10000x128xf32, #tpu.memory_space<hbm>> -> memref<1x80x128xf32, #tpu.memory_space<hbm>>
      %dma_start3A_395 = tpu.memref_squeeze %dma_start3A_394 : memref<1x80x128xf32, #tpu.memory_space<hbm>> -> memref<80x128xf32, #tpu.memory_space<hbm>>
      %dma_start3A_396 = arith.constant 0 : i32
      %dma_start3A_397 = tpu.memref_slice %arg11[%add3A_361, %dma_start3A_396] : memref<10000x128xf32, #tpu.memory_space<vmem_shared>> -> memref<80x128xf32, #tpu.memory_space<vmem_shared>>
      tpu.enqueue_dma source(%dma_start3A_397 : memref<80x128xf32, #tpu.memory_space<vmem_shared>>) target(%dma_start3A_395 : memref<80x128xf32, #tpu.memory_space<hbm>>) target_semaphore(%run_scoped3A : memref<!tpu.dma_semaphore, #tpu.memory_space<semaphore_mem>>)
      %dma_wait3A_398 = arith.constant 0 : i32
      %dma_wait3A_399 = tpu.memref_slice %arg4[%arg0, %add3A_361, %dma_wait3A_398] : memref<2x10000x128xf32, #tpu.memory_space<hbm>> -> memref<1x80x128xf32, #tpu.memory_space<hbm>>
      %dma_wait3A_400 = tpu.memref_squeeze %dma_wait3A_399 : memref<1x80x128xf32, #tpu.memory_space<hbm>> -> memref<80x128xf32, #tpu.memory_space<hbm>>
      %dma_wait3A_401 = arith.constant 0 : i32
      %dma_wait3A_402 = tpu.memref_slice %arg11[%add3A_361, %dma_wait3A_401] : memref<10000x128xf32, #tpu.memory_space<vmem_shared>> -> memref<80x128xf32, #tpu.memory_space<vmem_shared>>
      tpu.wait_dma2 semaphore(%run_scoped3A : memref<!tpu.dma_semaphore, #tpu.memory_space<semaphore_mem>>) src(%dma_wait3A_402 : memref<80x128xf32, #tpu.memory_space<vmem_shared>>) dst(%dma_wait3A_400 : memref<80x128xf32, #tpu.memory_space<hbm>>)
      tpu.yield
    }) : () -> ()
    %mul3A_362 = arith.constant 80 : i32
    %mul3A_363 = arith.muli %arg1, %mul3A_362 : i32
    %add3A_364 = arith.constant 1280 : i32
    %add3A_365 = arith.addi %mul3A_363, %add3A_364 : i32
    "tpu.region"() ({
      %run_scoped3A = tpu.sem_alloc : memref<!tpu.dma_semaphore, #tpu.memory_space<semaphore_mem>>
      %dma_start3A_393 = arith.constant 0 : i32
      %dma_start3A_394 = tpu.memref_slice %arg4[%arg0, %add3A_365, %dma_start3A_393] : memref<2x10000x128xf32, #tpu.memory_space<hbm>> -> memref<1x80x128xf32, #tpu.memory_space<hbm>>
      %dma_start3A_395 = tpu.memref_squeeze %dma_start3A_394 : memref<1x80x128xf32, #tpu.memory_space<hbm>> -> memref<80x128xf32, #tpu.memory_space<hbm>>
      %dma_start3A_396 = arith.constant 0 : i32
      %dma_start3A_397 = tpu.memref_slice %arg11[%add3A_365, %dma_start3A_396] : memref<10000x128xf32, #tpu.memory_space<vmem_shared>> -> memref<80x128xf32, #tpu.memory_space<vmem_shared>>
      tpu.enqueue_dma source(%dma_start3A_397 : memref<80x128xf32, #tpu.memory_space<vmem_shared>>) target(%dma_start3A_395 : memref<80x128xf32, #tpu.memory_space<hbm>>) target_semaphore(%run_scoped3A : memref<!tpu.dma_semaphore, #tpu.memory_space<semaphore_mem>>)
      %dma_wait3A_398 = arith.constant 0 : i32
      %dma_wait3A_399 = tpu.memref_slice %arg4[%arg0, %add3A_365, %dma_wait3A_398] : memref<2x10000x128xf32, #tpu.memory_space<hbm>> -> memref<1x80x128xf32, #tpu.memory_space<hbm>>
      %dma_wait3A_400 = tpu.memref_squeeze %dma_wait3A_399 : memref<1x80x128xf32, #tpu.memory_space<hbm>> -> memref<80x128xf32, #tpu.memory_space<hbm>>
      %dma_wait3A_401 = arith.constant 0 : i32
      %dma_wait3A_402 = tpu.memref_slice %arg11[%add3A_365, %dma_wait3A_401] : memref<10000x128xf32, #tpu.memory_space<vmem_shared>> -> memref<80x128xf32, #tpu.memory_space<vmem_shared>>
      tpu.wait_dma2 semaphore(%run_scoped3A : memref<!tpu.dma_semaphore, #tpu.memory_space<semaphore_mem>>) src(%dma_wait3A_402 : memref<80x128xf32, #tpu.memory_space<vmem_shared>>) dst(%dma_wait3A_400 : memref<80x128xf32, #tpu.memory_space<hbm>>)
      tpu.yield
    }) : () -> ()
    %mul3A_366 = arith.constant 80 : i32
    %mul3A_367 = arith.muli %arg1, %mul3A_366 : i32
    %add3A_368 = arith.constant 2560 : i32
    %add3A_369 = arith.addi %mul3A_367, %add3A_368 : i32
    "tpu.region"() ({
      %run_scoped3A = tpu.sem_alloc : memref<!tpu.dma_semaphore, #tpu.memory_space<semaphore_mem>>
      %dma_start3A_393 = arith.constant 0 : i32
      %dma_start3A_394 = tpu.memref_slice %arg4[%arg0, %add3A_369, %dma_start3A_393] : memref<2x10000x128xf32, #tpu.memory_space<hbm>> -> memref<1x80x128xf32, #tpu.memory_space<hbm>>
      %dma_start3A_395 = tpu.memref_squeeze %dma_start3A_394 : memref<1x80x128xf32, #tpu.memory_space<hbm>> -> memref<80x128xf32, #tpu.memory_space<hbm>>
      %dma_start3A_396 = arith.constant 0 : i32
      %dma_start3A_397 = tpu.memref_slice %arg11[%add3A_369, %dma_start3A_396] : memref<10000x128xf32, #tpu.memory_space<vmem_shared>> -> memref<80x128xf32, #tpu.memory_space<vmem_shared>>
      tpu.enqueue_dma source(%dma_start3A_397 : memref<80x128xf32, #tpu.memory_space<vmem_shared>>) target(%dma_start3A_395 : memref<80x128xf32, #tpu.memory_space<hbm>>) target_semaphore(%run_scoped3A : memref<!tpu.dma_semaphore, #tpu.memory_space<semaphore_mem>>)
      %dma_wait3A_398 = arith.constant 0 : i32
      %dma_wait3A_399 = tpu.memref_slice %arg4[%arg0, %add3A_369, %dma_wait3A_398] : memref<2x10000x128xf32, #tpu.memory_space<hbm>> -> memref<1x80x128xf32, #tpu.memory_space<hbm>>
      %dma_wait3A_400 = tpu.memref_squeeze %dma_wait3A_399 : memref<1x80x128xf32, #tpu.memory_space<hbm>> -> memref<80x128xf32, #tpu.memory_space<hbm>>
      %dma_wait3A_401 = arith.constant 0 : i32
      %dma_wait3A_402 = tpu.memref_slice %arg11[%add3A_369, %dma_wait3A_401] : memref<10000x128xf32, #tpu.memory_space<vmem_shared>> -> memref<80x128xf32, #tpu.memory_space<vmem_shared>>
      tpu.wait_dma2 semaphore(%run_scoped3A : memref<!tpu.dma_semaphore, #tpu.memory_space<semaphore_mem>>) src(%dma_wait3A_402 : memref<80x128xf32, #tpu.memory_space<vmem_shared>>) dst(%dma_wait3A_400 : memref<80x128xf32, #tpu.memory_space<hbm>>)
      tpu.yield
    }) : () -> ()
    %mul3A_370 = arith.constant 80 : i32
    %mul3A_371 = arith.muli %arg1, %mul3A_370 : i32
    %add3A_372 = arith.constant 3840 : i32
    %add3A_373 = arith.addi %mul3A_371, %add3A_372 : i32
    "tpu.region"() ({
      %run_scoped3A = tpu.sem_alloc : memref<!tpu.dma_semaphore, #tpu.memory_space<semaphore_mem>>
      %dma_start3A_393 = arith.constant 0 : i32
      %dma_start3A_394 = tpu.memref_slice %arg4[%arg0, %add3A_373, %dma_start3A_393] : memref<2x10000x128xf32, #tpu.memory_space<hbm>> -> memref<1x80x128xf32, #tpu.memory_space<hbm>>
      %dma_start3A_395 = tpu.memref_squeeze %dma_start3A_394 : memref<1x80x128xf32, #tpu.memory_space<hbm>> -> memref<80x128xf32, #tpu.memory_space<hbm>>
      %dma_start3A_396 = arith.constant 0 : i32
      %dma_start3A_397 = tpu.memref_slice %arg11[%add3A_373, %dma_start3A_396] : memref<10000x128xf32, #tpu.memory_space<vmem_shared>> -> memref<80x128xf32, #tpu.memory_space<vmem_shared>>
      tpu.enqueue_dma source(%dma_start3A_397 : memref<80x128xf32, #tpu.memory_space<vmem_shared>>) target(%dma_start3A_395 : memref<80x128xf32, #tpu.memory_space<hbm>>) target_semaphore(%run_scoped3A : memref<!tpu.dma_semaphore, #tpu.memory_space<semaphore_mem>>)
      %dma_wait3A_398 = arith.constant 0 : i32
      %dma_wait3A_399 = tpu.memref_slice %arg4[%arg0, %add3A_373, %dma_wait3A_398] : memref<2x10000x128xf32, #tpu.memory_space<hbm>> -> memref<1x80x128xf32, #tpu.memory_space<hbm>>
      %dma_wait3A_400 = tpu.memref_squeeze %dma_wait3A_399 : memref<1x80x128xf32, #tpu.memory_space<hbm>> -> memref<80x128xf32, #tpu.memory_space<hbm>>
      %dma_wait3A_401 = arith.constant 0 : i32
      %dma_wait3A_402 = tpu.memref_slice %arg11[%add3A_373, %dma_wait3A_401] : memref<10000x128xf32, #tpu.memory_space<vmem_shared>> -> memref<80x128xf32, #tpu.memory_space<vmem_shared>>
      tpu.wait_dma2 semaphore(%run_scoped3A : memref<!tpu.dma_semaphore, #tpu.memory_space<semaphore_mem>>) src(%dma_wait3A_402 : memref<80x128xf32, #tpu.memory_space<vmem_shared>>) dst(%dma_wait3A_400 : memref<80x128xf32, #tpu.memory_space<hbm>>)
      tpu.yield
    }) : () -> ()
    %mul3A_374 = arith.constant 80 : i32
    %mul3A_375 = arith.muli %arg1, %mul3A_374 : i32
    %add3A_376 = arith.constant 5120 : i32
    %add3A_377 = arith.addi %mul3A_375, %add3A_376 : i32
    "tpu.region"() ({
      %run_scoped3A = tpu.sem_alloc : memref<!tpu.dma_semaphore, #tpu.memory_space<semaphore_mem>>
      %dma_start3A_393 = arith.constant 0 : i32
      %dma_start3A_394 = tpu.memref_slice %arg4[%arg0, %add3A_377, %dma_start3A_393] : memref<2x10000x128xf32, #tpu.memory_space<hbm>> -> memref<1x80x128xf32, #tpu.memory_space<hbm>>
      %dma_start3A_395 = tpu.memref_squeeze %dma_start3A_394 : memref<1x80x128xf32, #tpu.memory_space<hbm>> -> memref<80x128xf32, #tpu.memory_space<hbm>>
      %dma_start3A_396 = arith.constant 0 : i32
      %dma_start3A_397 = tpu.memref_slice %arg11[%add3A_377, %dma_start3A_396] : memref<10000x128xf32, #tpu.memory_space<vmem_shared>> -> memref<80x128xf32, #tpu.memory_space<vmem_shared>>
      tpu.enqueue_dma source(%dma_start3A_397 : memref<80x128xf32, #tpu.memory_space<vmem_shared>>) target(%dma_start3A_395 : memref<80x128xf32, #tpu.memory_space<hbm>>) target_semaphore(%run_scoped3A : memref<!tpu.dma_semaphore, #tpu.memory_space<semaphore_mem>>)
      %dma_wait3A_398 = arith.constant 0 : i32
      %dma_wait3A_399 = tpu.memref_slice %arg4[%arg0, %add3A_377, %dma_wait3A_398] : memref<2x10000x128xf32, #tpu.memory_space<hbm>> -> memref<1x80x128xf32, #tpu.memory_space<hbm>>
      %dma_wait3A_400 = tpu.memref_squeeze %dma_wait3A_399 : memref<1x80x128xf32, #tpu.memory_space<hbm>> -> memref<80x128xf32, #tpu.memory_space<hbm>>
      %dma_wait3A_401 = arith.constant 0 : i32
      %dma_wait3A_402 = tpu.memref_slice %arg11[%add3A_377, %dma_wait3A_401] : memref<10000x128xf32, #tpu.memory_space<vmem_shared>> -> memref<80x128xf32, #tpu.memory_space<vmem_shared>>
      tpu.wait_dma2 semaphore(%run_scoped3A : memref<!tpu.dma_semaphore, #tpu.memory_space<semaphore_mem>>) src(%dma_wait3A_402 : memref<80x128xf32, #tpu.memory_space<vmem_shared>>) dst(%dma_wait3A_400 : memref<80x128xf32, #tpu.memory_space<hbm>>)
      tpu.yield
    }) : () -> ()
    %mul3A_378 = arith.constant 80 : i32
    %mul3A_379 = arith.muli %arg1, %mul3A_378 : i32
    %add3A_380 = arith.constant 6400 : i32
    %add3A_381 = arith.addi %mul3A_379, %add3A_380 : i32
    "tpu.region"() ({
      %run_scoped3A = tpu.sem_alloc : memref<!tpu.dma_semaphore, #tpu.memory_space<semaphore_mem>>
      %dma_start3A_393 = arith.constant 0 : i32
      %dma_start3A_394 = tpu.memref_slice %arg4[%arg0, %add3A_381, %dma_start3A_393] : memref<2x10000x128xf32, #tpu.memory_space<hbm>> -> memref<1x80x128xf32, #tpu.memory_space<hbm>>
      %dma_start3A_395 = tpu.memref_squeeze %dma_start3A_394 : memref<1x80x128xf32, #tpu.memory_space<hbm>> -> memref<80x128xf32, #tpu.memory_space<hbm>>
      %dma_start3A_396 = arith.constant 0 : i32
      %dma_start3A_397 = tpu.memref_slice %arg11[%add3A_381, %dma_start3A_396] : memref<10000x128xf32, #tpu.memory_space<vmem_shared>> -> memref<80x128xf32, #tpu.memory_space<vmem_shared>>
      tpu.enqueue_dma source(%dma_start3A_397 : memref<80x128xf32, #tpu.memory_space<vmem_shared>>) target(%dma_start3A_395 : memref<80x128xf32, #tpu.memory_space<hbm>>) target_semaphore(%run_scoped3A : memref<!tpu.dma_semaphore, #tpu.memory_space<semaphore_mem>>)
      %dma_wait3A_398 = arith.constant 0 : i32
      %dma_wait3A_399 = tpu.memref_slice %arg4[%arg0, %add3A_381, %dma_wait3A_398] : memref<2x10000x128xf32, #tpu.memory_space<hbm>> -> memref<1x80x128xf32, #tpu.memory_space<hbm>>
      %dma_wait3A_400 = tpu.memref_squeeze %dma_wait3A_399 : memref<1x80x128xf32, #tpu.memory_space<hbm>> -> memref<80x128xf32, #tpu.memory_space<hbm>>
      %dma_wait3A_401 = arith.constant 0 : i32
      %dma_wait3A_402 = tpu.memref_slice %arg11[%add3A_381, %dma_wait3A_401] : memref<10000x128xf32, #tpu.memory_space<vmem_shared>> -> memref<80x128xf32, #tpu.memory_space<vmem_shared>>
      tpu.wait_dma2 semaphore(%run_scoped3A : memref<!tpu.dma_semaphore, #tpu.memory_space<semaphore_mem>>) src(%dma_wait3A_402 : memref<80x128xf32, #tpu.memory_space<vmem_shared>>) dst(%dma_wait3A_400 : memref<80x128xf32, #tpu.memory_space<hbm>>)
      tpu.yield
    }) : () -> ()
    %mul3A_382 = arith.constant 80 : i32
    %mul3A_383 = arith.muli %arg1, %mul3A_382 : i32
    %add3A_384 = arith.constant 7680 : i32
    %add3A_385 = arith.addi %mul3A_383, %add3A_384 : i32
    "tpu.region"() ({
      %run_scoped3A = tpu.sem_alloc : memref<!tpu.dma_semaphore, #tpu.memory_space<semaphore_mem>>
      %dma_start3A_393 = arith.constant 0 : i32
      %dma_start3A_394 = tpu.memref_slice %arg4[%arg0, %add3A_385, %dma_start3A_393] : memref<2x10000x128xf32, #tpu.memory_space<hbm>> -> memref<1x80x128xf32, #tpu.memory_space<hbm>>
      %dma_start3A_395 = tpu.memref_squeeze %dma_start3A_394 : memref<1x80x128xf32, #tpu.memory_space<hbm>> -> memref<80x128xf32, #tpu.memory_space<hbm>>
      %dma_start3A_396 = arith.constant 0 : i32
      %dma_start3A_397 = tpu.memref_slice %arg11[%add3A_385, %dma_start3A_396] : memref<10000x128xf32, #tpu.memory_space<vmem_shared>> -> memref<80x128xf32, #tpu.memory_space<vmem_shared>>
      tpu.enqueue_dma source(%dma_start3A_397 : memref<80x128xf32, #tpu.memory_space<vmem_shared>>) target(%dma_start3A_395 : memref<80x128xf32, #tpu.memory_space<hbm>>) target_semaphore(%run_scoped3A : memref<!tpu.dma_semaphore, #tpu.memory_space<semaphore_mem>>)
      %dma_wait3A_398 = arith.constant 0 : i32
      %dma_wait3A_399 = tpu.memref_slice %arg4[%arg0, %add3A_385, %dma_wait3A_398] : memref<2x10000x128xf32, #tpu.memory_space<hbm>> -> memref<1x80x128xf32, #tpu.memory_space<hbm>>
      %dma_wait3A_400 = tpu.memref_squeeze %dma_wait3A_399 : memref<1x80x128xf32, #tpu.memory_space<hbm>> -> memref<80x128xf32, #tpu.memory_space<hbm>>
      %dma_wait3A_401 = arith.constant 0 : i32
      %dma_wait3A_402 = tpu.memref_slice %arg11[%add3A_385, %dma_wait3A_401] : memref<10000x128xf32, #tpu.memory_space<vmem_shared>> -> memref<80x128xf32, #tpu.memory_space<vmem_shared>>
      tpu.wait_dma2 semaphore(%run_scoped3A : memref<!tpu.dma_semaphore, #tpu.memory_space<semaphore_mem>>) src(%dma_wait3A_402 : memref<80x128xf32, #tpu.memory_space<vmem_shared>>) dst(%dma_wait3A_400 : memref<80x128xf32, #tpu.memory_space<hbm>>)
      tpu.yield
    }) : () -> ()
    %lt3A_386 = arith.constant 13 : i32
    %lt3A_387 = arith.cmpi slt, %arg1, %lt3A_386 : i32
    %convert_element_type3A_388 = arith.extui %lt3A_387 : i1 to i32
    %cond3A_389 = arith.constant 0 : i32
    %cond3A_390 = arith.cmpi ne, %convert_element_type3A_388, %cond3A_389 : i32
    scf.if %cond3A_390 {
      %mul3A_393 = arith.constant 80 : i32
      %mul3A_394 = arith.muli %arg1, %mul3A_393 : i32
      %add3A_395 = arith.constant 8960 : i32
      %add3A_396 = arith.addi %add3A_395, %mul3A_394 : i32
      "tpu.region"() ({
        %run_scoped3A = tpu.sem_alloc : memref<!tpu.dma_semaphore, #tpu.memory_space<semaphore_mem>>
        %dma_start3A_397 = arith.constant 0 : i32
        %dma_start3A_398 = tpu.memref_slice %arg4[%arg0, %add3A_396, %dma_start3A_397] : memref<2x10000x128xf32, #tpu.memory_space<hbm>> -> memref<1x80x128xf32, #tpu.memory_space<hbm>>
        %dma_start3A_399 = tpu.memref_squeeze %dma_start3A_398 : memref<1x80x128xf32, #tpu.memory_space<hbm>> -> memref<80x128xf32, #tpu.memory_space<hbm>>
        %dma_start3A_400 = arith.constant 0 : i32
        %dma_start3A_401 = tpu.memref_slice %arg11[%add3A_396, %dma_start3A_400] : memref<10000x128xf32, #tpu.memory_space<vmem_shared>> -> memref<80x128xf32, #tpu.memory_space<vmem_shared>>
        tpu.enqueue_dma source(%dma_start3A_401 : memref<80x128xf32, #tpu.memory_space<vmem_shared>>) target(%dma_start3A_399 : memref<80x128xf32, #tpu.memory_space<hbm>>) target_semaphore(%run_scoped3A : memref<!tpu.dma_semaphore, #tpu.memory_space<semaphore_mem>>)
        %dma_wait3A_402 = arith.constant 0 : i32
        %dma_wait3A_403 = tpu.memref_slice %arg4[%arg0, %add3A_396, %dma_wait3A_402] : memref<2x10000x128xf32, #tpu.memory_space<hbm>> -> memref<1x80x128xf32, #tpu.memory_space<hbm>>
        %dma_wait3A_404 = tpu.memref_squeeze %dma_wait3A_403 : memref<1x80x128xf32, #tpu.memory_space<hbm>> -> memref<80x128xf32, #tpu.memory_space<hbm>>
        %dma_wait3A_405 = arith.constant 0 : i32
        %dma_wait3A_406 = tpu.memref_slice %arg11[%add3A_396, %dma_wait3A_405] : memref<10000x128xf32, #tpu.memory_space<vmem_shared>> -> memref<80x128xf32, #tpu.memory_space<vmem_shared>>
        tpu.wait_dma2 semaphore(%run_scoped3A : memref<!tpu.dma_semaphore, #tpu.memory_space<semaphore_mem>>) src(%dma_wait3A_406 : memref<80x128xf32, #tpu.memory_space<vmem_shared>>) dst(%dma_wait3A_404 : memref<80x128xf32, #tpu.memory_space<hbm>>)
        tpu.yield
      }) : () -> ()
    } else {
    }
    %mul3A_391 = arith.constant 10000 : i32
    %mul3A_392 = arith.muli %add3A, %mul3A_391 : i32
    %multiple_of3A = tpu.assume_multiple %mul3A_392, 8 : i32
    "tpu.region"() ({
      %run_scoped3A = tpu.sem_alloc : memref<!tpu.dma_semaphore, #tpu.memory_space<semaphore_mem>>
      %dma_start3A_393 = tpu.memref_slice %arg5[%multiple_of3A] : memref<320000xf32, #tpu.memory_space<hbm>> -> memref<10000xf32, #tpu.memory_space<hbm>>
      %dma_start3A_394 = tpu.memref_slice %arg5[%multiple_of3A] : memref<320000xf32, #tpu.memory_space<hbm>> -> memref<10000xf32, #tpu.memory_space<hbm>>
      tpu.enqueue_dma source(%arg10 : memref<10000xf32, #tpu.memory_space<vmem>>) target(%dma_start3A_394 : memref<10000xf32, #tpu.memory_space<hbm>>) target_semaphore(%run_scoped3A : memref<!tpu.dma_semaphore, #tpu.memory_space<semaphore_mem>>)
      %dma_wait3A_395 = tpu.memref_slice %arg5[%multiple_of3A] : memref<320000xf32, #tpu.memory_space<hbm>> -> memref<10000xf32, #tpu.memory_space<hbm>>
      %dma_wait3A_396 = tpu.memref_slice %arg5[%multiple_of3A] : memref<320000xf32, #tpu.memory_space<hbm>> -> memref<10000xf32, #tpu.memory_space<hbm>>
      tpu.wait_dma2 semaphore(%run_scoped3A : memref<!tpu.dma_semaphore, #tpu.memory_space<semaphore_mem>>) src(%arg10 : memref<10000xf32, #tpu.memory_space<vmem>>) dst(%dma_wait3A_396 : memref<10000xf32, #tpu.memory_space<hbm>>)
      tpu.yield
    }) : () -> ()
    return
  }
}

#map = affine_map<(d0, d1) -> (0, 0)>
#map1 = affine_map<(d0, d1) -> (0, 0, 0)>
#map2 = affine_map<(d0, d1) -> (0)>
module attributes {stable_mosaic.version = 14 : i64} {
  func.func @body(%arg0: i32, %arg1: i32, %arg2: memref<10000x128xf32, #tpu.memory_space<hbm>>, %arg3: memref<4000x2x80xi32, #tpu.memory_space<hbm>>, %arg4: memref<2x10000x128xf32, #tpu.memory_space<hbm>>, %arg5: memref<320000xf32, #tpu.memory_space<hbm>>, %arg6: memref<5x2x80xi32, #tpu.memory_space<vmem>>, %arg7: memref<5x2x80xi32, #tpu.memory_space<vmem>>, %arg8: memref<80x128xf32, #tpu.memory_space<vmem>>, %arg9: memref<80x128xf32, #tpu.memory_space<vmem>>, %arg10: memref<10000xf32, #tpu.memory_space<vmem>>, %arg11: memref<10000x128xf32, #tpu.memory_space<vmem_shared>>, %arg12: memref<!tpu.dma_semaphore, #tpu.memory_space<semaphore_mem>>, %arg13: memref<!tpu.dma_semaphore, #tpu.memory_space<semaphore_mem>>, %arg14: memref<!tpu.dma_semaphore, #tpu.memory_space<semaphore_mem>>) attributes {dimension_semantics = [#tpu.dimension_semantics<core_parallel>, #tpu.dimension_semantics<subcore_parallel>], iteration_bounds = array<i64: 2, 16>, scalar_prefetch = 0 : i64, scratch_operands = 9 : i64, tpu.core_type = #tpu.core_type<sc_vector_subcore>, window_params = [{transform_indices = #map}, {transform_indices = #map1}, {transform_indices = #map1}, {transform_indices = #map2}]} {
    %mul3A = arith.constant 16 : i32
    %mul3A_0 = arith.muli %arg0, %mul3A : i32
    %add3A = arith.addi %mul3A_0, %arg1 : i32
    %scan3A = arith.constant 0 : i32
    %scan3A_1 = arith.constant 80 : i32
    %scan3A_2 = arith.addi %scan3A, %scan3A_1 : i32
    %scan3A_3 = arith.constant 1 : i32
    scf.for %scan3A_393 = %scan3A to %scan3A_2 step %scan3A_3  : i32 {
      %mul3A_394 = arith.constant 1 : i32
      %mul3A_395 = arith.muli %scan3A_393, %mul3A_394 : i32
      %add3A_396 = arith.constant 0 : i32
      %add3A_397 = arith.addi %add3A_396, %mul3A_395 : i32
      %scan3A_398 = arith.constant 0 : i32
      %scan3A_399 = arith.constant 8 : i32
      %scan3A_400 = arith.addi %scan3A_398, %scan3A_399 : i32
      %scan3A_401 = arith.constant 1 : i32
      scf.for %scan3A_403 = %scan3A_398 to %scan3A_400 step %scan3A_401  : i32 {
        %mul3A_404 = arith.constant 1 : i32
        %mul3A_405 = arith.muli %scan3A_403, %mul3A_404 : i32
        %add3A_406 = arith.constant 0 : i32
        %add3A_407 = arith.addi %add3A_406, %mul3A_405 : i32
        %broadcast_in_dim3A_408 = arith.constant 0.000000e+00 : f32
        %broadcast_in_dim3A_409 = vector.broadcast %broadcast_in_dim3A_408 : f32 to vector<16xf32>
        %mul3A_410 = arith.constant 16 : i32
        %mul3A_411 = arith.muli %add3A_407, %mul3A_410 : i32
        %swap3A = arith.index_cast %add3A_397 : i32 to index
        %swap3A_412 = arith.index_cast %mul3A_411 : i32 to index
        %swap3A_413 = tpu.vector_load %arg8[%swap3A, %swap3A_412] {strides = array<i32>} : memref<80x128xf32, #tpu.memory_space<vmem>>, vector<16xf32>,
        tpu.vector_store %arg8[%swap3A, %swap3A_412], %broadcast_in_dim3A_409 {strides = array<i32>} : memref<80x128xf32, #tpu.memory_space<vmem>>, vector<16xf32>,
      }
      %scan3A_402 = arith.constant 8 : i32
    }
    %scan3A_4 = arith.constant 80 : i32
    %scan3A_5 = arith.constant 0 : i32
    %scan3A_6 = arith.constant 625 : i32
    %scan3A_7 = arith.addi %scan3A_5, %scan3A_6 : i32
    %scan3A_8 = arith.constant 1 : i32
    scf.for %scan3A_393 = %scan3A_5 to %scan3A_7 step %scan3A_8  : i32 {
      %mul3A_394 = arith.constant 1 : i32
      %mul3A_395 = arith.muli %scan3A_393, %mul3A_394 : i32
      %add3A_396 = arith.constant 0 : i32
      %add3A_397 = arith.addi %add3A_396, %mul3A_395 : i32
      %broadcast_in_dim3A_398 = arith.constant 0.000000e+00 : f32
      %broadcast_in_dim3A_399 = vector.broadcast %broadcast_in_dim3A_398 : f32 to vector<16xf32>
      %mul3A_400 = arith.constant 16 : i32
      %mul3A_401 = arith.muli %add3A_397, %mul3A_400 : i32
      %swap3A = arith.index_cast %mul3A_401 : i32 to index
      %swap3A_402 = tpu.vector_load %arg10[%swap3A] {strides = array<i32>} : memref<10000xf32, #tpu.memory_space<vmem>>, vector<16xf32>,
      tpu.vector_store %arg10[%swap3A], %broadcast_in_dim3A_399 {strides = array<i32>} : memref<10000xf32, #tpu.memory_space<vmem>>, vector<16xf32>,
    }
    %scan3A_9 = arith.constant 625 : i32
    %mul3A_10 = arith.constant 80 : i32
    %mul3A_11 = arith.muli %arg1, %mul3A_10 : i32
    %add3A_12 = arith.constant 0 : i32
    %add3A_13 = arith.addi %mul3A_11, %add3A_12 : i32
    "tpu.region"() ({
      %run_scoped3A = tpu.sem_alloc : memref<!tpu.dma_semaphore, #tpu.memory_space<semaphore_mem>>
      %dma_start3A_393 = arith.constant 0 : i32
      %dma_start3A_394 = tpu.memref_slice %arg11[%add3A_13, %dma_start3A_393] : memref<10000x128xf32, #tpu.memory_space<vmem_shared>> -> memref<80x128xf32, #tpu.memory_space<vmem_shared>>
      %dma_start3A_395 = arith.constant 0 : i32
      %dma_start3A_396 = tpu.memref_slice %arg11[%add3A_13, %dma_start3A_395] : memref<10000x128xf32, #tpu.memory_space<vmem_shared>> -> memref<80x128xf32, #tpu.memory_space<vmem_shared>>
      tpu.enqueue_dma source(%arg8 : memref<80x128xf32, #tpu.memory_space<vmem>>) target(%dma_start3A_396 : memref<80x128xf32, #tpu.memory_space<vmem_shared>>) target_semaphore(%run_scoped3A : memref<!tpu.dma_semaphore, #tpu.memory_space<semaphore_mem>>)
      %dma_wait3A_397 = arith.constant 0 : i32
      %dma_wait3A_398 = tpu.memref_slice %arg11[%add3A_13, %dma_wait3A_397] : memref<10000x128xf32, #tpu.memory_space<vmem_shared>> -> memref<80x128xf32, #tpu.memory_space<vmem_shared>>
      %dma_wait3A_399 = arith.constant 0 : i32
      %dma_wait3A_400 = tpu.memref_slice %arg11[%add3A_13, %dma_wait3A_399] : memref<10000x128xf32, #tpu.memory_space<vmem_shared>> -> memref<80x128xf32, #tpu.memory_space<vmem_shared>>
      tpu.wait_dma2 semaphore(%run_scoped3A : memref<!tpu.dma_semaphore, #tpu.memory_space<semaphore_mem>>) src(%arg8 : memref<80x128xf32, #tpu.memory_space<vmem>>) dst(%dma_wait3A_400 : memref<80x128xf32, #tpu.memory_space<vmem_shared>>)
      tpu.yield
    }) : () -> ()
    %mul3A_14 = arith.constant 80 : i32
    %mul3A_15 = arith.muli %arg1, %mul3A_14 : i32
    %add3A_16 = arith.constant 1280 : i32
    %add3A_17 = arith.addi %mul3A_15, %add3A_16 : i32
    "tpu.region"() ({
      %run_scoped3A = tpu.sem_alloc : memref<!tpu.dma_semaphore, #tpu.memory_space<semaphore_mem>>
      %dma_start3A_393 = arith.constant 0 : i32
      %dma_start3A_394 = tpu.memref_slice %arg11[%add3A_17, %dma_start3A_393] : memref<10000x128xf32, #tpu.memory_space<vmem_shared>> -> memref<80x128xf32, #tpu.memory_space<vmem_shared>>
      %dma_start3A_395 = arith.constant 0 : i32
      %dma_start3A_396 = tpu.memref_slice %arg11[%add3A_17, %dma_start3A_395] : memref<10000x128xf32, #tpu.memory_space<vmem_shared>> -> memref<80x128xf32, #tpu.memory_space<vmem_shared>>
      tpu.enqueue_dma source(%arg8 : memref<80x128xf32, #tpu.memory_space<vmem>>) target(%dma_start3A_396 : memref<80x128xf32, #tpu.memory_space<vmem_shared>>) target_semaphore(%run_scoped3A : memref<!tpu.dma_semaphore, #tpu.memory_space<semaphore_mem>>)
      %dma_wait3A_397 = arith.constant 0 : i32
      %dma_wait3A_398 = tpu.memref_slice %arg11[%add3A_17, %dma_wait3A_397] : memref<10000x128xf32, #tpu.memory_space<vmem_shared>> -> memref<80x128xf32, #tpu.memory_space<vmem_shared>>
      %dma_wait3A_399 = arith.constant 0 : i32
      %dma_wait3A_400 = tpu.memref_slice %arg11[%add3A_17, %dma_wait3A_399] : memref<10000x128xf32, #tpu.memory_space<vmem_shared>> -> memref<80x128xf32, #tpu.memory_space<vmem_shared>>
      tpu.wait_dma2 semaphore(%run_scoped3A : memref<!tpu.dma_semaphore, #tpu.memory_space<semaphore_mem>>) src(%arg8 : memref<80x128xf32, #tpu.memory_space<vmem>>) dst(%dma_wait3A_400 : memref<80x128xf32, #tpu.memory_space<vmem_shared>>)
      tpu.yield
    }) : () -> ()
    %mul3A_18 = arith.constant 80 : i32
    %mul3A_19 = arith.muli %arg1, %mul3A_18 : i32
    %add3A_20 = arith.constant 2560 : i32
    %add3A_21 = arith.addi %mul3A_19, %add3A_20 : i32
    "tpu.region"() ({
      %run_scoped3A = tpu.sem_alloc : memref<!tpu.dma_semaphore, #tpu.memory_space<semaphore_mem>>
      %dma_start3A_393 = arith.constant 0 : i32
      %dma_start3A_394 = tpu.memref_slice %arg11[%add3A_21, %dma_start3A_393] : memref<10000x128xf32, #tpu.memory_space<vmem_shared>> -> memref<80x128xf32, #tpu.memory_space<vmem_shared>>
      %dma_start3A_395 = arith.constant 0 : i32
      %dma_start3A_396 = tpu.memref_slice %arg11[%add3A_21, %dma_start3A_395] : memref<10000x128xf32, #tpu.memory_space<vmem_shared>> -> memref<80x128xf32, #tpu.memory_space<vmem_shared>>
      tpu.enqueue_dma source(%arg8 : memref<80x128xf32, #tpu.memory_space<vmem>>) target(%dma_start3A_396 : memref<80x128xf32, #tpu.memory_space<vmem_shared>>) target_semaphore(%run_scoped3A : memref<!tpu.dma_semaphore, #tpu.memory_space<semaphore_mem>>)
      %dma_wait3A_397 = arith.constant 0 : i32
      %dma_wait3A_398 = tpu.memref_slice %arg11[%add3A_21, %dma_wait3A_397] : memref<10000x128xf32, #tpu.memory_space<vmem_shared>> -> memref<80x128xf32, #tpu.memory_space<vmem_shared>>
      %dma_wait3A_399 = arith.constant 0 : i32
      %dma_wait3A_400 = tpu.memref_slice %arg11[%add3A_21, %dma_wait3A_399] : memref<10000x128xf32, #tpu.memory_space<vmem_shared>> -> memref<80x128xf32, #tpu.memory_space<vmem_shared>>
      tpu.wait_dma2 semaphore(%run_scoped3A : memref<!tpu.dma_semaphore, #tpu.memory_space<semaphore_mem>>) src(%arg8 : memref<80x128xf32, #tpu.memory_space<vmem>>) dst(%dma_wait3A_400 : memref<80x128xf32, #tpu.memory_space<vmem_shared>>)
      tpu.yield
    }) : () -> ()
    %mul3A_22 = arith.constant 80 : i32
    %mul3A_23 = arith.muli %arg1, %mul3A_22 : i32
    %add3A_24 = arith.constant 3840 : i32
    %add3A_25 = arith.addi %mul3A_23, %add3A_24 : i32
    "tpu.region"() ({
      %run_scoped3A = tpu.sem_alloc : memref<!tpu.dma_semaphore, #tpu.memory_space<semaphore_mem>>
      %dma_start3A_393 = arith.constant 0 : i32
      %dma_start3A_394 = tpu.memref_slice %arg11[%add3A_25, %dma_start3A_393] : memref<10000x128xf32, #tpu.memory_space<vmem_shared>> -> memref<80x128xf32, #tpu.memory_space<vmem_shared>>
      %dma_start3A_395 = arith.constant 0 : i32
      %dma_start3A_396 = tpu.memref_slice %arg11[%add3A_25, %dma_start3A_395] : memref<10000x128xf32, #tpu.memory_space<vmem_shared>> -> memref<80x128xf32, #tpu.memory_space<vmem_shared>>
      tpu.enqueue_dma source(%arg8 : memref<80x128xf32, #tpu.memory_space<vmem>>) target(%dma_start3A_396 : memref<80x128xf32, #tpu.memory_space<vmem_shared>>) target_semaphore(%run_scoped3A : memref<!tpu.dma_semaphore, #tpu.memory_space<semaphore_mem>>)
      %dma_wait3A_397 = arith.constant 0 : i32
      %dma_wait3A_398 = tpu.memref_slice %arg11[%add3A_25, %dma_wait3A_397] : memref<10000x128xf32, #tpu.memory_space<vmem_shared>> -> memref<80x128xf32, #tpu.memory_space<vmem_shared>>
      %dma_wait3A_399 = arith.constant 0 : i32
      %dma_wait3A_400 = tpu.memref_slice %arg11[%add3A_25, %dma_wait3A_399] : memref<10000x128xf32, #tpu.memory_space<vmem_shared>> -> memref<80x128xf32, #tpu.memory_space<vmem_shared>>
      tpu.wait_dma2 semaphore(%run_scoped3A : memref<!tpu.dma_semaphore, #tpu.memory_space<semaphore_mem>>) src(%arg8 : memref<80x128xf32, #tpu.memory_space<vmem>>) dst(%dma_wait3A_400 : memref<80x128xf32, #tpu.memory_space<vmem_shared>>)
      tpu.yield
    }) : () -> ()
    %mul3A_26 = arith.constant 80 : i32
    %mul3A_27 = arith.muli %arg1, %mul3A_26 : i32
    %add3A_28 = arith.constant 5120 : i32
    %add3A_29 = arith.addi %mul3A_27, %add3A_28 : i32
    "tpu.region"() ({
      %run_scoped3A = tpu.sem_alloc : memref<!tpu.dma_semaphore, #tpu.memory_space<semaphore_mem>>
      %dma_start3A_393 = arith.constant 0 : i32
      %dma_start3A_394 = tpu.memref_slice %arg11[%add3A_29, %dma_start3A_393] : memref<10000x128xf32, #tpu.memory_space<vmem_shared>> -> memref<80x128xf32, #tpu.memory_space<vmem_shared>>
      %dma_start3A_395 = arith.constant 0 : i32
      %dma_start3A_396 = tpu.memref_slice %arg11[%add3A_29, %dma_start3A_395] : memref<10000x128xf32, #tpu.memory_space<vmem_shared>> -> memref<80x128xf32, #tpu.memory_space<vmem_shared>>
      tpu.enqueue_dma source(%arg8 : memref<80x128xf32, #tpu.memory_space<vmem>>) target(%dma_start3A_396 : memref<80x128xf32, #tpu.memory_space<vmem_shared>>) target_semaphore(%run_scoped3A : memref<!tpu.dma_semaphore, #tpu.memory_space<semaphore_mem>>)
      %dma_wait3A_397 = arith.constant 0 : i32
      %dma_wait3A_398 = tpu.memref_slice %arg11[%add3A_29, %dma_wait3A_397] : memref<10000x128xf32, #tpu.memory_space<vmem_shared>> -> memref<80x128xf32, #tpu.memory_space<vmem_shared>>
      %dma_wait3A_399 = arith.constant 0 : i32
      %dma_wait3A_400 = tpu.memref_slice %arg11[%add3A_29, %dma_wait3A_399] : memref<10000x128xf32, #tpu.memory_space<vmem_shared>> -> memref<80x128xf32, #tpu.memory_space<vmem_shared>>
      tpu.wait_dma2 semaphore(%run_scoped3A : memref<!tpu.dma_semaphore, #tpu.memory_space<semaphore_mem>>) src(%arg8 : memref<80x128xf32, #tpu.memory_space<vmem>>) dst(%dma_wait3A_400 : memref<80x128xf32, #tpu.memory_space<vmem_shared>>)
      tpu.yield
    }) : () -> ()
    %mul3A_30 = arith.constant 80 : i32
    %mul3A_31 = arith.muli %arg1, %mul3A_30 : i32
    %add3A_32 = arith.constant 6400 : i32
    %add3A_33 = arith.addi %mul3A_31, %add3A_32 : i32
    "tpu.region"() ({
      %run_scoped3A = tpu.sem_alloc : memref<!tpu.dma_semaphore, #tpu.memory_space<semaphore_mem>>
      %dma_start3A_393 = arith.constant 0 : i32
      %dma_start3A_394 = tpu.memref_slice %arg11[%add3A_33, %dma_start3A_393] : memref<10000x128xf32, #tpu.memory_space<vmem_shared>> -> memref<80x128xf32, #tpu.memory_space<vmem_shared>>
      %dma_start3A_395 = arith.constant 0 : i32
      %dma_start3A_396 = tpu.memref_slice %arg11[%add3A_33, %dma_start3A_395] : memref<10000x128xf32, #tpu.memory_space<vmem_shared>> -> memref<80x128xf32, #tpu.memory_space<vmem_shared>>
      tpu.enqueue_dma source(%arg8 : memref<80x128xf32, #tpu.memory_space<vmem>>) target(%dma_start3A_396 : memref<80x128xf32, #tpu.memory_space<vmem_shared>>) target_semaphore(%run_scoped3A : memref<!tpu.dma_semaphore, #tpu.memory_space<semaphore_mem>>)
      %dma_wait3A_397 = arith.constant 0 : i32
      %dma_wait3A_398 = tpu.memref_slice %arg11[%add3A_33, %dma_wait3A_397] : memref<10000x128xf32, #tpu.memory_space<vmem_shared>> -> memref<80x128xf32, #tpu.memory_space<vmem_shared>>
      %dma_wait3A_399 = arith.constant 0 : i32
      %dma_wait3A_400 = tpu.memref_slice %arg11[%add3A_33, %dma_wait3A_399] : memref<10000x128xf32, #tpu.memory_space<vmem_shared>> -> memref<80x128xf32, #tpu.memory_space<vmem_shared>>
      tpu.wait_dma2 semaphore(%run_scoped3A : memref<!tpu.dma_semaphore, #tpu.memory_space<semaphore_mem>>) src(%arg8 : memref<80x128xf32, #tpu.memory_space<vmem>>) dst(%dma_wait3A_400 : memref<80x128xf32, #tpu.memory_space<vmem_shared>>)
      tpu.yield
    }) : () -> ()
    %mul3A_34 = arith.constant 80 : i32
    %mul3A_35 = arith.muli %arg1, %mul3A_34 : i32
    %add3A_36 = arith.constant 7680 : i32
    %add3A_37 = arith.addi %mul3A_35, %add3A_36 : i32
    "tpu.region"() ({
      %run_scoped3A = tpu.sem_alloc : memref<!tpu.dma_semaphore, #tpu.memory_space<semaphore_mem>>
      %dma_start3A_393 = arith.constant 0 : i32
      %dma_start3A_394 = tpu.memref_slice %arg11[%add3A_37, %dma_start3A_393] : memref<10000x128xf32, #tpu.memory_space<vmem_shared>> -> memref<80x128xf32, #tpu.memory_space<vmem_shared>>
      %dma_start3A_395 = arith.constant 0 : i32
      %dma_start3A_396 = tpu.memref_slice %arg11[%add3A_37, %dma_start3A_395] : memref<10000x128xf32, #tpu.memory_space<vmem_shared>> -> memref<80x128xf32, #tpu.memory_space<vmem_shared>>
      tpu.enqueue_dma source(%arg8 : memref<80x128xf32, #tpu.memory_space<vmem>>) target(%dma_start3A_396 : memref<80x128xf32, #tpu.memory_space<vmem_shared>>) target_semaphore(%run_scoped3A : memref<!tpu.dma_semaphore, #tpu.memory_space<semaphore_mem>>)
      %dma_wait3A_397 = arith.constant 0 : i32
      %dma_wait3A_398 = tpu.memref_slice %arg11[%add3A_37, %dma_wait3A_397] : memref<10000x128xf32, #tpu.memory_space<vmem_shared>> -> memref<80x128xf32, #tpu.memory_space<vmem_shared>>
      %dma_wait3A_399 = arith.constant 0 : i32
      %dma_wait3A_400 = tpu.memref_slice %arg11[%add3A_37, %dma_wait3A_399] : memref<10000x128xf32, #tpu.memory_space<vmem_shared>> -> memref<80x128xf32, #tpu.memory_space<vmem_shared>>
      tpu.wait_dma2 semaphore(%run_scoped3A : memref<!tpu.dma_semaphore, #tpu.memory_space<semaphore_mem>>) src(%arg8 : memref<80x128xf32, #tpu.memory_space<vmem>>) dst(%dma_wait3A_400 : memref<80x128xf32, #tpu.memory_space<vmem_shared>>)
      tpu.yield
    }) : () -> ()
    %lt3A = arith.constant 13 : i32
    %lt3A_38 = arith.cmpi slt, %arg1, %lt3A : i32
    %convert_element_type3A = arith.extui %lt3A_38 : i1 to i32
    %cond3A = arith.constant 0 : i32
    %cond3A_39 = arith.cmpi ne, %convert_element_type3A, %cond3A : i32
    scf.if %cond3A_39 {
      %mul3A_393 = arith.constant 80 : i32
      %mul3A_394 = arith.muli %arg1, %mul3A_393 : i32
      %add3A_395 = arith.constant 8960 : i32
      %add3A_396 = arith.addi %add3A_395, %mul3A_394 : i32
      "tpu.region"() ({
        %run_scoped3A = tpu.sem_alloc : memref<!tpu.dma_semaphore, #tpu.memory_space<semaphore_mem>>
        %dma_start3A_397 = arith.constant 0 : i32
        %dma_start3A_398 = tpu.memref_slice %arg11[%add3A_396, %dma_start3A_397] : memref<10000x128xf32, #tpu.memory_space<vmem_shared>> -> memref<80x128xf32, #tpu.memory_space<vmem_shared>>
        %dma_start3A_399 = arith.constant 0 : i32
        %dma_start3A_400 = tpu.memref_slice %arg11[%add3A_396, %dma_start3A_399] : memref<10000x128xf32, #tpu.memory_space<vmem_shared>> -> memref<80x128xf32, #tpu.memory_space<vmem_shared>>
        tpu.enqueue_dma source(%arg8 : memref<80x128xf32, #tpu.memory_space<vmem>>) target(%dma_start3A_400 : memref<80x128xf32, #tpu.memory_space<vmem_shared>>) target_semaphore(%run_scoped3A : memref<!tpu.dma_semaphore, #tpu.memory_space<semaphore_mem>>)
        %dma_wait3A_401 = arith.constant 0 : i32
        %dma_wait3A_402 = tpu.memref_slice %arg11[%add3A_396, %dma_wait3A_401] : memref<10000x128xf32, #tpu.memory_space<vmem_shared>> -> memref<80x128xf32, #tpu.memory_space<vmem_shared>>
        %dma_wait3A_403 = arith.constant 0 : i32
        %dma_wait3A_404 = tpu.memref_slice %arg11[%add3A_396, %dma_wait3A_403] : memref<10000x128xf32, #tpu.memory_space<vmem_shared>> -> memref<80x128xf32, #tpu.memory_space<vmem_shared>>
        tpu.wait_dma2 semaphore(%run_scoped3A : memref<!tpu.dma_semaphore, #tpu.memory_space<semaphore_mem>>) src(%arg8 : memref<80x128xf32, #tpu.memory_space<vmem>>) dst(%dma_wait3A_404 : memref<80x128xf32, #tpu.memory_space<vmem_shared>>)
        tpu.yield
      }) : () -> ()
    } else {
    }
    %barrier3A = arith.constant 0 : index
    tpu.barrier barrier_id(%barrier3A)
    %broadcast_in_dim3A = arith.constant 1.000000e+00 : f32
    %broadcast_in_dim3A_40 = vector.broadcast %broadcast_in_dim3A : f32 to vector<16xf32>
    %mul3A_41 = arith.constant 125 : i32
    %mul3A_42 = arith.muli %add3A, %mul3A_41 : i32
    "tpu.region"() ({
      %run_scoped3A = tpu.sem_alloc : memref<!tpu.dma_semaphore, #tpu.memory_space<semaphore_mem>>
      %dma_start3A_393 = arith.constant 0 : i32
      %dma_start3A_394 = arith.constant 0 : i32
      %dma_start3A_395 = tpu.memref_slice %arg3[%mul3A_42, %dma_start3A_393, %dma_start3A_394] : memref<4000x2x80xi32, #tpu.memory_space<hbm>> -> memref<5x2x80xi32, #tpu.memory_space<hbm>>
      %dma_start3A_396 = arith.constant 0 : i32
      %dma_start3A_397 = arith.constant 0 : i32
      %dma_start3A_398 = tpu.memref_slice %arg3[%mul3A_42, %dma_start3A_396, %dma_start3A_397] : memref<4000x2x80xi32, #tpu.memory_space<hbm>> -> memref<5x2x80xi32, #tpu.memory_space<hbm>>
      tpu.enqueue_dma source(%dma_start3A_398 : memref<5x2x80xi32, #tpu.memory_space<hbm>>) target(%arg6 : memref<5x2x80xi32, #tpu.memory_space<vmem>>) target_semaphore(%run_scoped3A : memref<!tpu.dma_semaphore, #tpu.memory_space<semaphore_mem>>)
      %dma_wait3A_399 = arith.constant 0 : i32
      %dma_wait3A_400 = arith.constant 0 : i32
      %dma_wait3A_401 = tpu.memref_slice %arg3[%mul3A_42, %dma_wait3A_399, %dma_wait3A_400] : memref<4000x2x80xi32, #tpu.memory_space<hbm>> -> memref<5x2x80xi32, #tpu.memory_space<hbm>>
      %dma_wait3A_402 = arith.constant 0 : i32
      %dma_wait3A_403 = arith.constant 0 : i32
      %dma_wait3A_404 = tpu.memref_slice %arg3[%mul3A_42, %dma_wait3A_402, %dma_wait3A_403] : memref<4000x2x80xi32, #tpu.memory_space<hbm>> -> memref<5x2x80xi32, #tpu.memory_space<hbm>>
      tpu.wait_dma2 semaphore(%run_scoped3A : memref<!tpu.dma_semaphore, #tpu.memory_space<semaphore_mem>>) src(%dma_wait3A_404 : memref<5x2x80xi32, #tpu.memory_space<hbm>>) dst(%arg6 : memref<5x2x80xi32, #tpu.memory_space<vmem>>)
      tpu.yield
    }) : () -> ()
    %scan3A_43 = arith.constant 0 : i32
    %scan3A_44 = arith.constant 12 : i32
    %scan3A_45 = arith.addi %scan3A_43, %scan3A_44 : i32
    %scan3A_46 = arith.constant 1 : i32
    scf.for %scan3A_393 = %scan3A_43 to %scan3A_45 step %scan3A_46  : i32 {
      %mul3A_394 = arith.constant 1 : i32
      %mul3A_395 = arith.muli %scan3A_393, %mul3A_394 : i32
      %add3A_396 = arith.constant 0 : i32
      %add3A_397 = arith.addi %add3A_396, %mul3A_395 : i32
      %mul3A_398 = arith.constant 2 : i32
      %mul3A_399 = arith.muli %mul3A_398, %add3A_397 : i32
      %mul3A_400 = arith.constant 5 : i32
      %mul3A_401 = arith.muli %mul3A_399, %mul3A_400 : i32
      %add3A_402 = arith.addi %mul3A_42, %mul3A_401 : i32
      %add3A_403 = arith.constant 5 : i32
      %add3A_404 = arith.addi %add3A_402, %add3A_403 : i32
      %dma_start3A_405 = arith.constant 0 : i32
      %dma_start3A_406 = arith.constant 0 : i32
      %dma_start3A_407 = tpu.memref_slice %arg3[%add3A_404, %dma_start3A_405, %dma_start3A_406] : memref<4000x2x80xi32, #tpu.memory_space<hbm>> -> memref<5x2x80xi32, #tpu.memory_space<hbm>>
      %dma_start3A_408 = arith.constant 0 : i32
      %dma_start3A_409 = arith.constant 0 : i32
      %dma_start3A_410 = tpu.memref_slice %arg3[%add3A_404, %dma_start3A_408, %dma_start3A_409] : memref<4000x2x80xi32, #tpu.memory_space<hbm>> -> memref<5x2x80xi32, #tpu.memory_space<hbm>>
      tpu.enqueue_dma source(%dma_start3A_410 : memref<5x2x80xi32, #tpu.memory_space<hbm>>) target(%arg7 : memref<5x2x80xi32, #tpu.memory_space<vmem>>) target_semaphore(%arg12 : memref<!tpu.dma_semaphore, #tpu.memory_space<semaphore_mem>>)
      %dma_start3A_411 = arith.constant 0 : i32
      %dma_start3A_412 = arith.constant 0 : i32
      %dma_start3A_413 = arith.constant 0 : i32
      %dma_start3A_414 = tpu.memref_slice %arg6[%dma_start3A_411, %dma_start3A_412, %dma_start3A_413] : memref<5x2x80xi32, #tpu.memory_space<vmem>> -> memref<1x1x80xi32, #tpu.memory_space<vmem>>
      %dma_start3A_415 = tpu.memref_squeeze %dma_start3A_414 : memref<1x1x80xi32, #tpu.memory_space<vmem>> -> memref<80xi32, #tpu.memory_space<vmem>>
      %dma_start3A_416 = arith.constant 0 : i32
      %dma_start3A_417 = arith.constant 0 : i32
      %dma_start3A_418 = tpu.memref_slice %arg2[%dma_start3A_416, %dma_start3A_417] : memref<10000x128xf32, #tpu.memory_space<hbm>> -> memref<10000x128xf32, #tpu.memory_space<hbm>>
      tpu.enqueue_indirect_dma source(%dma_start3A_418 : memref<10000x128xf32, #tpu.memory_space<hbm>>) target(%arg8 : memref<80x128xf32, #tpu.memory_space<vmem>>) offsets(%dma_start3A_415 : memref<80xi32, #tpu.memory_space<vmem>>) semaphore(%arg13 : memref<!tpu.dma_semaphore, #tpu.memory_space<semaphore_mem>>)
      %dma_start3A_419 = arith.constant 1 : i32
      %dma_start3A_420 = arith.constant 0 : i32
      %dma_start3A_421 = arith.constant 0 : i32
      %dma_start3A_422 = tpu.memref_slice %arg6[%dma_start3A_419, %dma_start3A_420, %dma_start3A_421] : memref<5x2x80xi32, #tpu.memory_space<vmem>> -> memref<1x1x80xi32, #tpu.memory_space<vmem>>
      %dma_start3A_423 = tpu.memref_squeeze %dma_start3A_422 : memref<1x1x80xi32, #tpu.memory_space<vmem>> -> memref<80xi32, #tpu.memory_space<vmem>>
      %dma_start3A_424 = arith.constant 0 : i32
      %dma_start3A_425 = arith.constant 0 : i32
      %dma_start3A_426 = tpu.memref_slice %arg2[%dma_start3A_424, %dma_start3A_425] : memref<10000x128xf32, #tpu.memory_space<hbm>> -> memref<10000x128xf32, #tpu.memory_space<hbm>>
      tpu.enqueue_indirect_dma source(%dma_start3A_426 : memref<10000x128xf32, #tpu.memory_space<hbm>>) target(%arg9 : memref<80x128xf32, #tpu.memory_space<vmem>>) offsets(%dma_start3A_423 : memref<80xi32, #tpu.memory_space<vmem>>) semaphore(%arg13 : memref<!tpu.dma_semaphore, #tpu.memory_space<semaphore_mem>>)
      %dma_wait3A_427 = arith.constant 0 : i32
      %dma_wait3A_428 = arith.constant 0 : i32
      %dma_wait3A_429 = arith.constant 0 : i32
      %dma_wait3A_430 = tpu.memref_slice %arg6[%dma_wait3A_427, %dma_wait3A_428, %dma_wait3A_429] : memref<5x2x80xi32, #tpu.memory_space<vmem>> -> memref<1x1x80xi32, #tpu.memory_space<vmem>>
      %dma_wait3A_431 = tpu.memref_squeeze %dma_wait3A_430 : memref<1x1x80xi32, #tpu.memory_space<vmem>> -> memref<80xi32, #tpu.memory_space<vmem>>
      %dma_wait3A_432 = arith.constant 0 : i32
      %dma_wait3A_433 = arith.constant 0 : i32
      %dma_wait3A_434 = tpu.memref_slice %arg2[%dma_wait3A_432, %dma_wait3A_433] : memref<10000x128xf32, #tpu.memory_space<hbm>> -> memref<10000x128xf32, #tpu.memory_space<hbm>>
      tpu.wait_indirect_dma semaphore(%arg13 : memref<!tpu.dma_semaphore, #tpu.memory_space<semaphore_mem>>) src(%dma_wait3A_434 : memref<10000x128xf32, #tpu.memory_space<hbm>>) dst(%arg8 : memref<80x128xf32, #tpu.memory_space<vmem>>)
      %dma_start3A_435 = arith.constant 0 : i32
      %dma_start3A_436 = arith.constant 1 : i32
      %dma_start3A_437 = arith.constant 0 : i32
      %dma_start3A_438 = tpu.memref_slice %arg6[%dma_start3A_435, %dma_start3A_436, %dma_start3A_437] : memref<5x2x80xi32, #tpu.memory_space<vmem>> -> memref<1x1x80xi32, #tpu.memory_space<vmem>>
      %dma_start3A_439 = tpu.memref_squeeze %dma_start3A_438 : memref<1x1x80xi32, #tpu.memory_space<vmem>> -> memref<80xi32, #tpu.memory_space<vmem>>
      %dma_start3A_440 = arith.constant 0 : i32
      %dma_start3A_441 = arith.constant 0 : i32
      %dma_start3A_442 = tpu.memref_slice %arg11[%dma_start3A_440, %dma_start3A_441] : memref<10000x128xf32, #tpu.memory_space<vmem_shared>> -> memref<10000x128xf32, #tpu.memory_space<vmem_shared>>
      tpu.enqueue_indirect_dma source(%arg8 : memref<80x128xf32, #tpu.memory_space<vmem>>) target(%dma_start3A_442 : memref<10000x128xf32, #tpu.memory_space<vmem_shared>>) offsets(%dma_start3A_439 : memref<80xi32, #tpu.memory_space<vmem>>) semaphore(%arg14 : memref<!tpu.dma_semaphore, #tpu.memory_space<semaphore_mem>>) {add = true}
      %get3A_443 = arith.constant 0 : i32
      %get3A_444 = arith.constant 1 : i32
      %get3A_445 = arith.index_cast %get3A_443 : i32 to index
      %get3A_446 = arith.index_cast %get3A_444 : i32 to index
      %get3A_447 = arith.constant 0 : index
      %get3A_448 = tpu.vector_load %arg6[%get3A_445, %get3A_446, %get3A_447] {strides = array<i32>} : memref<5x2x80xi32, #tpu.memory_space<vmem>>, vector<16xi32>,
      tpu.vector_store_idx %arg10[%get3A_448], %broadcast_in_dim3A_40 {add = true} : memref<10000xf32, #tpu.memory_space<vmem>>[vector<16xi32>], vector<16xf32>,
      %get3A_449 = arith.constant 0 : i32
      %get3A_450 = arith.constant 1 : i32
      %get3A_451 = arith.index_cast %get3A_449 : i32 to index
      %get3A_452 = arith.index_cast %get3A_450 : i32 to index
      %get3A_453 = arith.constant 16 : index
      %get3A_454 = tpu.vector_load %arg6[%get3A_451, %get3A_452, %get3A_453] {strides = array<i32>} : memref<5x2x80xi32, #tpu.memory_space<vmem>>, vector<16xi32>,
      tpu.vector_store_idx %arg10[%get3A_454], %broadcast_in_dim3A_40 {add = true} : memref<10000xf32, #tpu.memory_space<vmem>>[vector<16xi32>], vector<16xf32>,
      %get3A_455 = arith.constant 0 : i32
      %get3A_456 = arith.constant 1 : i32
      %get3A_457 = arith.index_cast %get3A_455 : i32 to index
      %get3A_458 = arith.index_cast %get3A_456 : i32 to index
      %get3A_459 = arith.constant 32 : index
      %get3A_460 = tpu.vector_load %arg6[%get3A_457, %get3A_458, %get3A_459] {strides = array<i32>} : memref<5x2x80xi32, #tpu.memory_space<vmem>>, vector<16xi32>,
      tpu.vector_store_idx %arg10[%get3A_460], %broadcast_in_dim3A_40 {add = true} : memref<10000xf32, #tpu.memory_space<vmem>>[vector<16xi32>], vector<16xf32>,
      %get3A_461 = arith.constant 0 : i32
      %get3A_462 = arith.constant 1 : i32
      %get3A_463 = arith.index_cast %get3A_461 : i32 to index
      %get3A_464 = arith.index_cast %get3A_462 : i32 to index
      %get3A_465 = arith.constant 48 : index
      %get3A_466 = tpu.vector_load %arg6[%get3A_463, %get3A_464, %get3A_465] {strides = array<i32>} : memref<5x2x80xi32, #tpu.memory_space<vmem>>, vector<16xi32>,
      tpu.vector_store_idx %arg10[%get3A_466], %broadcast_in_dim3A_40 {add = true} : memref<10000xf32, #tpu.memory_space<vmem>>[vector<16xi32>], vector<16xf32>,
      %get3A_467 = arith.constant 0 : i32
      %get3A_468 = arith.constant 1 : i32
      %get3A_469 = arith.index_cast %get3A_467 : i32 to index
      %get3A_470 = arith.index_cast %get3A_468 : i32 to index
      %get3A_471 = arith.constant 64 : index
      %get3A_472 = tpu.vector_load %arg6[%get3A_469, %get3A_470, %get3A_471] {strides = array<i32>} : memref<5x2x80xi32, #tpu.memory_space<vmem>>, vector<16xi32>,
      tpu.vector_store_idx %arg10[%get3A_472], %broadcast_in_dim3A_40 {add = true} : memref<10000xf32, #tpu.memory_space<vmem>>[vector<16xi32>], vector<16xf32>,
      %dma_wait3A_473 = arith.constant 0 : i32
      %dma_wait3A_474 = arith.constant 1 : i32
      %dma_wait3A_475 = arith.constant 0 : i32
      %dma_wait3A_476 = tpu.memref_slice %arg6[%dma_wait3A_473, %dma_wait3A_474, %dma_wait3A_475] : memref<5x2x80xi32, #tpu.memory_space<vmem>> -> memref<1x1x80xi32, #tpu.memory_space<vmem>>
      %dma_wait3A_477 = tpu.memref_squeeze %dma_wait3A_476 : memref<1x1x80xi32, #tpu.memory_space<vmem>> -> memref<80xi32, #tpu.memory_space<vmem>>
      %dma_wait3A_478 = arith.constant 0 : i32
      %dma_wait3A_479 = arith.constant 0 : i32
      %dma_wait3A_480 = tpu.memref_slice %arg11[%dma_wait3A_478, %dma_wait3A_479] : memref<10000x128xf32, #tpu.memory_space<vmem_shared>> -> memref<10000x128xf32, #tpu.memory_space<vmem_shared>>
      tpu.wait_indirect_dma semaphore(%arg14 : memref<!tpu.dma_semaphore, #tpu.memory_space<semaphore_mem>>) src(%arg8 : memref<80x128xf32, #tpu.memory_space<vmem>>) dst(%dma_wait3A_480 : memref<10000x128xf32, #tpu.memory_space<vmem_shared>>)
      %dma_start3A_481 = arith.constant 2 : i32
      %dma_start3A_482 = arith.constant 0 : i32
      %dma_start3A_483 = arith.constant 0 : i32
      %dma_start3A_484 = tpu.memref_slice %arg6[%dma_start3A_481, %dma_start3A_482, %dma_start3A_483] : memref<5x2x80xi32, #tpu.memory_space<vmem>> -> memref<1x1x80xi32, #tpu.memory_space<vmem>>
      %dma_start3A_485 = tpu.memref_squeeze %dma_start3A_484 : memref<1x1x80xi32, #tpu.memory_space<vmem>> -> memref<80xi32, #tpu.memory_space<vmem>>
      %dma_start3A_486 = arith.constant 0 : i32
      %dma_start3A_487 = arith.constant 0 : i32
      %dma_start3A_488 = tpu.memref_slice %arg2[%dma_start3A_486, %dma_start3A_487] : memref<10000x128xf32, #tpu.memory_space<hbm>> -> memref<10000x128xf32, #tpu.memory_space<hbm>>
      tpu.enqueue_indirect_dma source(%dma_start3A_488 : memref<10000x128xf32, #tpu.memory_space<hbm>>) target(%arg8 : memref<80x128xf32, #tpu.memory_space<vmem>>) offsets(%dma_start3A_485 : memref<80xi32, #tpu.memory_space<vmem>>) semaphore(%arg13 : memref<!tpu.dma_semaphore, #tpu.memory_space<semaphore_mem>>)
      %dma_wait3A_489 = arith.constant 1 : i32
      %dma_wait3A_490 = arith.constant 0 : i32
      %dma_wait3A_491 = arith.constant 0 : i32
      %dma_wait3A_492 = tpu.memref_slice %arg6[%dma_wait3A_489, %dma_wait3A_490, %dma_wait3A_491] : memref<5x2x80xi32, #tpu.memory_space<vmem>> -> memref<1x1x80xi32, #tpu.memory_space<vmem>>
      %dma_wait3A_493 = tpu.memref_squeeze %dma_wait3A_492 : memref<1x1x80xi32, #tpu.memory_space<vmem>> -> memref<80xi32, #tpu.memory_space<vmem>>
      %dma_wait3A_494 = arith.constant 0 : i32
      %dma_wait3A_495 = arith.constant 0 : i32
      %dma_wait3A_496 = tpu.memref_slice %arg2[%dma_wait3A_494, %dma_wait3A_495] : memref<10000x128xf32, #tpu.memory_space<hbm>> -> memref<10000x128xf32, #tpu.memory_space<hbm>>
      tpu.wait_indirect_dma semaphore(%arg13 : memref<!tpu.dma_semaphore, #tpu.memory_space<semaphore_mem>>) src(%dma_wait3A_496 : memref<10000x128xf32, #tpu.memory_space<hbm>>) dst(%arg9 : memref<80x128xf32, #tpu.memory_space<vmem>>)
      %dma_start3A_497 = arith.constant 1 : i32
      %dma_start3A_498 = arith.constant 1 : i32
      %dma_start3A_499 = arith.constant 0 : i32
      %dma_start3A_500 = tpu.memref_slice %arg6[%dma_start3A_497, %dma_start3A_498, %dma_start3A_499] : memref<5x2x80xi32, #tpu.memory_space<vmem>> -> memref<1x1x80xi32, #tpu.memory_space<vmem>>
      %dma_start3A_501 = tpu.memref_squeeze %dma_start3A_500 : memref<1x1x80xi32, #tpu.memory_space<vmem>> -> memref<80xi32, #tpu.memory_space<vmem>>
      %dma_start3A_502 = arith.constant 0 : i32
      %dma_start3A_503 = arith.constant 0 : i32
      %dma_start3A_504 = tpu.memref_slice %arg11[%dma_start3A_502, %dma_start3A_503] : memref<10000x128xf32, #tpu.memory_space<vmem_shared>> -> memref<10000x128xf32, #tpu.memory_space<vmem_shared>>
      tpu.enqueue_indirect_dma source(%arg9 : memref<80x128xf32, #tpu.memory_space<vmem>>) target(%dma_start3A_504 : memref<10000x128xf32, #tpu.memory_space<vmem_shared>>) offsets(%dma_start3A_501 : memref<80xi32, #tpu.memory_space<vmem>>) semaphore(%arg14 : memref<!tpu.dma_semaphore, #tpu.memory_space<semaphore_mem>>) {add = true}
      %get3A_505 = arith.constant 1 : i32
      %get3A_506 = arith.constant 1 : i32
      %get3A_507 = arith.index_cast %get3A_505 : i32 to index
      %get3A_508 = arith.index_cast %get3A_506 : i32 to index
      %get3A_509 = arith.constant 0 : index
      %get3A_510 = tpu.vector_load %arg6[%get3A_507, %get3A_508, %get3A_509] {strides = array<i32>} : memref<5x2x80xi32, #tpu.memory_space<vmem>>, vector<16xi32>,
      tpu.vector_store_idx %arg10[%get3A_510], %broadcast_in_dim3A_40 {add = true} : memref<10000xf32, #tpu.memory_space<vmem>>[vector<16xi32>], vector<16xf32>,
      %get3A_511 = arith.constant 1 : i32
      %get3A_512 = arith.constant 1 : i32
      %get3A_513 = arith.index_cast %get3A_511 : i32 to index
      %get3A_514 = arith.index_cast %get3A_512 : i32 to index
      %get3A_515 = arith.constant 16 : index
      %get3A_516 = tpu.vector_load %arg6[%get3A_513, %get3A_514, %get3A_515] {strides = array<i32>} : memref<5x2x80xi32, #tpu.memory_space<vmem>>, vector<16xi32>,
      tpu.vector_store_idx %arg10[%get3A_516], %broadcast_in_dim3A_40 {add = true} : memref<10000xf32, #tpu.memory_space<vmem>>[vector<16xi32>], vector<16xf32>,
      %get3A_517 = arith.constant 1 : i32
      %get3A_518 = arith.constant 1 : i32
      %get3A_519 = arith.index_cast %get3A_517 : i32 to index
      %get3A_520 = arith.index_cast %get3A_518 : i32 to index
      %get3A_521 = arith.constant 32 : index
      %get3A_522 = tpu.vector_load %arg6[%get3A_519, %get3A_520, %get3A_521] {strides = array<i32>} : memref<5x2x80xi32, #tpu.memory_space<vmem>>, vector<16xi32>,
      tpu.vector_store_idx %arg10[%get3A_522], %broadcast_in_dim3A_40 {add = true} : memref<10000xf32, #tpu.memory_space<vmem>>[vector<16xi32>], vector<16xf32>,
      %get3A_523 = arith.constant 1 : i32
      %get3A_524 = arith.constant 1 : i32
      %get3A_525 = arith.index_cast %get3A_523 : i32 to index
      %get3A_526 = arith.index_cast %get3A_524 : i32 to index
      %get3A_527 = arith.constant 48 : index
      %get3A_528 = tpu.vector_load %arg6[%get3A_525, %get3A_526, %get3A_527] {strides = array<i32>} : memref<5x2x80xi32, #tpu.memory_space<vmem>>, vector<16xi32>,
      tpu.vector_store_idx %arg10[%get3A_528], %broadcast_in_dim3A_40 {add = true} : memref<10000xf32, #tpu.memory_space<vmem>>[vector<16xi32>], vector<16xf32>,
      %get3A_529 = arith.constant 1 : i32
      %get3A_530 = arith.constant 1 : i32
      %get3A_531 = arith.index_cast %get3A_529 : i32 to index
      %get3A_532 = arith.index_cast %get3A_530 : i32 to index
      %get3A_533 = arith.constant 64 : index
      %get3A_534 = tpu.vector_load %arg6[%get3A_531, %get3A_532, %get3A_533] {strides = array<i32>} : memref<5x2x80xi32, #tpu.memory_space<vmem>>, vector<16xi32>,
      tpu.vector_store_idx %arg10[%get3A_534], %broadcast_in_dim3A_40 {add = true} : memref<10000xf32, #tpu.memory_space<vmem>>[vector<16xi32>], vector<16xf32>,
      %dma_wait3A_535 = arith.constant 1 : i32
      %dma_wait3A_536 = arith.constant 1 : i32
      %dma_wait3A_537 = arith.constant 0 : i32
      %dma_wait3A_538 = tpu.memref_slice %arg6[%dma_wait3A_535, %dma_wait3A_536, %dma_wait3A_537] : memref<5x2x80xi32, #tpu.memory_space<vmem>> -> memref<1x1x80xi32, #tpu.memory_space<vmem>>
      %dma_wait3A_539 = tpu.memref_squeeze %dma_wait3A_538 : memref<1x1x80xi32, #tpu.memory_space<vmem>> -> memref<80xi32, #tpu.memory_space<vmem>>
      %dma_wait3A_540 = arith.constant 0 : i32
      %dma_wait3A_541 = arith.constant 0 : i32
      %dma_wait3A_542 = tpu.memref_slice %arg11[%dma_wait3A_540, %dma_wait3A_541] : memref<10000x128xf32, #tpu.memory_space<vmem_shared>> -> memref<10000x128xf32, #tpu.memory_space<vmem_shared>>
      tpu.wait_indirect_dma semaphore(%arg14 : memref<!tpu.dma_semaphore, #tpu.memory_space<semaphore_mem>>) src(%arg9 : memref<80x128xf32, #tpu.memory_space<vmem>>) dst(%dma_wait3A_542 : memref<10000x128xf32, #tpu.memory_space<vmem_shared>>)
      %dma_start3A_543 = arith.constant 3 : i32
      %dma_start3A_544 = arith.constant 0 : i32
      %dma_start3A_545 = arith.constant 0 : i32
      %dma_start3A_546 = tpu.memref_slice %arg6[%dma_start3A_543, %dma_start3A_544, %dma_start3A_545] : memref<5x2x80xi32, #tpu.memory_space<vmem>> -> memref<1x1x80xi32, #tpu.memory_space<vmem>>
      %dma_start3A_547 = tpu.memref_squeeze %dma_start3A_546 : memref<1x1x80xi32, #tpu.memory_space<vmem>> -> memref<80xi32, #tpu.memory_space<vmem>>
      %dma_start3A_548 = arith.constant 0 : i32
      %dma_start3A_549 = arith.constant 0 : i32
      %dma_start3A_550 = tpu.memref_slice %arg2[%dma_start3A_548, %dma_start3A_549] : memref<10000x128xf32, #tpu.memory_space<hbm>> -> memref<10000x128xf32, #tpu.memory_space<hbm>>
      tpu.enqueue_indirect_dma source(%dma_start3A_550 : memref<10000x128xf32, #tpu.memory_space<hbm>>) target(%arg9 : memref<80x128xf32, #tpu.memory_space<vmem>>) offsets(%dma_start3A_547 : memref<80xi32, #tpu.memory_space<vmem>>) semaphore(%arg13 : memref<!tpu.dma_semaphore, #tpu.memory_space<semaphore_mem>>)
      %dma_wait3A_551 = arith.constant 2 : i32
      %dma_wait3A_552 = arith.constant 0 : i32
      %dma_wait3A_553 = arith.constant 0 : i32
      %dma_wait3A_554 = tpu.memref_slice %arg6[%dma_wait3A_551, %dma_wait3A_552, %dma_wait3A_553] : memref<5x2x80xi32, #tpu.memory_space<vmem>> -> memref<1x1x80xi32, #tpu.memory_space<vmem>>
      %dma_wait3A_555 = tpu.memref_squeeze %dma_wait3A_554 : memref<1x1x80xi32, #tpu.memory_space<vmem>> -> memref<80xi32, #tpu.memory_space<vmem>>
      %dma_wait3A_556 = arith.constant 0 : i32
      %dma_wait3A_557 = arith.constant 0 : i32
      %dma_wait3A_558 = tpu.memref_slice %arg2[%dma_wait3A_556, %dma_wait3A_557] : memref<10000x128xf32, #tpu.memory_space<hbm>> -> memref<10000x128xf32, #tpu.memory_space<hbm>>
      tpu.wait_indirect_dma semaphore(%arg13 : memref<!tpu.dma_semaphore, #tpu.memory_space<semaphore_mem>>) src(%dma_wait3A_558 : memref<10000x128xf32, #tpu.memory_space<hbm>>) dst(%arg8 : memref<80x128xf32, #tpu.memory_space<vmem>>)
      %dma_start3A_559 = arith.constant 2 : i32
      %dma_start3A_560 = arith.constant 1 : i32
      %dma_start3A_561 = arith.constant 0 : i32
      %dma_start3A_562 = tpu.memref_slice %arg6[%dma_start3A_559, %dma_start3A_560, %dma_start3A_561] : memref<5x2x80xi32, #tpu.memory_space<vmem>> -> memref<1x1x80xi32, #tpu.memory_space<vmem>>
      %dma_start3A_563 = tpu.memref_squeeze %dma_start3A_562 : memref<1x1x80xi32, #tpu.memory_space<vmem>> -> memref<80xi32, #tpu.memory_space<vmem>>
      %dma_start3A_564 = arith.constant 0 : i32
      %dma_start3A_565 = arith.constant 0 : i32
      %dma_start3A_566 = tpu.memref_slice %arg11[%dma_start3A_564, %dma_start3A_565] : memref<10000x128xf32, #tpu.memory_space<vmem_shared>> -> memref<10000x128xf32, #tpu.memory_space<vmem_shared>>
      tpu.enqueue_indirect_dma source(%arg8 : memref<80x128xf32, #tpu.memory_space<vmem>>) target(%dma_start3A_566 : memref<10000x128xf32, #tpu.memory_space<vmem_shared>>) offsets(%dma_start3A_563 : memref<80xi32, #tpu.memory_space<vmem>>) semaphore(%arg14 : memref<!tpu.dma_semaphore, #tpu.memory_space<semaphore_mem>>) {add = true}
      %get3A_567 = arith.constant 2 : i32
      %get3A_568 = arith.constant 1 : i32
      %get3A_569 = arith.index_cast %get3A_567 : i32 to index
      %get3A_570 = arith.index_cast %get3A_568 : i32 to index
      %get3A_571 = arith.constant 0 : index
      %get3A_572 = tpu.vector_load %arg6[%get3A_569, %get3A_570, %get3A_571] {strides = array<i32>} : memref<5x2x80xi32, #tpu.memory_space<vmem>>, vector<16xi32>,
      tpu.vector_store_idx %arg10[%get3A_572], %broadcast_in_dim3A_40 {add = true} : memref<10000xf32, #tpu.memory_space<vmem>>[vector<16xi32>], vector<16xf32>,
      %get3A_573 = arith.constant 2 : i32
      %get3A_574 = arith.constant 1 : i32
      %get3A_575 = arith.index_cast %get3A_573 : i32 to index
      %get3A_576 = arith.index_cast %get3A_574 : i32 to index
      %get3A_577 = arith.constant 16 : index
      %get3A_578 = tpu.vector_load %arg6[%get3A_575, %get3A_576, %get3A_577] {strides = array<i32>} : memref<5x2x80xi32, #tpu.memory_space<vmem>>, vector<16xi32>,
      tpu.vector_store_idx %arg10[%get3A_578], %broadcast_in_dim3A_40 {add = true} : memref<10000xf32, #tpu.memory_space<vmem>>[vector<16xi32>], vector<16xf32>,
      %get3A_579 = arith.constant 2 : i32
      %get3A_580 = arith.constant 1 : i32
      %get3A_581 = arith.index_cast %get3A_579 : i32 to index
      %get3A_582 = arith.index_cast %get3A_580 : i32 to index
      %get3A_583 = arith.constant 32 : index
      %get3A_584 = tpu.vector_load %arg6[%get3A_581, %get3A_582, %get3A_583] {strides = array<i32>} : memref<5x2x80xi32, #tpu.memory_space<vmem>>, vector<16xi32>,
      tpu.vector_store_idx %arg10[%get3A_584], %broadcast_in_dim3A_40 {add = true} : memref<10000xf32, #tpu.memory_space<vmem>>[vector<16xi32>], vector<16xf32>,
      %get3A_585 = arith.constant 2 : i32
      %get3A_586 = arith.constant 1 : i32
      %get3A_587 = arith.index_cast %get3A_585 : i32 to index
      %get3A_588 = arith.index_cast %get3A_586 : i32 to index
      %get3A_589 = arith.constant 48 : index
      %get3A_590 = tpu.vector_load %arg6[%get3A_587, %get3A_588, %get3A_589] {strides = array<i32>} : memref<5x2x80xi32, #tpu.memory_space<vmem>>, vector<16xi32>,
      tpu.vector_store_idx %arg10[%get3A_590], %broadcast_in_dim3A_40 {add = true} : memref<10000xf32, #tpu.memory_space<vmem>>[vector<16xi32>], vector<16xf32>,
      %get3A_591 = arith.constant 2 : i32
      %get3A_592 = arith.constant 1 : i32
      %get3A_593 = arith.index_cast %get3A_591 : i32 to index
      %get3A_594 = arith.index_cast %get3A_592 : i32 to index
      %get3A_595 = arith.constant 64 : index
      %get3A_596 = tpu.vector_load %arg6[%get3A_593, %get3A_594, %get3A_595] {strides = array<i32>} : memref<5x2x80xi32, #tpu.memory_space<vmem>>, vector<16xi32>,
      tpu.vector_store_idx %arg10[%get3A_596], %broadcast_in_dim3A_40 {add = true} : memref<10000xf32, #tpu.memory_space<vmem>>[vector<16xi32>], vector<16xf32>,
      %dma_wait3A_597 = arith.constant 2 : i32
      %dma_wait3A_598 = arith.constant 1 : i32
      %dma_wait3A_599 = arith.constant 0 : i32
      %dma_wait3A_600 = tpu.memref_slice %arg6[%dma_wait3A_597, %dma_wait3A_598, %dma_wait3A_599] : memref<5x2x80xi32, #tpu.memory_space<vmem>> -> memref<1x1x80xi32, #tpu.memory_space<vmem>>
      %dma_wait3A_601 = tpu.memref_squeeze %dma_wait3A_600 : memref<1x1x80xi32, #tpu.memory_space<vmem>> -> memref<80xi32, #tpu.memory_space<vmem>>
      %dma_wait3A_602 = arith.constant 0 : i32
      %dma_wait3A_603 = arith.constant 0 : i32
      %dma_wait3A_604 = tpu.memref_slice %arg11[%dma_wait3A_602, %dma_wait3A_603] : memref<10000x128xf32, #tpu.memory_space<vmem_shared>> -> memref<10000x128xf32, #tpu.memory_space<vmem_shared>>
      tpu.wait_indirect_dma semaphore(%arg14 : memref<!tpu.dma_semaphore, #tpu.memory_space<semaphore_mem>>) src(%arg8 : memref<80x128xf32, #tpu.memory_space<vmem>>) dst(%dma_wait3A_604 : memref<10000x128xf32, #tpu.memory_space<vmem_shared>>)
      %dma_start3A_605 = arith.constant 4 : i32
      %dma_start3A_606 = arith.constant 0 : i32
      %dma_start3A_607 = arith.constant 0 : i32
      %dma_start3A_608 = tpu.memref_slice %arg6[%dma_start3A_605, %dma_start3A_606, %dma_start3A_607] : memref<5x2x80xi32, #tpu.memory_space<vmem>> -> memref<1x1x80xi32, #tpu.memory_space<vmem>>
      %dma_start3A_609 = tpu.memref_squeeze %dma_start3A_608 : memref<1x1x80xi32, #tpu.memory_space<vmem>> -> memref<80xi32, #tpu.memory_space<vmem>>
      %dma_start3A_610 = arith.constant 0 : i32
      %dma_start3A_611 = arith.constant 0 : i32
      %dma_start3A_612 = tpu.memref_slice %arg2[%dma_start3A_610, %dma_start3A_611] : memref<10000x128xf32, #tpu.memory_space<hbm>> -> memref<10000x128xf32, #tpu.memory_space<hbm>>
      tpu.enqueue_indirect_dma source(%dma_start3A_612 : memref<10000x128xf32, #tpu.memory_space<hbm>>) target(%arg8 : memref<80x128xf32, #tpu.memory_space<vmem>>) offsets(%dma_start3A_609 : memref<80xi32, #tpu.memory_space<vmem>>) semaphore(%arg13 : memref<!tpu.dma_semaphore, #tpu.memory_space<semaphore_mem>>)
      %dma_wait3A_613 = arith.constant 3 : i32
      %dma_wait3A_614 = arith.constant 0 : i32
      %dma_wait3A_615 = arith.constant 0 : i32
      %dma_wait3A_616 = tpu.memref_slice %arg6[%dma_wait3A_613, %dma_wait3A_614, %dma_wait3A_615] : memref<5x2x80xi32, #tpu.memory_space<vmem>> -> memref<1x1x80xi32, #tpu.memory_space<vmem>>
      %dma_wait3A_617 = tpu.memref_squeeze %dma_wait3A_616 : memref<1x1x80xi32, #tpu.memory_space<vmem>> -> memref<80xi32, #tpu.memory_space<vmem>>
      %dma_wait3A_618 = arith.constant 0 : i32
      %dma_wait3A_619 = arith.constant 0 : i32
      %dma_wait3A_620 = tpu.memref_slice %arg2[%dma_wait3A_618, %dma_wait3A_619] : memref<10000x128xf32, #tpu.memory_space<hbm>> -> memref<10000x128xf32, #tpu.memory_space<hbm>>
      tpu.wait_indirect_dma semaphore(%arg13 : memref<!tpu.dma_semaphore, #tpu.memory_space<semaphore_mem>>) src(%dma_wait3A_620 : memref<10000x128xf32, #tpu.memory_space<hbm>>) dst(%arg9 : memref<80x128xf32, #tpu.memory_space<vmem>>)
      %dma_start3A_621 = arith.constant 3 : i32
      %dma_start3A_622 = arith.constant 1 : i32
      %dma_start3A_623 = arith.constant 0 : i32
      %dma_start3A_624 = tpu.memref_slice %arg6[%dma_start3A_621, %dma_start3A_622, %dma_start3A_623] : memref<5x2x80xi32, #tpu.memory_space<vmem>> -> memref<1x1x80xi32, #tpu.memory_space<vmem>>
      %dma_start3A_625 = tpu.memref_squeeze %dma_start3A_624 : memref<1x1x80xi32, #tpu.memory_space<vmem>> -> memref<80xi32, #tpu.memory_space<vmem>>
      %dma_start3A_626 = arith.constant 0 : i32
      %dma_start3A_627 = arith.constant 0 : i32
      %dma_start3A_628 = tpu.memref_slice %arg11[%dma_start3A_626, %dma_start3A_627] : memref<10000x128xf32, #tpu.memory_space<vmem_shared>> -> memref<10000x128xf32, #tpu.memory_space<vmem_shared>>
      tpu.enqueue_indirect_dma source(%arg9 : memref<80x128xf32, #tpu.memory_space<vmem>>) target(%dma_start3A_628 : memref<10000x128xf32, #tpu.memory_space<vmem_shared>>) offsets(%dma_start3A_625 : memref<80xi32, #tpu.memory_space<vmem>>) semaphore(%arg14 : memref<!tpu.dma_semaphore, #tpu.memory_space<semaphore_mem>>) {add = true}
      %get3A_629 = arith.constant 3 : i32
      %get3A_630 = arith.constant 1 : i32
      %get3A_631 = arith.index_cast %get3A_629 : i32 to index
      %get3A_632 = arith.index_cast %get3A_630 : i32 to index
      %get3A_633 = arith.constant 0 : index
      %get3A_634 = tpu.vector_load %arg6[%get3A_631, %get3A_632, %get3A_633] {strides = array<i32>} : memref<5x2x80xi32, #tpu.memory_space<vmem>>, vector<16xi32>,
      tpu.vector_store_idx %arg10[%get3A_634], %broadcast_in_dim3A_40 {add = true} : memref<10000xf32, #tpu.memory_space<vmem>>[vector<16xi32>], vector<16xf32>,
      %get3A_635 = arith.constant 3 : i32
      %get3A_636 = arith.constant 1 : i32
      %get3A_637 = arith.index_cast %get3A_635 : i32 to index
      %get3A_638 = arith.index_cast %get3A_636 : i32 to index
      %get3A_639 = arith.constant 16 : index
      %get3A_640 = tpu.vector_load %arg6[%get3A_637, %get3A_638, %get3A_639] {strides = array<i32>} : memref<5x2x80xi32, #tpu.memory_space<vmem>>, vector<16xi32>,
      tpu.vector_store_idx %arg10[%get3A_640], %broadcast_in_dim3A_40 {add = true} : memref<10000xf32, #tpu.memory_space<vmem>>[vector<16xi32>], vector<16xf32>,
      %get3A_641 = arith.constant 3 : i32
      %get3A_642 = arith.constant 1 : i32
      %get3A_643 = arith.index_cast %get3A_641 : i32 to index
      %get3A_644 = arith.index_cast %get3A_642 : i32 to index
      %get3A_645 = arith.constant 32 : index
      %get3A_646 = tpu.vector_load %arg6[%get3A_643, %get3A_644, %get3A_645] {strides = array<i32>} : memref<5x2x80xi32, #tpu.memory_space<vmem>>, vector<16xi32>,
      tpu.vector_store_idx %arg10[%get3A_646], %broadcast_in_dim3A_40 {add = true} : memref<10000xf32, #tpu.memory_space<vmem>>[vector<16xi32>], vector<16xf32>,
      %get3A_647 = arith.constant 3 : i32
      %get3A_648 = arith.constant 1 : i32
      %get3A_649 = arith.index_cast %get3A_647 : i32 to index
      %get3A_650 = arith.index_cast %get3A_648 : i32 to index
      %get3A_651 = arith.constant 48 : index
      %get3A_652 = tpu.vector_load %arg6[%get3A_649, %get3A_650, %get3A_651] {strides = array<i32>} : memref<5x2x80xi32, #tpu.memory_space<vmem>>, vector<16xi32>,
      tpu.vector_store_idx %arg10[%get3A_652], %broadcast_in_dim3A_40 {add = true} : memref<10000xf32, #tpu.memory_space<vmem>>[vector<16xi32>], vector<16xf32>,
      %get3A_653 = arith.constant 3 : i32
      %get3A_654 = arith.constant 1 : i32
      %get3A_655 = arith.index_cast %get3A_653 : i32 to index
      %get3A_656 = arith.index_cast %get3A_654 : i32 to index
      %get3A_657 = arith.constant 64 : index
      %get3A_658 = tpu.vector_load %arg6[%get3A_655, %get3A_656, %get3A_657] {strides = array<i32>} : memref<5x2x80xi32, #tpu.memory_space<vmem>>, vector<16xi32>,
      tpu.vector_store_idx %arg10[%get3A_658], %broadcast_in_dim3A_40 {add = true} : memref<10000xf32, #tpu.memory_space<vmem>>[vector<16xi32>], vector<16xf32>,
      %dma_wait3A_659 = arith.constant 4 : i32
      %dma_wait3A_660 = arith.constant 0 : i32
      %dma_wait3A_661 = arith.constant 0 : i32
      %dma_wait3A_662 = tpu.memref_slice %arg6[%dma_wait3A_659, %dma_wait3A_660, %dma_wait3A_661] : memref<5x2x80xi32, #tpu.memory_space<vmem>> -> memref<1x1x80xi32, #tpu.memory_space<vmem>>
      %dma_wait3A_663 = tpu.memref_squeeze %dma_wait3A_662 : memref<1x1x80xi32, #tpu.memory_space<vmem>> -> memref<80xi32, #tpu.memory_space<vmem>>
      %dma_wait3A_664 = arith.constant 0 : i32
      %dma_wait3A_665 = arith.constant 0 : i32
      %dma_wait3A_666 = tpu.memref_slice %arg2[%dma_wait3A_664, %dma_wait3A_665] : memref<10000x128xf32, #tpu.memory_space<hbm>> -> memref<10000x128xf32, #tpu.memory_space<hbm>>
      tpu.wait_indirect_dma semaphore(%arg13 : memref<!tpu.dma_semaphore, #tpu.memory_space<semaphore_mem>>) src(%dma_wait3A_666 : memref<10000x128xf32, #tpu.memory_space<hbm>>) dst(%arg8 : memref<80x128xf32, #tpu.memory_space<vmem>>)
      %dma_start3A_667 = arith.constant 4 : i32
      %dma_start3A_668 = arith.constant 1 : i32
      %dma_start3A_669 = arith.constant 0 : i32
      %dma_start3A_670 = tpu.memref_slice %arg6[%dma_start3A_667, %dma_start3A_668, %dma_start3A_669] : memref<5x2x80xi32, #tpu.memory_space<vmem>> -> memref<1x1x80xi32, #tpu.memory_space<vmem>>
      %dma_start3A_671 = tpu.memref_squeeze %dma_start3A_670 : memref<1x1x80xi32, #tpu.memory_space<vmem>> -> memref<80xi32, #tpu.memory_space<vmem>>
      %dma_start3A_672 = arith.constant 0 : i32
      %dma_start3A_673 = arith.constant 0 : i32
      %dma_start3A_674 = tpu.memref_slice %arg11[%dma_start3A_672, %dma_start3A_673] : memref<10000x128xf32, #tpu.memory_space<vmem_shared>> -> memref<10000x128xf32, #tpu.memory_space<vmem_shared>>
      tpu.enqueue_indirect_dma source(%arg8 : memref<80x128xf32, #tpu.memory_space<vmem>>) target(%dma_start3A_674 : memref<10000x128xf32, #tpu.memory_space<vmem_shared>>) offsets(%dma_start3A_671 : memref<80xi32, #tpu.memory_space<vmem>>) semaphore(%arg14 : memref<!tpu.dma_semaphore, #tpu.memory_space<semaphore_mem>>) {add = true}
      %get3A_675 = arith.constant 4 : i32
      %get3A_676 = arith.constant 1 : i32
      %get3A_677 = arith.index_cast %get3A_675 : i32 to index
      %get3A_678 = arith.index_cast %get3A_676 : i32 to index
      %get3A_679 = arith.constant 0 : index
      %get3A_680 = tpu.vector_load %arg6[%get3A_677, %get3A_678, %get3A_679] {strides = array<i32>} : memref<5x2x80xi32, #tpu.memory_space<vmem>>, vector<16xi32>,
      tpu.vector_store_idx %arg10[%get3A_680], %broadcast_in_dim3A_40 {add = true} : memref<10000xf32, #tpu.memory_space<vmem>>[vector<16xi32>], vector<16xf32>,
      %get3A_681 = arith.constant 4 : i32
      %get3A_682 = arith.constant 1 : i32
      %get3A_683 = arith.index_cast %get3A_681 : i32 to index
      %get3A_684 = arith.index_cast %get3A_682 : i32 to index
      %get3A_685 = arith.constant 16 : index
      %get3A_686 = tpu.vector_load %arg6[%get3A_683, %get3A_684, %get3A_685] {strides = array<i32>} : memref<5x2x80xi32, #tpu.memory_space<vmem>>, vector<16xi32>,
      tpu.vector_store_idx %arg10[%get3A_686], %broadcast_in_dim3A_40 {add = true} : memref<10000xf32, #tpu.memory_space<vmem>>[vector<16xi32>], vector<16xf32>,
      %get3A_687 = arith.constant 4 : i32
      %get3A_688 = arith.constant 1 : i32
      %get3A_689 = arith.index_cast %get3A_687 : i32 to index
      %get3A_690 = arith.index_cast %get3A_688 : i32 to index
      %get3A_691 = arith.constant 32 : index
      %get3A_692 = tpu.vector_load %arg6[%get3A_689, %get3A_690, %get3A_691] {strides = array<i32>} : memref<5x2x80xi32, #tpu.memory_space<vmem>>, vector<16xi32>,
      tpu.vector_store_idx %arg10[%get3A_692], %broadcast_in_dim3A_40 {add = true} : memref<10000xf32, #tpu.memory_space<vmem>>[vector<16xi32>], vector<16xf32>,
      %get3A_693 = arith.constant 4 : i32
      %get3A_694 = arith.constant 1 : i32
      %get3A_695 = arith.index_cast %get3A_693 : i32 to index
      %get3A_696 = arith.index_cast %get3A_694 : i32 to index
      %get3A_697 = arith.constant 48 : index
      %get3A_698 = tpu.vector_load %arg6[%get3A_695, %get3A_696, %get3A_697] {strides = array<i32>} : memref<5x2x80xi32, #tpu.memory_space<vmem>>, vector<16xi32>,
      tpu.vector_store_idx %arg10[%get3A_698], %broadcast_in_dim3A_40 {add = true} : memref<10000xf32, #tpu.memory_space<vmem>>[vector<16xi32>], vector<16xf32>,
      %get3A_699 = arith.constant 4 : i32
      %get3A_700 = arith.constant 1 : i32
      %get3A_701 = arith.index_cast %get3A_699 : i32 to index
      %get3A_702 = arith.index_cast %get3A_700 : i32 to index
      %get3A_703 = arith.constant 64 : index
      %get3A_704 = tpu.vector_load %arg6[%get3A_701, %get3A_702, %get3A_703] {strides = array<i32>} : memref<5x2x80xi32, #tpu.memory_space<vmem>>, vector<16xi32>,
      tpu.vector_store_idx %arg10[%get3A_704], %broadcast_in_dim3A_40 {add = true} : memref<10000xf32, #tpu.memory_space<vmem>>[vector<16xi32>], vector<16xf32>,
      %dma_wait3A_705 = arith.constant 3 : i32
      %dma_wait3A_706 = arith.constant 1 : i32
      %dma_wait3A_707 = arith.constant 0 : i32
      %dma_wait3A_708 = tpu.memref_slice %arg6[%dma_wait3A_705, %dma_wait3A_706, %dma_wait3A_707] : memref<5x2x80xi32, #tpu.memory_space<vmem>> -> memref<1x1x80xi32, #tpu.memory_space<vmem>>
      %dma_wait3A_709 = tpu.memref_squeeze %dma_wait3A_708 : memref<1x1x80xi32, #tpu.memory_space<vmem>> -> memref<80xi32, #tpu.memory_space<vmem>>
      %dma_wait3A_710 = arith.constant 0 : i32
      %dma_wait3A_711 = arith.constant 0 : i32
      %dma_wait3A_712 = tpu.memref_slice %arg11[%dma_wait3A_710, %dma_wait3A_711] : memref<10000x128xf32, #tpu.memory_space<vmem_shared>> -> memref<10000x128xf32, #tpu.memory_space<vmem_shared>>
      tpu.wait_indirect_dma semaphore(%arg14 : memref<!tpu.dma_semaphore, #tpu.memory_space<semaphore_mem>>) src(%arg9 : memref<80x128xf32, #tpu.memory_space<vmem>>) dst(%dma_wait3A_712 : memref<10000x128xf32, #tpu.memory_space<vmem_shared>>)
      %dma_wait3A_713 = arith.constant 4 : i32
      %dma_wait3A_714 = arith.constant 1 : i32
      %dma_wait3A_715 = arith.constant 0 : i32
      %dma_wait3A_716 = tpu.memref_slice %arg6[%dma_wait3A_713, %dma_wait3A_714, %dma_wait3A_715] : memref<5x2x80xi32, #tpu.memory_space<vmem>> -> memref<1x1x80xi32, #tpu.memory_space<vmem>>
      %dma_wait3A_717 = tpu.memref_squeeze %dma_wait3A_716 : memref<1x1x80xi32, #tpu.memory_space<vmem>> -> memref<80xi32, #tpu.memory_space<vmem>>
      %dma_wait3A_718 = arith.constant 0 : i32
      %dma_wait3A_719 = arith.constant 0 : i32
      %dma_wait3A_720 = tpu.memref_slice %arg11[%dma_wait3A_718, %dma_wait3A_719] : memref<10000x128xf32, #tpu.memory_space<vmem_shared>> -> memref<10000x128xf32, #tpu.memory_space<vmem_shared>>
      tpu.wait_indirect_dma semaphore(%arg14 : memref<!tpu.dma_semaphore, #tpu.memory_space<semaphore_mem>>) src(%arg8 : memref<80x128xf32, #tpu.memory_space<vmem>>) dst(%dma_wait3A_720 : memref<10000x128xf32, #tpu.memory_space<vmem_shared>>)
      %dma_wait3A_721 = arith.constant 0 : i32
      %dma_wait3A_722 = arith.constant 0 : i32
      %dma_wait3A_723 = tpu.memref_slice %arg3[%add3A_404, %dma_wait3A_721, %dma_wait3A_722] : memref<4000x2x80xi32, #tpu.memory_space<hbm>> -> memref<5x2x80xi32, #tpu.memory_space<hbm>>
      %dma_wait3A_724 = arith.constant 0 : i32
      %dma_wait3A_725 = arith.constant 0 : i32
      %dma_wait3A_726 = tpu.memref_slice %arg3[%add3A_404, %dma_wait3A_724, %dma_wait3A_725] : memref<4000x2x80xi32, #tpu.memory_space<hbm>> -> memref<5x2x80xi32, #tpu.memory_space<hbm>>
      tpu.wait_dma2 semaphore(%arg12 : memref<!tpu.dma_semaphore, #tpu.memory_space<semaphore_mem>>) src(%dma_wait3A_726 : memref<5x2x80xi32, #tpu.memory_space<hbm>>) dst(%arg7 : memref<5x2x80xi32, #tpu.memory_space<vmem>>)
      %add3A_727 = arith.constant 5 : i32
      %add3A_728 = arith.addi %add3A_402, %add3A_727 : i32
      %add3A_729 = arith.constant 5 : i32
      %add3A_730 = arith.addi %add3A_728, %add3A_729 : i32
      %dma_start3A_731 = arith.constant 0 : i32
      %dma_start3A_732 = arith.constant 0 : i32
      %dma_start3A_733 = tpu.memref_slice %arg3[%add3A_730, %dma_start3A_731, %dma_start3A_732] : memref<4000x2x80xi32, #tpu.memory_space<hbm>> -> memref<5x2x80xi32, #tpu.memory_space<hbm>>
      %dma_start3A_734 = arith.constant 0 : i32
      %dma_start3A_735 = arith.constant 0 : i32
      %dma_start3A_736 = tpu.memref_slice %arg3[%add3A_730, %dma_start3A_734, %dma_start3A_735] : memref<4000x2x80xi32, #tpu.memory_space<hbm>> -> memref<5x2x80xi32, #tpu.memory_space<hbm>>
      tpu.enqueue_dma source(%dma_start3A_736 : memref<5x2x80xi32, #tpu.memory_space<hbm>>) target(%arg6 : memref<5x2x80xi32, #tpu.memory_space<vmem>>) target_semaphore(%arg12 : memref<!tpu.dma_semaphore, #tpu.memory_space<semaphore_mem>>)
      %dma_start3A_737 = arith.constant 0 : i32
      %dma_start3A_738 = arith.constant 0 : i32
      %dma_start3A_739 = arith.constant 0 : i32
      %dma_start3A_740 = tpu.memref_slice %arg7[%dma_start3A_737, %dma_start3A_738, %dma_start3A_739] : memref<5x2x80xi32, #tpu.memory_space<vmem>> -> memref<1x1x80xi32, #tpu.memory_space<vmem>>
      %dma_start3A_741 = tpu.memref_squeeze %dma_start3A_740 : memref<1x1x80xi32, #tpu.memory_space<vmem>> -> memref<80xi32, #tpu.memory_space<vmem>>
      %dma_start3A_742 = arith.constant 0 : i32
      %dma_start3A_743 = arith.constant 0 : i32
      %dma_start3A_744 = tpu.memref_slice %arg2[%dma_start3A_742, %dma_start3A_743] : memref<10000x128xf32, #tpu.memory_space<hbm>> -> memref<10000x128xf32, #tpu.memory_space<hbm>>
      tpu.enqueue_indirect_dma source(%dma_start3A_744 : memref<10000x128xf32, #tpu.memory_space<hbm>>) target(%arg8 : memref<80x128xf32, #tpu.memory_space<vmem>>) offsets(%dma_start3A_741 : memref<80xi32, #tpu.memory_space<vmem>>) semaphore(%arg13 : memref<!tpu.dma_semaphore, #tpu.memory_space<semaphore_mem>>)
      %dma_start3A_745 = arith.constant 1 : i32
      %dma_start3A_746 = arith.constant 0 : i32
      %dma_start3A_747 = arith.constant 0 : i32
      %dma_start3A_748 = tpu.memref_slice %arg7[%dma_start3A_745, %dma_start3A_746, %dma_start3A_747] : memref<5x2x80xi32, #tpu.memory_space<vmem>> -> memref<1x1x80xi32, #tpu.memory_space<vmem>>
      %dma_start3A_749 = tpu.memref_squeeze %dma_start3A_748 : memref<1x1x80xi32, #tpu.memory_space<vmem>> -> memref<80xi32, #tpu.memory_space<vmem>>
      %dma_start3A_750 = arith.constant 0 : i32
      %dma_start3A_751 = arith.constant 0 : i32
      %dma_start3A_752 = tpu.memref_slice %arg2[%dma_start3A_750, %dma_start3A_751] : memref<10000x128xf32, #tpu.memory_space<hbm>> -> memref<10000x128xf32, #tpu.memory_space<hbm>>
      tpu.enqueue_indirect_dma source(%dma_start3A_752 : memref<10000x128xf32, #tpu.memory_space<hbm>>) target(%arg9 : memref<80x128xf32, #tpu.memory_space<vmem>>) offsets(%dma_start3A_749 : memref<80xi32, #tpu.memory_space<vmem>>) semaphore(%arg13 : memref<!tpu.dma_semaphore, #tpu.memory_space<semaphore_mem>>)
      %dma_wait3A_753 = arith.constant 0 : i32
      %dma_wait3A_754 = arith.constant 0 : i32
      %dma_wait3A_755 = arith.constant 0 : i32
      %dma_wait3A_756 = tpu.memref_slice %arg7[%dma_wait3A_753, %dma_wait3A_754, %dma_wait3A_755] : memref<5x2x80xi32, #tpu.memory_space<vmem>> -> memref<1x1x80xi32, #tpu.memory_space<vmem>>
      %dma_wait3A_757 = tpu.memref_squeeze %dma_wait3A_756 : memref<1x1x80xi32, #tpu.memory_space<vmem>> -> memref<80xi32, #tpu.memory_space<vmem>>
      %dma_wait3A_758 = arith.constant 0 : i32
      %dma_wait3A_759 = arith.constant 0 : i32
      %dma_wait3A_760 = tpu.memref_slice %arg2[%dma_wait3A_758, %dma_wait3A_759] : memref<10000x128xf32, #tpu.memory_space<hbm>> -> memref<10000x128xf32, #tpu.memory_space<hbm>>
      tpu.wait_indirect_dma semaphore(%arg13 : memref<!tpu.dma_semaphore, #tpu.memory_space<semaphore_mem>>) src(%dma_wait3A_760 : memref<10000x128xf32, #tpu.memory_space<hbm>>) dst(%arg8 : memref<80x128xf32, #tpu.memory_space<vmem>>)
      %dma_start3A_761 = arith.constant 0 : i32
      %dma_start3A_762 = arith.constant 1 : i32
      %dma_start3A_763 = arith.constant 0 : i32
      %dma_start3A_764 = tpu.memref_slice %arg7[%dma_start3A_761, %dma_start3A_762, %dma_start3A_763] : memref<5x2x80xi32, #tpu.memory_space<vmem>> -> memref<1x1x80xi32, #tpu.memory_space<vmem>>
      %dma_start3A_765 = tpu.memref_squeeze %dma_start3A_764 : memref<1x1x80xi32, #tpu.memory_space<vmem>> -> memref<80xi32, #tpu.memory_space<vmem>>
      %dma_start3A_766 = arith.constant 0 : i32
      %dma_start3A_767 = arith.constant 0 : i32
      %dma_start3A_768 = tpu.memref_slice %arg11[%dma_start3A_766, %dma_start3A_767] : memref<10000x128xf32, #tpu.memory_space<vmem_shared>> -> memref<10000x128xf32, #tpu.memory_space<vmem_shared>>
      tpu.enqueue_indirect_dma source(%arg8 : memref<80x128xf32, #tpu.memory_space<vmem>>) target(%dma_start3A_768 : memref<10000x128xf32, #tpu.memory_space<vmem_shared>>) offsets(%dma_start3A_765 : memref<80xi32, #tpu.memory_space<vmem>>) semaphore(%arg14 : memref<!tpu.dma_semaphore, #tpu.memory_space<semaphore_mem>>) {add = true}
      %get3A_769 = arith.constant 0 : i32
      %get3A_770 = arith.constant 1 : i32
      %get3A_771 = arith.index_cast %get3A_769 : i32 to index
      %get3A_772 = arith.index_cast %get3A_770 : i32 to index
      %get3A_773 = arith.constant 0 : index
      %get3A_774 = tpu.vector_load %arg7[%get3A_771, %get3A_772, %get3A_773] {strides = array<i32>} : memref<5x2x80xi32, #tpu.memory_space<vmem>>, vector<16xi32>,
      tpu.vector_store_idx %arg10[%get3A_774], %broadcast_in_dim3A_40 {add = true} : memref<10000xf32, #tpu.memory_space<vmem>>[vector<16xi32>], vector<16xf32>,
      %get3A_775 = arith.constant 0 : i32
      %get3A_776 = arith.constant 1 : i32
      %get3A_777 = arith.index_cast %get3A_775 : i32 to index
      %get3A_778 = arith.index_cast %get3A_776 : i32 to index
      %get3A_779 = arith.constant 16 : index
      %get3A_780 = tpu.vector_load %arg7[%get3A_777, %get3A_778, %get3A_779] {strides = array<i32>} : memref<5x2x80xi32, #tpu.memory_space<vmem>>, vector<16xi32>,
      tpu.vector_store_idx %arg10[%get3A_780], %broadcast_in_dim3A_40 {add = true} : memref<10000xf32, #tpu.memory_space<vmem>>[vector<16xi32>], vector<16xf32>,
      %get3A_781 = arith.constant 0 : i32
      %get3A_782 = arith.constant 1 : i32
      %get3A_783 = arith.index_cast %get3A_781 : i32 to index
      %get3A_784 = arith.index_cast %get3A_782 : i32 to index
      %get3A_785 = arith.constant 32 : index
      %get3A_786 = tpu.vector_load %arg7[%get3A_783, %get3A_784, %get3A_785] {strides = array<i32>} : memref<5x2x80xi32, #tpu.memory_space<vmem>>, vector<16xi32>,
      tpu.vector_store_idx %arg10[%get3A_786], %broadcast_in_dim3A_40 {add = true} : memref<10000xf32, #tpu.memory_space<vmem>>[vector<16xi32>], vector<16xf32>,
      %get3A_787 = arith.constant 0 : i32
      %get3A_788 = arith.constant 1 : i32
      %get3A_789 = arith.index_cast %get3A_787 : i32 to index
      %get3A_790 = arith.index_cast %get3A_788 : i32 to index
      %get3A_791 = arith.constant 48 : index
      %get3A_792 = tpu.vector_load %arg7[%get3A_789, %get3A_790, %get3A_791] {strides = array<i32>} : memref<5x2x80xi32, #tpu.memory_space<vmem>>, vector<16xi32>,
      tpu.vector_store_idx %arg10[%get3A_792], %broadcast_in_dim3A_40 {add = true} : memref<10000xf32, #tpu.memory_space<vmem>>[vector<16xi32>], vector<16xf32>,
      %get3A_793 = arith.constant 0 : i32
      %get3A_794 = arith.constant 1 : i32
      %get3A_795 = arith.index_cast %get3A_793 : i32 to index
      %get3A_796 = arith.index_cast %get3A_794 : i32 to index
      %get3A_797 = arith.constant 64 : index
      %get3A_798 = tpu.vector_load %arg7[%get3A_795, %get3A_796, %get3A_797] {strides = array<i32>} : memref<5x2x80xi32, #tpu.memory_space<vmem>>, vector<16xi32>,
      tpu.vector_store_idx %arg10[%get3A_798], %broadcast_in_dim3A_40 {add = true} : memref<10000xf32, #tpu.memory_space<vmem>>[vector<16xi32>], vector<16xf32>,
      %dma_wait3A_799 = arith.constant 0 : i32
      %dma_wait3A_800 = arith.constant 1 : i32
      %dma_wait3A_801 = arith.constant 0 : i32
      %dma_wait3A_802 = tpu.memref_slice %arg7[%dma_wait3A_799, %dma_wait3A_800, %dma_wait3A_801] : memref<5x2x80xi32, #tpu.memory_space<vmem>> -> memref<1x1x80xi32, #tpu.memory_space<vmem>>
      %dma_wait3A_803 = tpu.memref_squeeze %dma_wait3A_802 : memref<1x1x80xi32, #tpu.memory_space<vmem>> -> memref<80xi32, #tpu.memory_space<vmem>>
      %dma_wait3A_804 = arith.constant 0 : i32
      %dma_wait3A_805 = arith.constant 0 : i32
      %dma_wait3A_806 = tpu.memref_slice %arg11[%dma_wait3A_804, %dma_wait3A_805] : memref<10000x128xf32, #tpu.memory_space<vmem_shared>> -> memref<10000x128xf32, #tpu.memory_space<vmem_shared>>
      tpu.wait_indirect_dma semaphore(%arg14 : memref<!tpu.dma_semaphore, #tpu.memory_space<semaphore_mem>>) src(%arg8 : memref<80x128xf32, #tpu.memory_space<vmem>>) dst(%dma_wait3A_806 : memref<10000x128xf32, #tpu.memory_space<vmem_shared>>)
      %dma_start3A_807 = arith.constant 2 : i32
      %dma_start3A_808 = arith.constant 0 : i32
      %dma_start3A_809 = arith.constant 0 : i32
      %dma_start3A_810 = tpu.memref_slice %arg7[%dma_start3A_807, %dma_start3A_808, %dma_start3A_809] : memref<5x2x80xi32, #tpu.memory_space<vmem>> -> memref<1x1x80xi32, #tpu.memory_space<vmem>>
      %dma_start3A_811 = tpu.memref_squeeze %dma_start3A_810 : memref<1x1x80xi32, #tpu.memory_space<vmem>> -> memref<80xi32, #tpu.memory_space<vmem>>
      %dma_start3A_812 = arith.constant 0 : i32
      %dma_start3A_813 = arith.constant 0 : i32
      %dma_start3A_814 = tpu.memref_slice %arg2[%dma_start3A_812, %dma_start3A_813] : memref<10000x128xf32, #tpu.memory_space<hbm>> -> memref<10000x128xf32, #tpu.memory_space<hbm>>
      tpu.enqueue_indirect_dma source(%dma_start3A_814 : memref<10000x128xf32, #tpu.memory_space<hbm>>) target(%arg8 : memref<80x128xf32, #tpu.memory_space<vmem>>) offsets(%dma_start3A_811 : memref<80xi32, #tpu.memory_space<vmem>>) semaphore(%arg13 : memref<!tpu.dma_semaphore, #tpu.memory_space<semaphore_mem>>)
      %dma_wait3A_815 = arith.constant 1 : i32
      %dma_wait3A_816 = arith.constant 0 : i32
      %dma_wait3A_817 = arith.constant 0 : i32
      %dma_wait3A_818 = tpu.memref_slice %arg7[%dma_wait3A_815, %dma_wait3A_816, %dma_wait3A_817] : memref<5x2x80xi32, #tpu.memory_space<vmem>> -> memref<1x1x80xi32, #tpu.memory_space<vmem>>
      %dma_wait3A_819 = tpu.memref_squeeze %dma_wait3A_818 : memref<1x1x80xi32, #tpu.memory_space<vmem>> -> memref<80xi32, #tpu.memory_space<vmem>>
      %dma_wait3A_820 = arith.constant 0 : i32
      %dma_wait3A_821 = arith.constant 0 : i32
      %dma_wait3A_822 = tpu.memref_slice %arg2[%dma_wait3A_820, %dma_wait3A_821] : memref<10000x128xf32, #tpu.memory_space<hbm>> -> memref<10000x128xf32, #tpu.memory_space<hbm>>
      tpu.wait_indirect_dma semaphore(%arg13 : memref<!tpu.dma_semaphore, #tpu.memory_space<semaphore_mem>>) src(%dma_wait3A_822 : memref<10000x128xf32, #tpu.memory_space<hbm>>) dst(%arg9 : memref<80x128xf32, #tpu.memory_space<vmem>>)
      %dma_start3A_823 = arith.constant 1 : i32
      %dma_start3A_824 = arith.constant 1 : i32
      %dma_start3A_825 = arith.constant 0 : i32
      %dma_start3A_826 = tpu.memref_slice %arg7[%dma_start3A_823, %dma_start3A_824, %dma_start3A_825] : memref<5x2x80xi32, #tpu.memory_space<vmem>> -> memref<1x1x80xi32, #tpu.memory_space<vmem>>
      %dma_start3A_827 = tpu.memref_squeeze %dma_start3A_826 : memref<1x1x80xi32, #tpu.memory_space<vmem>> -> memref<80xi32, #tpu.memory_space<vmem>>
      %dma_start3A_828 = arith.constant 0 : i32
      %dma_start3A_829 = arith.constant 0 : i32
      %dma_start3A_830 = tpu.memref_slice %arg11[%dma_start3A_828, %dma_start3A_829] : memref<10000x128xf32, #tpu.memory_space<vmem_shared>> -> memref<10000x128xf32, #tpu.memory_space<vmem_shared>>
      tpu.enqueue_indirect_dma source(%arg9 : memref<80x128xf32, #tpu.memory_space<vmem>>) target(%dma_start3A_830 : memref<10000x128xf32, #tpu.memory_space<vmem_shared>>) offsets(%dma_start3A_827 : memref<80xi32, #tpu.memory_space<vmem>>) semaphore(%arg14 : memref<!tpu.dma_semaphore, #tpu.memory_space<semaphore_mem>>) {add = true}
      %get3A_831 = arith.constant 1 : i32
      %get3A_832 = arith.constant 1 : i32
      %get3A_833 = arith.index_cast %get3A_831 : i32 to index
      %get3A_834 = arith.index_cast %get3A_832 : i32 to index
      %get3A_835 = arith.constant 0 : index
      %get3A_836 = tpu.vector_load %arg7[%get3A_833, %get3A_834, %get3A_835] {strides = array<i32>} : memref<5x2x80xi32, #tpu.memory_space<vmem>>, vector<16xi32>,
      tpu.vector_store_idx %arg10[%get3A_836], %broadcast_in_dim3A_40 {add = true} : memref<10000xf32, #tpu.memory_space<vmem>>[vector<16xi32>], vector<16xf32>,
      %get3A_837 = arith.constant 1 : i32
      %get3A_838 = arith.constant 1 : i32
      %get3A_839 = arith.index_cast %get3A_837 : i32 to index
      %get3A_840 = arith.index_cast %get3A_838 : i32 to index
      %get3A_841 = arith.constant 16 : index
      %get3A_842 = tpu.vector_load %arg7[%get3A_839, %get3A_840, %get3A_841] {strides = array<i32>} : memref<5x2x80xi32, #tpu.memory_space<vmem>>, vector<16xi32>,
      tpu.vector_store_idx %arg10[%get3A_842], %broadcast_in_dim3A_40 {add = true} : memref<10000xf32, #tpu.memory_space<vmem>>[vector<16xi32>], vector<16xf32>,
      %get3A_843 = arith.constant 1 : i32
      %get3A_844 = arith.constant 1 : i32
      %get3A_845 = arith.index_cast %get3A_843 : i32 to index
      %get3A_846 = arith.index_cast %get3A_844 : i32 to index
      %get3A_847 = arith.constant 32 : index
      %get3A_848 = tpu.vector_load %arg7[%get3A_845, %get3A_846, %get3A_847] {strides = array<i32>} : memref<5x2x80xi32, #tpu.memory_space<vmem>>, vector<16xi32>,
      tpu.vector_store_idx %arg10[%get3A_848], %broadcast_in_dim3A_40 {add = true} : memref<10000xf32, #tpu.memory_space<vmem>>[vector<16xi32>], vector<16xf32>,
      %get3A_849 = arith.constant 1 : i32
      %get3A_850 = arith.constant 1 : i32
      %get3A_851 = arith.index_cast %get3A_849 : i32 to index
      %get3A_852 = arith.index_cast %get3A_850 : i32 to index
      %get3A_853 = arith.constant 48 : index
      %get3A_854 = tpu.vector_load %arg7[%get3A_851, %get3A_852, %get3A_853] {strides = array<i32>} : memref<5x2x80xi32, #tpu.memory_space<vmem>>, vector<16xi32>,
      tpu.vector_store_idx %arg10[%get3A_854], %broadcast_in_dim3A_40 {add = true} : memref<10000xf32, #tpu.memory_space<vmem>>[vector<16xi32>], vector<16xf32>,
      %get3A_855 = arith.constant 1 : i32
      %get3A_856 = arith.constant 1 : i32
      %get3A_857 = arith.index_cast %get3A_855 : i32 to index
      %get3A_858 = arith.index_cast %get3A_856 : i32 to index
      %get3A_859 = arith.constant 64 : index
      %get3A_860 = tpu.vector_load %arg7[%get3A_857, %get3A_858, %get3A_859] {strides = array<i32>} : memref<5x2x80xi32, #tpu.memory_space<vmem>>, vector<16xi32>,
      tpu.vector_store_idx %arg10[%get3A_860], %broadcast_in_dim3A_40 {add = true} : memref<10000xf32, #tpu.memory_space<vmem>>[vector<16xi32>], vector<16xf32>,
      %dma_wait3A_861 = arith.constant 1 : i32
      %dma_wait3A_862 = arith.constant 1 : i32
      %dma_wait3A_863 = arith.constant 0 : i32
      %dma_wait3A_864 = tpu.memref_slice %arg7[%dma_wait3A_861, %dma_wait3A_862, %dma_wait3A_863] : memref<5x2x80xi32, #tpu.memory_space<vmem>> -> memref<1x1x80xi32, #tpu.memory_space<vmem>>
      %dma_wait3A_865 = tpu.memref_squeeze %dma_wait3A_864 : memref<1x1x80xi32, #tpu.memory_space<vmem>> -> memref<80xi32, #tpu.memory_space<vmem>>
      %dma_wait3A_866 = arith.constant 0 : i32
      %dma_wait3A_867 = arith.constant 0 : i32
      %dma_wait3A_868 = tpu.memref_slice %arg11[%dma_wait3A_866, %dma_wait3A_867] : memref<10000x128xf32, #tpu.memory_space<vmem_shared>> -> memref<10000x128xf32, #tpu.memory_space<vmem_shared>>
      tpu.wait_indirect_dma semaphore(%arg14 : memref<!tpu.dma_semaphore, #tpu.memory_space<semaphore_mem>>) src(%arg9 : memref<80x128xf32, #tpu.memory_space<vmem>>) dst(%dma_wait3A_868 : memref<10000x128xf32, #tpu.memory_space<vmem_shared>>)
      %dma_start3A_869 = arith.constant 3 : i32
      %dma_start3A_870 = arith.constant 0 : i32
      %dma_start3A_871 = arith.constant 0 : i32
      %dma_start3A_872 = tpu.memref_slice %arg7[%dma_start3A_869, %dma_start3A_870, %dma_start3A_871] : memref<5x2x80xi32, #tpu.memory_space<vmem>> -> memref<1x1x80xi32, #tpu.memory_space<vmem>>
      %dma_start3A_873 = tpu.memref_squeeze %dma_start3A_872 : memref<1x1x80xi32, #tpu.memory_space<vmem>> -> memref<80xi32, #tpu.memory_space<vmem>>
      %dma_start3A_874 = arith.constant 0 : i32
      %dma_start3A_875 = arith.constant 0 : i32
      %dma_start3A_876 = tpu.memref_slice %arg2[%dma_start3A_874, %dma_start3A_875] : memref<10000x128xf32, #tpu.memory_space<hbm>> -> memref<10000x128xf32, #tpu.memory_space<hbm>>
      tpu.enqueue_indirect_dma source(%dma_start3A_876 : memref<10000x128xf32, #tpu.memory_space<hbm>>) target(%arg9 : memref<80x128xf32, #tpu.memory_space<vmem>>) offsets(%dma_start3A_873 : memref<80xi32, #tpu.memory_space<vmem>>) semaphore(%arg13 : memref<!tpu.dma_semaphore, #tpu.memory_space<semaphore_mem>>)
      %dma_wait3A_877 = arith.constant 2 : i32
      %dma_wait3A_878 = arith.constant 0 : i32
      %dma_wait3A_879 = arith.constant 0 : i32
      %dma_wait3A_880 = tpu.memref_slice %arg7[%dma_wait3A_877, %dma_wait3A_878, %dma_wait3A_879] : memref<5x2x80xi32, #tpu.memory_space<vmem>> -> memref<1x1x80xi32, #tpu.memory_space<vmem>>
      %dma_wait3A_881 = tpu.memref_squeeze %dma_wait3A_880 : memref<1x1x80xi32, #tpu.memory_space<vmem>> -> memref<80xi32, #tpu.memory_space<vmem>>
      %dma_wait3A_882 = arith.constant 0 : i32
      %dma_wait3A_883 = arith.constant 0 : i32
      %dma_wait3A_884 = tpu.memref_slice %arg2[%dma_wait3A_882, %dma_wait3A_883] : memref<10000x128xf32, #tpu.memory_space<hbm>> -> memref<10000x128xf32, #tpu.memory_space<hbm>>
      tpu.wait_indirect_dma semaphore(%arg13 : memref<!tpu.dma_semaphore, #tpu.memory_space<semaphore_mem>>) src(%dma_wait3A_884 : memref<10000x128xf32, #tpu.memory_space<hbm>>) dst(%arg8 : memref<80x128xf32, #tpu.memory_space<vmem>>)
      %dma_start3A_885 = arith.constant 2 : i32
      %dma_start3A_886 = arith.constant 1 : i32
      %dma_start3A_887 = arith.constant 0 : i32
      %dma_start3A_888 = tpu.memref_slice %arg7[%dma_start3A_885, %dma_start3A_886, %dma_start3A_887] : memref<5x2x80xi32, #tpu.memory_space<vmem>> -> memref<1x1x80xi32, #tpu.memory_space<vmem>>
      %dma_start3A_889 = tpu.memref_squeeze %dma_start3A_888 : memref<1x1x80xi32, #tpu.memory_space<vmem>> -> memref<80xi32, #tpu.memory_space<vmem>>
      %dma_start3A_890 = arith.constant 0 : i32
      %dma_start3A_891 = arith.constant 0 : i32
      %dma_start3A_892 = tpu.memref_slice %arg11[%dma_start3A_890, %dma_start3A_891] : memref<10000x128xf32, #tpu.memory_space<vmem_shared>> -> memref<10000x128xf32, #tpu.memory_space<vmem_shared>>
      tpu.enqueue_indirect_dma source(%arg8 : memref<80x128xf32, #tpu.memory_space<vmem>>) target(%dma_start3A_892 : memref<10000x128xf32, #tpu.memory_space<vmem_shared>>) offsets(%dma_start3A_889 : memref<80xi32, #tpu.memory_space<vmem>>) semaphore(%arg14 : memref<!tpu.dma_semaphore, #tpu.memory_space<semaphore_mem>>) {add = true}
      %get3A_893 = arith.constant 2 : i32
      %get3A_894 = arith.constant 1 : i32
      %get3A_895 = arith.index_cast %get3A_893 : i32 to index
      %get3A_896 = arith.index_cast %get3A_894 : i32 to index
      %get3A_897 = arith.constant 0 : index
      %get3A_898 = tpu.vector_load %arg7[%get3A_895, %get3A_896, %get3A_897] {strides = array<i32>} : memref<5x2x80xi32, #tpu.memory_space<vmem>>, vector<16xi32>,
      tpu.vector_store_idx %arg10[%get3A_898], %broadcast_in_dim3A_40 {add = true} : memref<10000xf32, #tpu.memory_space<vmem>>[vector<16xi32>], vector<16xf32>,
      %get3A_899 = arith.constant 2 : i32
      %get3A_900 = arith.constant 1 : i32
      %get3A_901 = arith.index_cast %get3A_899 : i32 to index
      %get3A_902 = arith.index_cast %get3A_900 : i32 to index
      %get3A_903 = arith.constant 16 : index
      %get3A_904 = tpu.vector_load %arg7[%get3A_901, %get3A_902, %get3A_903] {strides = array<i32>} : memref<5x2x80xi32, #tpu.memory_space<vmem>>, vector<16xi32>,
      tpu.vector_store_idx %arg10[%get3A_904], %broadcast_in_dim3A_40 {add = true} : memref<10000xf32, #tpu.memory_space<vmem>>[vector<16xi32>], vector<16xf32>,
      %get3A_905 = arith.constant 2 : i32
      %get3A_906 = arith.constant 1 : i32
      %get3A_907 = arith.index_cast %get3A_905 : i32 to index
      %get3A_908 = arith.index_cast %get3A_906 : i32 to index
      %get3A_909 = arith.constant 32 : index
      %get3A_910 = tpu.vector_load %arg7[%get3A_907, %get3A_908, %get3A_909] {strides = array<i32>} : memref<5x2x80xi32, #tpu.memory_space<vmem>>, vector<16xi32>,
      tpu.vector_store_idx %arg10[%get3A_910], %broadcast_in_dim3A_40 {add = true} : memref<10000xf32, #tpu.memory_space<vmem>>[vector<16xi32>], vector<16xf32>,
      %get3A_911 = arith.constant 2 : i32
      %get3A_912 = arith.constant 1 : i32
      %get3A_913 = arith.index_cast %get3A_911 : i32 to index
      %get3A_914 = arith.index_cast %get3A_912 : i32 to index
      %get3A_915 = arith.constant 48 : index
      %get3A_916 = tpu.vector_load %arg7[%get3A_913, %get3A_914, %get3A_915] {strides = array<i32>} : memref<5x2x80xi32, #tpu.memory_space<vmem>>, vector<16xi32>,
      tpu.vector_store_idx %arg10[%get3A_916], %broadcast_in_dim3A_40 {add = true} : memref<10000xf32, #tpu.memory_space<vmem>>[vector<16xi32>], vector<16xf32>,
      %get3A_917 = arith.constant 2 : i32
      %get3A_918 = arith.constant 1 : i32
      %get3A_919 = arith.index_cast %get3A_917 : i32 to index
      %get3A_920 = arith.index_cast %get3A_918 : i32 to index
      %get3A_921 = arith.constant 64 : index
      %get3A_922 = tpu.vector_load %arg7[%get3A_919, %get3A_920, %get3A_921] {strides = array<i32>} : memref<5x2x80xi32, #tpu.memory_space<vmem>>, vector<16xi32>,
      tpu.vector_store_idx %arg10[%get3A_922], %broadcast_in_dim3A_40 {add = true} : memref<10000xf32, #tpu.memory_space<vmem>>[vector<16xi32>], vector<16xf32>,
      %dma_wait3A_923 = arith.constant 2 : i32
      %dma_wait3A_924 = arith.constant 1 : i32
      %dma_wait3A_925 = arith.constant 0 : i32
      %dma_wait3A_926 = tpu.memref_slice %arg7[%dma_wait3A_923, %dma_wait3A_924, %dma_wait3A_925] : memref<5x2x80xi32, #tpu.memory_space<vmem>> -> memref<1x1x80xi32, #tpu.memory_space<vmem>>
      %dma_wait3A_927 = tpu.memref_squeeze %dma_wait3A_926 : memref<1x1x80xi32, #tpu.memory_space<vmem>> -> memref<80xi32, #tpu.memory_space<vmem>>
      %dma_wait3A_928 = arith.constant 0 : i32
      %dma_wait3A_929 = arith.constant 0 : i32
      %dma_wait3A_930 = tpu.memref_slice %arg11[%dma_wait3A_928, %dma_wait3A_929] : memref<10000x128xf32, #tpu.memory_space<vmem_shared>> -> memref<10000x128xf32, #tpu.memory_space<vmem_shared>>
      tpu.wait_indirect_dma semaphore(%arg14 : memref<!tpu.dma_semaphore, #tpu.memory_space<semaphore_mem>>) src(%arg8 : memref<80x128xf32, #tpu.memory_space<vmem>>) dst(%dma_wait3A_930 : memref<10000x128xf32, #tpu.memory_space<vmem_shared>>)
      %dma_start3A_931 = arith.constant 4 : i32
      %dma_start3A_932 = arith.constant 0 : i32
      %dma_start3A_933 = arith.constant 0 : i32
      %dma_start3A_934 = tpu.memref_slice %arg7[%dma_start3A_931, %dma_start3A_932, %dma_start3A_933] : memref<5x2x80xi32, #tpu.memory_space<vmem>> -> memref<1x1x80xi32, #tpu.memory_space<vmem>>
      %dma_start3A_935 = tpu.memref_squeeze %dma_start3A_934 : memref<1x1x80xi32, #tpu.memory_space<vmem>> -> memref<80xi32, #tpu.memory_space<vmem>>
      %dma_start3A_936 = arith.constant 0 : i32
      %dma_start3A_937 = arith.constant 0 : i32
      %dma_start3A_938 = tpu.memref_slice %arg2[%dma_start3A_936, %dma_start3A_937] : memref<10000x128xf32, #tpu.memory_space<hbm>> -> memref<10000x128xf32, #tpu.memory_space<hbm>>
      tpu.enqueue_indirect_dma source(%dma_start3A_938 : memref<10000x128xf32, #tpu.memory_space<hbm>>) target(%arg8 : memref<80x128xf32, #tpu.memory_space<vmem>>) offsets(%dma_start3A_935 : memref<80xi32, #tpu.memory_space<vmem>>) semaphore(%arg13 : memref<!tpu.dma_semaphore, #tpu.memory_space<semaphore_mem>>)
      %dma_wait3A_939 = arith.constant 3 : i32
      %dma_wait3A_940 = arith.constant 0 : i32
      %dma_wait3A_941 = arith.constant 0 : i32
      %dma_wait3A_942 = tpu.memref_slice %arg7[%dma_wait3A_939, %dma_wait3A_940, %dma_wait3A_941] : memref<5x2x80xi32, #tpu.memory_space<vmem>> -> memref<1x1x80xi32, #tpu.memory_space<vmem>>
      %dma_wait3A_943 = tpu.memref_squeeze %dma_wait3A_942 : memref<1x1x80xi32, #tpu.memory_space<vmem>> -> memref<80xi32, #tpu.memory_space<vmem>>
      %dma_wait3A_944 = arith.constant 0 : i32
      %dma_wait3A_945 = arith.constant 0 : i32
      %dma_wait3A_946 = tpu.memref_slice %arg2[%dma_wait3A_944, %dma_wait3A_945] : memref<10000x128xf32, #tpu.memory_space<hbm>> -> memref<10000x128xf32, #tpu.memory_space<hbm>>
      tpu.wait_indirect_dma semaphore(%arg13 : memref<!tpu.dma_semaphore, #tpu.memory_space<semaphore_mem>>) src(%dma_wait3A_946 : memref<10000x128xf32, #tpu.memory_space<hbm>>) dst(%arg9 : memref<80x128xf32, #tpu.memory_space<vmem>>)
      %dma_start3A_947 = arith.constant 3 : i32
      %dma_start3A_948 = arith.constant 1 : i32
      %dma_start3A_949 = arith.constant 0 : i32
      %dma_start3A_950 = tpu.memref_slice %arg7[%dma_start3A_947, %dma_start3A_948, %dma_start3A_949] : memref<5x2x80xi32, #tpu.memory_space<vmem>> -> memref<1x1x80xi32, #tpu.memory_space<vmem>>
      %dma_start3A_951 = tpu.memref_squeeze %dma_start3A_950 : memref<1x1x80xi32, #tpu.memory_space<vmem>> -> memref<80xi32, #tpu.memory_space<vmem>>
      %dma_start3A_952 = arith.constant 0 : i32
      %dma_start3A_953 = arith.constant 0 : i32
      %dma_start3A_954 = tpu.memref_slice %arg11[%dma_start3A_952, %dma_start3A_953] : memref<10000x128xf32, #tpu.memory_space<vmem_shared>> -> memref<10000x128xf32, #tpu.memory_space<vmem_shared>>
      tpu.enqueue_indirect_dma source(%arg9 : memref<80x128xf32, #tpu.memory_space<vmem>>) target(%dma_start3A_954 : memref<10000x128xf32, #tpu.memory_space<vmem_shared>>) offsets(%dma_start3A_951 : memref<80xi32, #tpu.memory_space<vmem>>) semaphore(%arg14 : memref<!tpu.dma_semaphore, #tpu.memory_space<semaphore_mem>>) {add = true}
      %get3A_955 = arith.constant 3 : i32
      %get3A_956 = arith.constant 1 : i32
      %get3A_957 = arith.index_cast %get3A_955 : i32 to index
      %get3A_958 = arith.index_cast %get3A_956 : i32 to index
      %get3A_959 = arith.constant 0 : index
      %get3A_960 = tpu.vector_load %arg7[%get3A_957, %get3A_958, %get3A_959] {strides = array<i32>} : memref<5x2x80xi32, #tpu.memory_space<vmem>>, vector<16xi32>,
      tpu.vector_store_idx %arg10[%get3A_960], %broadcast_in_dim3A_40 {add = true} : memref<10000xf32, #tpu.memory_space<vmem>>[vector<16xi32>], vector<16xf32>,
      %get3A_961 = arith.constant 3 : i32
      %get3A_962 = arith.constant 1 : i32
      %get3A_963 = arith.index_cast %get3A_961 : i32 to index
      %get3A_964 = arith.index_cast %get3A_962 : i32 to index
      %get3A_965 = arith.constant 16 : index
      %get3A_966 = tpu.vector_load %arg7[%get3A_963, %get3A_964, %get3A_965] {strides = array<i32>} : memref<5x2x80xi32, #tpu.memory_space<vmem>>, vector<16xi32>,
      tpu.vector_store_idx %arg10[%get3A_966], %broadcast_in_dim3A_40 {add = true} : memref<10000xf32, #tpu.memory_space<vmem>>[vector<16xi32>], vector<16xf32>,
      %get3A_967 = arith.constant 3 : i32
      %get3A_968 = arith.constant 1 : i32
      %get3A_969 = arith.index_cast %get3A_967 : i32 to index
      %get3A_970 = arith.index_cast %get3A_968 : i32 to index
      %get3A_971 = arith.constant 32 : index
      %get3A_972 = tpu.vector_load %arg7[%get3A_969, %get3A_970, %get3A_971] {strides = array<i32>} : memref<5x2x80xi32, #tpu.memory_space<vmem>>, vector<16xi32>,
      tpu.vector_store_idx %arg10[%get3A_972], %broadcast_in_dim3A_40 {add = true} : memref<10000xf32, #tpu.memory_space<vmem>>[vector<16xi32>], vector<16xf32>,
      %get3A_973 = arith.constant 3 : i32
      %get3A_974 = arith.constant 1 : i32
      %get3A_975 = arith.index_cast %get3A_973 : i32 to index
      %get3A_976 = arith.index_cast %get3A_974 : i32 to index
      %get3A_977 = arith.constant 48 : index
      %get3A_978 = tpu.vector_load %arg7[%get3A_975, %get3A_976, %get3A_977] {strides = array<i32>} : memref<5x2x80xi32, #tpu.memory_space<vmem>>, vector<16xi32>,
      tpu.vector_store_idx %arg10[%get3A_978], %broadcast_in_dim3A_40 {add = true} : memref<10000xf32, #tpu.memory_space<vmem>>[vector<16xi32>], vector<16xf32>,
      %get3A_979 = arith.constant 3 : i32
      %get3A_980 = arith.constant 1 : i32
      %get3A_981 = arith.index_cast %get3A_979 : i32 to index
      %get3A_982 = arith.index_cast %get3A_980 : i32 to index
      %get3A_983 = arith.constant 64 : index
      %get3A_984 = tpu.vector_load %arg7[%get3A_981, %get3A_982, %get3A_983] {strides = array<i32>} : memref<5x2x80xi32, #tpu.memory_space<vmem>>, vector<16xi32>,
      tpu.vector_store_idx %arg10[%get3A_984], %broadcast_in_dim3A_40 {add = true} : memref<10000xf32, #tpu.memory_space<vmem>>[vector<16xi32>], vector<16xf32>,
      %dma_wait3A_985 = arith.constant 4 : i32
      %dma_wait3A_986 = arith.constant 0 : i32
      %dma_wait3A_987 = arith.constant 0 : i32
      %dma_wait3A_988 = tpu.memref_slice %arg7[%dma_wait3A_985, %dma_wait3A_986, %dma_wait3A_987] : memref<5x2x80xi32, #tpu.memory_space<vmem>> -> memref<1x1x80xi32, #tpu.memory_space<vmem>>
      %dma_wait3A_989 = tpu.memref_squeeze %dma_wait3A_988 : memref<1x1x80xi32, #tpu.memory_space<vmem>> -> memref<80xi32, #tpu.memory_space<vmem>>
      %dma_wait3A_990 = arith.constant 0 : i32
      %dma_wait3A_991 = arith.constant 0 : i32
      %dma_wait3A_992 = tpu.memref_slice %arg2[%dma_wait3A_990, %dma_wait3A_991] : memref<10000x128xf32, #tpu.memory_space<hbm>> -> memref<10000x128xf32, #tpu.memory_space<hbm>>
      tpu.wait_indirect_dma semaphore(%arg13 : memref<!tpu.dma_semaphore, #tpu.memory_space<semaphore_mem>>) src(%dma_wait3A_992 : memref<10000x128xf32, #tpu.memory_space<hbm>>) dst(%arg8 : memref<80x128xf32, #tpu.memory_space<vmem>>)
      %dma_start3A_993 = arith.constant 4 : i32
      %dma_start3A_994 = arith.constant 1 : i32
      %dma_start3A_995 = arith.constant 0 : i32
      %dma_start3A_996 = tpu.memref_slice %arg7[%dma_start3A_993, %dma_start3A_994, %dma_start3A_995] : memref<5x2x80xi32, #tpu.memory_space<vmem>> -> memref<1x1x80xi32, #tpu.memory_space<vmem>>
      %dma_start3A_997 = tpu.memref_squeeze %dma_start3A_996 : memref<1x1x80xi32, #tpu.memory_space<vmem>> -> memref<80xi32, #tpu.memory_space<vmem>>
      %dma_start3A_998 = arith.constant 0 : i32
      %dma_start3A_999 = arith.constant 0 : i32
      %dma_start3A_1000 = tpu.memref_slice %arg11[%dma_start3A_998, %dma_start3A_999] : memref<10000x128xf32, #tpu.memory_space<vmem_shared>> -> memref<10000x128xf32, #tpu.memory_space<vmem_shared>>
      tpu.enqueue_indirect_dma source(%arg8 : memref<80x128xf32, #tpu.memory_space<vmem>>) target(%dma_start3A_1000 : memref<10000x128xf32, #tpu.memory_space<vmem_shared>>) offsets(%dma_start3A_997 : memref<80xi32, #tpu.memory_space<vmem>>) semaphore(%arg14 : memref<!tpu.dma_semaphore, #tpu.memory_space<semaphore_mem>>) {add = true}
      %get3A_1001 = arith.constant 4 : i32
      %get3A_1002 = arith.constant 1 : i32
      %get3A_1003 = arith.index_cast %get3A_1001 : i32 to index
      %get3A_1004 = arith.index_cast %get3A_1002 : i32 to index
      %get3A_1005 = arith.constant 0 : index
      %get3A_1006 = tpu.vector_load %arg7[%get3A_1003, %get3A_1004, %get3A_1005] {strides = array<i32>} : memref<5x2x80xi32, #tpu.memory_space<vmem>>, vector<16xi32>,
      tpu.vector_store_idx %arg10[%get3A_1006], %broadcast_in_dim3A_40 {add = true} : memref<10000xf32, #tpu.memory_space<vmem>>[vector<16xi32>], vector<16xf32>,
      %get3A_1007 = arith.constant 4 : i32
      %get3A_1008 = arith.constant 1 : i32
      %get3A_1009 = arith.index_cast %get3A_1007 : i32 to index
      %get3A_1010 = arith.index_cast %get3A_1008 : i32 to index
      %get3A_1011 = arith.constant 16 : index
      %get3A_1012 = tpu.vector_load %arg7[%get3A_1009, %get3A_1010, %get3A_1011] {strides = array<i32>} : memref<5x2x80xi32, #tpu.memory_space<vmem>>, vector<16xi32>,
      tpu.vector_store_idx %arg10[%get3A_1012], %broadcast_in_dim3A_40 {add = true} : memref<10000xf32, #tpu.memory_space<vmem>>[vector<16xi32>], vector<16xf32>,
      %get3A_1013 = arith.constant 4 : i32
      %get3A_1014 = arith.constant 1 : i32
      %get3A_1015 = arith.index_cast %get3A_1013 : i32 to index
      %get3A_1016 = arith.index_cast %get3A_1014 : i32 to index
      %get3A_1017 = arith.constant 32 : index
      %get3A_1018 = tpu.vector_load %arg7[%get3A_1015, %get3A_1016, %get3A_1017] {strides = array<i32>} : memref<5x2x80xi32, #tpu.memory_space<vmem>>, vector<16xi32>,
      tpu.vector_store_idx %arg10[%get3A_1018], %broadcast_in_dim3A_40 {add = true} : memref<10000xf32, #tpu.memory_space<vmem>>[vector<16xi32>], vector<16xf32>,
      %get3A_1019 = arith.constant 4 : i32
      %get3A_1020 = arith.constant 1 : i32
      %get3A_1021 = arith.index_cast %get3A_1019 : i32 to index
      %get3A_1022 = arith.index_cast %get3A_1020 : i32 to index
      %get3A_1023 = arith.constant 48 : index
      %get3A_1024 = tpu.vector_load %arg7[%get3A_1021, %get3A_1022, %get3A_1023] {strides = array<i32>} : memref<5x2x80xi32, #tpu.memory_space<vmem>>, vector<16xi32>,
      tpu.vector_store_idx %arg10[%get3A_1024], %broadcast_in_dim3A_40 {add = true} : memref<10000xf32, #tpu.memory_space<vmem>>[vector<16xi32>], vector<16xf32>,
      %get3A_1025 = arith.constant 4 : i32
      %get3A_1026 = arith.constant 1 : i32
      %get3A_1027 = arith.index_cast %get3A_1025 : i32 to index
      %get3A_1028 = arith.index_cast %get3A_1026 : i32 to index
      %get3A_1029 = arith.constant 64 : index
      %get3A_1030 = tpu.vector_load %arg7[%get3A_1027, %get3A_1028, %get3A_1029] {strides = array<i32>} : memref<5x2x80xi32, #tpu.memory_space<vmem>>, vector<16xi32>,
      tpu.vector_store_idx %arg10[%get3A_1030], %broadcast_in_dim3A_40 {add = true} : memref<10000xf32, #tpu.memory_space<vmem>>[vector<16xi32>], vector<16xf32>,
      %dma_wait3A_1031 = arith.constant 3 : i32
      %dma_wait3A_1032 = arith.constant 1 : i32
      %dma_wait3A_1033 = arith.constant 0 : i32
      %dma_wait3A_1034 = tpu.memref_slice %arg7[%dma_wait3A_1031, %dma_wait3A_1032, %dma_wait3A_1033] : memref<5x2x80xi32, #tpu.memory_space<vmem>> -> memref<1x1x80xi32, #tpu.memory_space<vmem>>
      %dma_wait3A_1035 = tpu.memref_squeeze %dma_wait3A_1034 : memref<1x1x80xi32, #tpu.memory_space<vmem>> -> memref<80xi32, #tpu.memory_space<vmem>>
      %dma_wait3A_1036 = arith.constant 0 : i32
      %dma_wait3A_1037 = arith.constant 0 : i32
      %dma_wait3A_1038 = tpu.memref_slice %arg11[%dma_wait3A_1036, %dma_wait3A_1037] : memref<10000x128xf32, #tpu.memory_space<vmem_shared>> -> memref<10000x128xf32, #tpu.memory_space<vmem_shared>>
      tpu.wait_indirect_dma semaphore(%arg14 : memref<!tpu.dma_semaphore, #tpu.memory_space<semaphore_mem>>) src(%arg9 : memref<80x128xf32, #tpu.memory_space<vmem>>) dst(%dma_wait3A_1038 : memref<10000x128xf32, #tpu.memory_space<vmem_shared>>)
      %dma_wait3A_1039 = arith.constant 4 : i32
      %dma_wait3A_1040 = arith.constant 1 : i32
      %dma_wait3A_1041 = arith.constant 0 : i32
      %dma_wait3A_1042 = tpu.memref_slice %arg7[%dma_wait3A_1039, %dma_wait3A_1040, %dma_wait3A_1041] : memref<5x2x80xi32, #tpu.memory_space<vmem>> -> memref<1x1x80xi32, #tpu.memory_space<vmem>>
      %dma_wait3A_1043 = tpu.memref_squeeze %dma_wait3A_1042 : memref<1x1x80xi32, #tpu.memory_space<vmem>> -> memref<80xi32, #tpu.memory_space<vmem>>
      %dma_wait3A_1044 = arith.constant 0 : i32
      %dma_wait3A_1045 = arith.constant 0 : i32
      %dma_wait3A_1046 = tpu.memref_slice %arg11[%dma_wait3A_1044, %dma_wait3A_1045] : memref<10000x128xf32, #tpu.memory_space<vmem_shared>> -> memref<10000x128xf32, #tpu.memory_space<vmem_shared>>
      tpu.wait_indirect_dma semaphore(%arg14 : memref<!tpu.dma_semaphore, #tpu.memory_space<semaphore_mem>>) src(%arg8 : memref<80x128xf32, #tpu.memory_space<vmem>>) dst(%dma_wait3A_1046 : memref<10000x128xf32, #tpu.memory_space<vmem_shared>>)
      %dma_wait3A_1047 = arith.constant 0 : i32
      %dma_wait3A_1048 = arith.constant 0 : i32
      %dma_wait3A_1049 = tpu.memref_slice %arg3[%add3A_730, %dma_wait3A_1047, %dma_wait3A_1048] : memref<4000x2x80xi32, #tpu.memory_space<hbm>> -> memref<5x2x80xi32, #tpu.memory_space<hbm>>
      %dma_wait3A_1050 = arith.constant 0 : i32
      %dma_wait3A_1051 = arith.constant 0 : i32
      %dma_wait3A_1052 = tpu.memref_slice %arg3[%add3A_730, %dma_wait3A_1050, %dma_wait3A_1051] : memref<4000x2x80xi32, #tpu.memory_space<hbm>> -> memref<5x2x80xi32, #tpu.memory_space<hbm>>
      tpu.wait_dma2 semaphore(%arg12 : memref<!tpu.dma_semaphore, #tpu.memory_space<semaphore_mem>>) src(%dma_wait3A_1052 : memref<5x2x80xi32, #tpu.memory_space<hbm>>) dst(%arg6 : memref<5x2x80xi32, #tpu.memory_space<vmem>>)
    }
    %scan3A_47 = arith.constant 12 : i32
    %add3A_48 = arith.constant 120 : i32
    %add3A_49 = arith.addi %mul3A_42, %add3A_48 : i32
    %dma_start3A = arith.constant 0 : i32
    %dma_start3A_50 = arith.constant 0 : i32
    %dma_start3A_51 = arith.constant 0 : i32
    %dma_start3A_52 = tpu.memref_slice %arg6[%dma_start3A, %dma_start3A_50, %dma_start3A_51] : memref<5x2x80xi32, #tpu.memory_space<vmem>> -> memref<1x1x80xi32, #tpu.memory_space<vmem>>
    %dma_start3A_53 = tpu.memref_squeeze %dma_start3A_52 : memref<1x1x80xi32, #tpu.memory_space<vmem>> -> memref<80xi32, #tpu.memory_space<vmem>>
    %dma_start3A_54 = arith.constant 0 : i32
    %dma_start3A_55 = arith.constant 0 : i32
    %dma_start3A_56 = tpu.memref_slice %arg2[%dma_start3A_54, %dma_start3A_55] : memref<10000x128xf32, #tpu.memory_space<hbm>> -> memref<10000x128xf32, #tpu.memory_space<hbm>>
    tpu.enqueue_indirect_dma source(%dma_start3A_56 : memref<10000x128xf32, #tpu.memory_space<hbm>>) target(%arg8 : memref<80x128xf32, #tpu.memory_space<vmem>>) offsets(%dma_start3A_53 : memref<80xi32, #tpu.memory_space<vmem>>) semaphore(%arg13 : memref<!tpu.dma_semaphore, #tpu.memory_space<semaphore_mem>>)
    %dma_start3A_57 = arith.constant 1 : i32
    %dma_start3A_58 = arith.constant 0 : i32
    %dma_start3A_59 = arith.constant 0 : i32
    %dma_start3A_60 = tpu.memref_slice %arg6[%dma_start3A_57, %dma_start3A_58, %dma_start3A_59] : memref<5x2x80xi32, #tpu.memory_space<vmem>> -> memref<1x1x80xi32, #tpu.memory_space<vmem>>
    %dma_start3A_61 = tpu.memref_squeeze %dma_start3A_60 : memref<1x1x80xi32, #tpu.memory_space<vmem>> -> memref<80xi32, #tpu.memory_space<vmem>>
    %dma_start3A_62 = arith.constant 0 : i32
    %dma_start3A_63 = arith.constant 0 : i32
    %dma_start3A_64 = tpu.memref_slice %arg2[%dma_start3A_62, %dma_start3A_63] : memref<10000x128xf32, #tpu.memory_space<hbm>> -> memref<10000x128xf32, #tpu.memory_space<hbm>>
    tpu.enqueue_indirect_dma source(%dma_start3A_64 : memref<10000x128xf32, #tpu.memory_space<hbm>>) target(%arg9 : memref<80x128xf32, #tpu.memory_space<vmem>>) offsets(%dma_start3A_61 : memref<80xi32, #tpu.memory_space<vmem>>) semaphore(%arg13 : memref<!tpu.dma_semaphore, #tpu.memory_space<semaphore_mem>>)
    %dma_wait3A = arith.constant 0 : i32
    %dma_wait3A_65 = arith.constant 0 : i32
    %dma_wait3A_66 = arith.constant 0 : i32
    %dma_wait3A_67 = tpu.memref_slice %arg6[%dma_wait3A, %dma_wait3A_65, %dma_wait3A_66] : memref<5x2x80xi32, #tpu.memory_space<vmem>> -> memref<1x1x80xi32, #tpu.memory_space<vmem>>
    %dma_wait3A_68 = tpu.memref_squeeze %dma_wait3A_67 : memref<1x1x80xi32, #tpu.memory_space<vmem>> -> memref<80xi32, #tpu.memory_space<vmem>>
    %dma_wait3A_69 = arith.constant 0 : i32
    %dma_wait3A_70 = arith.constant 0 : i32
    %dma_wait3A_71 = tpu.memref_slice %arg2[%dma_wait3A_69, %dma_wait3A_70] : memref<10000x128xf32, #tpu.memory_space<hbm>> -> memref<10000x128xf32, #tpu.memory_space<hbm>>
    tpu.wait_indirect_dma semaphore(%arg13 : memref<!tpu.dma_semaphore, #tpu.memory_space<semaphore_mem>>) src(%dma_wait3A_71 : memref<10000x128xf32, #tpu.memory_space<hbm>>) dst(%arg8 : memref<80x128xf32, #tpu.memory_space<vmem>>)
    %dma_start3A_72 = arith.constant 0 : i32
    %dma_start3A_73 = arith.constant 1 : i32
    %dma_start3A_74 = arith.constant 0 : i32
    %dma_start3A_75 = tpu.memref_slice %arg6[%dma_start3A_72, %dma_start3A_73, %dma_start3A_74] : memref<5x2x80xi32, #tpu.memory_space<vmem>> -> memref<1x1x80xi32, #tpu.memory_space<vmem>>
    %dma_start3A_76 = tpu.memref_squeeze %dma_start3A_75 : memref<1x1x80xi32, #tpu.memory_space<vmem>> -> memref<80xi32, #tpu.memory_space<vmem>>
    %dma_start3A_77 = arith.constant 0 : i32
    %dma_start3A_78 = arith.constant 0 : i32
    %dma_start3A_79 = tpu.memref_slice %arg11[%dma_start3A_77, %dma_start3A_78] : memref<10000x128xf32, #tpu.memory_space<vmem_shared>> -> memref<10000x128xf32, #tpu.memory_space<vmem_shared>>
    tpu.enqueue_indirect_dma source(%arg8 : memref<80x128xf32, #tpu.memory_space<vmem>>) target(%dma_start3A_79 : memref<10000x128xf32, #tpu.memory_space<vmem_shared>>) offsets(%dma_start3A_76 : memref<80xi32, #tpu.memory_space<vmem>>) semaphore(%arg14 : memref<!tpu.dma_semaphore, #tpu.memory_space<semaphore_mem>>) {add = true}
    %get3A = arith.constant 0 : i32
    %get3A_80 = arith.constant 1 : i32
    %get3A_81 = arith.index_cast %get3A : i32 to index
    %get3A_82 = arith.index_cast %get3A_80 : i32 to index
    %get3A_83 = arith.constant 0 : index
    %get3A_84 = tpu.vector_load %arg6[%get3A_81, %get3A_82, %get3A_83] {strides = array<i32>} : memref<5x2x80xi32, #tpu.memory_space<vmem>>, vector<16xi32>,
    tpu.vector_store_idx %arg10[%get3A_84], %broadcast_in_dim3A_40 {add = true} : memref<10000xf32, #tpu.memory_space<vmem>>[vector<16xi32>], vector<16xf32>,
    %get3A_85 = arith.constant 0 : i32
    %get3A_86 = arith.constant 1 : i32
    %get3A_87 = arith.index_cast %get3A_85 : i32 to index
    %get3A_88 = arith.index_cast %get3A_86 : i32 to index
    %get3A_89 = arith.constant 16 : index
    %get3A_90 = tpu.vector_load %arg6[%get3A_87, %get3A_88, %get3A_89] {strides = array<i32>} : memref<5x2x80xi32, #tpu.memory_space<vmem>>, vector<16xi32>,
    tpu.vector_store_idx %arg10[%get3A_90], %broadcast_in_dim3A_40 {add = true} : memref<10000xf32, #tpu.memory_space<vmem>>[vector<16xi32>], vector<16xf32>,
    %get3A_91 = arith.constant 0 : i32
    %get3A_92 = arith.constant 1 : i32
    %get3A_93 = arith.index_cast %get3A_91 : i32 to index
    %get3A_94 = arith.index_cast %get3A_92 : i32 to index
    %get3A_95 = arith.constant 32 : index
    %get3A_96 = tpu.vector_load %arg6[%get3A_93, %get3A_94, %get3A_95] {strides = array<i32>} : memref<5x2x80xi32, #tpu.memory_space<vmem>>, vector<16xi32>,
    tpu.vector_store_idx %arg10[%get3A_96], %broadcast_in_dim3A_40 {add = true} : memref<10000xf32, #tpu.memory_space<vmem>>[vector<16xi32>], vector<16xf32>,
    %get3A_97 = arith.constant 0 : i32
    %get3A_98 = arith.constant 1 : i32
    %get3A_99 = arith.index_cast %get3A_97 : i32 to index
    %get3A_100 = arith.index_cast %get3A_98 : i32 to index
    %get3A_101 = arith.constant 48 : index
    %get3A_102 = tpu.vector_load %arg6[%get3A_99, %get3A_100, %get3A_101] {strides = array<i32>} : memref<5x2x80xi32, #tpu.memory_space<vmem>>, vector<16xi32>,
    tpu.vector_store_idx %arg10[%get3A_102], %broadcast_in_dim3A_40 {add = true} : memref<10000xf32, #tpu.memory_space<vmem>>[vector<16xi32>], vector<16xf32>,
    %get3A_103 = arith.constant 0 : i32
    %get3A_104 = arith.constant 1 : i32
    %get3A_105 = arith.index_cast %get3A_103 : i32 to index
    %get3A_106 = arith.index_cast %get3A_104 : i32 to index
    %get3A_107 = arith.constant 64 : index
    %get3A_108 = tpu.vector_load %arg6[%get3A_105, %get3A_106, %get3A_107] {strides = array<i32>} : memref<5x2x80xi32, #tpu.memory_space<vmem>>, vector<16xi32>,
    tpu.vector_store_idx %arg10[%get3A_108], %broadcast_in_dim3A_40 {add = true} : memref<10000xf32, #tpu.memory_space<vmem>>[vector<16xi32>], vector<16xf32>,
    %dma_wait3A_109 = arith.constant 0 : i32
    %dma_wait3A_110 = arith.constant 1 : i32
    %dma_wait3A_111 = arith.constant 0 : i32
    %dma_wait3A_112 = tpu.memref_slice %arg6[%dma_wait3A_109, %dma_wait3A_110, %dma_wait3A_111] : memref<5x2x80xi32, #tpu.memory_space<vmem>> -> memref<1x1x80xi32, #tpu.memory_space<vmem>>
    %dma_wait3A_113 = tpu.memref_squeeze %dma_wait3A_112 : memref<1x1x80xi32, #tpu.memory_space<vmem>> -> memref<80xi32, #tpu.memory_space<vmem>>
    %dma_wait3A_114 = arith.constant 0 : i32
    %dma_wait3A_115 = arith.constant 0 : i32
    %dma_wait3A_116 = tpu.memref_slice %arg11[%dma_wait3A_114, %dma_wait3A_115] : memref<10000x128xf32, #tpu.memory_space<vmem_shared>> -> memref<10000x128xf32, #tpu.memory_space<vmem_shared>>
    tpu.wait_indirect_dma semaphore(%arg14 : memref<!tpu.dma_semaphore, #tpu.memory_space<semaphore_mem>>) src(%arg8 : memref<80x128xf32, #tpu.memory_space<vmem>>) dst(%dma_wait3A_116 : memref<10000x128xf32, #tpu.memory_space<vmem_shared>>)
    %dma_start3A_117 = arith.constant 2 : i32
    %dma_start3A_118 = arith.constant 0 : i32
    %dma_start3A_119 = arith.constant 0 : i32
    %dma_start3A_120 = tpu.memref_slice %arg6[%dma_start3A_117, %dma_start3A_118, %dma_start3A_119] : memref<5x2x80xi32, #tpu.memory_space<vmem>> -> memref<1x1x80xi32, #tpu.memory_space<vmem>>
    %dma_start3A_121 = tpu.memref_squeeze %dma_start3A_120 : memref<1x1x80xi32, #tpu.memory_space<vmem>> -> memref<80xi32, #tpu.memory_space<vmem>>
    %dma_start3A_122 = arith.constant 0 : i32
    %dma_start3A_123 = arith.constant 0 : i32
    %dma_start3A_124 = tpu.memref_slice %arg2[%dma_start3A_122, %dma_start3A_123] : memref<10000x128xf32, #tpu.memory_space<hbm>> -> memref<10000x128xf32, #tpu.memory_space<hbm>>
    tpu.enqueue_indirect_dma source(%dma_start3A_124 : memref<10000x128xf32, #tpu.memory_space<hbm>>) target(%arg8 : memref<80x128xf32, #tpu.memory_space<vmem>>) offsets(%dma_start3A_121 : memref<80xi32, #tpu.memory_space<vmem>>) semaphore(%arg13 : memref<!tpu.dma_semaphore, #tpu.memory_space<semaphore_mem>>)
    %dma_wait3A_125 = arith.constant 1 : i32
    %dma_wait3A_126 = arith.constant 0 : i32
    %dma_wait3A_127 = arith.constant 0 : i32
    %dma_wait3A_128 = tpu.memref_slice %arg6[%dma_wait3A_125, %dma_wait3A_126, %dma_wait3A_127] : memref<5x2x80xi32, #tpu.memory_space<vmem>> -> memref<1x1x80xi32, #tpu.memory_space<vmem>>
    %dma_wait3A_129 = tpu.memref_squeeze %dma_wait3A_128 : memref<1x1x80xi32, #tpu.memory_space<vmem>> -> memref<80xi32, #tpu.memory_space<vmem>>
    %dma_wait3A_130 = arith.constant 0 : i32
    %dma_wait3A_131 = arith.constant 0 : i32
    %dma_wait3A_132 = tpu.memref_slice %arg2[%dma_wait3A_130, %dma_wait3A_131] : memref<10000x128xf32, #tpu.memory_space<hbm>> -> memref<10000x128xf32, #tpu.memory_space<hbm>>
    tpu.wait_indirect_dma semaphore(%arg13 : memref<!tpu.dma_semaphore, #tpu.memory_space<semaphore_mem>>) src(%dma_wait3A_132 : memref<10000x128xf32, #tpu.memory_space<hbm>>) dst(%arg9 : memref<80x128xf32, #tpu.memory_space<vmem>>)
    %dma_start3A_133 = arith.constant 1 : i32
    %dma_start3A_134 = arith.constant 1 : i32
    %dma_start3A_135 = arith.constant 0 : i32
    %dma_start3A_136 = tpu.memref_slice %arg6[%dma_start3A_133, %dma_start3A_134, %dma_start3A_135] : memref<5x2x80xi32, #tpu.memory_space<vmem>> -> memref<1x1x80xi32, #tpu.memory_space<vmem>>
    %dma_start3A_137 = tpu.memref_squeeze %dma_start3A_136 : memref<1x1x80xi32, #tpu.memory_space<vmem>> -> memref<80xi32, #tpu.memory_space<vmem>>
    %dma_start3A_138 = arith.constant 0 : i32
    %dma_start3A_139 = arith.constant 0 : i32
    %dma_start3A_140 = tpu.memref_slice %arg11[%dma_start3A_138, %dma_start3A_139] : memref<10000x128xf32, #tpu.memory_space<vmem_shared>> -> memref<10000x128xf32, #tpu.memory_space<vmem_shared>>
    tpu.enqueue_indirect_dma source(%arg9 : memref<80x128xf32, #tpu.memory_space<vmem>>) target(%dma_start3A_140 : memref<10000x128xf32, #tpu.memory_space<vmem_shared>>) offsets(%dma_start3A_137 : memref<80xi32, #tpu.memory_space<vmem>>) semaphore(%arg14 : memref<!tpu.dma_semaphore, #tpu.memory_space<semaphore_mem>>) {add = true}
    %get3A_141 = arith.constant 1 : i32
    %get3A_142 = arith.constant 1 : i32
    %get3A_143 = arith.index_cast %get3A_141 : i32 to index
    %get3A_144 = arith.index_cast %get3A_142 : i32 to index
    %get3A_145 = arith.constant 0 : index
    %get3A_146 = tpu.vector_load %arg6[%get3A_143, %get3A_144, %get3A_145] {strides = array<i32>} : memref<5x2x80xi32, #tpu.memory_space<vmem>>, vector<16xi32>,
    tpu.vector_store_idx %arg10[%get3A_146], %broadcast_in_dim3A_40 {add = true} : memref<10000xf32, #tpu.memory_space<vmem>>[vector<16xi32>], vector<16xf32>,
    %get3A_147 = arith.constant 1 : i32
    %get3A_148 = arith.constant 1 : i32
    %get3A_149 = arith.index_cast %get3A_147 : i32 to index
    %get3A_150 = arith.index_cast %get3A_148 : i32 to index
    %get3A_151 = arith.constant 16 : index
    %get3A_152 = tpu.vector_load %arg6[%get3A_149, %get3A_150, %get3A_151] {strides = array<i32>} : memref<5x2x80xi32, #tpu.memory_space<vmem>>, vector<16xi32>,
    tpu.vector_store_idx %arg10[%get3A_152], %broadcast_in_dim3A_40 {add = true} : memref<10000xf32, #tpu.memory_space<vmem>>[vector<16xi32>], vector<16xf32>,
    %get3A_153 = arith.constant 1 : i32
    %get3A_154 = arith.constant 1 : i32
    %get3A_155 = arith.index_cast %get3A_153 : i32 to index
    %get3A_156 = arith.index_cast %get3A_154 : i32 to index
    %get3A_157 = arith.constant 32 : index
    %get3A_158 = tpu.vector_load %arg6[%get3A_155, %get3A_156, %get3A_157] {strides = array<i32>} : memref<5x2x80xi32, #tpu.memory_space<vmem>>, vector<16xi32>,
    tpu.vector_store_idx %arg10[%get3A_158], %broadcast_in_dim3A_40 {add = true} : memref<10000xf32, #tpu.memory_space<vmem>>[vector<16xi32>], vector<16xf32>,
    %get3A_159 = arith.constant 1 : i32
    %get3A_160 = arith.constant 1 : i32
    %get3A_161 = arith.index_cast %get3A_159 : i32 to index
    %get3A_162 = arith.index_cast %get3A_160 : i32 to index
    %get3A_163 = arith.constant 48 : index
    %get3A_164 = tpu.vector_load %arg6[%get3A_161, %get3A_162, %get3A_163] {strides = array<i32>} : memref<5x2x80xi32, #tpu.memory_space<vmem>>, vector<16xi32>,
    tpu.vector_store_idx %arg10[%get3A_164], %broadcast_in_dim3A_40 {add = true} : memref<10000xf32, #tpu.memory_space<vmem>>[vector<16xi32>], vector<16xf32>,
    %get3A_165 = arith.constant 1 : i32
    %get3A_166 = arith.constant 1 : i32
    %get3A_167 = arith.index_cast %get3A_165 : i32 to index
    %get3A_168 = arith.index_cast %get3A_166 : i32 to index
    %get3A_169 = arith.constant 64 : index
    %get3A_170 = tpu.vector_load %arg6[%get3A_167, %get3A_168, %get3A_169] {strides = array<i32>} : memref<5x2x80xi32, #tpu.memory_space<vmem>>, vector<16xi32>,
    tpu.vector_store_idx %arg10[%get3A_170], %broadcast_in_dim3A_40 {add = true} : memref<10000xf32, #tpu.memory_space<vmem>>[vector<16xi32>], vector<16xf32>,
    %dma_wait3A_171 = arith.constant 1 : i32
    %dma_wait3A_172 = arith.constant 1 : i32
    %dma_wait3A_173 = arith.constant 0 : i32
    %dma_wait3A_174 = tpu.memref_slice %arg6[%dma_wait3A_171, %dma_wait3A_172, %dma_wait3A_173] : memref<5x2x80xi32, #tpu.memory_space<vmem>> -> memref<1x1x80xi32, #tpu.memory_space<vmem>>
    %dma_wait3A_175 = tpu.memref_squeeze %dma_wait3A_174 : memref<1x1x80xi32, #tpu.memory_space<vmem>> -> memref<80xi32, #tpu.memory_space<vmem>>
    %dma_wait3A_176 = arith.constant 0 : i32
    %dma_wait3A_177 = arith.constant 0 : i32
    %dma_wait3A_178 = tpu.memref_slice %arg11[%dma_wait3A_176, %dma_wait3A_177] : memref<10000x128xf32, #tpu.memory_space<vmem_shared>> -> memref<10000x128xf32, #tpu.memory_space<vmem_shared>>
    tpu.wait_indirect_dma semaphore(%arg14 : memref<!tpu.dma_semaphore, #tpu.memory_space<semaphore_mem>>) src(%arg9 : memref<80x128xf32, #tpu.memory_space<vmem>>) dst(%dma_wait3A_178 : memref<10000x128xf32, #tpu.memory_space<vmem_shared>>)
    %dma_start3A_179 = arith.constant 3 : i32
    %dma_start3A_180 = arith.constant 0 : i32
    %dma_start3A_181 = arith.constant 0 : i32
    %dma_start3A_182 = tpu.memref_slice %arg6[%dma_start3A_179, %dma_start3A_180, %dma_start3A_181] : memref<5x2x80xi32, #tpu.memory_space<vmem>> -> memref<1x1x80xi32, #tpu.memory_space<vmem>>
    %dma_start3A_183 = tpu.memref_squeeze %dma_start3A_182 : memref<1x1x80xi32, #tpu.memory_space<vmem>> -> memref<80xi32, #tpu.memory_space<vmem>>
    %dma_start3A_184 = arith.constant 0 : i32
    %dma_start3A_185 = arith.constant 0 : i32
    %dma_start3A_186 = tpu.memref_slice %arg2[%dma_start3A_184, %dma_start3A_185] : memref<10000x128xf32, #tpu.memory_space<hbm>> -> memref<10000x128xf32, #tpu.memory_space<hbm>>
    tpu.enqueue_indirect_dma source(%dma_start3A_186 : memref<10000x128xf32, #tpu.memory_space<hbm>>) target(%arg9 : memref<80x128xf32, #tpu.memory_space<vmem>>) offsets(%dma_start3A_183 : memref<80xi32, #tpu.memory_space<vmem>>) semaphore(%arg13 : memref<!tpu.dma_semaphore, #tpu.memory_space<semaphore_mem>>)
    %dma_wait3A_187 = arith.constant 2 : i32
    %dma_wait3A_188 = arith.constant 0 : i32
    %dma_wait3A_189 = arith.constant 0 : i32
    %dma_wait3A_190 = tpu.memref_slice %arg6[%dma_wait3A_187, %dma_wait3A_188, %dma_wait3A_189] : memref<5x2x80xi32, #tpu.memory_space<vmem>> -> memref<1x1x80xi32, #tpu.memory_space<vmem>>
    %dma_wait3A_191 = tpu.memref_squeeze %dma_wait3A_190 : memref<1x1x80xi32, #tpu.memory_space<vmem>> -> memref<80xi32, #tpu.memory_space<vmem>>
    %dma_wait3A_192 = arith.constant 0 : i32
    %dma_wait3A_193 = arith.constant 0 : i32
    %dma_wait3A_194 = tpu.memref_slice %arg2[%dma_wait3A_192, %dma_wait3A_193] : memref<10000x128xf32, #tpu.memory_space<hbm>> -> memref<10000x128xf32, #tpu.memory_space<hbm>>
    tpu.wait_indirect_dma semaphore(%arg13 : memref<!tpu.dma_semaphore, #tpu.memory_space<semaphore_mem>>) src(%dma_wait3A_194 : memref<10000x128xf32, #tpu.memory_space<hbm>>) dst(%arg8 : memref<80x128xf32, #tpu.memory_space<vmem>>)
    %dma_start3A_195 = arith.constant 2 : i32
    %dma_start3A_196 = arith.constant 1 : i32
    %dma_start3A_197 = arith.constant 0 : i32
    %dma_start3A_198 = tpu.memref_slice %arg6[%dma_start3A_195, %dma_start3A_196, %dma_start3A_197] : memref<5x2x80xi32, #tpu.memory_space<vmem>> -> memref<1x1x80xi32, #tpu.memory_space<vmem>>
    %dma_start3A_199 = tpu.memref_squeeze %dma_start3A_198 : memref<1x1x80xi32, #tpu.memory_space<vmem>> -> memref<80xi32, #tpu.memory_space<vmem>>
    %dma_start3A_200 = arith.constant 0 : i32
    %dma_start3A_201 = arith.constant 0 : i32
    %dma_start3A_202 = tpu.memref_slice %arg11[%dma_start3A_200, %dma_start3A_201] : memref<10000x128xf32, #tpu.memory_space<vmem_shared>> -> memref<10000x128xf32, #tpu.memory_space<vmem_shared>>
    tpu.enqueue_indirect_dma source(%arg8 : memref<80x128xf32, #tpu.memory_space<vmem>>) target(%dma_start3A_202 : memref<10000x128xf32, #tpu.memory_space<vmem_shared>>) offsets(%dma_start3A_199 : memref<80xi32, #tpu.memory_space<vmem>>) semaphore(%arg14 : memref<!tpu.dma_semaphore, #tpu.memory_space<semaphore_mem>>) {add = true}
    %get3A_203 = arith.constant 2 : i32
    %get3A_204 = arith.constant 1 : i32
    %get3A_205 = arith.index_cast %get3A_203 : i32 to index
    %get3A_206 = arith.index_cast %get3A_204 : i32 to index
    %get3A_207 = arith.constant 0 : index
    %get3A_208 = tpu.vector_load %arg6[%get3A_205, %get3A_206, %get3A_207] {strides = array<i32>} : memref<5x2x80xi32, #tpu.memory_space<vmem>>, vector<16xi32>,
    tpu.vector_store_idx %arg10[%get3A_208], %broadcast_in_dim3A_40 {add = true} : memref<10000xf32, #tpu.memory_space<vmem>>[vector<16xi32>], vector<16xf32>,
    %get3A_209 = arith.constant 2 : i32
    %get3A_210 = arith.constant 1 : i32
    %get3A_211 = arith.index_cast %get3A_209 : i32 to index
    %get3A_212 = arith.index_cast %get3A_210 : i32 to index
    %get3A_213 = arith.constant 16 : index
    %get3A_214 = tpu.vector_load %arg6[%get3A_211, %get3A_212, %get3A_213] {strides = array<i32>} : memref<5x2x80xi32, #tpu.memory_space<vmem>>, vector<16xi32>,
    tpu.vector_store_idx %arg10[%get3A_214], %broadcast_in_dim3A_40 {add = true} : memref<10000xf32, #tpu.memory_space<vmem>>[vector<16xi32>], vector<16xf32>,
    %get3A_215 = arith.constant 2 : i32
    %get3A_216 = arith.constant 1 : i32
    %get3A_217 = arith.index_cast %get3A_215 : i32 to index
    %get3A_218 = arith.index_cast %get3A_216 : i32 to index
    %get3A_219 = arith.constant 32 : index
    %get3A_220 = tpu.vector_load %arg6[%get3A_217, %get3A_218, %get3A_219] {strides = array<i32>} : memref<5x2x80xi32, #tpu.memory_space<vmem>>, vector<16xi32>,
    tpu.vector_store_idx %arg10[%get3A_220], %broadcast_in_dim3A_40 {add = true} : memref<10000xf32, #tpu.memory_space<vmem>>[vector<16xi32>], vector<16xf32>,
    %get3A_221 = arith.constant 2 : i32
    %get3A_222 = arith.constant 1 : i32
    %get3A_223 = arith.index_cast %get3A_221 : i32 to index
    %get3A_224 = arith.index_cast %get3A_222 : i32 to index
    %get3A_225 = arith.constant 48 : index
    %get3A_226 = tpu.vector_load %arg6[%get3A_223, %get3A_224, %get3A_225] {strides = array<i32>} : memref<5x2x80xi32, #tpu.memory_space<vmem>>, vector<16xi32>,
    tpu.vector_store_idx %arg10[%get3A_226], %broadcast_in_dim3A_40 {add = true} : memref<10000xf32, #tpu.memory_space<vmem>>[vector<16xi32>], vector<16xf32>,
    %get3A_227 = arith.constant 2 : i32
    %get3A_228 = arith.constant 1 : i32
    %get3A_229 = arith.index_cast %get3A_227 : i32 to index
    %get3A_230 = arith.index_cast %get3A_228 : i32 to index
    %get3A_231 = arith.constant 64 : index
    %get3A_232 = tpu.vector_load %arg6[%get3A_229, %get3A_230, %get3A_231] {strides = array<i32>} : memref<5x2x80xi32, #tpu.memory_space<vmem>>, vector<16xi32>,
    tpu.vector_store_idx %arg10[%get3A_232], %broadcast_in_dim3A_40 {add = true} : memref<10000xf32, #tpu.memory_space<vmem>>[vector<16xi32>], vector<16xf32>,
    %dma_wait3A_233 = arith.constant 2 : i32
    %dma_wait3A_234 = arith.constant 1 : i32
    %dma_wait3A_235 = arith.constant 0 : i32
    %dma_wait3A_236 = tpu.memref_slice %arg6[%dma_wait3A_233, %dma_wait3A_234, %dma_wait3A_235] : memref<5x2x80xi32, #tpu.memory_space<vmem>> -> memref<1x1x80xi32, #tpu.memory_space<vmem>>
    %dma_wait3A_237 = tpu.memref_squeeze %dma_wait3A_236 : memref<1x1x80xi32, #tpu.memory_space<vmem>> -> memref<80xi32, #tpu.memory_space<vmem>>
    %dma_wait3A_238 = arith.constant 0 : i32
    %dma_wait3A_239 = arith.constant 0 : i32
    %dma_wait3A_240 = tpu.memref_slice %arg11[%dma_wait3A_238, %dma_wait3A_239] : memref<10000x128xf32, #tpu.memory_space<vmem_shared>> -> memref<10000x128xf32, #tpu.memory_space<vmem_shared>>
    tpu.wait_indirect_dma semaphore(%arg14 : memref<!tpu.dma_semaphore, #tpu.memory_space<semaphore_mem>>) src(%arg8 : memref<80x128xf32, #tpu.memory_space<vmem>>) dst(%dma_wait3A_240 : memref<10000x128xf32, #tpu.memory_space<vmem_shared>>)
    %dma_start3A_241 = arith.constant 4 : i32
    %dma_start3A_242 = arith.constant 0 : i32
    %dma_start3A_243 = arith.constant 0 : i32
    %dma_start3A_244 = tpu.memref_slice %arg6[%dma_start3A_241, %dma_start3A_242, %dma_start3A_243] : memref<5x2x80xi32, #tpu.memory_space<vmem>> -> memref<1x1x80xi32, #tpu.memory_space<vmem>>
    %dma_start3A_245 = tpu.memref_squeeze %dma_start3A_244 : memref<1x1x80xi32, #tpu.memory_space<vmem>> -> memref<80xi32, #tpu.memory_space<vmem>>
    %dma_start3A_246 = arith.constant 0 : i32
    %dma_start3A_247 = arith.constant 0 : i32
    %dma_start3A_248 = tpu.memref_slice %arg2[%dma_start3A_246, %dma_start3A_247] : memref<10000x128xf32, #tpu.memory_space<hbm>> -> memref<10000x128xf32, #tpu.memory_space<hbm>>
    tpu.enqueue_indirect_dma source(%dma_start3A_248 : memref<10000x128xf32, #tpu.memory_space<hbm>>) target(%arg8 : memref<80x128xf32, #tpu.memory_space<vmem>>) offsets(%dma_start3A_245 : memref<80xi32, #tpu.memory_space<vmem>>) semaphore(%arg13 : memref<!tpu.dma_semaphore, #tpu.memory_space<semaphore_mem>>)
    %dma_wait3A_249 = arith.constant 3 : i32
    %dma_wait3A_250 = arith.constant 0 : i32
    %dma_wait3A_251 = arith.constant 0 : i32
    %dma_wait3A_252 = tpu.memref_slice %arg6[%dma_wait3A_249, %dma_wait3A_250, %dma_wait3A_251] : memref<5x2x80xi32, #tpu.memory_space<vmem>> -> memref<1x1x80xi32, #tpu.memory_space<vmem>>
    %dma_wait3A_253 = tpu.memref_squeeze %dma_wait3A_252 : memref<1x1x80xi32, #tpu.memory_space<vmem>> -> memref<80xi32, #tpu.memory_space<vmem>>
    %dma_wait3A_254 = arith.constant 0 : i32
    %dma_wait3A_255 = arith.constant 0 : i32
    %dma_wait3A_256 = tpu.memref_slice %arg2[%dma_wait3A_254, %dma_wait3A_255] : memref<10000x128xf32, #tpu.memory_space<hbm>> -> memref<10000x128xf32, #tpu.memory_space<hbm>>
    tpu.wait_indirect_dma semaphore(%arg13 : memref<!tpu.dma_semaphore, #tpu.memory_space<semaphore_mem>>) src(%dma_wait3A_256 : memref<10000x128xf32, #tpu.memory_space<hbm>>) dst(%arg9 : memref<80x128xf32, #tpu.memory_space<vmem>>)
    %dma_start3A_257 = arith.constant 3 : i32
    %dma_start3A_258 = arith.constant 1 : i32
    %dma_start3A_259 = arith.constant 0 : i32
    %dma_start3A_260 = tpu.memref_slice %arg6[%dma_start3A_257, %dma_start3A_258, %dma_start3A_259] : memref<5x2x80xi32, #tpu.memory_space<vmem>> -> memref<1x1x80xi32, #tpu.memory_space<vmem>>
    %dma_start3A_261 = tpu.memref_squeeze %dma_start3A_260 : memref<1x1x80xi32, #tpu.memory_space<vmem>> -> memref<80xi32, #tpu.memory_space<vmem>>
    %dma_start3A_262 = arith.constant 0 : i32
    %dma_start3A_263 = arith.constant 0 : i32
    %dma_start3A_264 = tpu.memref_slice %arg11[%dma_start3A_262, %dma_start3A_263] : memref<10000x128xf32, #tpu.memory_space<vmem_shared>> -> memref<10000x128xf32, #tpu.memory_space<vmem_shared>>
    tpu.enqueue_indirect_dma source(%arg9 : memref<80x128xf32, #tpu.memory_space<vmem>>) target(%dma_start3A_264 : memref<10000x128xf32, #tpu.memory_space<vmem_shared>>) offsets(%dma_start3A_261 : memref<80xi32, #tpu.memory_space<vmem>>) semaphore(%arg14 : memref<!tpu.dma_semaphore, #tpu.memory_space<semaphore_mem>>) {add = true}
    %get3A_265 = arith.constant 3 : i32
    %get3A_266 = arith.constant 1 : i32
    %get3A_267 = arith.index_cast %get3A_265 : i32 to index
    %get3A_268 = arith.index_cast %get3A_266 : i32 to index
    %get3A_269 = arith.constant 0 : index
    %get3A_270 = tpu.vector_load %arg6[%get3A_267, %get3A_268, %get3A_269] {strides = array<i32>} : memref<5x2x80xi32, #tpu.memory_space<vmem>>, vector<16xi32>,
    tpu.vector_store_idx %arg10[%get3A_270], %broadcast_in_dim3A_40 {add = true} : memref<10000xf32, #tpu.memory_space<vmem>>[vector<16xi32>], vector<16xf32>,
    %get3A_271 = arith.constant 3 : i32
    %get3A_272 = arith.constant 1 : i32
    %get3A_273 = arith.index_cast %get3A_271 : i32 to index
    %get3A_274 = arith.index_cast %get3A_272 : i32 to index
    %get3A_275 = arith.constant 16 : index
    %get3A_276 = tpu.vector_load %arg6[%get3A_273, %get3A_274, %get3A_275] {strides = array<i32>} : memref<5x2x80xi32, #tpu.memory_space<vmem>>, vector<16xi32>,
    tpu.vector_store_idx %arg10[%get3A_276], %broadcast_in_dim3A_40 {add = true} : memref<10000xf32, #tpu.memory_space<vmem>>[vector<16xi32>], vector<16xf32>,
    %get3A_277 = arith.constant 3 : i32
    %get3A_278 = arith.constant 1 : i32
    %get3A_279 = arith.index_cast %get3A_277 : i32 to index
    %get3A_280 = arith.index_cast %get3A_278 : i32 to index
    %get3A_281 = arith.constant 32 : index
    %get3A_282 = tpu.vector_load %arg6[%get3A_279, %get3A_280, %get3A_281] {strides = array<i32>} : memref<5x2x80xi32, #tpu.memory_space<vmem>>, vector<16xi32>,
    tpu.vector_store_idx %arg10[%get3A_282], %broadcast_in_dim3A_40 {add = true} : memref<10000xf32, #tpu.memory_space<vmem>>[vector<16xi32>], vector<16xf32>,
    %get3A_283 = arith.constant 3 : i32
    %get3A_284 = arith.constant 1 : i32
    %get3A_285 = arith.index_cast %get3A_283 : i32 to index
    %get3A_286 = arith.index_cast %get3A_284 : i32 to index
    %get3A_287 = arith.constant 48 : index
    %get3A_288 = tpu.vector_load %arg6[%get3A_285, %get3A_286, %get3A_287] {strides = array<i32>} : memref<5x2x80xi32, #tpu.memory_space<vmem>>, vector<16xi32>,
    tpu.vector_store_idx %arg10[%get3A_288], %broadcast_in_dim3A_40 {add = true} : memref<10000xf32, #tpu.memory_space<vmem>>[vector<16xi32>], vector<16xf32>,
    %get3A_289 = arith.constant 3 : i32
    %get3A_290 = arith.constant 1 : i32
    %get3A_291 = arith.index_cast %get3A_289 : i32 to index
    %get3A_292 = arith.index_cast %get3A_290 : i32 to index
    %get3A_293 = arith.constant 64 : index
    %get3A_294 = tpu.vector_load %arg6[%get3A_291, %get3A_292, %get3A_293] {strides = array<i32>} : memref<5x2x80xi32, #tpu.memory_space<vmem>>, vector<16xi32>,
    tpu.vector_store_idx %arg10[%get3A_294], %broadcast_in_dim3A_40 {add = true} : memref<10000xf32, #tpu.memory_space<vmem>>[vector<16xi32>], vector<16xf32>,
    %dma_wait3A_295 = arith.constant 4 : i32
    %dma_wait3A_296 = arith.constant 0 : i32
    %dma_wait3A_297 = arith.constant 0 : i32
    %dma_wait3A_298 = tpu.memref_slice %arg6[%dma_wait3A_295, %dma_wait3A_296, %dma_wait3A_297] : memref<5x2x80xi32, #tpu.memory_space<vmem>> -> memref<1x1x80xi32, #tpu.memory_space<vmem>>
    %dma_wait3A_299 = tpu.memref_squeeze %dma_wait3A_298 : memref<1x1x80xi32, #tpu.memory_space<vmem>> -> memref<80xi32, #tpu.memory_space<vmem>>
    %dma_wait3A_300 = arith.constant 0 : i32
    %dma_wait3A_301 = arith.constant 0 : i32
    %dma_wait3A_302 = tpu.memref_slice %arg2[%dma_wait3A_300, %dma_wait3A_301] : memref<10000x128xf32, #tpu.memory_space<hbm>> -> memref<10000x128xf32, #tpu.memory_space<hbm>>
    tpu.wait_indirect_dma semaphore(%arg13 : memref<!tpu.dma_semaphore, #tpu.memory_space<semaphore_mem>>) src(%dma_wait3A_302 : memref<10000x128xf32, #tpu.memory_space<hbm>>) dst(%arg8 : memref<80x128xf32, #tpu.memory_space<vmem>>)
    %dma_start3A_303 = arith.constant 4 : i32
    %dma_start3A_304 = arith.constant 1 : i32
    %dma_start3A_305 = arith.constant 0 : i32
    %dma_start3A_306 = tpu.memref_slice %arg6[%dma_start3A_303, %dma_start3A_304, %dma_start3A_305] : memref<5x2x80xi32, #tpu.memory_space<vmem>> -> memref<1x1x80xi32, #tpu.memory_space<vmem>>
    %dma_start3A_307 = tpu.memref_squeeze %dma_start3A_306 : memref<1x1x80xi32, #tpu.memory_space<vmem>> -> memref<80xi32, #tpu.memory_space<vmem>>
    %dma_start3A_308 = arith.constant 0 : i32
    %dma_start3A_309 = arith.constant 0 : i32
    %dma_start3A_310 = tpu.memref_slice %arg11[%dma_start3A_308, %dma_start3A_309] : memref<10000x128xf32, #tpu.memory_space<vmem_shared>> -> memref<10000x128xf32, #tpu.memory_space<vmem_shared>>
    tpu.enqueue_indirect_dma source(%arg8 : memref<80x128xf32, #tpu.memory_space<vmem>>) target(%dma_start3A_310 : memref<10000x128xf32, #tpu.memory_space<vmem_shared>>) offsets(%dma_start3A_307 : memref<80xi32, #tpu.memory_space<vmem>>) semaphore(%arg14 : memref<!tpu.dma_semaphore, #tpu.memory_space<semaphore_mem>>) {add = true}
    %get3A_311 = arith.constant 4 : i32
    %get3A_312 = arith.constant 1 : i32
    %get3A_313 = arith.index_cast %get3A_311 : i32 to index
    %get3A_314 = arith.index_cast %get3A_312 : i32 to index
    %get3A_315 = arith.constant 0 : index
    %get3A_316 = tpu.vector_load %arg6[%get3A_313, %get3A_314, %get3A_315] {strides = array<i32>} : memref<5x2x80xi32, #tpu.memory_space<vmem>>, vector<16xi32>,
    tpu.vector_store_idx %arg10[%get3A_316], %broadcast_in_dim3A_40 {add = true} : memref<10000xf32, #tpu.memory_space<vmem>>[vector<16xi32>], vector<16xf32>,
    %get3A_317 = arith.constant 4 : i32
    %get3A_318 = arith.constant 1 : i32
    %get3A_319 = arith.index_cast %get3A_317 : i32 to index
    %get3A_320 = arith.index_cast %get3A_318 : i32 to index
    %get3A_321 = arith.constant 16 : index
    %get3A_322 = tpu.vector_load %arg6[%get3A_319, %get3A_320, %get3A_321] {strides = array<i32>} : memref<5x2x80xi32, #tpu.memory_space<vmem>>, vector<16xi32>,
    tpu.vector_store_idx %arg10[%get3A_322], %broadcast_in_dim3A_40 {add = true} : memref<10000xf32, #tpu.memory_space<vmem>>[vector<16xi32>], vector<16xf32>,
    %get3A_323 = arith.constant 4 : i32
    %get3A_324 = arith.constant 1 : i32
    %get3A_325 = arith.index_cast %get3A_323 : i32 to index
    %get3A_326 = arith.index_cast %get3A_324 : i32 to index
    %get3A_327 = arith.constant 32 : index
    %get3A_328 = tpu.vector_load %arg6[%get3A_325, %get3A_326, %get3A_327] {strides = array<i32>} : memref<5x2x80xi32, #tpu.memory_space<vmem>>, vector<16xi32>,
    tpu.vector_store_idx %arg10[%get3A_328], %broadcast_in_dim3A_40 {add = true} : memref<10000xf32, #tpu.memory_space<vmem>>[vector<16xi32>], vector<16xf32>,
    %get3A_329 = arith.constant 4 : i32
    %get3A_330 = arith.constant 1 : i32
    %get3A_331 = arith.index_cast %get3A_329 : i32 to index
    %get3A_332 = arith.index_cast %get3A_330 : i32 to index
    %get3A_333 = arith.constant 48 : index
    %get3A_334 = tpu.vector_load %arg6[%get3A_331, %get3A_332, %get3A_333] {strides = array<i32>} : memref<5x2x80xi32, #tpu.memory_space<vmem>>, vector<16xi32>,
    tpu.vector_store_idx %arg10[%get3A_334], %broadcast_in_dim3A_40 {add = true} : memref<10000xf32, #tpu.memory_space<vmem>>[vector<16xi32>], vector<16xf32>,
    %get3A_335 = arith.constant 4 : i32
    %get3A_336 = arith.constant 1 : i32
    %get3A_337 = arith.index_cast %get3A_335 : i32 to index
    %get3A_338 = arith.index_cast %get3A_336 : i32 to index
    %get3A_339 = arith.constant 64 : index
    %get3A_340 = tpu.vector_load %arg6[%get3A_337, %get3A_338, %get3A_339] {strides = array<i32>} : memref<5x2x80xi32, #tpu.memory_space<vmem>>, vector<16xi32>,
    tpu.vector_store_idx %arg10[%get3A_340], %broadcast_in_dim3A_40 {add = true} : memref<10000xf32, #tpu.memory_space<vmem>>[vector<16xi32>], vector<16xf32>,
    %dma_wait3A_341 = arith.constant 3 : i32
    %dma_wait3A_342 = arith.constant 1 : i32
    %dma_wait3A_343 = arith.constant 0 : i32
    %dma_wait3A_344 = tpu.memref_slice %arg6[%dma_wait3A_341, %dma_wait3A_342, %dma_wait3A_343] : memref<5x2x80xi32, #tpu.memory_space<vmem>> -> memref<1x1x80xi32, #tpu.memory_space<vmem>>
    %dma_wait3A_345 = tpu.memref_squeeze %dma_wait3A_344 : memref<1x1x80xi32, #tpu.memory_space<vmem>> -> memref<80xi32, #tpu.memory_space<vmem>>
    %dma_wait3A_346 = arith.constant 0 : i32
    %dma_wait3A_347 = arith.constant 0 : i32
    %dma_wait3A_348 = tpu.memref_slice %arg11[%dma_wait3A_346, %dma_wait3A_347] : memref<10000x128xf32, #tpu.memory_space<vmem_shared>> -> memref<10000x128xf32, #tpu.memory_space<vmem_shared>>
    tpu.wait_indirect_dma semaphore(%arg14 : memref<!tpu.dma_semaphore, #tpu.memory_space<semaphore_mem>>) src(%arg9 : memref<80x128xf32, #tpu.memory_space<vmem>>) dst(%dma_wait3A_348 : memref<10000x128xf32, #tpu.memory_space<vmem_shared>>)
    %dma_wait3A_349 = arith.constant 4 : i32
    %dma_wait3A_350 = arith.constant 1 : i32
    %dma_wait3A_351 = arith.constant 0 : i32
    %dma_wait3A_352 = tpu.memref_slice %arg6[%dma_wait3A_349, %dma_wait3A_350, %dma_wait3A_351] : memref<5x2x80xi32, #tpu.memory_space<vmem>> -> memref<1x1x80xi32, #tpu.memory_space<vmem>>
    %dma_wait3A_353 = tpu.memref_squeeze %dma_wait3A_352 : memref<1x1x80xi32, #tpu.memory_space<vmem>> -> memref<80xi32, #tpu.memory_space<vmem>>
    %dma_wait3A_354 = arith.constant 0 : i32
    %dma_wait3A_355 = arith.constant 0 : i32
    %dma_wait3A_356 = tpu.memref_slice %arg11[%dma_wait3A_354, %dma_wait3A_355] : memref<10000x128xf32, #tpu.memory_space<vmem_shared>> -> memref<10000x128xf32, #tpu.memory_space<vmem_shared>>
    tpu.wait_indirect_dma semaphore(%arg14 : memref<!tpu.dma_semaphore, #tpu.memory_space<semaphore_mem>>) src(%arg8 : memref<80x128xf32, #tpu.memory_space<vmem>>) dst(%dma_wait3A_356 : memref<10000x128xf32, #tpu.memory_space<vmem_shared>>)
    %barrier3A_357 = arith.constant 0 : index
    tpu.barrier barrier_id(%barrier3A_357)
    %mul3A_358 = arith.constant 80 : i32
    %mul3A_359 = arith.muli %arg1, %mul3A_358 : i32
    %add3A_360 = arith.constant 0 : i32
    %add3A_361 = arith.addi %mul3A_359, %add3A_360 : i32
    "tpu.region"() ({
      %run_scoped3A = tpu.sem_alloc : memref<!tpu.dma_semaphore, #tpu.memory_space<semaphore_mem>>
      %dma_start3A_393 = arith.constant 0 : i32
      %dma_start3A_394 = tpu.memref_slice %arg4[%arg0, %add3A_361, %dma_start3A_393] : memref<2x10000x128xf32, #tpu.memory_space<hbm>> -> memref<1x80x128xf32, #tpu.memory_space<hbm>>
      %dma_start3A_395 = tpu.memref_squeeze %dma_start3A_394 : memref<1x80x128xf32, #tpu.memory_space<hbm>> -> memref<80x128xf32, #tpu.memory_space<hbm>>
      %dma_start3A_396 = arith.constant 0 : i32
      %dma_start3A_397 = tpu.memref_slice %arg11[%add3A_361, %dma_start3A_396] : memref<10000x128xf32, #tpu.memory_space<vmem_shared>> -> memref<80x128xf32, #tpu.memory_space<vmem_shared>>
      tpu.enqueue_dma source(%dma_start3A_397 : memref<80x128xf32, #tpu.memory_space<vmem_shared>>) target(%dma_start3A_395 : memref<80x128xf32, #tpu.memory_space<hbm>>) target_semaphore(%run_scoped3A : memref<!tpu.dma_semaphore, #tpu.memory_space<semaphore_mem>>)
      %dma_wait3A_398 = arith.constant 0 : i32
      %dma_wait3A_399 = tpu.memref_slice %arg4[%arg0, %add3A_361, %dma_wait3A_398] : memref<2x10000x128xf32, #tpu.memory_space<hbm>> -> memref<1x80x128xf32, #tpu.memory_space<hbm>>
      %dma_wait3A_400 = tpu.memref_squeeze %dma_wait3A_399 : memref<1x80x128xf32, #tpu.memory_space<hbm>> -> memref<80x128xf32, #tpu.memory_space<hbm>>
      %dma_wait3A_401 = arith.constant 0 : i32
      %dma_wait3A_402 = tpu.memref_slice %arg11[%add3A_361, %dma_wait3A_401] : memref<10000x128xf32, #tpu.memory_space<vmem_shared>> -> memref<80x128xf32, #tpu.memory_space<vmem_shared>>
      tpu.wait_dma2 semaphore(%run_scoped3A : memref<!tpu.dma_semaphore, #tpu.memory_space<semaphore_mem>>) src(%dma_wait3A_402 : memref<80x128xf32, #tpu.memory_space<vmem_shared>>) dst(%dma_wait3A_400 : memref<80x128xf32, #tpu.memory_space<hbm>>)
      tpu.yield
    }) : () -> ()
    %mul3A_362 = arith.constant 80 : i32
    %mul3A_363 = arith.muli %arg1, %mul3A_362 : i32
    %add3A_364 = arith.constant 1280 : i32
    %add3A_365 = arith.addi %mul3A_363, %add3A_364 : i32
    "tpu.region"() ({
      %run_scoped3A = tpu.sem_alloc : memref<!tpu.dma_semaphore, #tpu.memory_space<semaphore_mem>>
      %dma_start3A_393 = arith.constant 0 : i32
      %dma_start3A_394 = tpu.memref_slice %arg4[%arg0, %add3A_365, %dma_start3A_393] : memref<2x10000x128xf32, #tpu.memory_space<hbm>> -> memref<1x80x128xf32, #tpu.memory_space<hbm>>
      %dma_start3A_395 = tpu.memref_squeeze %dma_start3A_394 : memref<1x80x128xf32, #tpu.memory_space<hbm>> -> memref<80x128xf32, #tpu.memory_space<hbm>>
      %dma_start3A_396 = arith.constant 0 : i32
      %dma_start3A_397 = tpu.memref_slice %arg11[%add3A_365, %dma_start3A_396] : memref<10000x128xf32, #tpu.memory_space<vmem_shared>> -> memref<80x128xf32, #tpu.memory_space<vmem_shared>>
      tpu.enqueue_dma source(%dma_start3A_397 : memref<80x128xf32, #tpu.memory_space<vmem_shared>>) target(%dma_start3A_395 : memref<80x128xf32, #tpu.memory_space<hbm>>) target_semaphore(%run_scoped3A : memref<!tpu.dma_semaphore, #tpu.memory_space<semaphore_mem>>)
      %dma_wait3A_398 = arith.constant 0 : i32
      %dma_wait3A_399 = tpu.memref_slice %arg4[%arg0, %add3A_365, %dma_wait3A_398] : memref<2x10000x128xf32, #tpu.memory_space<hbm>> -> memref<1x80x128xf32, #tpu.memory_space<hbm>>
      %dma_wait3A_400 = tpu.memref_squeeze %dma_wait3A_399 : memref<1x80x128xf32, #tpu.memory_space<hbm>> -> memref<80x128xf32, #tpu.memory_space<hbm>>
      %dma_wait3A_401 = arith.constant 0 : i32
      %dma_wait3A_402 = tpu.memref_slice %arg11[%add3A_365, %dma_wait3A_401] : memref<10000x128xf32, #tpu.memory_space<vmem_shared>> -> memref<80x128xf32, #tpu.memory_space<vmem_shared>>
      tpu.wait_dma2 semaphore(%run_scoped3A : memref<!tpu.dma_semaphore, #tpu.memory_space<semaphore_mem>>) src(%dma_wait3A_402 : memref<80x128xf32, #tpu.memory_space<vmem_shared>>) dst(%dma_wait3A_400 : memref<80x128xf32, #tpu.memory_space<hbm>>)
      tpu.yield
    }) : () -> ()
    %mul3A_366 = arith.constant 80 : i32
    %mul3A_367 = arith.muli %arg1, %mul3A_366 : i32
    %add3A_368 = arith.constant 2560 : i32
    %add3A_369 = arith.addi %mul3A_367, %add3A_368 : i32
    "tpu.region"() ({
      %run_scoped3A = tpu.sem_alloc : memref<!tpu.dma_semaphore, #tpu.memory_space<semaphore_mem>>
      %dma_start3A_393 = arith.constant 0 : i32
      %dma_start3A_394 = tpu.memref_slice %arg4[%arg0, %add3A_369, %dma_start3A_393] : memref<2x10000x128xf32, #tpu.memory_space<hbm>> -> memref<1x80x128xf32, #tpu.memory_space<hbm>>
      %dma_start3A_395 = tpu.memref_squeeze %dma_start3A_394 : memref<1x80x128xf32, #tpu.memory_space<hbm>> -> memref<80x128xf32, #tpu.memory_space<hbm>>
      %dma_start3A_396 = arith.constant 0 : i32
      %dma_start3A_397 = tpu.memref_slice %arg11[%add3A_369, %dma_start3A_396] : memref<10000x128xf32, #tpu.memory_space<vmem_shared>> -> memref<80x128xf32, #tpu.memory_space<vmem_shared>>
      tpu.enqueue_dma source(%dma_start3A_397 : memref<80x128xf32, #tpu.memory_space<vmem_shared>>) target(%dma_start3A_395 : memref<80x128xf32, #tpu.memory_space<hbm>>) target_semaphore(%run_scoped3A : memref<!tpu.dma_semaphore, #tpu.memory_space<semaphore_mem>>)
      %dma_wait3A_398 = arith.constant 0 : i32
      %dma_wait3A_399 = tpu.memref_slice %arg4[%arg0, %add3A_369, %dma_wait3A_398] : memref<2x10000x128xf32, #tpu.memory_space<hbm>> -> memref<1x80x128xf32, #tpu.memory_space<hbm>>
      %dma_wait3A_400 = tpu.memref_squeeze %dma_wait3A_399 : memref<1x80x128xf32, #tpu.memory_space<hbm>> -> memref<80x128xf32, #tpu.memory_space<hbm>>
      %dma_wait3A_401 = arith.constant 0 : i32
      %dma_wait3A_402 = tpu.memref_slice %arg11[%add3A_369, %dma_wait3A_401] : memref<10000x128xf32, #tpu.memory_space<vmem_shared>> -> memref<80x128xf32, #tpu.memory_space<vmem_shared>>
      tpu.wait_dma2 semaphore(%run_scoped3A : memref<!tpu.dma_semaphore, #tpu.memory_space<semaphore_mem>>) src(%dma_wait3A_402 : memref<80x128xf32, #tpu.memory_space<vmem_shared>>) dst(%dma_wait3A_400 : memref<80x128xf32, #tpu.memory_space<hbm>>)
      tpu.yield
    }) : () -> ()
    %mul3A_370 = arith.constant 80 : i32
    %mul3A_371 = arith.muli %arg1, %mul3A_370 : i32
    %add3A_372 = arith.constant 3840 : i32
    %add3A_373 = arith.addi %mul3A_371, %add3A_372 : i32
    "tpu.region"() ({
      %run_scoped3A = tpu.sem_alloc : memref<!tpu.dma_semaphore, #tpu.memory_space<semaphore_mem>>
      %dma_start3A_393 = arith.constant 0 : i32
      %dma_start3A_394 = tpu.memref_slice %arg4[%arg0, %add3A_373, %dma_start3A_393] : memref<2x10000x128xf32, #tpu.memory_space<hbm>> -> memref<1x80x128xf32, #tpu.memory_space<hbm>>
      %dma_start3A_395 = tpu.memref_squeeze %dma_start3A_394 : memref<1x80x128xf32, #tpu.memory_space<hbm>> -> memref<80x128xf32, #tpu.memory_space<hbm>>
      %dma_start3A_396 = arith.constant 0 : i32
      %dma_start3A_397 = tpu.memref_slice %arg11[%add3A_373, %dma_start3A_396] : memref<10000x128xf32, #tpu.memory_space<vmem_shared>> -> memref<80x128xf32, #tpu.memory_space<vmem_shared>>
      tpu.enqueue_dma source(%dma_start3A_397 : memref<80x128xf32, #tpu.memory_space<vmem_shared>>) target(%dma_start3A_395 : memref<80x128xf32, #tpu.memory_space<hbm>>) target_semaphore(%run_scoped3A : memref<!tpu.dma_semaphore, #tpu.memory_space<semaphore_mem>>)
      %dma_wait3A_398 = arith.constant 0 : i32
      %dma_wait3A_399 = tpu.memref_slice %arg4[%arg0, %add3A_373, %dma_wait3A_398] : memref<2x10000x128xf32, #tpu.memory_space<hbm>> -> memref<1x80x128xf32, #tpu.memory_space<hbm>>
      %dma_wait3A_400 = tpu.memref_squeeze %dma_wait3A_399 : memref<1x80x128xf32, #tpu.memory_space<hbm>> -> memref<80x128xf32, #tpu.memory_space<hbm>>
      %dma_wait3A_401 = arith.constant 0 : i32
      %dma_wait3A_402 = tpu.memref_slice %arg11[%add3A_373, %dma_wait3A_401] : memref<10000x128xf32, #tpu.memory_space<vmem_shared>> -> memref<80x128xf32, #tpu.memory_space<vmem_shared>>
      tpu.wait_dma2 semaphore(%run_scoped3A : memref<!tpu.dma_semaphore, #tpu.memory_space<semaphore_mem>>) src(%dma_wait3A_402 : memref<80x128xf32, #tpu.memory_space<vmem_shared>>) dst(%dma_wait3A_400 : memref<80x128xf32, #tpu.memory_space<hbm>>)
      tpu.yield
    }) : () -> ()
    %mul3A_374 = arith.constant 80 : i32
    %mul3A_375 = arith.muli %arg1, %mul3A_374 : i32
    %add3A_376 = arith.constant 5120 : i32
    %add3A_377 = arith.addi %mul3A_375, %add3A_376 : i32
    "tpu.region"() ({
      %run_scoped3A = tpu.sem_alloc : memref<!tpu.dma_semaphore, #tpu.memory_space<semaphore_mem>>
      %dma_start3A_393 = arith.constant 0 : i32
      %dma_start3A_394 = tpu.memref_slice %arg4[%arg0, %add3A_377, %dma_start3A_393] : memref<2x10000x128xf32, #tpu.memory_space<hbm>> -> memref<1x80x128xf32, #tpu.memory_space<hbm>>
      %dma_start3A_395 = tpu.memref_squeeze %dma_start3A_394 : memref<1x80x128xf32, #tpu.memory_space<hbm>> -> memref<80x128xf32, #tpu.memory_space<hbm>>
      %dma_start3A_396 = arith.constant 0 : i32
      %dma_start3A_397 = tpu.memref_slice %arg11[%add3A_377, %dma_start3A_396] : memref<10000x128xf32, #tpu.memory_space<vmem_shared>> -> memref<80x128xf32, #tpu.memory_space<vmem_shared>>
      tpu.enqueue_dma source(%dma_start3A_397 : memref<80x128xf32, #tpu.memory_space<vmem_shared>>) target(%dma_start3A_395 : memref<80x128xf32, #tpu.memory_space<hbm>>) target_semaphore(%run_scoped3A : memref<!tpu.dma_semaphore, #tpu.memory_space<semaphore_mem>>)
      %dma_wait3A_398 = arith.constant 0 : i32
      %dma_wait3A_399 = tpu.memref_slice %arg4[%arg0, %add3A_377, %dma_wait3A_398] : memref<2x10000x128xf32, #tpu.memory_space<hbm>> -> memref<1x80x128xf32, #tpu.memory_space<hbm>>
      %dma_wait3A_400 = tpu.memref_squeeze %dma_wait3A_399 : memref<1x80x128xf32, #tpu.memory_space<hbm>> -> memref<80x128xf32, #tpu.memory_space<hbm>>
      %dma_wait3A_401 = arith.constant 0 : i32
      %dma_wait3A_402 = tpu.memref_slice %arg11[%add3A_377, %dma_wait3A_401] : memref<10000x128xf32, #tpu.memory_space<vmem_shared>> -> memref<80x128xf32, #tpu.memory_space<vmem_shared>>
      tpu.wait_dma2 semaphore(%run_scoped3A : memref<!tpu.dma_semaphore, #tpu.memory_space<semaphore_mem>>) src(%dma_wait3A_402 : memref<80x128xf32, #tpu.memory_space<vmem_shared>>) dst(%dma_wait3A_400 : memref<80x128xf32, #tpu.memory_space<hbm>>)
      tpu.yield
    }) : () -> ()
    %mul3A_378 = arith.constant 80 : i32
    %mul3A_379 = arith.muli %arg1, %mul3A_378 : i32
    %add3A_380 = arith.constant 6400 : i32
    %add3A_381 = arith.addi %mul3A_379, %add3A_380 : i32
    "tpu.region"() ({
      %run_scoped3A = tpu.sem_alloc : memref<!tpu.dma_semaphore, #tpu.memory_space<semaphore_mem>>
      %dma_start3A_393 = arith.constant 0 : i32
      %dma_start3A_394 = tpu.memref_slice %arg4[%arg0, %add3A_381, %dma_start3A_393] : memref<2x10000x128xf32, #tpu.memory_space<hbm>> -> memref<1x80x128xf32, #tpu.memory_space<hbm>>
      %dma_start3A_395 = tpu.memref_squeeze %dma_start3A_394 : memref<1x80x128xf32, #tpu.memory_space<hbm>> -> memref<80x128xf32, #tpu.memory_space<hbm>>
      %dma_start3A_396 = arith.constant 0 : i32
      %dma_start3A_397 = tpu.memref_slice %arg11[%add3A_381, %dma_start3A_396] : memref<10000x128xf32, #tpu.memory_space<vmem_shared>> -> memref<80x128xf32, #tpu.memory_space<vmem_shared>>
      tpu.enqueue_dma source(%dma_start3A_397 : memref<80x128xf32, #tpu.memory_space<vmem_shared>>) target(%dma_start3A_395 : memref<80x128xf32, #tpu.memory_space<hbm>>) target_semaphore(%run_scoped3A : memref<!tpu.dma_semaphore, #tpu.memory_space<semaphore_mem>>)
      %dma_wait3A_398 = arith.constant 0 : i32
      %dma_wait3A_399 = tpu.memref_slice %arg4[%arg0, %add3A_381, %dma_wait3A_398] : memref<2x10000x128xf32, #tpu.memory_space<hbm>> -> memref<1x80x128xf32, #tpu.memory_space<hbm>>
      %dma_wait3A_400 = tpu.memref_squeeze %dma_wait3A_399 : memref<1x80x128xf32, #tpu.memory_space<hbm>> -> memref<80x128xf32, #tpu.memory_space<hbm>>
      %dma_wait3A_401 = arith.constant 0 : i32
      %dma_wait3A_402 = tpu.memref_slice %arg11[%add3A_381, %dma_wait3A_401] : memref<10000x128xf32, #tpu.memory_space<vmem_shared>> -> memref<80x128xf32, #tpu.memory_space<vmem_shared>>
      tpu.wait_dma2 semaphore(%run_scoped3A : memref<!tpu.dma_semaphore, #tpu.memory_space<semaphore_mem>>) src(%dma_wait3A_402 : memref<80x128xf32, #tpu.memory_space<vmem_shared>>) dst(%dma_wait3A_400 : memref<80x128xf32, #tpu.memory_space<hbm>>)
      tpu.yield
    }) : () -> ()
    %mul3A_382 = arith.constant 80 : i32
    %mul3A_383 = arith.muli %arg1, %mul3A_382 : i32
    %add3A_384 = arith.constant 7680 : i32
    %add3A_385 = arith.addi %mul3A_383, %add3A_384 : i32
    "tpu.region"() ({
      %run_scoped3A = tpu.sem_alloc : memref<!tpu.dma_semaphore, #tpu.memory_space<semaphore_mem>>
      %dma_start3A_393 = arith.constant 0 : i32
      %dma_start3A_394 = tpu.memref_slice %arg4[%arg0, %add3A_385, %dma_start3A_393] : memref<2x10000x128xf32, #tpu.memory_space<hbm>> -> memref<1x80x128xf32, #tpu.memory_space<hbm>>
      %dma_start3A_395 = tpu.memref_squeeze %dma_start3A_394 : memref<1x80x128xf32, #tpu.memory_space<hbm>> -> memref<80x128xf32, #tpu.memory_space<hbm>>
      %dma_start3A_396 = arith.constant 0 : i32
      %dma_start3A_397 = tpu.memref_slice %arg11[%add3A_385, %dma_start3A_396] : memref<10000x128xf32, #tpu.memory_space<vmem_shared>> -> memref<80x128xf32, #tpu.memory_space<vmem_shared>>
      tpu.enqueue_dma source(%dma_start3A_397 : memref<80x128xf32, #tpu.memory_space<vmem_shared>>) target(%dma_start3A_395 : memref<80x128xf32, #tpu.memory_space<hbm>>) target_semaphore(%run_scoped3A : memref<!tpu.dma_semaphore, #tpu.memory_space<semaphore_mem>>)
      %dma_wait3A_398 = arith.constant 0 : i32
      %dma_wait3A_399 = tpu.memref_slice %arg4[%arg0, %add3A_385, %dma_wait3A_398] : memref<2x10000x128xf32, #tpu.memory_space<hbm>> -> memref<1x80x128xf32, #tpu.memory_space<hbm>>
      %dma_wait3A_400 = tpu.memref_squeeze %dma_wait3A_399 : memref<1x80x128xf32, #tpu.memory_space<hbm>> -> memref<80x128xf32, #tpu.memory_space<hbm>>
      %dma_wait3A_401 = arith.constant 0 : i32
      %dma_wait3A_402 = tpu.memref_slice %arg11[%add3A_385, %dma_wait3A_401] : memref<10000x128xf32, #tpu.memory_space<vmem_shared>> -> memref<80x128xf32, #tpu.memory_space<vmem_shared>>
      tpu.wait_dma2 semaphore(%run_scoped3A : memref<!tpu.dma_semaphore, #tpu.memory_space<semaphore_mem>>) src(%dma_wait3A_402 : memref<80x128xf32, #tpu.memory_space<vmem_shared>>) dst(%dma_wait3A_400 : memref<80x128xf32, #tpu.memory_space<hbm>>)
      tpu.yield
    }) : () -> ()
    %lt3A_386 = arith.constant 13 : i32
    %lt3A_387 = arith.cmpi slt, %arg1, %lt3A_386 : i32
    %convert_element_type3A_388 = arith.extui %lt3A_387 : i1 to i32
    %cond3A_389 = arith.constant 0 : i32
    %cond3A_390 = arith.cmpi ne, %convert_element_type3A_388, %cond3A_389 : i32
    scf.if %cond3A_390 {
      %mul3A_393 = arith.constant 80 : i32
      %mul3A_394 = arith.muli %arg1, %mul3A_393 : i32
      %add3A_395 = arith.constant 8960 : i32
      %add3A_396 = arith.addi %add3A_395, %mul3A_394 : i32
      "tpu.region"() ({
        %run_scoped3A = tpu.sem_alloc : memref<!tpu.dma_semaphore, #tpu.memory_space<semaphore_mem>>
        %dma_start3A_397 = arith.constant 0 : i32
        %dma_start3A_398 = tpu.memref_slice %arg4[%arg0, %add3A_396, %dma_start3A_397] : memref<2x10000x128xf32, #tpu.memory_space<hbm>> -> memref<1x80x128xf32, #tpu.memory_space<hbm>>
        %dma_start3A_399 = tpu.memref_squeeze %dma_start3A_398 : memref<1x80x128xf32, #tpu.memory_space<hbm>> -> memref<80x128xf32, #tpu.memory_space<hbm>>
        %dma_start3A_400 = arith.constant 0 : i32
        %dma_start3A_401 = tpu.memref_slice %arg11[%add3A_396, %dma_start3A_400] : memref<10000x128xf32, #tpu.memory_space<vmem_shared>> -> memref<80x128xf32, #tpu.memory_space<vmem_shared>>
        tpu.enqueue_dma source(%dma_start3A_401 : memref<80x128xf32, #tpu.memory_space<vmem_shared>>) target(%dma_start3A_399 : memref<80x128xf32, #tpu.memory_space<hbm>>) target_semaphore(%run_scoped3A : memref<!tpu.dma_semaphore, #tpu.memory_space<semaphore_mem>>)
        %dma_wait3A_402 = arith.constant 0 : i32
        %dma_wait3A_403 = tpu.memref_slice %arg4[%arg0, %add3A_396, %dma_wait3A_402] : memref<2x10000x128xf32, #tpu.memory_space<hbm>> -> memref<1x80x128xf32, #tpu.memory_space<hbm>>
        %dma_wait3A_404 = tpu.memref_squeeze %dma_wait3A_403 : memref<1x80x128xf32, #tpu.memory_space<hbm>> -> memref<80x128xf32, #tpu.memory_space<hbm>>
        %dma_wait3A_405 = arith.constant 0 : i32
        %dma_wait3A_406 = tpu.memref_slice %arg11[%add3A_396, %dma_wait3A_405] : memref<10000x128xf32, #tpu.memory_space<vmem_shared>> -> memref<80x128xf32, #tpu.memory_space<vmem_shared>>
        tpu.wait_dma2 semaphore(%run_scoped3A : memref<!tpu.dma_semaphore, #tpu.memory_space<semaphore_mem>>) src(%dma_wait3A_406 : memref<80x128xf32, #tpu.memory_space<vmem_shared>>) dst(%dma_wait3A_404 : memref<80x128xf32, #tpu.memory_space<hbm>>)
        tpu.yield
      }) : () -> ()
    } else {
    }
    %mul3A_391 = arith.constant 10000 : i32
    %mul3A_392 = arith.muli %add3A, %mul3A_391 : i32
    %multiple_of3A = tpu.assume_multiple %mul3A_392, 8 : i32
    "tpu.region"() ({
      %run_scoped3A = tpu.sem_alloc : memref<!tpu.dma_semaphore, #tpu.memory_space<semaphore_mem>>
      %dma_start3A_393 = tpu.memref_slice %arg5[%multiple_of3A] : memref<320000xf32, #tpu.memory_space<hbm>> -> memref<10000xf32, #tpu.memory_space<hbm>>
      %dma_start3A_394 = tpu.memref_slice %arg5[%multiple_of3A] : memref<320000xf32, #tpu.memory_space<hbm>> -> memref<10000xf32, #tpu.memory_space<hbm>>
      tpu.enqueue_dma source(%arg10 : memref<10000xf32, #tpu.memory_space<vmem>>) target(%dma_start3A_394 : memref<10000xf32, #tpu.memory_space<hbm>>) target_semaphore(%run_scoped3A : memref<!tpu.dma_semaphore, #tpu.memory_space<semaphore_mem>>)
      %dma_wait3A_395 = tpu.memref_slice %arg5[%multiple_of3A] : memref<320000xf32, #tpu.memory_space<hbm>> -> memref<10000xf32, #tpu.memory_space<hbm>>
      %dma_wait3A_396 = tpu.memref_slice %arg5[%multiple_of3A] : memref<320000xf32, #tpu.memory_space<hbm>> -> memref<10000xf32, #tpu.memory_space<hbm>>
      tpu.wait_dma2 semaphore(%run_scoped3A : memref<!tpu.dma_semaphore, #tpu.memory_space<semaphore_mem>>) src(%arg10 : memref<10000xf32, #tpu.memory_space<vmem>>) dst(%dma_wait3A_396 : memref<10000xf32, #tpu.memory_space<hbm>>)
      tpu.yield
    }) : () -> ()
    return
  }
}

module attributes {stable_mosaic.version = 14 : i64} {
  func.func @body(%arg0: memref<2x10000x128xf32, #tpu.memory_space<vmem>>, %arg1: memref<32x10000xf32, #tpu.memory_space<vmem>>, %arg2: memref<10000x128xf32, #tpu.memory_space<vmem>>, %arg3: memref<256x128xf32, #tpu.memory_space<vmem>>, %arg4: memref<1x256xf32, #tpu.memory_space<vmem>>, %arg5: memref<256x128xf32, #tpu.memory_space<vmem>>, %arg6: memref<64x256xf32, #tpu.memory_space<vmem>>, %arg7: memref<1x64xf32, #tpu.memory_space<vmem>>, %arg8: memref<8x64xf32, #tpu.memory_space<vmem>>, %arg9: memref<1x1xf32, #tpu.memory_space<vmem>>, %arg10: memref<1x256xf32, #tpu.memory_space<vmem>>) attributes {dimension_semantics = [], scalar_prefetch = 0 : i64, scratch_operands = 0 : i64, tpu.core_type = #tpu.core_type<tc>} {
    %get3A = arith.constant 0 : index
    %get3A_0 = arith.constant 0 : index
    %get3A_1 = arith.constant 0 : index
    %get3A_2 = vector.load %arg0[%get3A, %get3A_0, %get3A_1] : memref<2x10000x128xf32, #tpu.memory_space<vmem>>, vector<1x10000x128xf32>
    %get3A_3 = vector.shape_cast %get3A_2 : vector<1x10000x128xf32> to vector<10000x128xf32>
    %get3A_4 = arith.constant 1 : index
    %get3A_5 = arith.constant 0 : index
    %get3A_6 = arith.constant 0 : index
    %get3A_7 = vector.load %arg0[%get3A_4, %get3A_5, %get3A_6] : memref<2x10000x128xf32, #tpu.memory_space<vmem>>, vector<1x10000x128xf32>
    %get3A_8 = vector.shape_cast %get3A_7 : vector<1x10000x128xf32> to vector<10000x128xf32>
    %add3A = arith.addf %get3A_3, %get3A_8 : vector<10000x128xf32>
    %get3A_9 = arith.constant 0 : index
    %get3A_10 = arith.constant 0 : index
    %get3A_11 = vector.load %arg1[%get3A_9, %get3A_10] : memref<32x10000xf32, #tpu.memory_space<vmem>>, vector<32x10000xf32>
    %broadcast_in_dim3A = arith.constant 1.000000e+00 : f32
    %broadcast_in_dim3A_12 = vector.broadcast %broadcast_in_dim3A : f32 to vector<32x8xf32>
    %dot_general3A = arith.constant dense<0.000000e+00> : vector<10000x8xf32>
    %dot_general3A_13 = tpu.matmul %get3A_11, %broadcast_in_dim3A_12, %dot_general3A {dimension_numbers = #tpu.dot_dimension_numbers<[0], [0], [1], [1], [0, 1, 1, 1], [], []>, transpose_lhs_hint = false} : vector<32x10000xf32>, vector<32x8xf32>, vector<10000x8xf32> -> vector<10000x8xf32>
    %slice3A = vector.extract_strided_slice %dot_general3A_13 {offsets = [0, 0], sizes = [10000, 1], strides = [1, 1]} : vector<10000x8xf32> to vector<10000x1xf32>
    %max3A = arith.constant 1.000000e+00 : f32
    %max3A_14 = vector.broadcast %max3A : f32 to vector<10000x1xf32>
    %max3A_15 = arith.maximumf %slice3A, %max3A_14 : vector<10000x1xf32>
    %div3A = vector.broadcast %max3A_15 : vector<10000x1xf32> to vector<10000x128xf32>
    %div3A_16 = arith.divf %add3A, %div3A : vector<10000x128xf32>
    %get3A_17 = arith.constant 0 : index
    %get3A_18 = arith.constant 0 : index
    %get3A_19 = vector.load %arg3[%get3A_17, %get3A_18] : memref<256x128xf32, #tpu.memory_space<vmem>>, vector<256x128xf32>
    %dot_general3A_20 = arith.constant dense<0.000000e+00> : vector<10000x256xf32>
    %dot_general3A_21 = tpu.matmul %div3A_16, %get3A_19, %dot_general3A_20 {dimension_numbers = #tpu.dot_dimension_numbers<[1], [1], [0], [0], [0, 0, 1, 0], [], []>, transpose_lhs_hint = false} : vector<10000x128xf32>, vector<256x128xf32>, vector<10000x256xf32> -> vector<10000x256xf32>
    %get3A_22 = arith.constant 0 : index
    %get3A_23 = arith.constant 0 : index
    %get3A_24 = vector.load %arg4[%get3A_22, %get3A_23] : memref<1x256xf32, #tpu.memory_space<vmem>>, vector<1x256xf32>
    %add3A_25 = vector.broadcast %get3A_24 : vector<1x256xf32> to vector<10000x256xf32>
    %add3A_26 = arith.addf %dot_general3A_21, %add3A_25 : vector<10000x256xf32>
    %get3A_27 = arith.constant 0 : index
    %get3A_28 = arith.constant 0 : index
    %get3A_29 = vector.load %arg2[%get3A_27, %get3A_28] : memref<10000x128xf32, #tpu.memory_space<vmem>>, vector<10000x128xf32>
    %get3A_30 = arith.constant 0 : index
    %get3A_31 = arith.constant 0 : index
    %get3A_32 = vector.load %arg5[%get3A_30, %get3A_31] : memref<256x128xf32, #tpu.memory_space<vmem>>, vector<256x128xf32>
    %dot_general3A_33 = arith.constant dense<0.000000e+00> : vector<10000x256xf32>
    %dot_general3A_34 = tpu.matmul %get3A_29, %get3A_32, %dot_general3A_33 {dimension_numbers = #tpu.dot_dimension_numbers<[1], [1], [0], [0], [0, 0, 1, 0], [], []>, transpose_lhs_hint = false} : vector<10000x128xf32>, vector<256x128xf32>, vector<10000x256xf32> -> vector<10000x256xf32>
    %add3A_35 = arith.addf %add3A_26, %dot_general3A_34 : vector<10000x256xf32>
    %max3A_36 = arith.constant 0.000000e+00 : f32
    %max3A_37 = vector.broadcast %max3A_36 : f32 to vector<10000x256xf32>
    %max3A_38 = arith.maximumf %add3A_35, %max3A_37 : vector<10000x256xf32>
    %get3A_39 = arith.constant 0 : index
    %get3A_40 = arith.constant 0 : index
    %get3A_41 = vector.load %arg6[%get3A_39, %get3A_40] : memref<64x256xf32, #tpu.memory_space<vmem>>, vector<64x256xf32>
    %dot_general3A_42 = arith.constant dense<0.000000e+00> : vector<10000x64xf32>
    %dot_general3A_43 = tpu.matmul %max3A_38, %get3A_41, %dot_general3A_42 {dimension_numbers = #tpu.dot_dimension_numbers<[1], [1], [0], [0], [0, 0, 1, 0], [], []>, transpose_lhs_hint = false} : vector<10000x256xf32>, vector<64x256xf32>, vector<10000x64xf32> -> vector<10000x64xf32>
    %get3A_44 = arith.constant 0 : index
    %get3A_45 = arith.constant 0 : index
    %get3A_46 = vector.load %arg7[%get3A_44, %get3A_45] : memref<1x64xf32, #tpu.memory_space<vmem>>, vector<1x64xf32>
    %add3A_47 = vector.broadcast %get3A_46 : vector<1x64xf32> to vector<10000x64xf32>
    %add3A_48 = arith.addf %dot_general3A_43, %add3A_47 : vector<10000x64xf32>
    %max3A_49 = arith.constant 0.000000e+00 : f32
    %max3A_50 = vector.broadcast %max3A_49 : f32 to vector<10000x64xf32>
    %max3A_51 = arith.maximumf %add3A_48, %max3A_50 : vector<10000x64xf32>
    %get3A_52 = arith.constant 0 : index
    %get3A_53 = arith.constant 0 : index
    %get3A_54 = vector.load %arg8[%get3A_52, %get3A_53] : memref<8x64xf32, #tpu.memory_space<vmem>>, vector<8x64xf32>
    %dot_general3A_55 = arith.constant dense<0.000000e+00> : vector<10000x8xf32>
    %dot_general3A_56 = tpu.matmul %max3A_51, %get3A_54, %dot_general3A_55 {dimension_numbers = #tpu.dot_dimension_numbers<[1], [1], [0], [0], [0, 0, 1, 0], [], []>, transpose_lhs_hint = false} : vector<10000x64xf32>, vector<8x64xf32>, vector<10000x8xf32> -> vector<10000x8xf32>
    %slice3A_57 = vector.extract_strided_slice %dot_general3A_56 {offsets = [0, 0], sizes = [10000, 1], strides = [1, 1]} : vector<10000x8xf32> to vector<10000x1xf32>
    %get3A_58 = arith.constant 0 : index
    %get3A_59 = arith.constant 0 : index
    %get3A_60 = vector.load %arg9[%get3A_58, %get3A_59] : memref<1x1xf32, #tpu.memory_space<vmem>>, vector<1x1xf32>
    %get3A_61 = vector.extract %get3A_60[0, 0] : f32 from vector<1x1xf32>
    %add3A_62 = vector.broadcast %get3A_61 : f32 to vector<10000x1xf32>
    %add3A_63 = arith.addf %slice3A_57, %add3A_62 : vector<10000x1xf32>
    %reduce_max3A = vector.shape_cast %add3A_63 : vector<10000x1xf32> to vector<1x10000x1xf32>
    %reduce_max3A_64 = arith.constant dense<0xFF800000> : vector<1xf32>
    %reduce_max3A_65 = vector.multi_reduction <maximumf>, %reduce_max3A, %reduce_max3A_64 [1, 2] : vector<1x10000x1xf32> to vector<1xf32>
    %reduce_max3A_66 = vector.shape_cast %reduce_max3A_65 : vector<1xf32> to vector<1x1x1xf32>
    %reduce_max3A_67 = vector.extract %reduce_max3A_66[0, 0, 0] : f32 from vector<1x1x1xf32>
    %sub3A = vector.broadcast %reduce_max3A_67 : f32 to vector<10000x1xf32>
    %sub3A_68 = arith.subf %add3A_63, %sub3A : vector<10000x1xf32>
    %exp3A = math.exp %sub3A_68 : vector<10000x1xf32>
    %reduce_sum3A = vector.shape_cast %exp3A : vector<10000x1xf32> to vector<1x10000x1xf32>
    %reduce_sum3A_69 = arith.constant dense<0.000000e+00> : vector<1xf32>
    %reduce_sum3A_70 = vector.multi_reduction <add>, %reduce_sum3A, %reduce_sum3A_69 [1, 2] : vector<1x10000x1xf32> to vector<1xf32>
    %reduce_sum3A_71 = vector.shape_cast %reduce_sum3A_70 : vector<1xf32> to vector<1x1x1xf32>
    %reduce_sum3A_72 = vector.extract %reduce_sum3A_71[0, 0, 0] : f32 from vector<1x1x1xf32>
    %add3A_73 = arith.constant 1.000000e-16 : f32
    %add3A_74 = arith.addf %reduce_sum3A_72, %add3A_73 : f32
    %div3A_75 = vector.broadcast %add3A_74 : f32 to vector<10000x1xf32>
    %div3A_76 = arith.divf %exp3A, %div3A_75 : vector<10000x1xf32>
    %mul3A = vector.broadcast %div3A_76 : vector<10000x1xf32> to vector<10000x256xf32>
    %mul3A_77 = arith.mulf %mul3A, %max3A_38 : vector<10000x256xf32>
    %reduce_sum3A_78 = arith.constant dense<0.000000e+00> : vector<256xf32>
    %reduce_sum3A_79 = vector.multi_reduction <add>, %mul3A_77, %reduce_sum3A_78 [0] : vector<10000x256xf32> to vector<256xf32>
    %broadcast_in_dim3A_80 = vector.shape_cast %reduce_sum3A_79 : vector<256xf32> to vector<1x256xf32>
    %add3A_81 = vector.broadcast %broadcast_in_dim3A_80 : vector<1x256xf32> to vector<10000x256xf32>
    %add3A_82 = arith.addf %max3A_38, %add3A_81 : vector<10000x256xf32>
    %get3A_83 = arith.constant 0 : index
    %get3A_84 = arith.constant 0 : index
    %get3A_85 = vector.load %arg6[%get3A_83, %get3A_84] : memref<64x256xf32, #tpu.memory_space<vmem>>, vector<64x256xf32>
    %dot_general3A_86 = arith.constant dense<0.000000e+00> : vector<10000x64xf32>
    %dot_general3A_87 = tpu.matmul %add3A_82, %get3A_85, %dot_general3A_86 {dimension_numbers = #tpu.dot_dimension_numbers<[1], [1], [0], [0], [0, 0, 1, 0], [], []>, transpose_lhs_hint = false} : vector<10000x256xf32>, vector<64x256xf32>, vector<10000x64xf32> -> vector<10000x64xf32>
    %get3A_88 = arith.constant 0 : index
    %get3A_89 = arith.constant 0 : index
    %get3A_90 = vector.load %arg7[%get3A_88, %get3A_89] : memref<1x64xf32, #tpu.memory_space<vmem>>, vector<1x64xf32>
    %add3A_91 = vector.broadcast %get3A_90 : vector<1x64xf32> to vector<10000x64xf32>
    %add3A_92 = arith.addf %dot_general3A_87, %add3A_91 : vector<10000x64xf32>
    %max3A_93 = arith.constant 0.000000e+00 : f32
    %max3A_94 = vector.broadcast %max3A_93 : f32 to vector<10000x64xf32>
    %max3A_95 = arith.maximumf %add3A_92, %max3A_94 : vector<10000x64xf32>
    %get3A_96 = arith.constant 0 : index
    %get3A_97 = arith.constant 0 : index
    %get3A_98 = vector.load %arg8[%get3A_96, %get3A_97] : memref<8x64xf32, #tpu.memory_space<vmem>>, vector<8x64xf32>
    %dot_general3A_99 = arith.constant dense<0.000000e+00> : vector<10000x8xf32>
    %dot_general3A_100 = tpu.matmul %max3A_95, %get3A_98, %dot_general3A_99 {dimension_numbers = #tpu.dot_dimension_numbers<[1], [1], [0], [0], [0, 0, 1, 0], [], []>, transpose_lhs_hint = false} : vector<10000x64xf32>, vector<8x64xf32>, vector<10000x8xf32> -> vector<10000x8xf32>
    %slice3A_101 = vector.extract_strided_slice %dot_general3A_100 {offsets = [0, 0], sizes = [10000, 1], strides = [1, 1]} : vector<10000x8xf32> to vector<10000x1xf32>
    %get3A_102 = arith.constant 0 : index
    %get3A_103 = arith.constant 0 : index
    %get3A_104 = vector.load %arg9[%get3A_102, %get3A_103] : memref<1x1xf32, #tpu.memory_space<vmem>>, vector<1x1xf32>
    %get3A_105 = vector.extract %get3A_104[0, 0] : f32 from vector<1x1xf32>
    %add3A_106 = vector.broadcast %get3A_105 : f32 to vector<10000x1xf32>
    %add3A_107 = arith.addf %slice3A_101, %add3A_106 : vector<10000x1xf32>
    %reduce_max3A_108 = vector.shape_cast %add3A_107 : vector<10000x1xf32> to vector<1x10000x1xf32>
    %reduce_max3A_109 = arith.constant dense<0xFF800000> : vector<1xf32>
    %reduce_max3A_110 = vector.multi_reduction <maximumf>, %reduce_max3A_108, %reduce_max3A_109 [1, 2] : vector<1x10000x1xf32> to vector<1xf32>
    %reduce_max3A_111 = vector.shape_cast %reduce_max3A_110 : vector<1xf32> to vector<1x1x1xf32>
    %reduce_max3A_112 = vector.extract %reduce_max3A_111[0, 0, 0] : f32 from vector<1x1x1xf32>
    %sub3A_113 = vector.broadcast %reduce_max3A_112 : f32 to vector<10000x1xf32>
    %sub3A_114 = arith.subf %add3A_107, %sub3A_113 : vector<10000x1xf32>
    %exp3A_115 = math.exp %sub3A_114 : vector<10000x1xf32>
    %reduce_sum3A_116 = vector.shape_cast %exp3A_115 : vector<10000x1xf32> to vector<1x10000x1xf32>
    %reduce_sum3A_117 = arith.constant dense<0.000000e+00> : vector<1xf32>
    %reduce_sum3A_118 = vector.multi_reduction <add>, %reduce_sum3A_116, %reduce_sum3A_117 [1, 2] : vector<1x10000x1xf32> to vector<1xf32>
    %reduce_sum3A_119 = vector.shape_cast %reduce_sum3A_118 : vector<1xf32> to vector<1x1x1xf32>
    %reduce_sum3A_120 = vector.extract %reduce_sum3A_119[0, 0, 0] : f32 from vector<1x1x1xf32>
    %add3A_121 = arith.constant 1.000000e-16 : f32
    %add3A_122 = arith.addf %reduce_sum3A_120, %add3A_121 : f32
    %div3A_123 = vector.broadcast %add3A_122 : f32 to vector<10000x1xf32>
    %div3A_124 = arith.divf %exp3A_115, %div3A_123 : vector<10000x1xf32>
    %mul3A_125 = vector.broadcast %div3A_124 : vector<10000x1xf32> to vector<10000x256xf32>
    %mul3A_126 = arith.mulf %mul3A_125, %add3A_82 : vector<10000x256xf32>
    %reduce_sum3A_127 = arith.constant dense<0.000000e+00> : vector<256xf32>
    %reduce_sum3A_128 = vector.multi_reduction <add>, %mul3A_126, %reduce_sum3A_127 [0] : vector<10000x256xf32> to vector<256xf32>
    %broadcast_in_dim3A_129 = vector.shape_cast %reduce_sum3A_128 : vector<256xf32> to vector<1x256xf32>
    %swap3A = arith.constant 0 : index
    %swap3A_130 = arith.constant 0 : index
    %swap3A_131 = vector.load %arg10[%swap3A, %swap3A_130] : memref<1x256xf32, #tpu.memory_space<vmem>>, vector<1x256xf32>
    tpu.vector_store %arg10[%swap3A, %swap3A_130], %broadcast_in_dim3A_129 {strides = array<i32>} : memref<1x256xf32, #tpu.memory_space<vmem>>, vector<1x256xf32>,
    return
  }
}

module attributes {stable_mosaic.version = 14 : i64} {
  func.func @body(%arg0: memref<2x10000x128xf32, #tpu.memory_space<vmem>>, %arg1: memref<32x10000xf32, #tpu.memory_space<vmem>>, %arg2: memref<10000x128xf32, #tpu.memory_space<vmem>>, %arg3: memref<256x128xf32, #tpu.memory_space<vmem>>, %arg4: memref<1x256xf32, #tpu.memory_space<vmem>>, %arg5: memref<256x128xf32, #tpu.memory_space<vmem>>, %arg6: memref<64x256xf32, #tpu.memory_space<vmem>>, %arg7: memref<1x64xf32, #tpu.memory_space<vmem>>, %arg8: memref<8x64xf32, #tpu.memory_space<vmem>>, %arg9: memref<1x1xf32, #tpu.memory_space<vmem>>, %arg10: memref<1x256xf32, #tpu.memory_space<vmem>>, %arg11: memref<1x256xf32, #tpu.memory_space<vmem>>, %arg12: memref<1x256xf32, #tpu.memory_space<vmem>>) attributes {dimension_semantics = [], scalar_prefetch = 0 : i64, scratch_operands = 0 : i64, tpu.core_type = #tpu.core_type<tc>} {
    %get3A = arith.constant 0 : index
    %get3A_0 = arith.constant 0 : index
    %get3A_1 = arith.constant 0 : index
    %get3A_2 = vector.load %arg0[%get3A, %get3A_0, %get3A_1] : memref<2x10000x128xf32, #tpu.memory_space<vmem>>, vector<1x10000x128xf32>
    %get3A_3 = vector.shape_cast %get3A_2 : vector<1x10000x128xf32> to vector<10000x128xf32>
    %get3A_4 = arith.constant 1 : index
    %get3A_5 = arith.constant 0 : index
    %get3A_6 = arith.constant 0 : index
    %get3A_7 = vector.load %arg0[%get3A_4, %get3A_5, %get3A_6] : memref<2x10000x128xf32, #tpu.memory_space<vmem>>, vector<1x10000x128xf32>
    %get3A_8 = vector.shape_cast %get3A_7 : vector<1x10000x128xf32> to vector<10000x128xf32>
    %add3A = arith.addf %get3A_3, %get3A_8 : vector<10000x128xf32>
    %get3A_9 = arith.constant 0 : index
    %get3A_10 = arith.constant 0 : index
    %get3A_11 = vector.load %arg1[%get3A_9, %get3A_10] : memref<32x10000xf32, #tpu.memory_space<vmem>>, vector<32x10000xf32>
    %broadcast_in_dim3A = arith.constant 1.000000e+00 : f32
    %broadcast_in_dim3A_12 = vector.broadcast %broadcast_in_dim3A : f32 to vector<32x8xf32>
    %dot_general3A = arith.constant dense<0.000000e+00> : vector<10000x8xf32>
    %dot_general3A_13 = tpu.matmul %get3A_11, %broadcast_in_dim3A_12, %dot_general3A {dimension_numbers = #tpu.dot_dimension_numbers<[0], [0], [1], [1], [0, 1, 1, 1], [], []>, transpose_lhs_hint = false} : vector<32x10000xf32>, vector<32x8xf32>, vector<10000x8xf32> -> vector<10000x8xf32>
    %slice3A = vector.extract_strided_slice %dot_general3A_13 {offsets = [0, 0], sizes = [10000, 1], strides = [1, 1]} : vector<10000x8xf32> to vector<10000x1xf32>
    %max3A = arith.constant 1.000000e+00 : f32
    %max3A_14 = vector.broadcast %max3A : f32 to vector<10000x1xf32>
    %max3A_15 = arith.maximumf %slice3A, %max3A_14 : vector<10000x1xf32>
    %div3A = vector.broadcast %max3A_15 : vector<10000x1xf32> to vector<10000x128xf32>
    %div3A_16 = arith.divf %add3A, %div3A : vector<10000x128xf32>
    %get3A_17 = arith.constant 0 : index
    %get3A_18 = arith.constant 0 : index
    %get3A_19 = vector.load %arg3[%get3A_17, %get3A_18] : memref<256x128xf32, #tpu.memory_space<vmem>>, vector<256x128xf32>
    %dot_general3A_20 = arith.constant dense<0.000000e+00> : vector<10000x256xf32>
    %dot_general3A_21 = tpu.matmul %div3A_16, %get3A_19, %dot_general3A_20 {dimension_numbers = #tpu.dot_dimension_numbers<[1], [1], [0], [0], [0, 0, 1, 0], [], []>, transpose_lhs_hint = false} : vector<10000x128xf32>, vector<256x128xf32>, vector<10000x256xf32> -> vector<10000x256xf32>
    %get3A_22 = arith.constant 0 : index
    %get3A_23 = arith.constant 0 : index
    %get3A_24 = vector.load %arg4[%get3A_22, %get3A_23] : memref<1x256xf32, #tpu.memory_space<vmem>>, vector<1x256xf32>
    %add3A_25 = vector.broadcast %get3A_24 : vector<1x256xf32> to vector<10000x256xf32>
    %add3A_26 = arith.addf %dot_general3A_21, %add3A_25 : vector<10000x256xf32>
    %get3A_27 = arith.constant 0 : index
    %get3A_28 = arith.constant 0 : index
    %get3A_29 = vector.load %arg2[%get3A_27, %get3A_28] : memref<10000x128xf32, #tpu.memory_space<vmem>>, vector<10000x128xf32>
    %get3A_30 = arith.constant 0 : index
    %get3A_31 = arith.constant 0 : index
    %get3A_32 = vector.load %arg5[%get3A_30, %get3A_31] : memref<256x128xf32, #tpu.memory_space<vmem>>, vector<256x128xf32>
    %dot_general3A_33 = arith.constant dense<0.000000e+00> : vector<10000x256xf32>
    %dot_general3A_34 = tpu.matmul %get3A_29, %get3A_32, %dot_general3A_33 {dimension_numbers = #tpu.dot_dimension_numbers<[1], [1], [0], [0], [0, 0, 1, 0], [], []>, transpose_lhs_hint = false} : vector<10000x128xf32>, vector<256x128xf32>, vector<10000x256xf32> -> vector<10000x256xf32>
    %add3A_35 = arith.addf %add3A_26, %dot_general3A_34 : vector<10000x256xf32>
    %max3A_36 = arith.constant 0.000000e+00 : f32
    %max3A_37 = vector.broadcast %max3A_36 : f32 to vector<10000x256xf32>
    %max3A_38 = arith.maximumf %add3A_35, %max3A_37 : vector<10000x256xf32>
    %reduce_sum3A = arith.constant dense<0.000000e+00> : vector<10000xf32>
    %reduce_sum3A_39 = vector.multi_reduction <add>, %max3A_38, %reduce_sum3A [1] : vector<10000x256xf32> to vector<10000xf32>
    %broadcast_in_dim3A_40 = vector.shape_cast %reduce_sum3A_39 : vector<10000xf32> to vector<10000x1xf32>
    %div3A_41 = arith.constant 2.560000e+02 : f32
    %div3A_42 = vector.broadcast %div3A_41 : f32 to vector<10000x1xf32>
    %div3A_43 = arith.divf %broadcast_in_dim3A_40, %div3A_42 : vector<10000x1xf32>
    %sub3A = vector.broadcast %div3A_43 : vector<10000x1xf32> to vector<10000x256xf32>
    %sub3A_44 = arith.subf %max3A_38, %sub3A : vector<10000x256xf32>
    %integer_pow3A = arith.mulf %sub3A_44, %sub3A_44 : vector<10000x256xf32>
    %reduce_sum3A_45 = arith.constant dense<0.000000e+00> : vector<10000xf32>
    %reduce_sum3A_46 = vector.multi_reduction <add>, %integer_pow3A, %reduce_sum3A_45 [1] : vector<10000x256xf32> to vector<10000xf32>
    %broadcast_in_dim3A_47 = vector.shape_cast %reduce_sum3A_46 : vector<10000xf32> to vector<10000x1xf32>
    %div3A_48 = arith.constant 2.560000e+02 : f32
    %div3A_49 = vector.broadcast %div3A_48 : f32 to vector<10000x1xf32>
    %div3A_50 = arith.divf %broadcast_in_dim3A_47, %div3A_49 : vector<10000x1xf32>
    %sub3A_51 = vector.broadcast %div3A_43 : vector<10000x1xf32> to vector<10000x256xf32>
    %sub3A_52 = arith.subf %max3A_38, %sub3A_51 : vector<10000x256xf32>
    %add3A_53 = arith.constant 9.99999974E-6 : f32
    %add3A_54 = vector.broadcast %add3A_53 : f32 to vector<10000x1xf32>
    %add3A_55 = arith.addf %div3A_50, %add3A_54 : vector<10000x1xf32>
    %sqrt3A = math.sqrt %add3A_55 : vector<10000x1xf32>
    %div3A_56 = vector.broadcast %sqrt3A : vector<10000x1xf32> to vector<10000x256xf32>
    %div3A_57 = arith.divf %sub3A_52, %div3A_56 : vector<10000x256xf32>
    %get3A_58 = arith.constant 0 : index
    %get3A_59 = arith.constant 0 : index
    %get3A_60 = vector.load %arg10[%get3A_58, %get3A_59] : memref<1x256xf32, #tpu.memory_space<vmem>>, vector<1x256xf32>
    %mul3A = vector.broadcast %get3A_60 : vector<1x256xf32> to vector<10000x256xf32>
    %mul3A_61 = arith.mulf %div3A_57, %mul3A : vector<10000x256xf32>
    %get3A_62 = arith.constant 0 : index
    %get3A_63 = arith.constant 0 : index
    %get3A_64 = vector.load %arg11[%get3A_62, %get3A_63] : memref<1x256xf32, #tpu.memory_space<vmem>>, vector<1x256xf32>
    %add3A_65 = vector.broadcast %get3A_64 : vector<1x256xf32> to vector<10000x256xf32>
    %add3A_66 = arith.addf %mul3A_61, %add3A_65 : vector<10000x256xf32>
    %get3A_67 = arith.constant 0 : index
    %get3A_68 = arith.constant 0 : index
    %get3A_69 = vector.load %arg6[%get3A_67, %get3A_68] : memref<64x256xf32, #tpu.memory_space<vmem>>, vector<64x256xf32>
    %dot_general3A_70 = arith.constant dense<0.000000e+00> : vector<10000x64xf32>
    %dot_general3A_71 = tpu.matmul %add3A_66, %get3A_69, %dot_general3A_70 {dimension_numbers = #tpu.dot_dimension_numbers<[1], [1], [0], [0], [0, 0, 1, 0], [], []>, transpose_lhs_hint = false} : vector<10000x256xf32>, vector<64x256xf32>, vector<10000x64xf32> -> vector<10000x64xf32>
    %get3A_72 = arith.constant 0 : index
    %get3A_73 = arith.constant 0 : index
    %get3A_74 = vector.load %arg7[%get3A_72, %get3A_73] : memref<1x64xf32, #tpu.memory_space<vmem>>, vector<1x64xf32>
    %add3A_75 = vector.broadcast %get3A_74 : vector<1x64xf32> to vector<10000x64xf32>
    %add3A_76 = arith.addf %dot_general3A_71, %add3A_75 : vector<10000x64xf32>
    %max3A_77 = arith.constant 0.000000e+00 : f32
    %max3A_78 = vector.broadcast %max3A_77 : f32 to vector<10000x64xf32>
    %max3A_79 = arith.maximumf %add3A_76, %max3A_78 : vector<10000x64xf32>
    %get3A_80 = arith.constant 0 : index
    %get3A_81 = arith.constant 0 : index
    %get3A_82 = vector.load %arg8[%get3A_80, %get3A_81] : memref<8x64xf32, #tpu.memory_space<vmem>>, vector<8x64xf32>
    %dot_general3A_83 = arith.constant dense<0.000000e+00> : vector<10000x8xf32>
    %dot_general3A_84 = tpu.matmul %max3A_79, %get3A_82, %dot_general3A_83 {dimension_numbers = #tpu.dot_dimension_numbers<[1], [1], [0], [0], [0, 0, 1, 0], [], []>, transpose_lhs_hint = false} : vector<10000x64xf32>, vector<8x64xf32>, vector<10000x8xf32> -> vector<10000x8xf32>
    %slice3A_85 = vector.extract_strided_slice %dot_general3A_84 {offsets = [0, 0], sizes = [10000, 1], strides = [1, 1]} : vector<10000x8xf32> to vector<10000x1xf32>
    %get3A_86 = arith.constant 0 : index
    %get3A_87 = arith.constant 0 : index
    %get3A_88 = vector.load %arg9[%get3A_86, %get3A_87] : memref<1x1xf32, #tpu.memory_space<vmem>>, vector<1x1xf32>
    %get3A_89 = vector.extract %get3A_88[0, 0] : f32 from vector<1x1xf32>
    %add3A_90 = vector.broadcast %get3A_89 : f32 to vector<10000x1xf32>
    %add3A_91 = arith.addf %slice3A_85, %add3A_90 : vector<10000x1xf32>
    %reduce_max3A = vector.shape_cast %add3A_91 : vector<10000x1xf32> to vector<1x10000x1xf32>
    %reduce_max3A_92 = arith.constant dense<0xFF800000> : vector<1xf32>
    %reduce_max3A_93 = vector.multi_reduction <maximumf>, %reduce_max3A, %reduce_max3A_92 [1, 2] : vector<1x10000x1xf32> to vector<1xf32>
    %reduce_max3A_94 = vector.shape_cast %reduce_max3A_93 : vector<1xf32> to vector<1x1x1xf32>
    %reduce_max3A_95 = vector.extract %reduce_max3A_94[0, 0, 0] : f32 from vector<1x1x1xf32>
    %sub3A_96 = vector.broadcast %reduce_max3A_95 : f32 to vector<10000x1xf32>
    %sub3A_97 = arith.subf %add3A_91, %sub3A_96 : vector<10000x1xf32>
    %exp3A = math.exp %sub3A_97 : vector<10000x1xf32>
    %reduce_sum3A_98 = vector.shape_cast %exp3A : vector<10000x1xf32> to vector<1x10000x1xf32>
    %reduce_sum3A_99 = arith.constant dense<0.000000e+00> : vector<1xf32>
    %reduce_sum3A_100 = vector.multi_reduction <add>, %reduce_sum3A_98, %reduce_sum3A_99 [1, 2] : vector<1x10000x1xf32> to vector<1xf32>
    %reduce_sum3A_101 = vector.shape_cast %reduce_sum3A_100 : vector<1xf32> to vector<1x1x1xf32>
    %reduce_sum3A_102 = vector.extract %reduce_sum3A_101[0, 0, 0] : f32 from vector<1x1x1xf32>
    %add3A_103 = arith.constant 1.000000e-16 : f32
    %add3A_104 = arith.addf %reduce_sum3A_102, %add3A_103 : f32
    %div3A_105 = vector.broadcast %add3A_104 : f32 to vector<10000x1xf32>
    %div3A_106 = arith.divf %exp3A, %div3A_105 : vector<10000x1xf32>
    %mul3A_107 = vector.broadcast %div3A_106 : vector<10000x1xf32> to vector<10000x256xf32>
    %mul3A_108 = arith.mulf %mul3A_107, %add3A_66 : vector<10000x256xf32>
    %reduce_sum3A_109 = arith.constant dense<0.000000e+00> : vector<256xf32>
    %reduce_sum3A_110 = vector.multi_reduction <add>, %mul3A_108, %reduce_sum3A_109 [0] : vector<10000x256xf32> to vector<256xf32>
    %broadcast_in_dim3A_111 = vector.shape_cast %reduce_sum3A_110 : vector<256xf32> to vector<1x256xf32>
    %add3A_112 = vector.broadcast %broadcast_in_dim3A_111 : vector<1x256xf32> to vector<10000x256xf32>
    %add3A_113 = arith.addf %add3A_66, %add3A_112 : vector<10000x256xf32>
    %get3A_114 = arith.constant 0 : index
    %get3A_115 = arith.constant 0 : index
    %get3A_116 = vector.load %arg6[%get3A_114, %get3A_115] : memref<64x256xf32, #tpu.memory_space<vmem>>, vector<64x256xf32>
    %dot_general3A_117 = arith.constant dense<0.000000e+00> : vector<10000x64xf32>
    %dot_general3A_118 = tpu.matmul %add3A_113, %get3A_116, %dot_general3A_117 {dimension_numbers = #tpu.dot_dimension_numbers<[1], [1], [0], [0], [0, 0, 1, 0], [], []>, transpose_lhs_hint = false} : vector<10000x256xf32>, vector<64x256xf32>, vector<10000x64xf32> -> vector<10000x64xf32>
    %get3A_119 = arith.constant 0 : index
    %get3A_120 = arith.constant 0 : index
    %get3A_121 = vector.load %arg7[%get3A_119, %get3A_120] : memref<1x64xf32, #tpu.memory_space<vmem>>, vector<1x64xf32>
    %add3A_122 = vector.broadcast %get3A_121 : vector<1x64xf32> to vector<10000x64xf32>
    %add3A_123 = arith.addf %dot_general3A_118, %add3A_122 : vector<10000x64xf32>
    %max3A_124 = arith.constant 0.000000e+00 : f32
    %max3A_125 = vector.broadcast %max3A_124 : f32 to vector<10000x64xf32>
    %max3A_126 = arith.maximumf %add3A_123, %max3A_125 : vector<10000x64xf32>
    %get3A_127 = arith.constant 0 : index
    %get3A_128 = arith.constant 0 : index
    %get3A_129 = vector.load %arg8[%get3A_127, %get3A_128] : memref<8x64xf32, #tpu.memory_space<vmem>>, vector<8x64xf32>
    %dot_general3A_130 = arith.constant dense<0.000000e+00> : vector<10000x8xf32>
    %dot_general3A_131 = tpu.matmul %max3A_126, %get3A_129, %dot_general3A_130 {dimension_numbers = #tpu.dot_dimension_numbers<[1], [1], [0], [0], [0, 0, 1, 0], [], []>, transpose_lhs_hint = false} : vector<10000x64xf32>, vector<8x64xf32>, vector<10000x8xf32> -> vector<10000x8xf32>
    %slice3A_132 = vector.extract_strided_slice %dot_general3A_131 {offsets = [0, 0], sizes = [10000, 1], strides = [1, 1]} : vector<10000x8xf32> to vector<10000x1xf32>
    %get3A_133 = arith.constant 0 : index
    %get3A_134 = arith.constant 0 : index
    %get3A_135 = vector.load %arg9[%get3A_133, %get3A_134] : memref<1x1xf32, #tpu.memory_space<vmem>>, vector<1x1xf32>
    %get3A_136 = vector.extract %get3A_135[0, 0] : f32 from vector<1x1xf32>
    %add3A_137 = vector.broadcast %get3A_136 : f32 to vector<10000x1xf32>
    %add3A_138 = arith.addf %slice3A_132, %add3A_137 : vector<10000x1xf32>
    %reduce_max3A_139 = vector.shape_cast %add3A_138 : vector<10000x1xf32> to vector<1x10000x1xf32>
    %reduce_max3A_140 = arith.constant dense<0xFF800000> : vector<1xf32>
    %reduce_max3A_141 = vector.multi_reduction <maximumf>, %reduce_max3A_139, %reduce_max3A_140 [1, 2] : vector<1x10000x1xf32> to vector<1xf32>
    %reduce_max3A_142 = vector.shape_cast %reduce_max3A_141 : vector<1xf32> to vector<1x1x1xf32>
    %reduce_max3A_143 = vector.extract %reduce_max3A_142[0, 0, 0] : f32 from vector<1x1x1xf32>
    %sub3A_144 = vector.broadcast %reduce_max3A_143 : f32 to vector<10000x1xf32>
    %sub3A_145 = arith.subf %add3A_138, %sub3A_144 : vector<10000x1xf32>
    %exp3A_146 = math.exp %sub3A_145 : vector<10000x1xf32>
    %reduce_sum3A_147 = vector.shape_cast %exp3A_146 : vector<10000x1xf32> to vector<1x10000x1xf32>
    %reduce_sum3A_148 = arith.constant dense<0.000000e+00> : vector<1xf32>
    %reduce_sum3A_149 = vector.multi_reduction <add>, %reduce_sum3A_147, %reduce_sum3A_148 [1, 2] : vector<1x10000x1xf32> to vector<1xf32>
    %reduce_sum3A_150 = vector.shape_cast %reduce_sum3A_149 : vector<1xf32> to vector<1x1x1xf32>
    %reduce_sum3A_151 = vector.extract %reduce_sum3A_150[0, 0, 0] : f32 from vector<1x1x1xf32>
    %add3A_152 = arith.constant 1.000000e-16 : f32
    %add3A_153 = arith.addf %reduce_sum3A_151, %add3A_152 : f32
    %div3A_154 = vector.broadcast %add3A_153 : f32 to vector<10000x1xf32>
    %div3A_155 = arith.divf %exp3A_146, %div3A_154 : vector<10000x1xf32>
    %mul3A_156 = vector.broadcast %div3A_155 : vector<10000x1xf32> to vector<10000x256xf32>
    %mul3A_157 = arith.mulf %mul3A_156, %add3A_113 : vector<10000x256xf32>
    %reduce_sum3A_158 = arith.constant dense<0.000000e+00> : vector<256xf32>
    %reduce_sum3A_159 = vector.multi_reduction <add>, %mul3A_157, %reduce_sum3A_158 [0] : vector<10000x256xf32> to vector<256xf32>
    %broadcast_in_dim3A_160 = vector.shape_cast %reduce_sum3A_159 : vector<256xf32> to vector<1x256xf32>
    %swap3A = arith.constant 0 : index
    %swap3A_161 = arith.constant 0 : index
    %swap3A_162 = vector.load %arg12[%swap3A, %swap3A_161] : memref<1x256xf32, #tpu.memory_space<vmem>>, vector<1x256xf32>
    tpu.vector_store %arg12[%swap3A, %swap3A_161], %broadcast_in_dim3A_160 {strides = array<i32>} : memref<1x256xf32, #tpu.memory_space<vmem>>, vector<1x256xf32>,
    return
  }
}

module attributes {stable_mosaic.version = 14 : i64} {
  func.func @body(%arg0: memref<1x256xf32, #tpu.memory_space<vmem>>, %arg1: memref<1x256xf32, #tpu.memory_space<vmem>>, %arg2: memref<64x256xf32, #tpu.memory_space<vmem>>, %arg3: memref<1x64xf32, #tpu.memory_space<vmem>>, %arg4: memref<64x256xf32, #tpu.memory_space<vmem>>, %arg5: memref<1x64xf32, #tpu.memory_space<vmem>>, %arg6: memref<1x64xf32, #tpu.memory_space<vmem>>, %arg7: memref<1x64xf32, #tpu.memory_space<vmem>>, %arg8: memref<1x64xf32, #tpu.memory_space<vmem>>, %arg9: memref<1x64xf32, #tpu.memory_space<vmem>>, %arg10: memref<8x128xf32, #tpu.memory_space<vmem>>, %arg11: memref<1x3xf32, #tpu.memory_space<vmem>>, %arg12: memref<1x3xf32, #tpu.memory_space<vmem>>) attributes {dimension_semantics = [], scalar_prefetch = 0 : i64, scratch_operands = 0 : i64, tpu.core_type = #tpu.core_type<tc>} {
    %get3A = arith.constant 0 : index
    %get3A_0 = arith.constant 0 : index
    %get3A_1 = vector.load %arg3[%get3A, %get3A_0] : memref<1x64xf32, #tpu.memory_space<vmem>>, vector<1x64xf32>
    %get3A_2 = arith.constant 0 : index
    %get3A_3 = arith.constant 0 : index
    %get3A_4 = vector.load %arg6[%get3A_2, %get3A_3] : memref<1x64xf32, #tpu.memory_space<vmem>>, vector<1x64xf32>
    %get3A_5 = arith.constant 0 : index
    %get3A_6 = arith.constant 0 : index
    %get3A_7 = vector.load %arg7[%get3A_5, %get3A_6] : memref<1x64xf32, #tpu.memory_space<vmem>>, vector<1x64xf32>
    %get3A_8 = arith.constant 0 : index
    %get3A_9 = arith.constant 0 : index
    %get3A_10 = vector.load %arg0[%get3A_8, %get3A_9] : memref<1x256xf32, #tpu.memory_space<vmem>>, vector<1x256xf32>
    %mul3A = arith.mulf %get3A_10, %get3A_10 : vector<1x256xf32>
    %reduce_sum3A = vector.shape_cast %mul3A : vector<1x256xf32> to vector<1x1x256xf32>
    %reduce_sum3A_11 = arith.constant dense<0.000000e+00> : vector<1xf32>
    %reduce_sum3A_12 = vector.multi_reduction <add>, %reduce_sum3A, %reduce_sum3A_11 [1, 2] : vector<1x1x256xf32> to vector<1xf32>
    %reduce_sum3A_13 = vector.shape_cast %reduce_sum3A_12 : vector<1xf32> to vector<1x1x1xf32>
    %reduce_sum3A_14 = vector.extract %reduce_sum3A_13[0, 0, 0] : f32 from vector<1x1x1xf32>
    %sqrt3A = math.sqrt %reduce_sum3A_14 : f32
    %max3A = arith.constant 9.99999996E-13 : f32
    %max3A_15 = arith.maximumf %sqrt3A, %max3A : f32
    %div3A = vector.broadcast %max3A_15 : f32 to vector<1x256xf32>
    %div3A_16 = arith.divf %get3A_10, %div3A : vector<1x256xf32>
    %get3A_17 = arith.constant 0 : index
    %get3A_18 = arith.constant 0 : index
    %get3A_19 = vector.load %arg2[%get3A_17, %get3A_18] : memref<64x256xf32, #tpu.memory_space<vmem>>, vector<64x256xf32>
    %dot_general3A = arith.constant dense<0.000000e+00> : vector<1x64xf32>
    %dot_general3A_20 = tpu.matmul %div3A_16, %get3A_19, %dot_general3A {dimension_numbers = #tpu.dot_dimension_numbers<[1], [1], [0], [0], [0, 0, 1, 0], [], []>, transpose_lhs_hint = false} : vector<1x256xf32>, vector<64x256xf32>, vector<1x64xf32> -> vector<1x64xf32>
    %add3A = arith.addf %dot_general3A_20, %get3A_1 : vector<1x64xf32>
    %max3A_21 = arith.constant 0.000000e+00 : f32
    %max3A_22 = vector.broadcast %max3A_21 : f32 to vector<1x64xf32>
    %max3A_23 = arith.maximumf %add3A, %max3A_22 : vector<1x64xf32>
    %reduce_sum3A_24 = arith.constant dense<0.000000e+00> : vector<1xf32>
    %reduce_sum3A_25 = vector.multi_reduction <add>, %max3A_23, %reduce_sum3A_24 [1] : vector<1x64xf32> to vector<1xf32>
    %broadcast_in_dim3A = vector.shape_cast %reduce_sum3A_25 : vector<1xf32> to vector<1x1xf32>
    %div3A_26 = arith.constant 6.400000e+01 : f32
    %div3A_27 = vector.broadcast %div3A_26 : f32 to vector<1x1xf32>
    %div3A_28 = arith.divf %broadcast_in_dim3A, %div3A_27 : vector<1x1xf32>
    %sub3A = vector.broadcast %div3A_28 : vector<1x1xf32> to vector<1x64xf32>
    %sub3A_29 = arith.subf %max3A_23, %sub3A : vector<1x64xf32>
    %integer_pow3A = arith.mulf %sub3A_29, %sub3A_29 : vector<1x64xf32>
    %reduce_sum3A_30 = arith.constant dense<0.000000e+00> : vector<1xf32>
    %reduce_sum3A_31 = vector.multi_reduction <add>, %integer_pow3A, %reduce_sum3A_30 [1] : vector<1x64xf32> to vector<1xf32>
    %broadcast_in_dim3A_32 = vector.shape_cast %reduce_sum3A_31 : vector<1xf32> to vector<1x1xf32>
    %div3A_33 = arith.constant 6.400000e+01 : f32
    %div3A_34 = vector.broadcast %div3A_33 : f32 to vector<1x1xf32>
    %div3A_35 = arith.divf %broadcast_in_dim3A_32, %div3A_34 : vector<1x1xf32>
    %sub3A_36 = vector.broadcast %div3A_28 : vector<1x1xf32> to vector<1x64xf32>
    %sub3A_37 = arith.subf %max3A_23, %sub3A_36 : vector<1x64xf32>
    %add3A_38 = arith.constant 9.99999974E-6 : f32
    %add3A_39 = vector.broadcast %add3A_38 : f32 to vector<1x1xf32>
    %add3A_40 = arith.addf %div3A_35, %add3A_39 : vector<1x1xf32>
    %sqrt3A_41 = math.sqrt %add3A_40 : vector<1x1xf32>
    %div3A_42 = vector.broadcast %sqrt3A_41 : vector<1x1xf32> to vector<1x64xf32>
    %div3A_43 = arith.divf %sub3A_37, %div3A_42 : vector<1x64xf32>
    %mul3A_44 = arith.mulf %div3A_43, %get3A_4 : vector<1x64xf32>
    %add3A_45 = arith.addf %mul3A_44, %get3A_7 : vector<1x64xf32>
    %get3A_46 = arith.constant 0 : index
    %get3A_47 = arith.constant 0 : index
    %get3A_48 = vector.load %arg5[%get3A_46, %get3A_47] : memref<1x64xf32, #tpu.memory_space<vmem>>, vector<1x64xf32>
    %get3A_49 = arith.constant 0 : index
    %get3A_50 = arith.constant 0 : index
    %get3A_51 = vector.load %arg8[%get3A_49, %get3A_50] : memref<1x64xf32, #tpu.memory_space<vmem>>, vector<1x64xf32>
    %get3A_52 = arith.constant 0 : index
    %get3A_53 = arith.constant 0 : index
    %get3A_54 = vector.load %arg9[%get3A_52, %get3A_53] : memref<1x64xf32, #tpu.memory_space<vmem>>, vector<1x64xf32>
    %get3A_55 = arith.constant 0 : index
    %get3A_56 = arith.constant 0 : index
    %get3A_57 = vector.load %arg1[%get3A_55, %get3A_56] : memref<1x256xf32, #tpu.memory_space<vmem>>, vector<1x256xf32>
    %mul3A_58 = arith.mulf %get3A_57, %get3A_57 : vector<1x256xf32>
    %reduce_sum3A_59 = vector.shape_cast %mul3A_58 : vector<1x256xf32> to vector<1x1x256xf32>
    %reduce_sum3A_60 = arith.constant dense<0.000000e+00> : vector<1xf32>
    %reduce_sum3A_61 = vector.multi_reduction <add>, %reduce_sum3A_59, %reduce_sum3A_60 [1, 2] : vector<1x1x256xf32> to vector<1xf32>
    %reduce_sum3A_62 = vector.shape_cast %reduce_sum3A_61 : vector<1xf32> to vector<1x1x1xf32>
    %reduce_sum3A_63 = vector.extract %reduce_sum3A_62[0, 0, 0] : f32 from vector<1x1x1xf32>
    %sqrt3A_64 = math.sqrt %reduce_sum3A_63 : f32
    %max3A_65 = arith.constant 9.99999996E-13 : f32
    %max3A_66 = arith.maximumf %sqrt3A_64, %max3A_65 : f32
    %div3A_67 = vector.broadcast %max3A_66 : f32 to vector<1x256xf32>
    %div3A_68 = arith.divf %get3A_57, %div3A_67 : vector<1x256xf32>
    %get3A_69 = arith.constant 0 : index
    %get3A_70 = arith.constant 0 : index
    %get3A_71 = vector.load %arg4[%get3A_69, %get3A_70] : memref<64x256xf32, #tpu.memory_space<vmem>>, vector<64x256xf32>
    %dot_general3A_72 = arith.constant dense<0.000000e+00> : vector<1x64xf32>
    %dot_general3A_73 = tpu.matmul %div3A_68, %get3A_71, %dot_general3A_72 {dimension_numbers = #tpu.dot_dimension_numbers<[1], [1], [0], [0], [0, 0, 1, 0], [], []>, transpose_lhs_hint = false} : vector<1x256xf32>, vector<64x256xf32>, vector<1x64xf32> -> vector<1x64xf32>
    %add3A_74 = arith.addf %dot_general3A_73, %get3A_48 : vector<1x64xf32>
    %max3A_75 = arith.constant 0.000000e+00 : f32
    %max3A_76 = vector.broadcast %max3A_75 : f32 to vector<1x64xf32>
    %max3A_77 = arith.maximumf %add3A_74, %max3A_76 : vector<1x64xf32>
    %reduce_sum3A_78 = arith.constant dense<0.000000e+00> : vector<1xf32>
    %reduce_sum3A_79 = vector.multi_reduction <add>, %max3A_77, %reduce_sum3A_78 [1] : vector<1x64xf32> to vector<1xf32>
    %broadcast_in_dim3A_80 = vector.shape_cast %reduce_sum3A_79 : vector<1xf32> to vector<1x1xf32>
    %div3A_81 = arith.constant 6.400000e+01 : f32
    %div3A_82 = vector.broadcast %div3A_81 : f32 to vector<1x1xf32>
    %div3A_83 = arith.divf %broadcast_in_dim3A_80, %div3A_82 : vector<1x1xf32>
    %sub3A_84 = vector.broadcast %div3A_83 : vector<1x1xf32> to vector<1x64xf32>
    %sub3A_85 = arith.subf %max3A_77, %sub3A_84 : vector<1x64xf32>
    %integer_pow3A_86 = arith.mulf %sub3A_85, %sub3A_85 : vector<1x64xf32>
    %reduce_sum3A_87 = arith.constant dense<0.000000e+00> : vector<1xf32>
    %reduce_sum3A_88 = vector.multi_reduction <add>, %integer_pow3A_86, %reduce_sum3A_87 [1] : vector<1x64xf32> to vector<1xf32>
    %broadcast_in_dim3A_89 = vector.shape_cast %reduce_sum3A_88 : vector<1xf32> to vector<1x1xf32>
    %div3A_90 = arith.constant 6.400000e+01 : f32
    %div3A_91 = vector.broadcast %div3A_90 : f32 to vector<1x1xf32>
    %div3A_92 = arith.divf %broadcast_in_dim3A_89, %div3A_91 : vector<1x1xf32>
    %sub3A_93 = vector.broadcast %div3A_83 : vector<1x1xf32> to vector<1x64xf32>
    %sub3A_94 = arith.subf %max3A_77, %sub3A_93 : vector<1x64xf32>
    %add3A_95 = arith.constant 9.99999974E-6 : f32
    %add3A_96 = vector.broadcast %add3A_95 : f32 to vector<1x1xf32>
    %add3A_97 = arith.addf %div3A_92, %add3A_96 : vector<1x1xf32>
    %sqrt3A_98 = math.sqrt %add3A_97 : vector<1x1xf32>
    %div3A_99 = vector.broadcast %sqrt3A_98 : vector<1x1xf32> to vector<1x64xf32>
    %div3A_100 = arith.divf %sub3A_94, %div3A_99 : vector<1x64xf32>
    %mul3A_101 = arith.mulf %div3A_100, %get3A_51 : vector<1x64xf32>
    %add3A_102 = arith.addf %mul3A_101, %get3A_54 : vector<1x64xf32>
    %concatenate3A = tpu.concatenate %add3A_45, %add3A_102 in 1 : vector<1x64xf32>, vector<1x64xf32> -> vector<1x128xf32>
    %get3A_103 = arith.constant 0 : index
    %get3A_104 = arith.constant 0 : index
    %get3A_105 = vector.load %arg10[%get3A_103, %get3A_104] : memref<8x128xf32, #tpu.memory_space<vmem>>, vector<8x128xf32>
    %dot_general3A_106 = arith.constant dense<0.000000e+00> : vector<1x8xf32>
    %dot_general3A_107 = tpu.matmul %concatenate3A, %get3A_105, %dot_general3A_106 {dimension_numbers = #tpu.dot_dimension_numbers<[1], [1], [0], [0], [0, 0, 1, 0], [], []>, transpose_lhs_hint = false} : vector<1x128xf32>, vector<8x128xf32>, vector<1x8xf32> -> vector<1x8xf32>
    %slice3A = vector.extract_strided_slice %dot_general3A_107 {offsets = [0, 0], sizes = [1, 3], strides = [1, 1]} : vector<1x8xf32> to vector<1x3xf32>
    %get3A_108 = arith.constant 0 : index
    %get3A_109 = arith.constant 0 : index
    %get3A_110 = vector.load %arg11[%get3A_108, %get3A_109] : memref<1x3xf32, #tpu.memory_space<vmem>>, vector<1x3xf32>
    %add3A_111 = arith.addf %slice3A, %get3A_110 : vector<1x3xf32>
    %neg3A = arith.constant 0.000000e+00 : f32
    %neg3A_112 = vector.broadcast %neg3A : f32 to vector<1x3xf32>
    %neg3A_113 = arith.subf %neg3A_112, %add3A_111 : vector<1x3xf32>
    %exp3A = math.exp %neg3A_113 : vector<1x3xf32>
    %add3A_114 = arith.constant 1.000000e+00 : f32
    %add3A_115 = vector.broadcast %add3A_114 : f32 to vector<1x3xf32>
    %add3A_116 = arith.addf %add3A_115, %exp3A : vector<1x3xf32>
    %div3A_117 = arith.constant 1.000000e+00 : f32
    %div3A_118 = vector.broadcast %div3A_117 : f32 to vector<1x3xf32>
    %div3A_119 = arith.divf %div3A_118, %add3A_116 : vector<1x3xf32>
    %swap3A = arith.constant 0 : index
    %swap3A_120 = arith.constant 0 : index
    %swap3A_121 = vector.load %arg12[%swap3A, %swap3A_120] : memref<1x3xf32, #tpu.memory_space<vmem>>, vector<1x3xf32>
    tpu.vector_store %arg12[%swap3A, %swap3A_120], %div3A_119 {strides = array<i32>} : memref<1x3xf32, #tpu.memory_space<vmem>>, vector<1x3xf32>,
    return
  }
}

</mosaic_0001>

<sc_bundles>
// kernel: kernel.10.cloned.1.call-start
scs
__scs_entry_jumppad:
0x0: {  	(pc) =	sbr.rel $0x88, $3  }
0x1: {  	(tag) =	ssettag $0x0;
	lr =	simm.s32 $0x1  }
0x2: {  	[smem:$0x3F83] =	sst lr;
	_ =	strace $0xD0000000  }
0x3: {  	_ = 	snop  }
0x4: {  	_ = 	snop  }
0x5: {  	_ = 	snop  }
0x6: {  	_ = 	snop  }
0x7: {  	_ = 	snop  }
__scs_overlays_trampoline_lowered:
0x8: {  	[smem:$0x3F92] =	sst s0  }
0x9: {  	[smem:$0x3F93] =	sst s1  }
0xa: {  	[smem:$0x3F94] =	sst s2  }
0xb: {  	[smem:$0x3F95] =	sst s3  }
0xc: {  	[smem:$0x3F96] =	sst s4  }
0xd: {  	[smem:$0x3F97] =	sst s5  }
0xe: {  	[smem:$0x3F98] =	sst s6  }
0xf: {  	[smem:$0x3F99] =	sst s7  }
0x10: {  	[smem:$0x3F9A] =	sst s8  }
0x11: {  	[smem:$0x3F9B] =	sst s9;
	s0 =	simm.s32 @!p0 $0x0  }
0x12: {  	s1 =	sld [smem:$0x3F81];
	s0 =	simm.s32 @p0 $0x1  }
0x13: {  	[smem:$0x3F9C] =	sst s0;
	s0 =	simm.s32 @!p1 $0x0  }
0x14: {  	s2 =	sld [smem:$0x3F80];
	s0 =	simm.s32 @p1 $0x1  }
0x15: {  	[smem:$0x3F9D] =	sst s0;
	s0 =	simm.s32 @!p2 $0x0  }
0x16: {  	s3 =	sld [smem:$0x3FDB];
	s0 =	simm.s32 @p2 $0x1  }
0x17: {  	s4 =	simm.s32 $0x1BF5;
	[smem:$0x3F9F] =	sst s0  }
0x18: {  	s0 =	sld [smem:$0x3F82];
	_ =	swait.ge [sflag:s4], $0x0  }
0x19: {  	s7 =	sld [smem:$0x3F83]  }
0x1a: {  	s8 =	sadd.s32 $0xFFFFE003, lr  }
0x1b: {  	s9 =	sadd.s32 $0xFFFFFEF7, lr;
	s5 =	simm.s32 $0xFFFFFFFF;
	p2 =	slt.u32 s8, $0xFFFFF086  }
0x1c: {  	p1 =	slt.u32 s9, $0xF7A;
	s5 =	simm.s32 @!p2 $0x0  }
0x1d: {  	s5 =	simm.s32 @p1 $0x1;
	p0 =	seq.s32 s7, s2  }
0x1e: {  	s7 =	smul.u32 @!p0 $0xF7A, s2;
	p2 =	seq.s32 @!p0 s5, $0x0  }
0x1f: {  	s9 =	smul.u32 $0xF7A, s1;
	s8 =	simm.s32 @!p0 $0x1BF5;
	p2 =	por !p2, p0  }
0x20: {  	[sflag:s8] =	ssyncset.s32 @!p0 $0xFFFFF086;
	s6 =	sadd.s32 @!p0 s3, s7;
	s7 =	simm.s32 @!p0 $0x108  }
0x21: {  	s3 =	sadd.s32 s3, s9;
	s6 =	sadd.s32 @!p0 $0x88, s6;
	s7 =	simm.s32 @p2 $0x1082  }
0x22: {  	[simem:s7], [sflag:s8] =	dma.local @!p0 [hbm:s6], $0xF7A  }
0x23: {  	s9 =	sor.u32 $0xD0000000, s2;
	s6 =	simm.s32 $0x108;
	_ =	swait.ge @!p0 [sflag:s8], $0x0  }
0x24: {  	s3 =	sadd.s32 $0x88, s3;
	s6 =	simm.s32 @!p1 $0x1082;
	[sflag:s4] =	ssyncset.s32 $0xFFFFF086  }
0x25: {  	[simem:s6], [sflag:s4] =	dma.local [hbm:s3], $0xF7A  }
0x26: {  	[smem:$0x3F83] =	sst s1;
	(tag) =	ssettag s2;
	_ =	strace s9  }
0x27: {  	s1 =	sld [smem:$0x3F93]  }
0x28: {  	s2 =	sld [smem:$0x3F94]  }
0x29: {  	s4 =	sld [smem:$0x3F96]  }
0x2a: {  	p0 =	seq.s32 s5, $0x0;
	s5 =	sld [smem:$0x3F97]  }
0x2b: {  	s6 =	sld [smem:$0x3F98]  }
0x2c: {  	s7 =	sld [smem:$0x3F99]  }
0x2d: {  	s3 =	simm.s32 $0x108;
	s8 =	sld [smem:$0x3F9A]  }
0x2e: {  	s3 =	simm.s32 @!p0 $0x1082;
	s9 =	sld [smem:$0x3F9B]  }
0x2f: {  	lr =	sadd.s32 s0, s3;
	s0 =	sld [smem:$0x3F92]  }
0x30: {  	s3 =	sld [smem:$0x3F95]  }
0x31: {  	[smem:$0x3F9E] =	sst s10  }
0x32: {  	s10 =	sld [smem:$0x3F9C];
	_ =	sdelay $0x3  }
0x33: {  	p0 =	seq.s32 s10, $0x1;
	s10 =	sld [smem:$0x3F9E];
	_ =	sdelay $0x3  }
0x34: {  	[smem:$0x3F9E] =	sst s10  }
0x35: {  	s10 =	sld [smem:$0x3F9D];
	_ =	sdelay $0x3  }
0x36: {  	p1 =	seq.s32 s10, $0x1;
	s10 =	sld [smem:$0x3F9E];
	_ =	sdelay $0x3  }
0x37: {  	[smem:$0x3F9E] =	sst s10  }
0x38: {  	s10 =	sld [smem:$0x3F9F]  }
0x39: {  	_ = 	snop;
	(pc) =	sbr.ind lr, $3  }
0x3a: {  	_ = 	snop  }
0x3b: {  	_ = 	snop  }
0x3c: {  	p2 =	seq.s32 s10, $0x1;
	s10 =	sld [smem:$0x3F9E]  }
0x3d: {  	_ =	shalt  }
0x3e: {  	_ =	shalt  }
0x3f: {  	_ =	shalt  }
0x40: {  	_ =	shalt  }
0x41: {  	_ =	shalt  }
0x42: {  	_ =	shalt  }
0x43: {  	_ =	shalt  }
0x44: {  	_ =	shalt  }
0x45: {  	_ =	shalt  }
0x46: {  	_ =	shalt  }
0x47: {  	_ =	shalt  }
0x48: {  	_ =	shalt  }
0x49: {  	_ =	shalt  }
0x4a: {  	_ =	shalt  }
0x4b: {  	_ =	shalt  }
0x4c: {  	_ =	shalt  }
0x4d: {  	_ =	shalt  }
0x4e: {  	_ =	shalt  }
0x4f: {  	_ =	shalt  }
0x50: {  	_ =	shalt  }
0x51: {  	_ =	shalt  }
0x52: {  	_ =	shalt  }
0x53: {  	_ =	shalt  }
0x54: {  	_ =	shalt  }
0x55: {  	_ =	shalt  }
0x56: {  	_ =	shalt  }
0x57: {  	_ =	shalt  }
0x58: {  	_ =	shalt  }
0x59: {  	_ =	shalt  }
0x5a: {  	_ =	shalt  }
0x5b: {  	_ =	shalt  }
0x5c: {  	_ =	shalt  }
0x5d: {  	_ =	shalt  }
0x5e: {  	_ =	shalt  }
0x5f: {  	_ =	shalt  }
0x60: {  	_ =	shalt  }
0x61: {  	_ =	shalt  }
0x62: {  	_ =	shalt  }
0x63: {  	_ =	shalt  }
0x64: {  	_ =	shalt  }
0x65: {  	_ =	shalt  }
0x66: {  	_ =	shalt  }
0x67: {  	_ =	shalt  }
0x68: {  	_ =	shalt  }
0x69: {  	_ =	shalt  }
0x6a: {  	_ =	shalt  }
0x6b: {  	_ =	shalt  }
0x6c: {  	_ =	shalt  }
0x6d: {  	_ =	shalt  }
0x6e: {  	_ =	shalt  }
0x6f: {  	_ =	shalt  }
0x70: {  	_ =	shalt  }
0x71: {  	_ =	shalt  }
0x72: {  	_ =	shalt  }
0x73: {  	_ =	shalt  }
0x74: {  	_ =	shalt  }
0x75: {  	_ =	shalt  }
0x76: {  	_ =	shalt  }
0x77: {  	_ =	shalt  }
0x78: {  	_ =	shalt  }
0x79: {  	_ =	shalt  }
0x7a: {  	_ =	shalt  }
0x7b: {  	_ =	shalt  }
0x7c: {  	_ =	shalt  }
0x7d: {  	_ =	shalt  }
0x7e: {  	_ =	shalt  }
0x7f: {  	_ =	shalt  }
0x80: {  	_ =	shalt  }
0x81: {  	_ =	shalt  }
0x82: {  	_ =	shalt  }
0x83: {  	_ =	shalt  }
0x84: {  	_ =	shalt  }
0x85: {  	_ =	shalt  }
0x86: {  	_ =	shalt  }
0x87: {  	_ =	shalt  }
.Lfunc_end0:
.L_simem_size_0:
called_computation.1_lowered:
.L_overlay_start_0:
0x88: {  	s2 =	sld [smem:$0x3FD9]  }
0x89: {  	s3 =	sld [smem:$0x3FFE];
	_ =	sdelay $0x1  }
0x8a: {  	s1 =	srdreg.scid  }
0x8b: {  	s0 =	sand.u32 $0x1, s1  }
0x8c: {  	s17 =	sshll.u32 s0, $0xA;
	s2 =	sadd.s32 s3, s2  }
0x8d: {  	s2 =	sadd.s32 s2, s17  }
0x8e: {  	[smem:$0x3FAA] =	sst s2  }
0x8f: {  	_ = 	snop  }
0x90: {  	s2 =	sld [smem:$0x3FC8];
	(tm) =	ssettm $0x1  }
0x91: {  	s18 =	sld [smem:$0x3FFB];
	_ =	sdelay $0x3  }
0x92: {  	_ =	strace s18  }
0x93: {  	s3 =	sld [smem:$0x3FFC];
	_ =	sdelay $0x3  }
0x94: {  	_ =	strace s3  }
0x95: {  	s3 =	sld [smem:$0x3FFD];
	_ =	sdelay $0x3  }
0x96: {  	_ =	strace s3  }
0x97: {  	_ =	strace $0x8FFFFFFF  }
0x98: {  	s19 =	sld [smem:$0x3FDB];
	_ =	sdelay $0x1  }
0x99: {  	s4 =	simm.s32 $_scs_section_size  }
0x9a: {  	s5 =	simm.s32 $_size__tile_overlayer_lowered;
	s6 =	simm.s32 $_tile_overlayer_lowered  }
0x9b: {  	s22 =	simm.s32 $0x1BFF;
	s21 =	sshll.u32 s6, $0x1;
	s3 =	sadd.s32 s4, s19  }
0x9c: {  	s7 =	simm.s32 $0x0;
	s20 =	sshll.u32 s5, $0x1;
	s5 =	sadd.s32 s21, s3  }
0x9d: {  	[timem:s7], [sflag:s22] =	dma.local [hbm:s5], s20  }
0x9e: {  	_ =	swait.ge [sflag:s22], s20  }
0x9f: {  	s4 =	ssub.s32 $0x0, s20;
	[sflag:s22] =	ssyncset.done $0x0  }
0xa0: {  	[sflag:s22] =	ssyncadd.s32 s4;
	_ =	sdelay $0x1  }
0xa1: {  	s23 =	simm.s32 $0x1B8B  }
0xa2: {  	_ =	swait.ge [sflag:s23], $0x1  }
0xa3: {  	[sflag:s23] =	ssyncset.done $0x0  }
0xa4: {  	s25 =	simm.s32 $0x1B8E;
	s24 =	sld [smem:$0x3FFE];
	[sflag:s23] =	ssyncadd.s32 $0xFFFFFFFF  }
0xa5: {  	s26 =	simm.s32 $execute0_lowered;
	[smem:$0x3FD2] =	sst s25  }
0xa6: {  	s5 =	sshll.u32 s26, $0x1;
	_ =	strace $0x80000049;
	[dreg:$0x1] =	wrdreg $0xFFFFFFFF  }
0xa7: {  	s28 =	simm.s32 $_size_execute0_lowered;
	s3 =	sadd.s32 s3, s5;
	[dreg:$0x0] =	wrdreg $0x0  }
0xa8: {  	s5 =	sshll.u32 s28, $0x1;
	[dreg:$0x2] =	wrdreg s3  }
0xa9: {  	[dreg:$0x3] =	wrdreg s5  }
0xaa: {  	[dreg:$0x4] =	wrdreg $0xC0  }
0xab: {  	_ =	task [dreg:s7], $0x5FFFF  }
0xac: {  	[dreg:$0x1] =	wrdreg $0xFFFFFFFF  }
0xad: {  	[dreg:$0x0] =	wrdreg $0x60  }
0xae: {  	[dreg:$0x2] =	wrdreg s2  }
0xaf: {  	[dreg:$0x3] =	wrdreg s24  }
0xb0: {  	[dreg:$0x4] =	wrdreg $0x81800  }
0xb1: {  	[dreg:$0x5] =	wrdreg $0x9  }
0xb2: {  	_ =	task.clear_ibuf [dreg:s7], $0x6FFFF;
	_ =	strace $0x90000049  }
0xb3: {  	s29 =	simm.s32 $0x9;
	_ =	strace $0x8000004B  }
0xb4: {  	_ =	swait.ge [sflag:s29], $0x1  }
0xb5: {  	[sflag:s29] =	ssyncadd.s32 $0xFFFFFFFF  }
0xb6: {  	_ =	strace $0x9000004B  }
0xb7: {  	_ =	sfence  }
0xb8: {  	s30 =	sld [smem:$0x0];
	_ =	sdelay $0x2  }
0xb9: {  	s31 =	sshll.u32 s1, $0xD;
	s1 =	sshrl.u32 s1, $0x2  }
0xba: {  	s3 =	sand.u32 $0x4000, s31;
	s1 =	sadd.s32 s1, s30  }
0xbb: {  	s0 =	sor.u32 s3, s0;
	s1 =	sshll.u32 s1, $0x11  }
0xbc: {  	s0 =	sor.u32 s1, s0  }
0xbd: {  	s0 =	sadd.s32 $0x8F2B, s0  }
0xbe: {  	[sflag:s0] =	ssyncadd.remote.s32 $0x1  }
0xbf: {  	_ =	sfence.sel $0xFFFF  }
0xc0: {  	[dreg:$0x0] =	wrdreg $0xFFFFFFFF;
	(pc) =	sbr.abs _section_cstart, $3  }
0xc1: {  	[dreg:$0x1] =	wrdreg $0xFFFFFFFF  }
0xc2: {  	_ =	task.clear_ibuf [dreg:s7], $0x2FFFF;
	_ =	strace $0x9FFFFFFF  }
0xc3: {  	(tm) =	ssettm $0x7FFFFFFF  }
tec
execute0_lowered:
.L_overlay_start_1:
0x0: {  	(tag) =	ssettag $0x1  }
0x1: {  	s0 =	rddreg [dreg:$0x0]  }
0x2: {  	s2 =	rddreg [dreg:$0x1]  }
0x3: {  	s1 =	srdreg.scid;
	s3 =	rddreg [dreg:$0x2]  }
0x4: {  	s19 =	stileid.u32;
	s28 =	simm.s32 $0x500;
	s29 =	simm.s32 $0x50  }
0x5: {  	s30 =	simm.s32 $0x100;
	s31 =	simm.s32 $0x3200;
	s1 =	sand.u32 $0x1, s1  }
0x6: {  	s9 =	smul.u32 $0x2800, s19;
	s10 =	sadd.s32 $0x87400, s2;
	s4 =	sshll.u32 s1, $0x4  }
0x7: {  	p0 =	sgt.u32 s19, $0xC;
	s7 =	ssub.s32 $0x2, s1;
	s5 =	sor.u32 s19, s4  }
0x8: {  	s4 =	simm.s32 $0x0;
	s8 =	sshrl.u32 s7, $0x1;
	s11 =	sadd.s32 $0x28000, s9  }
0x9: {  	s12 =	sadd.s32 $0x50000, s9;
	s13 =	sadd.s32 $0x78000, s9;
	s6 =	smul.u32 $0x4E2, s5  }
0xa: {  	s14 =	sadd.s32 $0xA0000, s9;
	s7 =	ssub.s32 s7, s8;
	s8 =	smul.u32 $0x138800, s1  }
0xb: {  	s15 =	sadd.s32 $0xC8000, s9;
	s17 =	sadd.s32 $0xF0000, s9;
	s5 =	smul.u32 $0xFA0, s5  }
0xc: {  	[smem:$0x7FF] =	sst s4;
	s1 =	smul.u32 $0xFA00, s1;
	s16 =	sadd.s32 s9, s8  }
0xd: {  	s18 =	sadd.s32 s8, s11;
	s22 =	sadd.s32 s8, s12;
	s24 =	sadd.s32 s8, s13  }
0xe: {  	s26 =	sadd.s32 s8, s14;
	s9 =	sadd.s32 $0x118000, s9;
	s6 =	sadd.s32 s6, s2  }
0xf: {  	s16 =	sshrl.u32 s16, $0x3;
	s21 =	sshrl.u32 s18, $0x3;
	s23 =	sshrl.u32 s22, $0x3  }
0x10: {  	s25 =	sshrl.u32 s24, $0x3;
	s20 =	sshrl.u32 s26, $0x3;
	s16 =	sadd.s32 s10, s16  }
0x11: {  	[dreg:$0x8] =	wrdreg s16;
	s16 =	sadd.s32 s10, s21;
	s21 =	sadd.s32 s8, s15  }
0x12: {  	[dreg:$0x9] =	wrdreg s16;
	s16 =	sadd.s32 s10, s23;
	s22 =	sshrl.u32 s21, $0x3  }
0x13: {  	s23 =	sadd.s32 s8, s17;
	[dreg:$0xa] =	wrdreg s16;
	s16 =	sadd.s32 s10, s25  }
0x14: {  	s8 =	sadd.s32 s8, s9;
	[dreg:$0xb] =	wrdreg s16;
	s16 =	sadd.s32 s10, s20  }
0x15: {  	s8 =	sshrl.u32 s8, $0x3;
	[dreg:$0xc] =	wrdreg s16;
	s16 =	sadd.s32 s10, s22  }
0x16: {  	s8 =	sadd.s32 s10, s8;
	[dreg:$0xd] =	wrdreg s16;
	s16 =	sshrl.u32 s23, $0x3  }
0x17: {  	s2 =	sadd.s32 $0x6200, s2;
	[dreg:$0xf] =	wrdreg s8;
	s16 =	sadd.s32 s10, s16  }
0x18: {  	s24 =	smul.u32 $0xA000, s19;
	s26 =	sadd.s32 s11, s3;
	[dreg:$0xe] =	wrdreg s16  }
0x19: {  	s11 =	sadd.s32 s12, s3;
	_ =	strace $0x8000004A;
	[dreg:$0x11] =	wrdreg s26  }
0x1a: {  	s12 =	sadd.s32 s13, s3;
	s5 =	sadd.s32 s2, s5;
	[dreg:$0x12] =	wrdreg s11  }
0x1b: {  	s1 =	sadd.s32 s1, s2;
	s13 =	smul.u32 $0xFA0, s19;
	[dreg:$0x13] =	wrdreg s12  }
0x1c: {  	s18 =	sadd.s32 s15, s3;
	s16 =	sadd.s32 s14, s3;
	[dreg:$0x14] =	wrdreg s5  }
0x1d: {  	s2 =	sadd.s32 s9, s3;
	s1 =	sadd.s32 s13, s1;
	[dreg:$0x15] =	wrdreg s16  }
0x1e: {  	s25 =	sshrl.u32 s24, $0x2;
	s20 =	sadd.s32 s17, s3;
	[dreg:$0x16] =	wrdreg s18  }
0x1f: {  	s15 =	simm.s32 $0x880;
	s8 =	sadd.s32 s25, s3;
	[dreg:$0x17] =	wrdreg s20  }
0x20: {  	s13 =	simm.s32 $0x0;
	s21 =	sadd.s32 $0x118000, s8;
	[dreg:$0x10] =	wrdreg s8  }
0x21: {  	s9 =	simm.s32 $0x300;
	s22 =	sadd.s32 $0x7D600, s6;
	[dreg:$0x18] =	wrdreg s21  }
0x22: {  	s24 =	smax.u32 s7, $0x1;
	s7 =	simm.s32 $0x200;
	[dreg:$0x19] =	wrdreg s22  }
0x23: {  	s17 =	simm.s32 $0x480;
	s25 =	simm.s32 $0x580;
	[dreg:$0x4] =	wrdreg s1  }
0x24: {  	s6 =	simm.s32 $0x3;
	s23 =	simm.s32 $0x600;
	[dreg:$0x1a] =	wrdreg s24  }
0x25: {  	s10 =	simm.s32 $0x280;
	s14 =	simm.s32 $0x900;
	[dreg:$0x5] =	wrdreg s23  }
0x26: {  	[dreg:$0x6] =	wrdreg s25;
	s26 =	simm.s32 $0x700;
	s24 =	simm.s32 $0xA00  }
0x27: {  	s1 =	sshrl.u32 @!p0 s2, $0x3;
	s2 =	simm.s32 $0x80;
	s5 =	simm.s32 $0x5A00  }
0x28: {  	s8 =	simm.s32 $0x180;
	s11 =	simm.s32 $0x400;
	s12 =	simm.s32 $0x380  }
0x29: {  	s21 =	simm.s32 $0x1;
	s22 =	simm.s32 $0x680;
	s23 =	simm.s32 $0x800  }
0x2a: {  	s25 =	simm.s32 $0x780;
	s16 =	simm.s32 $0x980;
	[dreg:$0x7] =	wrdreg s26  }
0x2b: {  	v0 =	vimm.f32 $0.0e+00;
	v1 =	vimm.f32 $1.000000000e+00;
	[dreg:$0x1b] =	wrdreg s1;
	s26 =	simm.s32 $0x4;
	s1 =	simm.s32 $0x2  }
.LBB2_1:
0x2c: {  	s18 =	simm.s32 $0x70;
	s19 =	simm.s32 $0x3C0  }
.LBB2_2:
0x2d: {  	p1 =	sne.s32 s19, $0x9FC0;
	[tilespmem:s18+$0xA00] =	vst v0  }
0x2e: {  	[tilespmem:s18+$0x990] =	vst v0  }
0x2f: {  	[tilespmem:s18+$0x9A0] =	vst v0  }
.Ltmp0:
0x30: {  	[tilespmem:s18+$0x9B0] =	vst v0;
	(pc) =	sbr.rel @p1 .LBB2_2-.Ltmp0, $4  }
0x31: {  	[tilespmem:s18+$0x9C0] =	vst v0  }
0x32: {  	[tilespmem:s18+$0x9D0] =	vst v0  }
0x33: {  	[tilespmem:s18+$0x9E0] =	vst v0  }
0x34: {  	[tilespmem:s18+$0x9F0] =	vst v0;
	s18 =	sshra.s32 s19, $0x2;
	s19 =	sadd.s32 $0x200, s19  }
0x35: {  	[tilespmem:s18+$0xA00] =	vst v0  }
0x36: {  	[tilespmem:s18+$0x990] =	vst v0  }
0x37: {  	[tilespmem:s18+$0x9A0] =	vst v0  }
0x38: {  	[tilespmem:s18+$0x9B0] =	vst v0  }
0x39: {  	[tilespmem:s18+$0x9C0] =	vst v0  }
0x3a: {  	[tilespmem:s18+$0x9D0] =	vst v0  }
0x3b: {  	[tilespmem:s18+$0x9E0] =	vst v0  }
0x3c: {  	[tilespmem:s18+$0x9F0] =	vst v0;
	s18 =	simm.s32 $0x40;
	s19 =	simm.s32 $0x0  }
.LBB2_4:
0x3d: {  	p1 =	sne.s32 s18, $0x9C00;
	[tilespmem:s19+$0x5A00] =	vst v0;
	s19 =	smov.u32 s18;
	s18 =	sadd.s32 $0x40, s18  }
.Ltmp1:
0x3e: {  	(pc) =	sbr.rel @p1 .LBB2_4-.Ltmp1, $2  }
0x3f: {  	_ =	sdelay $0x2  }
0x40: {  	s19 =	sshra.s32 s19, $0x2  }
0x41: {  	[tilespmem:s19+$0x5A00] =	vst v0;
	s18 =	rddreg [dreg:$0x10]  }
0x42: {  	[spmem:s18] =	stream.linear.scatter [tilespmem:s24], [sflag:$0x4], $0x2800, $0x38;
	[tilespmem:$0x1BA00] =	vst v63  }
0x43: {  	_ =	swait.ge [sflag:s26], $0x2800  }
0x44: {  	[sflag:s26] =	ssyncset.done $0x0  }
0x45: {  	s20 =	rddreg [dreg:$0x11];
	[sflag:s26] =	ssyncadd.s32 $0xFFFFD800  }
0x46: {  	[spmem:s20] =	stream.linear.scatter [tilespmem:s24], [sflag:$0x4], $0x2800, $0x38;
	[tilespmem:$0x1BA00] =	vst v63  }
0x47: {  	_ =	swait.ge [sflag:s26], $0x2800  }
0x48: {  	[sflag:s26] =	ssyncset.done $0x0  }
0x49: {  	s19 =	rddreg [dreg:$0x12];
	[sflag:s26] =	ssyncadd.s32 $0xFFFFD800  }
0x4a: {  	[spmem:s19] =	stream.linear.scatter [tilespmem:s24], [sflag:$0x4], $0x2800, $0x38;
	[tilespmem:$0x1BA00] =	vst v63  }
0x4b: {  	_ =	swait.ge [sflag:s26], $0x2800  }
0x4c: {  	[sflag:s26] =	ssyncset.done $0x0  }
0x4d: {  	s20 =	rddreg [dreg:$0x13];
	[sflag:s26] =	ssyncadd.s32 $0xFFFFD800  }
0x4e: {  	[spmem:s20] =	stream.linear.scatter [tilespmem:s24], [sflag:$0x4], $0x2800, $0x38;
	[tilespmem:$0x1BA00] =	vst v63  }
0x4f: {  	_ =	swait.ge [sflag:s26], $0x2800  }
0x50: {  	[sflag:s26] =	ssyncset.done $0x0  }
0x51: {  	s19 =	rddreg [dreg:$0x15];
	[sflag:s26] =	ssyncadd.s32 $0xFFFFD800  }
0x52: {  	[spmem:s19] =	stream.linear.scatter [tilespmem:s24], [sflag:$0x4], $0x2800, $0x38;
	[tilespmem:$0x1BA00] =	vst v63  }
0x53: {  	_ =	swait.ge [sflag:s26], $0x2800  }
0x54: {  	[sflag:s26] =	ssyncset.done $0x0  }
0x55: {  	s20 =	rddreg [dreg:$0x16];
	[sflag:s26] =	ssyncadd.s32 $0xFFFFD800  }
0x56: {  	[spmem:s20] =	stream.linear.scatter [tilespmem:s24], [sflag:$0x4], $0x2800, $0x38;
	[tilespmem:$0x1BA00] =	vst v63  }
0x57: {  	_ =	swait.ge [sflag:s26], $0x2800  }
0x58: {  	[sflag:s26] =	ssyncset.done $0x0  }
0x59: {  	s19 =	rddreg [dreg:$0x17];
	[sflag:s26] =	ssyncadd.s32 $0xFFFFD800  }
0x5a: {  	[spmem:s19] =	stream.linear.scatter [tilespmem:s24], [sflag:$0x4], $0x2800, $0x38;
	[tilespmem:$0x1BA00] =	vst v63  }
0x5b: {  	_ =	swait.ge [sflag:s26], $0x2800  }
0x5c: {  	[sflag:s26] =	ssyncset.done $0x0  }
0x5d: {  	s18 =	simm.s32 @!p0 $0xA00;
	s19 =	rddreg [dreg:$0x18];
	[sflag:s26] =	ssyncadd.s32 $0xFFFFD800  }
0x5e: {  	[spmem:s19] =	stream.linear.scatter @!p0 [tilespmem:s18], [sflag:$0x4], $0x2800, $0x38;
	[tilespmem:$0x1BA00] =	vst v63  }
0x5f: {  	s18 =	simm.s32 @!p0 $0x4  }
0x60: {  	_ =	swait.ge @!p0 [sflag:s18], $0x2800  }
0x61: {  	[sflag:s18] =	ssyncset.done @!p0 $0x0  }
0x62: {  	[sflag:s18] =	ssyncadd.s32 @!p0 $0xFFFFD800  }
0x63: {  	[bflag:$0x0] =	sbarrier.arrive $0xFFFF  }
0x64: {  	s20 =	rddreg [dreg:$0x14]  }
0x65: {  	[tilespmem:s4], [sflag:$0x4] =	stream.linear.gather [hbm4b:s20+s4], $0x500, $0x38;
	[tilespmem:$0x1BA00] =	vst v63  }
0x66: {  	_ =	swait.ge [sflag:s26], $0x500  }
0x67: {  	[sflag:s26] =	ssyncset.done $0x0  }
0x68: {  	s18 =	simm.s32 $0xFFFFF100;
	[sflag:s26] =	ssyncadd.s32 $0xFFFFFB00  }
.LBB2_6:
0x69: {  	s19 =	rddreg [dreg:$0x4]  }
0x6a: {  	s19 =	sadd.s32 s18, s19  }
0x6b: {  	s20 =	sadd.s32 $0xFA0, s19  }
0x6c: {  	[tilespmem:s28], [sflag:$0x1] =	stream.linear.gather [hbm4b:s20+s4], $0x500, $0x38;
	[tilespmem:$0x1BA00] =	vst v63  }
0x6d: {  	_ = 	snop  }
0x6e: {  	[tilespmem:s24], [sflag:$0x2] =	stream.indirect.gather [hbm4b:s0+s29], $0x80, s4, s29, $0xb8;
	[tilespmem:$0x1BA00] =	vst v63  }
0x6f: {  	_ = 	snop  }
0x70: {  	[tilespmem:s31], [sflag:$0x2] =	stream.indirect.gather [hbm4b:s0+s29], $0x80, s30, s29, $0xb8;
	[tilespmem:$0x1BA00] =	vst v63  }
0x71: {  	_ =	swait.ge [sflag:s1], $0x2800  }
0x72: {  	[sflag:s1] =	ssyncset.done $0x0  }
0x73: {  	[sflag:s1] =	ssyncadd.s32 $0xFFFFD800  }
0x74: {  	[spmem:s3] =	stream.indirect.scatter.add.f32 [tilespmem:s24], [sflag:$0x3], $0x80, s2, s29, $0xb8;
	[tilespmem:$0x1BA00] =	vst v63  }
0x75: {  	v2 =	vld [tilespmem:$0x80];
	_ =	sdelay $0x7  }
0x76: {  	[tilespmem:v2+s5+$0x0] =	vst.idx.add.f32.msk $0xffff, v1  }
0x77: {  	v2 =	vld [tilespmem:$0x90];
	_ =	sdelay $0x7  }
0x78: {  	[tilespmem:v2+s5+$0x0] =	vst.idx.add.f32.msk $0xffff, v1  }
0x79: {  	v2 =	vld [tilespmem:$0xA0];
	_ =	sdelay $0x7  }
0x7a: {  	[tilespmem:v2+s5+$0x0] =	vst.idx.add.f32.msk $0xffff, v1  }
0x7b: {  	v2 =	vld [tilespmem:$0xB0];
	_ =	sdelay $0x7  }
0x7c: {  	[tilespmem:v2+s5+$0x0] =	vst.idx.add.f32.msk $0xffff, v1  }
0x7d: {  	v2 =	vld [tilespmem:$0xC0];
	_ =	sdelay $0x7  }
0x7e: {  	[tilespmem:v2+s5+$0x0] =	vst.idx.add.f32.msk $0xffff, v1  }
0x7f: {  	_ =	swait.ge [sflag:s6], $0x2800  }
0x80: {  	[sflag:s6] =	ssyncset.done $0x0  }
0x81: {  	[sflag:s6] =	ssyncadd.s32 $0xFFFFD800  }
0x82: {  	[tilespmem:s24], [sflag:$0x2] =	stream.indirect.gather [hbm4b:s0+s29], $0x80, s7, s29, $0xb8;
	[tilespmem:$0x1BA00] =	vst v63  }
0x83: {  	_ =	swait.ge [sflag:s1], $0x2800  }
0x84: {  	[sflag:s1] =	ssyncset.done $0x0  }
0x85: {  	[sflag:s1] =	ssyncadd.s32 $0xFFFFD800  }
0x86: {  	[spmem:s3] =	stream.indirect.scatter.add.f32 [tilespmem:s31], [sflag:$0x3], $0x80, s8, s29, $0xb8;
	[tilespmem:$0x1BA00] =	vst v63  }
0x87: {  	v2 =	vld [tilespmem:$0x180];
	_ =	sdelay $0x7  }
0x88: {  	[tilespmem:v2+s5+$0x0] =	vst.idx.add.f32.msk $0xffff, v1  }
0x89: {  	v2 =	vld [tilespmem:$0x190];
	_ =	sdelay $0x7  }
0x8a: {  	[tilespmem:v2+s5+$0x0] =	vst.idx.add.f32.msk $0xffff, v1  }
0x8b: {  	v2 =	vld [tilespmem:$0x1A0];
	_ =	sdelay $0x7  }
0x8c: {  	[tilespmem:v2+s5+$0x0] =	vst.idx.add.f32.msk $0xffff, v1  }
0x8d: {  	v2 =	vld [tilespmem:$0x1B0];
	_ =	sdelay $0x7  }
0x8e: {  	[tilespmem:v2+s5+$0x0] =	vst.idx.add.f32.msk $0xffff, v1  }
0x8f: {  	v2 =	vld [tilespmem:$0x1C0];
	_ =	sdelay $0x7  }
0x90: {  	[tilespmem:v2+s5+$0x0] =	vst.idx.add.f32.msk $0xffff, v1  }
0x91: {  	_ =	swait.ge [sflag:s6], $0x2800  }
0x92: {  	[sflag:s6] =	ssyncset.done $0x0  }
0x93: {  	[sflag:s6] =	ssyncadd.s32 $0xFFFFD800  }
0x94: {  	[tilespmem:s31], [sflag:$0x2] =	stream.indirect.gather [hbm4b:s0+s29], $0x80, s9, s29, $0xb8;
	[tilespmem:$0x1BA00] =	vst v63  }
0x95: {  	_ =	swait.ge [sflag:s1], $0x2800  }
0x96: {  	[sflag:s1] =	ssyncset.done $0x0  }
0x97: {  	[sflag:s1] =	ssyncadd.s32 $0xFFFFD800  }
0x98: {  	[spmem:s3] =	stream.indirect.scatter.add.f32 [tilespmem:s24], [sflag:$0x3], $0x80, s10, s29, $0xb8;
	[tilespmem:$0x1BA00] =	vst v63  }
0x99: {  	v2 =	vld [tilespmem:$0x280];
	_ =	sdelay $0x7  }
0x9a: {  	[tilespmem:v2+s5+$0x0] =	vst.idx.add.f32.msk $0xffff, v1  }
0x9b: {  	v2 =	vld [tilespmem:$0x290];
	_ =	sdelay $0x7  }
0x9c: {  	[tilespmem:v2+s5+$0x0] =	vst.idx.add.f32.msk $0xffff, v1  }
0x9d: {  	v2 =	vld [tilespmem:$0x2A0];
	_ =	sdelay $0x7  }
0x9e: {  	[tilespmem:v2+s5+$0x0] =	vst.idx.add.f32.msk $0xffff, v1  }
0x9f: {  	v2 =	vld [tilespmem:$0x2B0];
	_ =	sdelay $0x7  }
0xa0: {  	[tilespmem:v2+s5+$0x0] =	vst.idx.add.f32.msk $0xffff, v1  }
0xa1: {  	v2 =	vld [tilespmem:$0x2C0];
	_ =	sdelay $0x7  }
0xa2: {  	[tilespmem:v2+s5+$0x0] =	vst.idx.add.f32.msk $0xffff, v1  }
0xa3: {  	_ =	swait.ge [sflag:s6], $0x2800  }
0xa4: {  	[sflag:s6] =	ssyncset.done $0x0  }
0xa5: {  	[sflag:s6] =	ssyncadd.s32 $0xFFFFD800  }
0xa6: {  	[tilespmem:s24], [sflag:$0x2] =	stream.indirect.gather [hbm4b:s0+s29], $0x80, s11, s29, $0xb8;
	[tilespmem:$0x1BA00] =	vst v63  }
0xa7: {  	_ =	swait.ge [sflag:s1], $0x2800  }
0xa8: {  	[sflag:s1] =	ssyncset.done $0x0  }
0xa9: {  	[sflag:s1] =	ssyncadd.s32 $0xFFFFD800  }
0xaa: {  	[spmem:s3] =	stream.indirect.scatter.add.f32 [tilespmem:s31], [sflag:$0x3], $0x80, s12, s29, $0xb8;
	[tilespmem:$0x1BA00] =	vst v63  }
0xab: {  	v2 =	vld [tilespmem:$0x380];
	_ =	sdelay $0x7  }
0xac: {  	[tilespmem:v2+s5+$0x0] =	vst.idx.add.f32.msk $0xffff, v1  }
0xad: {  	v2 =	vld [tilespmem:$0x390];
	_ =	sdelay $0x7  }
0xae: {  	[tilespmem:v2+s5+$0x0] =	vst.idx.add.f32.msk $0xffff, v1  }
0xaf: {  	v2 =	vld [tilespmem:$0x3A0];
	_ =	sdelay $0x7  }
0xb0: {  	[tilespmem:v2+s5+$0x0] =	vst.idx.add.f32.msk $0xffff, v1  }
0xb1: {  	v2 =	vld [tilespmem:$0x3B0];
	_ =	sdelay $0x7  }
0xb2: {  	[tilespmem:v2+s5+$0x0] =	vst.idx.add.f32.msk $0xffff, v1  }
0xb3: {  	v2 =	vld [tilespmem:$0x3C0];
	_ =	sdelay $0x7  }
0xb4: {  	[tilespmem:v2+s5+$0x0] =	vst.idx.add.f32.msk $0xffff, v1  }
0xb5: {  	_ =	swait.ge [sflag:s1], $0x2800  }
0xb6: {  	[sflag:s1] =	ssyncset.done $0x0  }
0xb7: {  	[sflag:s1] =	ssyncadd.s32 $0xFFFFD800  }
0xb8: {  	[spmem:s3] =	stream.indirect.scatter.add.f32 [tilespmem:s24], [sflag:$0x3], $0x80, s17, s29, $0xb8;
	[tilespmem:$0x1BA00] =	vst v63  }
0xb9: {  	v2 =	vld [tilespmem:$0x480];
	_ =	sdelay $0x7  }
0xba: {  	[tilespmem:v2+s5+$0x0] =	vst.idx.add.f32.msk $0xffff, v1  }
0xbb: {  	v2 =	vld [tilespmem:$0x490];
	_ =	sdelay $0x7  }
0xbc: {  	[tilespmem:v2+s5+$0x0] =	vst.idx.add.f32.msk $0xffff, v1  }
0xbd: {  	v2 =	vld [tilespmem:$0x4A0];
	_ =	sdelay $0x7  }
0xbe: {  	[tilespmem:v2+s5+$0x0] =	vst.idx.add.f32.msk $0xffff, v1  }
0xbf: {  	v2 =	vld [tilespmem:$0x4B0];
	_ =	sdelay $0x7  }
0xc0: {  	[tilespmem:v2+s5+$0x0] =	vst.idx.add.f32.msk $0xffff, v1  }
0xc1: {  	v2 =	vld [tilespmem:$0x4C0];
	_ =	sdelay $0x7  }
0xc2: {  	[tilespmem:v2+s5+$0x0] =	vst.idx.add.f32.msk $0xffff, v1  }
0xc3: {  	_ =	swait.ge [sflag:s6], $0x2800  }
0xc4: {  	[sflag:s6] =	ssyncset.done $0x0  }
0xc5: {  	[sflag:s6] =	ssyncadd.s32 $0xFFFFD800  }
0xc6: {  	_ =	swait.ge [sflag:s6], $0x2800  }
0xc7: {  	[sflag:s6] =	ssyncset.done $0x0  }
0xc8: {  	[sflag:s6] =	ssyncadd.s32 $0xFFFFD800  }
0xc9: {  	_ =	swait.ge [sflag:s21], $0x500  }
0xca: {  	[sflag:s21] =	ssyncset.done $0x0  }
0xcb: {  	s19 =	sadd.s32 $0x1040, s19;
	[sflag:s21] =	ssyncadd.s32 $0xFFFFFB00  }
0xcc: {  	[tilespmem:s4], [sflag:$0x1] =	stream.linear.gather [hbm4b:s19+s4], $0x500, $0x38;
	[tilespmem:$0x1BA00] =	vst v63  }
0xcd: {  	_ = 	snop  }
0xce: {  	[tilespmem:s24], [sflag:$0x2] =	stream.indirect.gather [hbm4b:s0+s29], $0x80, s28, s29, $0xb8;
	[tilespmem:$0x1BA00] =	vst v63  }
0xcf: {  	s20 =	rddreg [dreg:$0x5]  }
0xd0: {  	[tilespmem:s31], [sflag:$0x2] =	stream.indirect.gather [hbm4b:s0+s29], $0x80, s20, s29, $0xb8;
	[tilespmem:$0x1BA00] =	vst v63  }
0xd1: {  	_ =	swait.ge [sflag:s1], $0x2800  }
0xd2: {  	[sflag:s1] =	ssyncset.done $0x0  }
0xd3: {  	s20 =	rddreg [dreg:$0x6];
	[sflag:s1] =	ssyncadd.s32 $0xFFFFD800  }
0xd4: {  	[spmem:s3] =	stream.indirect.scatter.add.f32 [tilespmem:s24], [sflag:$0x3], $0x80, s20, s29, $0xb8;
	[tilespmem:$0x1BA00] =	vst v63  }
0xd5: {  	v2 =	vld [tilespmem:$0x580];
	_ =	sdelay $0x7  }
0xd6: {  	[tilespmem:v2+s5+$0x0] =	vst.idx.add.f32.msk $0xffff, v1  }
0xd7: {  	v2 =	vld [tilespmem:$0x590];
	_ =	sdelay $0x7  }
0xd8: {  	[tilespmem:v2+s5+$0x0] =	vst.idx.add.f32.msk $0xffff, v1  }
0xd9: {  	v2 =	vld [tilespmem:$0x5A0];
	_ =	sdelay $0x7  }
0xda: {  	[tilespmem:v2+s5+$0x0] =	vst.idx.add.f32.msk $0xffff, v1  }
0xdb: {  	v2 =	vld [tilespmem:$0x5B0];
	_ =	sdelay $0x7  }
0xdc: {  	[tilespmem:v2+s5+$0x0] =	vst.idx.add.f32.msk $0xffff, v1  }
0xdd: {  	v2 =	vld [tilespmem:$0x5C0];
	_ =	sdelay $0x7  }
0xde: {  	[tilespmem:v2+s5+$0x0] =	vst.idx.add.f32.msk $0xffff, v1  }
0xdf: {  	_ =	swait.ge [sflag:s6], $0x2800  }
0xe0: {  	[sflag:s6] =	ssyncset.done $0x0  }
0xe1: {  	s20 =	rddreg [dreg:$0x7];
	[sflag:s6] =	ssyncadd.s32 $0xFFFFD800  }
0xe2: {  	[tilespmem:s24], [sflag:$0x2] =	stream.indirect.gather [hbm4b:s0+s29], $0x80, s20, s29, $0xb8;
	[tilespmem:$0x1BA00] =	vst v63  }
0xe3: {  	_ =	swait.ge [sflag:s1], $0x2800  }
0xe4: {  	[sflag:s1] =	ssyncset.done $0x0  }
0xe5: {  	[sflag:s1] =	ssyncadd.s32 $0xFFFFD800  }
0xe6: {  	[spmem:s3] =	stream.indirect.scatter.add.f32 [tilespmem:s31], [sflag:$0x3], $0x80, s22, s29, $0xb8;
	[tilespmem:$0x1BA00] =	vst v63  }
0xe7: {  	v2 =	vld [tilespmem:$0x680];
	_ =	sdelay $0x7  }
0xe8: {  	[tilespmem:v2+s5+$0x0] =	vst.idx.add.f32.msk $0xffff, v1  }
0xe9: {  	v2 =	vld [tilespmem:$0x690];
	_ =	sdelay $0x7  }
0xea: {  	[tilespmem:v2+s5+$0x0] =	vst.idx.add.f32.msk $0xffff, v1  }
0xeb: {  	v2 =	vld [tilespmem:$0x6A0];
	_ =	sdelay $0x7  }
0xec: {  	[tilespmem:v2+s5+$0x0] =	vst.idx.add.f32.msk $0xffff, v1  }
0xed: {  	v2 =	vld [tilespmem:$0x6B0];
	_ =	sdelay $0x7  }
0xee: {  	[tilespmem:v2+s5+$0x0] =	vst.idx.add.f32.msk $0xffff, v1  }
0xef: {  	v2 =	vld [tilespmem:$0x6C0];
	_ =	sdelay $0x7  }
0xf0: {  	[tilespmem:v2+s5+$0x0] =	vst.idx.add.f32.msk $0xffff, v1  }
0xf1: {  	_ =	swait.ge [sflag:s6], $0x2800  }
0xf2: {  	[sflag:s6] =	ssyncset.done $0x0  }
0xf3: {  	[sflag:s6] =	ssyncadd.s32 $0xFFFFD800  }
0xf4: {  	[tilespmem:s31], [sflag:$0x2] =	stream.indirect.gather [hbm4b:s0+s29], $0x80, s23, s29, $0xb8;
	[tilespmem:$0x1BA00] =	vst v63  }
0xf5: {  	_ =	swait.ge [sflag:s1], $0x2800  }
0xf6: {  	[sflag:s1] =	ssyncset.done $0x0  }
0xf7: {  	[sflag:s1] =	ssyncadd.s32 $0xFFFFD800  }
0xf8: {  	[spmem:s3] =	stream.indirect.scatter.add.f32 [tilespmem:s24], [sflag:$0x3], $0x80, s25, s29, $0xb8;
	[tilespmem:$0x1BA00] =	vst v63  }
0xf9: {  	v2 =	vld [tilespmem:$0x780];
	_ =	sdelay $0x7  }
0xfa: {  	[tilespmem:v2+s5+$0x0] =	vst.idx.add.f32.msk $0xffff, v1  }
0xfb: {  	v2 =	vld [tilespmem:$0x790];
	_ =	sdelay $0x7  }
0xfc: {  	[tilespmem:v2+s5+$0x0] =	vst.idx.add.f32.msk $0xffff, v1  }
0xfd: {  	v2 =	vld [tilespmem:$0x7A0];
	_ =	sdelay $0x7  }
0xfe: {  	[tilespmem:v2+s5+$0x0] =	vst.idx.add.f32.msk $0xffff, v1  }
0xff: {  	v2 =	vld [tilespmem:$0x7B0];
	_ =	sdelay $0x7  }
0x100: {  	[tilespmem:v2+s5+$0x0] =	vst.idx.add.f32.msk $0xffff, v1  }
0x101: {  	v2 =	vld [tilespmem:$0x7C0];
	_ =	sdelay $0x7  }
0x102: {  	[tilespmem:v2+s5+$0x0] =	vst.idx.add.f32.msk $0xffff, v1  }
0x103: {  	_ =	swait.ge [sflag:s6], $0x2800  }
0x104: {  	[sflag:s6] =	ssyncset.done $0x0  }
0x105: {  	[sflag:s6] =	ssyncadd.s32 $0xFFFFD800  }
0x106: {  	[tilespmem:s24], [sflag:$0x2] =	stream.indirect.gather [hbm4b:s0+s29], $0x80, s14, s29, $0xb8;
	[tilespmem:$0x1BA00] =	vst v63  }
0x107: {  	_ =	swait.ge [sflag:s1], $0x2800  }
0x108: {  	[sflag:s1] =	ssyncset.done $0x0  }
0x109: {  	[sflag:s1] =	ssyncadd.s32 $0xFFFFD800  }
0x10a: {  	[spmem:s3] =	stream.indirect.scatter.add.f32 [tilespmem:s31], [sflag:$0x3], $0x80, s15, s29, $0xb8;
	[tilespmem:$0x1BA00] =	vst v63  }
0x10b: {  	v2 =	vld [tilespmem:$0x880];
	_ =	sdelay $0x7  }
0x10c: {  	[tilespmem:v2+s5+$0x0] =	vst.idx.add.f32.msk $0xffff, v1  }
0x10d: {  	v2 =	vld [tilespmem:$0x890];
	_ =	sdelay $0x7  }
0x10e: {  	[tilespmem:v2+s5+$0x0] =	vst.idx.add.f32.msk $0xffff, v1  }
0x10f: {  	v2 =	vld [tilespmem:$0x8A0];
	_ =	sdelay $0x7  }
0x110: {  	[tilespmem:v2+s5+$0x0] =	vst.idx.add.f32.msk $0xffff, v1  }
0x111: {  	v2 =	vld [tilespmem:$0x8B0];
	_ =	sdelay $0x7  }
0x112: {  	[tilespmem:v2+s5+$0x0] =	vst.idx.add.f32.msk $0xffff, v1  }
0x113: {  	v2 =	vld [tilespmem:$0x8C0];
	_ =	sdelay $0x7  }
0x114: {  	[tilespmem:v2+s5+$0x0] =	vst.idx.add.f32.msk $0xffff, v1  }
0x115: {  	_ =	swait.ge [sflag:s1], $0x2800  }
0x116: {  	[sflag:s1] =	ssyncset.done $0x0  }
0x117: {  	[sflag:s1] =	ssyncadd.s32 $0xFFFFD800  }
0x118: {  	[spmem:s3] =	stream.indirect.scatter.add.f32 [tilespmem:s24], [sflag:$0x3], $0x80, s16, s29, $0xb8;
	[tilespmem:$0x1BA00] =	vst v63  }
0x119: {  	v2 =	vld [tilespmem:$0x980];
	_ =	sdelay $0x7  }
0x11a: {  	[tilespmem:v2+s5+$0x0] =	vst.idx.add.f32.msk $0xffff, v1  }
0x11b: {  	v2 =	vld [tilespmem:$0x990];
	_ =	sdelay $0x7  }
0x11c: {  	[tilespmem:v2+s5+$0x0] =	vst.idx.add.f32.msk $0xffff, v1  }
0x11d: {  	v2 =	vld [tilespmem:$0x9A0];
	_ =	sdelay $0x7  }
0x11e: {  	[tilespmem:v2+s5+$0x0] =	vst.idx.add.f32.msk $0xffff, v1  }
0x11f: {  	v2 =	vld [tilespmem:$0x9B0];
	_ =	sdelay $0x7  }
0x120: {  	[tilespmem:v2+s5+$0x0] =	vst.idx.add.f32.msk $0xffff, v1  }
0x121: {  	v2 =	vld [tilespmem:$0x9C0];
	_ =	sdelay $0x7  }
0x122: {  	[tilespmem:v2+s5+$0x0] =	vst.idx.add.f32.msk $0xffff, v1  }
0x123: {  	_ =	swait.ge [sflag:s6], $0x2800  }
0x124: {  	[sflag:s6] =	ssyncset.done $0x0  }
0x125: {  	[sflag:s6] =	ssyncadd.s32 $0xFFFFD800  }
0x126: {  	p1 =	sne.s32 s18, $0xFFFFFEC0;
	_ =	swait.ge [sflag:s6], $0x2800  }
.Ltmp2:
0x127: {  	[sflag:s6] =	ssyncset.done $0x0;
	(pc) =	sbr.rel @p1 .LBB2_6-.Ltmp2, $4  }
0x128: {  	[sflag:s6] =	ssyncadd.s32 $0xFFFFD800  }
0x129: {  	_ =	swait.ge [sflag:s21], $0x500  }
0x12a: {  	[sflag:s21] =	ssyncset.done $0x0  }
0x12b: {  	s18 =	sadd.s32 $0x140, s18;
	[sflag:s21] =	ssyncadd.s32 $0xFFFFFB00  }
0x12c: {  	[tilespmem:s24], [sflag:$0x2] =	stream.indirect.gather [hbm4b:s0+s29], $0x80, s4, s29, $0xb8;
	[tilespmem:$0x1BA00] =	vst v63  }
0x12d: {  	_ = 	snop  }
0x12e: {  	[tilespmem:s31], [sflag:$0x2] =	stream.indirect.gather [hbm4b:s0+s29], $0x80, s30, s29, $0xb8;
	[tilespmem:$0x1BA00] =	vst v63  }
0x12f: {  	_ =	swait.ge [sflag:s1], $0x2800  }
0x130: {  	[sflag:s1] =	ssyncset.done $0x0  }
0x131: {  	[sflag:s1] =	ssyncadd.s32 $0xFFFFD800  }
0x132: {  	[spmem:s3] =	stream.indirect.scatter.add.f32 [tilespmem:s24], [sflag:$0x3], $0x80, s2, s29, $0xb8;
	[tilespmem:$0x1BA00] =	vst v63  }
0x133: {  	v2 =	vld [tilespmem:$0x80];
	_ =	sdelay $0x7  }
0x134: {  	[tilespmem:v2+s5+$0x0] =	vst.idx.add.f32.msk $0xffff, v1  }
0x135: {  	v2 =	vld [tilespmem:$0x90];
	_ =	sdelay $0x7  }
0x136: {  	[tilespmem:v2+s5+$0x0] =	vst.idx.add.f32.msk $0xffff, v1  }
0x137: {  	v2 =	vld [tilespmem:$0xA0];
	_ =	sdelay $0x7  }
0x138: {  	[tilespmem:v2+s5+$0x0] =	vst.idx.add.f32.msk $0xffff, v1  }
0x139: {  	v2 =	vld [tilespmem:$0xB0];
	_ =	sdelay $0x7  }
0x13a: {  	[tilespmem:v2+s5+$0x0] =	vst.idx.add.f32.msk $0xffff, v1  }
0x13b: {  	v2 =	vld [tilespmem:$0xC0];
	_ =	sdelay $0x7  }
0x13c: {  	[tilespmem:v2+s5+$0x0] =	vst.idx.add.f32.msk $0xffff, v1  }
0x13d: {  	_ =	swait.ge [sflag:s6], $0x2800  }
0x13e: {  	[sflag:s6] =	ssyncset.done $0x0  }
0x13f: {  	[sflag:s6] =	ssyncadd.s32 $0xFFFFD800  }
0x140: {  	[tilespmem:s24], [sflag:$0x2] =	stream.indirect.gather [hbm4b:s0+s29], $0x80, s7, s29, $0xb8;
	[tilespmem:$0x1BA00] =	vst v63  }
0x141: {  	_ =	swait.ge [sflag:s1], $0x2800  }
0x142: {  	[sflag:s1] =	ssyncset.done $0x0  }
0x143: {  	[sflag:s1] =	ssyncadd.s32 $0xFFFFD800  }
0x144: {  	[spmem:s3] =	stream.indirect.scatter.add.f32 [tilespmem:s31], [sflag:$0x3], $0x80, s8, s29, $0xb8;
	[tilespmem:$0x1BA00] =	vst v63  }
0x145: {  	v2 =	vld [tilespmem:$0x180];
	_ =	sdelay $0x7  }
0x146: {  	[tilespmem:v2+s5+$0x0] =	vst.idx.add.f32.msk $0xffff, v1  }
0x147: {  	v2 =	vld [tilespmem:$0x190];
	_ =	sdelay $0x7  }
0x148: {  	[tilespmem:v2+s5+$0x0] =	vst.idx.add.f32.msk $0xffff, v1  }
0x149: {  	v2 =	vld [tilespmem:$0x1A0];
	_ =	sdelay $0x7  }
0x14a: {  	[tilespmem:v2+s5+$0x0] =	vst.idx.add.f32.msk $0xffff, v1  }
0x14b: {  	v2 =	vld [tilespmem:$0x1B0];
	_ =	sdelay $0x7  }
0x14c: {  	[tilespmem:v2+s5+$0x0] =	vst.idx.add.f32.msk $0xffff, v1  }
0x14d: {  	v2 =	vld [tilespmem:$0x1C0];
	_ =	sdelay $0x7  }
0x14e: {  	[tilespmem:v2+s5+$0x0] =	vst.idx.add.f32.msk $0xffff, v1  }
0x14f: {  	_ =	swait.ge [sflag:s6], $0x2800  }
0x150: {  	[sflag:s6] =	ssyncset.done $0x0  }
0x151: {  	[sflag:s6] =	ssyncadd.s32 $0xFFFFD800  }
0x152: {  	[tilespmem:s31], [sflag:$0x2] =	stream.indirect.gather [hbm4b:s0+s29], $0x80, s9, s29, $0xb8;
	[tilespmem:$0x1BA00] =	vst v63  }
0x153: {  	_ =	swait.ge [sflag:s1], $0x2800  }
0x154: {  	[sflag:s1] =	ssyncset.done $0x0  }
0x155: {  	[sflag:s1] =	ssyncadd.s32 $0xFFFFD800  }
0x156: {  	[spmem:s3] =	stream.indirect.scatter.add.f32 [tilespmem:s24], [sflag:$0x3], $0x80, s10, s29, $0xb8;
	[tilespmem:$0x1BA00] =	vst v63  }
0x157: {  	v2 =	vld [tilespmem:$0x280];
	_ =	sdelay $0x7  }
0x158: {  	[tilespmem:v2+s5+$0x0] =	vst.idx.add.f32.msk $0xffff, v1  }
0x159: {  	v2 =	vld [tilespmem:$0x290];
	_ =	sdelay $0x7  }
0x15a: {  	[tilespmem:v2+s5+$0x0] =	vst.idx.add.f32.msk $0xffff, v1  }
0x15b: {  	v2 =	vld [tilespmem:$0x2A0];
	_ =	sdelay $0x7  }
0x15c: {  	[tilespmem:v2+s5+$0x0] =	vst.idx.add.f32.msk $0xffff, v1  }
0x15d: {  	v2 =	vld [tilespmem:$0x2B0];
	_ =	sdelay $0x7  }
0x15e: {  	[tilespmem:v2+s5+$0x0] =	vst.idx.add.f32.msk $0xffff, v1  }
0x15f: {  	v2 =	vld [tilespmem:$0x2C0];
	_ =	sdelay $0x7  }
0x160: {  	[tilespmem:v2+s5+$0x0] =	vst.idx.add.f32.msk $0xffff, v1  }
0x161: {  	_ =	swait.ge [sflag:s6], $0x2800  }
0x162: {  	[sflag:s6] =	ssyncset.done $0x0  }
0x163: {  	[sflag:s6] =	ssyncadd.s32 $0xFFFFD800  }
0x164: {  	[tilespmem:s24], [sflag:$0x2] =	stream.indirect.gather [hbm4b:s0+s29], $0x80, s11, s29, $0xb8;
	[tilespmem:$0x1BA00] =	vst v63  }
0x165: {  	_ =	swait.ge [sflag:s1], $0x2800  }
0x166: {  	[sflag:s1] =	ssyncset.done $0x0  }
0x167: {  	[sflag:s1] =	ssyncadd.s32 $0xFFFFD800  }
0x168: {  	[spmem:s3] =	stream.indirect.scatter.add.f32 [tilespmem:s31], [sflag:$0x3], $0x80, s12, s29, $0xb8;
	[tilespmem:$0x1BA00] =	vst v63  }
0x169: {  	v2 =	vld [tilespmem:$0x380];
	_ =	sdelay $0x7  }
0x16a: {  	[tilespmem:v2+s5+$0x0] =	vst.idx.add.f32.msk $0xffff, v1  }
0x16b: {  	v2 =	vld [tilespmem:$0x390];
	_ =	sdelay $0x7  }
0x16c: {  	[tilespmem:v2+s5+$0x0] =	vst.idx.add.f32.msk $0xffff, v1  }
0x16d: {  	v2 =	vld [tilespmem:$0x3A0];
	_ =	sdelay $0x7  }
0x16e: {  	[tilespmem:v2+s5+$0x0] =	vst.idx.add.f32.msk $0xffff, v1  }
0x16f: {  	v2 =	vld [tilespmem:$0x3B0];
	_ =	sdelay $0x7  }
0x170: {  	[tilespmem:v2+s5+$0x0] =	vst.idx.add.f32.msk $0xffff, v1  }
0x171: {  	v2 =	vld [tilespmem:$0x3C0];
	_ =	sdelay $0x7  }
0x172: {  	[tilespmem:v2+s5+$0x0] =	vst.idx.add.f32.msk $0xffff, v1  }
0x173: {  	_ =	swait.ge [sflag:s1], $0x2800  }
0x174: {  	[sflag:s1] =	ssyncset.done $0x0  }
0x175: {  	[sflag:s1] =	ssyncadd.s32 $0xFFFFD800  }
0x176: {  	[spmem:s3] =	stream.indirect.scatter.add.f32 [tilespmem:s24], [sflag:$0x3], $0x80, s17, s29, $0xb8;
	[tilespmem:$0x1BA00] =	vst v63  }
0x177: {  	v2 =	vld [tilespmem:$0x480];
	_ =	sdelay $0x7  }
0x178: {  	[tilespmem:v2+s5+$0x0] =	vst.idx.add.f32.msk $0xffff, v1  }
0x179: {  	v2 =	vld [tilespmem:$0x490];
	_ =	sdelay $0x7  }
0x17a: {  	[tilespmem:v2+s5+$0x0] =	vst.idx.add.f32.msk $0xffff, v1  }
0x17b: {  	v2 =	vld [tilespmem:$0x4A0];
	_ =	sdelay $0x7  }
0x17c: {  	[tilespmem:v2+s5+$0x0] =	vst.idx.add.f32.msk $0xffff, v1  }
0x17d: {  	v2 =	vld [tilespmem:$0x4B0];
	_ =	sdelay $0x7  }
0x17e: {  	[tilespmem:v2+s5+$0x0] =	vst.idx.add.f32.msk $0xffff, v1  }
0x17f: {  	v2 =	vld [tilespmem:$0x4C0];
	_ =	sdelay $0x7  }
0x180: {  	[tilespmem:v2+s5+$0x0] =	vst.idx.add.f32.msk $0xffff, v1  }
0x181: {  	_ =	swait.ge [sflag:s6], $0x2800  }
0x182: {  	[sflag:s6] =	ssyncset.done $0x0  }
0x183: {  	[sflag:s6] =	ssyncadd.s32 $0xFFFFD800  }
0x184: {  	_ =	swait.ge [sflag:s6], $0x2800  }
0x185: {  	[sflag:s6] =	ssyncset.done $0x0  }
0x186: {  	[sflag:s6] =	ssyncadd.s32 $0xFFFFD800  }
0x187: {  	s18 =	stileid.u32;
	[bflag:$0x0] =	sbarrier.arrive $0xFFFF  }
0x188: {  	s18 =	sshll.u32 s18, $0x6;
	s19 =	rddreg [dreg:$0x10]  }
0x189: {  	s18 =	sor.u32 $0x1C04, s18;
	s20 =	rddreg [dreg:$0x8];
	s19 =	sshrl.u32 s19, $0x3  }
0x18a: {  	[hbm:s20], [sflag:s18] =	dma.local [spmem:s19], $0x500  }
0x18b: {  	_ =	swait.ge [sflag:s26], $0x500  }
0x18c: {  	[sflag:s26] =	ssyncset.done $0x0;
	s20 =	rddreg [dreg:$0x11]  }
0x18d: {  	[sflag:s26] =	ssyncadd.s32 $0xFFFFFB00;
	s19 =	sshrl.u32 s20, $0x3;
	s20 =	rddreg [dreg:$0x9]  }
0x18e: {  	[hbm:s20], [sflag:s18] =	dma.local [spmem:s19], $0x500  }
0x18f: {  	_ =	swait.ge [sflag:s26], $0x500  }
0x190: {  	[sflag:s26] =	ssyncset.done $0x0;
	s20 =	rddreg [dreg:$0x12]  }
0x191: {  	[sflag:s26] =	ssyncadd.s32 $0xFFFFFB00;
	s19 =	sshrl.u32 s20, $0x3;
	s20 =	rddreg [dreg:$0xa]  }
0x192: {  	[hbm:s20], [sflag:s18] =	dma.local [spmem:s19], $0x500  }
0x193: {  	_ =	swait.ge [sflag:s26], $0x500  }
0x194: {  	[sflag:s26] =	ssyncset.done $0x0;
	s20 =	rddreg [dreg:$0x13]  }
0x195: {  	[sflag:s26] =	ssyncadd.s32 $0xFFFFFB00;
	s19 =	sshrl.u32 s20, $0x3;
	s20 =	rddreg [dreg:$0xb]  }
0x196: {  	[hbm:s20], [sflag:s18] =	dma.local [spmem:s19], $0x500  }
0x197: {  	_ =	swait.ge [sflag:s26], $0x500  }
0x198: {  	[sflag:s26] =	ssyncset.done $0x0;
	s20 =	rddreg [dreg:$0x15]  }
0x199: {  	[sflag:s26] =	ssyncadd.s32 $0xFFFFFB00;
	s19 =	sshrl.u32 s20, $0x3;
	s20 =	rddreg [dreg:$0xc]  }
0x19a: {  	[hbm:s20], [sflag:s18] =	dma.local [spmem:s19], $0x500  }
0x19b: {  	_ =	swait.ge [sflag:s26], $0x500  }
0x19c: {  	[sflag:s26] =	ssyncset.done $0x0;
	s20 =	rddreg [dreg:$0x16]  }
0x19d: {  	[sflag:s26] =	ssyncadd.s32 $0xFFFFFB00;
	s19 =	sshrl.u32 s20, $0x3;
	s20 =	rddreg [dreg:$0xd]  }
0x19e: {  	[hbm:s20], [sflag:s18] =	dma.local [spmem:s19], $0x500  }
0x19f: {  	_ =	swait.ge [sflag:s26], $0x500  }
0x1a0: {  	[sflag:s26] =	ssyncset.done $0x0;
	s20 =	rddreg [dreg:$0x17]  }
0x1a1: {  	[sflag:s26] =	ssyncadd.s32 $0xFFFFFB00;
	s19 =	sshrl.u32 s20, $0x3;
	s20 =	rddreg [dreg:$0xe]  }
0x1a2: {  	[hbm:s20], [sflag:s18] =	dma.local [spmem:s19], $0x500  }
0x1a3: {  	_ =	swait.ge [sflag:s26], $0x500  }
0x1a4: {  	[sflag:s26] =	ssyncset.done $0x0;
	s19 =	rddreg [dreg:$0xf]  }
0x1a5: {  	s20 =	rddreg [dreg:$0x1b];
	[sflag:s26] =	ssyncadd.s32 $0xFFFFFB00  }
0x1a6: {  	[hbm:s19], [sflag:s18] =	dma.local @!p0 [spmem:s20], $0x500  }
0x1a7: {  	s18 =	simm.s32 @!p0 $0x4  }
0x1a8: {  	_ =	swait.ge @!p0 [sflag:s18], $0x500  }
0x1a9: {  	[sflag:s18] =	ssyncset.done @!p0 $0x0  }
0x1aa: {  	s19 =	rddreg [dreg:$0x19];
	[sflag:s18] =	ssyncadd.s32 @!p0 $0xFFFFFB00  }
0x1ab: {  	[hbm4b:s19+s4] =	stream.linear.scatter [tilespmem:s5], [sflag:$0x4], $0x2710, $0x38;
	[tilespmem:$0x1BA00] =	vst v63  }
0x1ac: {  	_ =	swait.ge [sflag:s26], $0x2710  }
0x1ad: {  	s13 =	sadd.s32 $0x1, s13;
	s20 =	rddreg [dreg:$0x1a]  }
0x1ae: {  	p1 =	sne.s32 s13, s20  }
.Ltmp3:
0x1af: {  	_ = 	snop;
	(pc) =	sbr.rel @p1 .LBB2_1-.Ltmp3, $3  }
0x1b0: {  	_ =	sdelay $0x1  }
0x1b1: {  	[sflag:s26] =	ssyncset.done $0x0  }
0x1b2: {  	[sflag:s26] =	ssyncadd.s32 $0xFFFFD8F0  }
0x1b3: {  	_ =	sfence.sel $0x180000  }
0x1b4: {  	[bflag:$0x0] =	sbarrier.arrive $0xFFFF  }
0x1b5: {  	_ =	strace $0x9000004A  }
0x1b6: {  	s0 =	stileid.u32;
	[bflag:$0x2] =	sbarrier.arrive $0xFFFF  }
0x1b7: {  	p0 =	sne.s32 s0, $0x0;
	s0 =	rddreg [dreg:$0x3]  }
0x1b8: {  	s0 =	sadd.s32 @!p0 $0x100000, s0  }
0x1b9: {  	[sflag:s0] =	ssyncadd.tile.s32 @!p0 $0x1;
	_ =	shalt  }
.Lfunc_end2:
_tile_overlayer_lowered:
.L_overlay_start_2:
0x1ba: {  	(tag) =	ssettag $0x2  }
0x1bb: {  	s0 =	rddreg [dreg:$0x0];
	s2 =	stileid.u32  }
0x1bc: {  	s1 =	rddreg [dreg:$0x1];
	p0 =	sne.s32 s2, $0x0  }
0x1bd: {  	s3 =	rddreg [dreg:$0x2];
	[bflag:$0x3] =	sbarrier.arrive $0xFFFF;
	s2 =	simm.s32 @!p0 $0x1C04  }
0x1be: {  	[timem:s3], [sflag:s2] =	dma.local @!p0 [hbm:s0], s1  }
0x1bf: {  	s0 =	simm.s32 @!p0 $0x4  }
0x1c0: {  	_ =	swait.ge @!p0 [sflag:s0], s1  }
0x1c1: {  	s1 =	ssub.s32 @!p0 $0x0, s1;
	[sflag:s0] =	ssyncset.done @!p0 $0x0  }
0x1c2: {  	[sflag:s0] =	ssyncadd.s32 @!p0 s1  }
0x1c3: {  	[bflag:$0x3] =	sbarrier.arrive $0xFFFF  }
0x1c4: {  	_ =	shalt  }

// kernel: kernel.7.cloned.1.call-start
scs
__scs_entry_jumppad:
0x0: {  	(pc) =	sbr.rel $0x88, $3  }
0x1: {  	(tag) =	ssettag $0x0;
	lr =	simm.s32 $0x1  }
0x2: {  	[smem:$0x3F83] =	sst lr;
	_ =	strace $0xD0000000  }
0x3: {  	_ = 	snop  }
0x4: {  	_ = 	snop  }
0x5: {  	_ = 	snop  }
0x6: {  	_ = 	snop  }
0x7: {  	_ = 	snop  }
__scs_overlays_trampoline_lowered:
0x8: {  	[smem:$0x3F92] =	sst s0  }
0x9: {  	[smem:$0x3F93] =	sst s1  }
0xa: {  	[smem:$0x3F94] =	sst s2  }
0xb: {  	[smem:$0x3F95] =	sst s3  }
0xc: {  	[smem:$0x3F96] =	sst s4  }
0xd: {  	[smem:$0x3F97] =	sst s5  }
0xe: {  	[smem:$0x3F98] =	sst s6  }
0xf: {  	[smem:$0x3F99] =	sst s7  }
0x10: {  	[smem:$0x3F9A] =	sst s8  }
0x11: {  	[smem:$0x3F9B] =	sst s9;
	s0 =	simm.s32 @!p0 $0x0  }
0x12: {  	s1 =	sld [smem:$0x3F81];
	s0 =	simm.s32 @p0 $0x1  }
0x13: {  	[smem:$0x3F9C] =	sst s0;
	s0 =	simm.s32 @!p1 $0x0  }
0x14: {  	s2 =	sld [smem:$0x3F80];
	s0 =	simm.s32 @p1 $0x1  }
0x15: {  	[smem:$0x3F9D] =	sst s0;
	s0 =	simm.s32 @!p2 $0x0  }
0x16: {  	s3 =	sld [smem:$0x3FDB];
	s0 =	simm.s32 @p2 $0x1  }
0x17: {  	s4 =	simm.s32 $0x1BF5;
	[smem:$0x3F9F] =	sst s0  }
0x18: {  	s0 =	sld [smem:$0x3F82];
	_ =	swait.ge [sflag:s4], $0x0  }
0x19: {  	s7 =	sld [smem:$0x3F83]  }
0x1a: {  	s8 =	sadd.s32 $0xFFFFE003, lr  }
0x1b: {  	s9 =	sadd.s32 $0xFFFFFEF7, lr;
	s5 =	simm.s32 $0xFFFFFFFF;
	p2 =	slt.u32 s8, $0xFFFFF086  }
0x1c: {  	p1 =	slt.u32 s9, $0xF7A;
	s5 =	simm.s32 @!p2 $0x0  }
0x1d: {  	s5 =	simm.s32 @p1 $0x1;
	p0 =	seq.s32 s7, s2  }
0x1e: {  	s7 =	smul.u32 @!p0 $0xF7A, s2;
	p2 =	seq.s32 @!p0 s5, $0x0  }
0x1f: {  	s9 =	smul.u32 $0xF7A, s1;
	s8 =	simm.s32 @!p0 $0x1BF5;
	p2 =	por !p2, p0  }
0x20: {  	[sflag:s8] =	ssyncset.s32 @!p0 $0xFFFFF086;
	s6 =	sadd.s32 @!p0 s3, s7;
	s7 =	simm.s32 @!p0 $0x108  }
0x21: {  	s3 =	sadd.s32 s3, s9;
	s6 =	sadd.s32 @!p0 $0x88, s6;
	s7 =	simm.s32 @p2 $0x1082  }
0x22: {  	[simem:s7], [sflag:s8] =	dma.local @!p0 [hbm:s6], $0xF7A  }
0x23: {  	s9 =	sor.u32 $0xD0000000, s2;
	s6 =	simm.s32 $0x108;
	_ =	swait.ge @!p0 [sflag:s8], $0x0  }
0x24: {  	s3 =	sadd.s32 $0x88, s3;
	s6 =	simm.s32 @!p1 $0x1082;
	[sflag:s4] =	ssyncset.s32 $0xFFFFF086  }
0x25: {  	[simem:s6], [sflag:s4] =	dma.local [hbm:s3], $0xF7A  }
0x26: {  	[smem:$0x3F83] =	sst s1;
	(tag) =	ssettag s2;
	_ =	strace s9  }
0x27: {  	s1 =	sld [smem:$0x3F93]  }
0x28: {  	s2 =	sld [smem:$0x3F94]  }
0x29: {  	s4 =	sld [smem:$0x3F96]  }
0x2a: {  	p0 =	seq.s32 s5, $0x0;
	s5 =	sld [smem:$0x3F97]  }
0x2b: {  	s6 =	sld [smem:$0x3F98]  }
0x2c: {  	s7 =	sld [smem:$0x3F99]  }
0x2d: {  	s3 =	simm.s32 $0x108;
	s8 =	sld [smem:$0x3F9A]  }
0x2e: {  	s3 =	simm.s32 @!p0 $0x1082;
	s9 =	sld [smem:$0x3F9B]  }
0x2f: {  	lr =	sadd.s32 s0, s3;
	s0 =	sld [smem:$0x3F92]  }
0x30: {  	s3 =	sld [smem:$0x3F95]  }
0x31: {  	[smem:$0x3F9E] =	sst s10  }
0x32: {  	s10 =	sld [smem:$0x3F9C];
	_ =	sdelay $0x3  }
0x33: {  	p0 =	seq.s32 s10, $0x1;
	s10 =	sld [smem:$0x3F9E];
	_ =	sdelay $0x3  }
0x34: {  	[smem:$0x3F9E] =	sst s10  }
0x35: {  	s10 =	sld [smem:$0x3F9D];
	_ =	sdelay $0x3  }
0x36: {  	p1 =	seq.s32 s10, $0x1;
	s10 =	sld [smem:$0x3F9E];
	_ =	sdelay $0x3  }
0x37: {  	[smem:$0x3F9E] =	sst s10  }
0x38: {  	s10 =	sld [smem:$0x3F9F]  }
0x39: {  	_ = 	snop;
	(pc) =	sbr.ind lr, $3  }
0x3a: {  	_ = 	snop  }
0x3b: {  	_ = 	snop  }
0x3c: {  	p2 =	seq.s32 s10, $0x1;
	s10 =	sld [smem:$0x3F9E]  }
0x3d: {  	_ =	shalt  }
0x3e: {  	_ =	shalt  }
0x3f: {  	_ =	shalt  }
0x40: {  	_ =	shalt  }
0x41: {  	_ =	shalt  }
0x42: {  	_ =	shalt  }
0x43: {  	_ =	shalt  }
0x44: {  	_ =	shalt  }
0x45: {  	_ =	shalt  }
0x46: {  	_ =	shalt  }
0x47: {  	_ =	shalt  }
0x48: {  	_ =	shalt  }
0x49: {  	_ =	shalt  }
0x4a: {  	_ =	shalt  }
0x4b: {  	_ =	shalt  }
0x4c: {  	_ =	shalt  }
0x4d: {  	_ =	shalt  }
0x4e: {  	_ =	shalt  }
0x4f: {  	_ =	shalt  }
0x50: {  	_ =	shalt  }
0x51: {  	_ =	shalt  }
0x52: {  	_ =	shalt  }
0x53: {  	_ =	shalt  }
0x54: {  	_ =	shalt  }
0x55: {  	_ =	shalt  }
0x56: {  	_ =	shalt  }
0x57: {  	_ =	shalt  }
0x58: {  	_ =	shalt  }
0x59: {  	_ =	shalt  }
0x5a: {  	_ =	shalt  }
0x5b: {  	_ =	shalt  }
0x5c: {  	_ =	shalt  }
0x5d: {  	_ =	shalt  }
0x5e: {  	_ =	shalt  }
0x5f: {  	_ =	shalt  }
0x60: {  	_ =	shalt  }
0x61: {  	_ =	shalt  }
0x62: {  	_ =	shalt  }
0x63: {  	_ =	shalt  }
0x64: {  	_ =	shalt  }
0x65: {  	_ =	shalt  }
0x66: {  	_ =	shalt  }
0x67: {  	_ =	shalt  }
0x68: {  	_ =	shalt  }
0x69: {  	_ =	shalt  }
0x6a: {  	_ =	shalt  }
0x6b: {  	_ =	shalt  }
0x6c: {  	_ =	shalt  }
0x6d: {  	_ =	shalt  }
0x6e: {  	_ =	shalt  }
0x6f: {  	_ =	shalt  }
0x70: {  	_ =	shalt  }
0x71: {  	_ =	shalt  }
0x72: {  	_ =	shalt  }
0x73: {  	_ =	shalt  }
0x74: {  	_ =	shalt  }
0x75: {  	_ =	shalt  }
0x76: {  	_ =	shalt  }
0x77: {  	_ =	shalt  }
0x78: {  	_ =	shalt  }
0x79: {  	_ =	shalt  }
0x7a: {  	_ =	shalt  }
0x7b: {  	_ =	shalt  }
0x7c: {  	_ =	shalt  }
0x7d: {  	_ =	shalt  }
0x7e: {  	_ =	shalt  }
0x7f: {  	_ =	shalt  }
0x80: {  	_ =	shalt  }
0x81: {  	_ =	shalt  }
0x82: {  	_ =	shalt  }
0x83: {  	_ =	shalt  }
0x84: {  	_ =	shalt  }
0x85: {  	_ =	shalt  }
0x86: {  	_ =	shalt  }
0x87: {  	_ =	shalt  }
.Lfunc_end0:
.L_simem_size_0:
called_computation_lowered:
.L_overlay_start_0:
0x88: {  	s2 =	sld [smem:$0x3FD9]  }
0x89: {  	s3 =	sld [smem:$0x3FFE];
	_ =	sdelay $0x1  }
0x8a: {  	s1 =	srdreg.scid  }
0x8b: {  	s0 =	sand.u32 $0x1, s1  }
0x8c: {  	s17 =	sshll.u32 s0, $0xA;
	s2 =	sadd.s32 s3, s2  }
0x8d: {  	s2 =	sadd.s32 s2, s17  }
0x8e: {  	[smem:$0x3FAA] =	sst s2  }
0x8f: {  	_ = 	snop  }
0x90: {  	s2 =	sld [smem:$0x3FC9];
	(tm) =	ssettm $0x1  }
0x91: {  	s18 =	sld [smem:$0x3FFB];
	_ =	sdelay $0x3  }
0x92: {  	_ =	strace s18  }
0x93: {  	s3 =	sld [smem:$0x3FFC];
	_ =	sdelay $0x3  }
0x94: {  	_ =	strace s3  }
0x95: {  	s3 =	sld [smem:$0x3FFD];
	_ =	sdelay $0x3  }
0x96: {  	_ =	strace s3  }
0x97: {  	_ =	strace $0x8FFFFFFF  }
0x98: {  	s19 =	sld [smem:$0x3FDB];
	_ =	sdelay $0x1  }
0x99: {  	s4 =	simm.s32 $_scs_section_size  }
0x9a: {  	s5 =	simm.s32 $_size__tile_overlayer_lowered;
	s6 =	simm.s32 $_tile_overlayer_lowered  }
0x9b: {  	s22 =	simm.s32 $0x1BFF;
	s21 =	sshll.u32 s6, $0x1;
	s3 =	sadd.s32 s4, s19  }
0x9c: {  	s7 =	simm.s32 $0x0;
	s20 =	sshll.u32 s5, $0x1;
	s5 =	sadd.s32 s21, s3  }
0x9d: {  	[timem:s7], [sflag:s22] =	dma.local [hbm:s5], s20  }
0x9e: {  	_ =	swait.ge [sflag:s22], s20  }
0x9f: {  	s4 =	ssub.s32 $0x0, s20;
	[sflag:s22] =	ssyncset.done $0x0  }
0xa0: {  	[sflag:s22] =	ssyncadd.s32 s4;
	_ =	sdelay $0x1  }
0xa1: {  	s23 =	simm.s32 $0x1B8B  }
0xa2: {  	_ =	swait.ge [sflag:s23], $0x1  }
0xa3: {  	[sflag:s23] =	ssyncset.done $0x0  }
0xa4: {  	s25 =	simm.s32 $0x1B8E;
	s24 =	sld [smem:$0x3FFE];
	[sflag:s23] =	ssyncadd.s32 $0xFFFFFFFF  }
0xa5: {  	s26 =	simm.s32 $execute0_lowered;
	[smem:$0x3FD2] =	sst s25  }
0xa6: {  	s5 =	sshll.u32 s26, $0x1;
	_ =	strace $0x80000046;
	[dreg:$0x1] =	wrdreg $0xFFFFFFFF  }
0xa7: {  	s28 =	simm.s32 $_size_execute0_lowered;
	s3 =	sadd.s32 s3, s5;
	[dreg:$0x0] =	wrdreg $0x0  }
0xa8: {  	s5 =	sshll.u32 s28, $0x1;
	[dreg:$0x2] =	wrdreg s3  }
0xa9: {  	[dreg:$0x3] =	wrdreg s5  }
0xaa: {  	[dreg:$0x4] =	wrdreg $0xC0  }
0xab: {  	_ =	task [dreg:s7], $0x5FFFF  }
0xac: {  	[dreg:$0x1] =	wrdreg $0xFFFFFFFF  }
0xad: {  	[dreg:$0x0] =	wrdreg $0x60  }
0xae: {  	[dreg:$0x2] =	wrdreg s2  }
0xaf: {  	[dreg:$0x3] =	wrdreg s24  }
0xb0: {  	[dreg:$0x4] =	wrdreg $0x81800  }
0xb1: {  	[dreg:$0x5] =	wrdreg $0x9  }
0xb2: {  	_ =	task.clear_ibuf [dreg:s7], $0x6FFFF;
	_ =	strace $0x90000046  }
0xb3: {  	s29 =	simm.s32 $0x9;
	_ =	strace $0x80000048  }
0xb4: {  	_ =	swait.ge [sflag:s29], $0x1  }
0xb5: {  	[sflag:s29] =	ssyncadd.s32 $0xFFFFFFFF  }
0xb6: {  	_ =	strace $0x90000048  }
0xb7: {  	_ =	sfence  }
0xb8: {  	s30 =	sld [smem:$0x0];
	_ =	sdelay $0x2  }
0xb9: {  	s31 =	sshll.u32 s1, $0xD;
	s1 =	sshrl.u32 s1, $0x2  }
0xba: {  	s3 =	sand.u32 $0x4000, s31;
	s1 =	sadd.s32 s1, s30  }
0xbb: {  	s0 =	sor.u32 s3, s0;
	s1 =	sshll.u32 s1, $0x11  }
0xbc: {  	s0 =	sor.u32 s1, s0  }
0xbd: {  	s0 =	sadd.s32 $0x8F2B, s0  }
0xbe: {  	[sflag:s0] =	ssyncadd.remote.s32 $0x1  }
0xbf: {  	_ =	sfence.sel $0xFFFF  }
0xc0: {  	[dreg:$0x0] =	wrdreg $0xFFFFFFFF;
	(pc) =	sbr.abs _section_cstart, $3  }
0xc1: {  	[dreg:$0x1] =	wrdreg $0xFFFFFFFF  }
0xc2: {  	_ =	task.clear_ibuf [dreg:s7], $0x2FFFF;
	_ =	strace $0x9FFFFFFF  }
0xc3: {  	(tm) =	ssettm $0x7FFFFFFF  }
tec
execute0_lowered:
.L_overlay_start_1:
0x0: {  	(tag) =	ssettag $0x1  }
0x1: {  	s0 =	rddreg [dreg:$0x0]  }
0x2: {  	s2 =	rddreg [dreg:$0x1]  }
0x3: {  	s1 =	srdreg.scid;
	s3 =	rddreg [dreg:$0x2]  }
0x4: {  	s19 =	stileid.u32;
	s28 =	simm.s32 $0x500;
	s29 =	simm.s32 $0x50  }
0x5: {  	s30 =	simm.s32 $0x100;
	s31 =	simm.s32 $0x3200;
	s1 =	sand.u32 $0x1, s1  }
0x6: {  	s9 =	smul.u32 $0x2800, s19;
	s10 =	sadd.s32 $0x2F400, s2;
	s4 =	sshll.u32 s1, $0x4  }
0x7: {  	p0 =	sgt.u32 s19, $0xC;
	s7 =	ssub.s32 $0x2, s1;
	s5 =	sor.u32 s19, s4  }
0x8: {  	s4 =	simm.s32 $0x0;
	s8 =	sshrl.u32 s7, $0x1;
	s11 =	sadd.s32 $0x28000, s9  }
0x9: {  	s12 =	sadd.s32 $0x50000, s9;
	s13 =	sadd.s32 $0x78000, s9;
	s6 =	smul.u32 $0x4E2, s5  }
0xa: {  	s14 =	sadd.s32 $0xA0000, s9;
	s7 =	ssub.s32 s7, s8;
	s8 =	smul.u32 $0x138800, s1  }
0xb: {  	s15 =	sadd.s32 $0xC8000, s9;
	s17 =	sadd.s32 $0xF0000, s9;
	s5 =	smul.u32 $0xFA0, s5  }
0xc: {  	[smem:$0x7FF] =	sst s4;
	s1 =	smul.u32 $0xFA00, s1;
	s16 =	sadd.s32 s9, s8  }
0xd: {  	s18 =	sadd.s32 s8, s11;
	s22 =	sadd.s32 s8, s12;
	s24 =	sadd.s32 s8, s13  }
0xe: {  	s26 =	sadd.s32 s8, s14;
	s9 =	sadd.s32 $0x118000, s9;
	s6 =	sadd.s32 s6, s2  }
0xf: {  	s16 =	sshrl.u32 s16, $0x3;
	s21 =	sshrl.u32 s18, $0x3;
	s23 =	sshrl.u32 s22, $0x3  }
0x10: {  	s25 =	sshrl.u32 s24, $0x3;
	s20 =	sshrl.u32 s26, $0x3;
	s16 =	sadd.s32 s10, s16  }
0x11: {  	[dreg:$0x8] =	wrdreg s16;
	s16 =	sadd.s32 s10, s21;
	s21 =	sadd.s32 s8, s15  }
0x12: {  	[dreg:$0x9] =	wrdreg s16;
	s16 =	sadd.s32 s10, s23;
	s22 =	sshrl.u32 s21, $0x3  }
0x13: {  	s23 =	sadd.s32 s8, s17;
	[dreg:$0xa] =	wrdreg s16;
	s16 =	sadd.s32 s10, s25  }
0x14: {  	s8 =	sadd.s32 s8, s9;
	[dreg:$0xb] =	wrdreg s16;
	s16 =	sadd.s32 s10, s20  }
0x15: {  	s8 =	sshrl.u32 s8, $0x3;
	[dreg:$0xc] =	wrdreg s16;
	s16 =	sadd.s32 s10, s22  }
0x16: {  	s8 =	sadd.s32 s10, s8;
	[dreg:$0xd] =	wrdreg s16;
	s16 =	sshrl.u32 s23, $0x3  }
0x17: {  	s2 =	sadd.s32 $0x6200, s2;
	[dreg:$0xf] =	wrdreg s8;
	s16 =	sadd.s32 s10, s16  }
0x18: {  	s24 =	smul.u32 $0xA000, s19;
	s26 =	sadd.s32 s11, s3;
	[dreg:$0xe] =	wrdreg s16  }
0x19: {  	s11 =	sadd.s32 s12, s3;
	_ =	strace $0x80000047;
	[dreg:$0x11] =	wrdreg s26  }
0x1a: {  	s12 =	sadd.s32 s13, s3;
	s5 =	sadd.s32 s2, s5;
	[dreg:$0x12] =	wrdreg s11  }
0x1b: {  	s1 =	sadd.s32 s1, s2;
	s13 =	smul.u32 $0xFA0, s19;
	[dreg:$0x13] =	wrdreg s12  }
0x1c: {  	s18 =	sadd.s32 s15, s3;
	s16 =	sadd.s32 s14, s3;
	[dreg:$0x14] =	wrdreg s5  }
0x1d: {  	s2 =	sadd.s32 s9, s3;
	s1 =	sadd.s32 s13, s1;
	[dreg:$0x15] =	wrdreg s16  }
0x1e: {  	s25 =	sshrl.u32 s24, $0x2;
	s20 =	sadd.s32 s17, s3;
	[dreg:$0x16] =	wrdreg s18  }
0x1f: {  	s15 =	simm.s32 $0x880;
	s8 =	sadd.s32 s25, s3;
	[dreg:$0x17] =	wrdreg s20  }
0x20: {  	s13 =	simm.s32 $0x0;
	s21 =	sadd.s32 $0x118000, s8;
	[dreg:$0x10] =	wrdreg s8  }
0x21: {  	s9 =	simm.s32 $0x300;
	s22 =	sadd.s32 $0x25600, s6;
	[dreg:$0x18] =	wrdreg s21  }
0x22: {  	s24 =	smax.u32 s7, $0x1;
	s7 =	simm.s32 $0x200;
	[dreg:$0x19] =	wrdreg s22  }
0x23: {  	s17 =	simm.s32 $0x480;
	s25 =	simm.s32 $0x580;
	[dreg:$0x4] =	wrdreg s1  }
0x24: {  	s6 =	simm.s32 $0x3;
	s23 =	simm.s32 $0x600;
	[dreg:$0x1a] =	wrdreg s24  }
0x25: {  	s10 =	simm.s32 $0x280;
	s14 =	simm.s32 $0x900;
	[dreg:$0x5] =	wrdreg s23  }
0x26: {  	[dreg:$0x6] =	wrdreg s25;
	s26 =	simm.s32 $0x700;
	s24 =	simm.s32 $0xA00  }
0x27: {  	s1 =	sshrl.u32 @!p0 s2, $0x3;
	s2 =	simm.s32 $0x80;
	s5 =	simm.s32 $0x5A00  }
0x28: {  	s8 =	simm.s32 $0x180;
	s11 =	simm.s32 $0x400;
	s12 =	simm.s32 $0x380  }
0x29: {  	s21 =	simm.s32 $0x1;
	s22 =	simm.s32 $0x680;
	s23 =	simm.s32 $0x800  }
0x2a: {  	s25 =	simm.s32 $0x780;
	s16 =	simm.s32 $0x980;
	[dreg:$0x7] =	wrdreg s26  }
0x2b: {  	v0 =	vimm.f32 $0.0e+00;
	v1 =	vimm.f32 $1.000000000e+00;
	[dreg:$0x1b] =	wrdreg s1;
	s26 =	simm.s32 $0x4;
	s1 =	simm.s32 $0x2  }
.LBB2_1:
0x2c: {  	s18 =	simm.s32 $0x70;
	s19 =	simm.s32 $0x3C0  }
.LBB2_2:
0x2d: {  	p1 =	sne.s32 s19, $0x9FC0;
	[tilespmem:s18+$0xA00] =	vst v0  }
0x2e: {  	[tilespmem:s18+$0x990] =	vst v0  }
0x2f: {  	[tilespmem:s18+$0x9A0] =	vst v0  }
.Ltmp0:
0x30: {  	[tilespmem:s18+$0x9B0] =	vst v0;
	(pc) =	sbr.rel @p1 .LBB2_2-.Ltmp0, $4  }
0x31: {  	[tilespmem:s18+$0x9C0] =	vst v0  }
0x32: {  	[tilespmem:s18+$0x9D0] =	vst v0  }
0x33: {  	[tilespmem:s18+$0x9E0] =	vst v0  }
0x34: {  	[tilespmem:s18+$0x9F0] =	vst v0;
	s18 =	sshra.s32 s19, $0x2;
	s19 =	sadd.s32 $0x200, s19  }
0x35: {  	[tilespmem:s18+$0xA00] =	vst v0  }
0x36: {  	[tilespmem:s18+$0x990] =	vst v0  }
0x37: {  	[tilespmem:s18+$0x9A0] =	vst v0  }
0x38: {  	[tilespmem:s18+$0x9B0] =	vst v0  }
0x39: {  	[tilespmem:s18+$0x9C0] =	vst v0  }
0x3a: {  	[tilespmem:s18+$0x9D0] =	vst v0  }
0x3b: {  	[tilespmem:s18+$0x9E0] =	vst v0  }
0x3c: {  	[tilespmem:s18+$0x9F0] =	vst v0;
	s18 =	simm.s32 $0x40;
	s19 =	simm.s32 $0x0  }
.LBB2_4:
0x3d: {  	p1 =	sne.s32 s18, $0x9C00;
	[tilespmem:s19+$0x5A00] =	vst v0;
	s19 =	smov.u32 s18;
	s18 =	sadd.s32 $0x40, s18  }
.Ltmp1:
0x3e: {  	(pc) =	sbr.rel @p1 .LBB2_4-.Ltmp1, $2  }
0x3f: {  	_ =	sdelay $0x2  }
0x40: {  	s19 =	sshra.s32 s19, $0x2  }
0x41: {  	[tilespmem:s19+$0x5A00] =	vst v0;
	s18 =	rddreg [dreg:$0x10]  }
0x42: {  	[spmem:s18] =	stream.linear.scatter [tilespmem:s24], [sflag:$0x4], $0x2800, $0x38;
	[tilespmem:$0x1BA00] =	vst v63  }
0x43: {  	_ =	swait.ge [sflag:s26], $0x2800  }
0x44: {  	[sflag:s26] =	ssyncset.done $0x0  }
0x45: {  	s20 =	rddreg [dreg:$0x11];
	[sflag:s26] =	ssyncadd.s32 $0xFFFFD800  }
0x46: {  	[spmem:s20] =	stream.linear.scatter [tilespmem:s24], [sflag:$0x4], $0x2800, $0x38;
	[tilespmem:$0x1BA00] =	vst v63  }
0x47: {  	_ =	swait.ge [sflag:s26], $0x2800  }
0x48: {  	[sflag:s26] =	ssyncset.done $0x0  }
0x49: {  	s19 =	rddreg [dreg:$0x12];
	[sflag:s26] =	ssyncadd.s32 $0xFFFFD800  }
0x4a: {  	[spmem:s19] =	stream.linear.scatter [tilespmem:s24], [sflag:$0x4], $0x2800, $0x38;
	[tilespmem:$0x1BA00] =	vst v63  }
0x4b: {  	_ =	swait.ge [sflag:s26], $0x2800  }
0x4c: {  	[sflag:s26] =	ssyncset.done $0x0  }
0x4d: {  	s20 =	rddreg [dreg:$0x13];
	[sflag:s26] =	ssyncadd.s32 $0xFFFFD800  }
0x4e: {  	[spmem:s20] =	stream.linear.scatter [tilespmem:s24], [sflag:$0x4], $0x2800, $0x38;
	[tilespmem:$0x1BA00] =	vst v63  }
0x4f: {  	_ =	swait.ge [sflag:s26], $0x2800  }
0x50: {  	[sflag:s26] =	ssyncset.done $0x0  }
0x51: {  	s19 =	rddreg [dreg:$0x15];
	[sflag:s26] =	ssyncadd.s32 $0xFFFFD800  }
0x52: {  	[spmem:s19] =	stream.linear.scatter [tilespmem:s24], [sflag:$0x4], $0x2800, $0x38;
	[tilespmem:$0x1BA00] =	vst v63  }
0x53: {  	_ =	swait.ge [sflag:s26], $0x2800  }
0x54: {  	[sflag:s26] =	ssyncset.done $0x0  }
0x55: {  	s20 =	rddreg [dreg:$0x16];
	[sflag:s26] =	ssyncadd.s32 $0xFFFFD800  }
0x56: {  	[spmem:s20] =	stream.linear.scatter [tilespmem:s24], [sflag:$0x4], $0x2800, $0x38;
	[tilespmem:$0x1BA00] =	vst v63  }
0x57: {  	_ =	swait.ge [sflag:s26], $0x2800  }
0x58: {  	[sflag:s26] =	ssyncset.done $0x0  }
0x59: {  	s19 =	rddreg [dreg:$0x17];
	[sflag:s26] =	ssyncadd.s32 $0xFFFFD800  }
0x5a: {  	[spmem:s19] =	stream.linear.scatter [tilespmem:s24], [sflag:$0x4], $0x2800, $0x38;
	[tilespmem:$0x1BA00] =	vst v63  }
0x5b: {  	_ =	swait.ge [sflag:s26], $0x2800  }
0x5c: {  	[sflag:s26] =	ssyncset.done $0x0  }
0x5d: {  	s18 =	simm.s32 @!p0 $0xA00;
	s19 =	rddreg [dreg:$0x18];
	[sflag:s26] =	ssyncadd.s32 $0xFFFFD800  }
0x5e: {  	[spmem:s19] =	stream.linear.scatter @!p0 [tilespmem:s18], [sflag:$0x4], $0x2800, $0x38;
	[tilespmem:$0x1BA00] =	vst v63  }
0x5f: {  	s18 =	simm.s32 @!p0 $0x4  }
0x60: {  	_ =	swait.ge @!p0 [sflag:s18], $0x2800  }
0x61: {  	[sflag:s18] =	ssyncset.done @!p0 $0x0  }
0x62: {  	[sflag:s18] =	ssyncadd.s32 @!p0 $0xFFFFD800  }
0x63: {  	[bflag:$0x0] =	sbarrier.arrive $0xFFFF  }
0x64: {  	s20 =	rddreg [dreg:$0x14]  }
0x65: {  	[tilespmem:s4], [sflag:$0x4] =	stream.linear.gather [hbm4b:s20+s4], $0x500, $0x38;
	[tilespmem:$0x1BA00] =	vst v63  }
0x66: {  	_ =	swait.ge [sflag:s26], $0x500  }
0x67: {  	[sflag:s26] =	ssyncset.done $0x0  }
0x68: {  	s18 =	simm.s32 $0xFFFFF100;
	[sflag:s26] =	ssyncadd.s32 $0xFFFFFB00  }
.LBB2_6:
0x69: {  	s19 =	rddreg [dreg:$0x4]  }
0x6a: {  	s19 =	sadd.s32 s18, s19  }
0x6b: {  	s20 =	sadd.s32 $0xFA0, s19  }
0x6c: {  	[tilespmem:s28], [sflag:$0x1] =	stream.linear.gather [hbm4b:s20+s4], $0x500, $0x38;
	[tilespmem:$0x1BA00] =	vst v63  }
0x6d: {  	_ = 	snop  }
0x6e: {  	[tilespmem:s24], [sflag:$0x2] =	stream.indirect.gather [hbm4b:s0+s29], $0x80, s4, s29, $0xb8;
	[tilespmem:$0x1BA00] =	vst v63  }
0x6f: {  	_ = 	snop  }
0x70: {  	[tilespmem:s31], [sflag:$0x2] =	stream.indirect.gather [hbm4b:s0+s29], $0x80, s30, s29, $0xb8;
	[tilespmem:$0x1BA00] =	vst v63  }
0x71: {  	_ =	swait.ge [sflag:s1], $0x2800  }
0x72: {  	[sflag:s1] =	ssyncset.done $0x0  }
0x73: {  	[sflag:s1] =	ssyncadd.s32 $0xFFFFD800  }
0x74: {  	[spmem:s3] =	stream.indirect.scatter.add.f32 [tilespmem:s24], [sflag:$0x3], $0x80, s2, s29, $0xb8;
	[tilespmem:$0x1BA00] =	vst v63  }
0x75: {  	v2 =	vld [tilespmem:$0x80];
	_ =	sdelay $0x7  }
0x76: {  	[tilespmem:v2+s5+$0x0] =	vst.idx.add.f32.msk $0xffff, v1  }
0x77: {  	v2 =	vld [tilespmem:$0x90];
	_ =	sdelay $0x7  }
0x78: {  	[tilespmem:v2+s5+$0x0] =	vst.idx.add.f32.msk $0xffff, v1  }
0x79: {  	v2 =	vld [tilespmem:$0xA0];
	_ =	sdelay $0x7  }
0x7a: {  	[tilespmem:v2+s5+$0x0] =	vst.idx.add.f32.msk $0xffff, v1  }
0x7b: {  	v2 =	vld [tilespmem:$0xB0];
	_ =	sdelay $0x7  }
0x7c: {  	[tilespmem:v2+s5+$0x0] =	vst.idx.add.f32.msk $0xffff, v1  }
0x7d: {  	v2 =	vld [tilespmem:$0xC0];
	_ =	sdelay $0x7  }
0x7e: {  	[tilespmem:v2+s5+$0x0] =	vst.idx.add.f32.msk $0xffff, v1  }
0x7f: {  	_ =	swait.ge [sflag:s6], $0x2800  }
0x80: {  	[sflag:s6] =	ssyncset.done $0x0  }
0x81: {  	[sflag:s6] =	ssyncadd.s32 $0xFFFFD800  }
0x82: {  	[tilespmem:s24], [sflag:$0x2] =	stream.indirect.gather [hbm4b:s0+s29], $0x80, s7, s29, $0xb8;
	[tilespmem:$0x1BA00] =	vst v63  }
0x83: {  	_ =	swait.ge [sflag:s1], $0x2800  }
0x84: {  	[sflag:s1] =	ssyncset.done $0x0  }
0x85: {  	[sflag:s1] =	ssyncadd.s32 $0xFFFFD800  }
0x86: {  	[spmem:s3] =	stream.indirect.scatter.add.f32 [tilespmem:s31], [sflag:$0x3], $0x80, s8, s29, $0xb8;
	[tilespmem:$0x1BA00] =	vst v63  }
0x87: {  	v2 =	vld [tilespmem:$0x180];
	_ =	sdelay $0x7  }
0x88: {  	[tilespmem:v2+s5+$0x0] =	vst.idx.add.f32.msk $0xffff, v1  }
0x89: {  	v2 =	vld [tilespmem:$0x190];
	_ =	sdelay $0x7  }
0x8a: {  	[tilespmem:v2+s5+$0x0] =	vst.idx.add.f32.msk $0xffff, v1  }
0x8b: {  	v2 =	vld [tilespmem:$0x1A0];
	_ =	sdelay $0x7  }
0x8c: {  	[tilespmem:v2+s5+$0x0] =	vst.idx.add.f32.msk $0xffff, v1  }
0x8d: {  	v2 =	vld [tilespmem:$0x1B0];
	_ =	sdelay $0x7  }
0x8e: {  	[tilespmem:v2+s5+$0x0] =	vst.idx.add.f32.msk $0xffff, v1  }
0x8f: {  	v2 =	vld [tilespmem:$0x1C0];
	_ =	sdelay $0x7  }
0x90: {  	[tilespmem:v2+s5+$0x0] =	vst.idx.add.f32.msk $0xffff, v1  }
0x91: {  	_ =	swait.ge [sflag:s6], $0x2800  }
0x92: {  	[sflag:s6] =	ssyncset.done $0x0  }
0x93: {  	[sflag:s6] =	ssyncadd.s32 $0xFFFFD800  }
0x94: {  	[tilespmem:s31], [sflag:$0x2] =	stream.indirect.gather [hbm4b:s0+s29], $0x80, s9, s29, $0xb8;
	[tilespmem:$0x1BA00] =	vst v63  }
0x95: {  	_ =	swait.ge [sflag:s1], $0x2800  }
0x96: {  	[sflag:s1] =	ssyncset.done $0x0  }
0x97: {  	[sflag:s1] =	ssyncadd.s32 $0xFFFFD800  }
0x98: {  	[spmem:s3] =	stream.indirect.scatter.add.f32 [tilespmem:s24], [sflag:$0x3], $0x80, s10, s29, $0xb8;
	[tilespmem:$0x1BA00] =	vst v63  }
0x99: {  	v2 =	vld [tilespmem:$0x280];
	_ =	sdelay $0x7  }
0x9a: {  	[tilespmem:v2+s5+$0x0] =	vst.idx.add.f32.msk $0xffff, v1  }
0x9b: {  	v2 =	vld [tilespmem:$0x290];
	_ =	sdelay $0x7  }
0x9c: {  	[tilespmem:v2+s5+$0x0] =	vst.idx.add.f32.msk $0xffff, v1  }
0x9d: {  	v2 =	vld [tilespmem:$0x2A0];
	_ =	sdelay $0x7  }
0x9e: {  	[tilespmem:v2+s5+$0x0] =	vst.idx.add.f32.msk $0xffff, v1  }
0x9f: {  	v2 =	vld [tilespmem:$0x2B0];
	_ =	sdelay $0x7  }
0xa0: {  	[tilespmem:v2+s5+$0x0] =	vst.idx.add.f32.msk $0xffff, v1  }
0xa1: {  	v2 =	vld [tilespmem:$0x2C0];
	_ =	sdelay $0x7  }
0xa2: {  	[tilespmem:v2+s5+$0x0] =	vst.idx.add.f32.msk $0xffff, v1  }
0xa3: {  	_ =	swait.ge [sflag:s6], $0x2800  }
0xa4: {  	[sflag:s6] =	ssyncset.done $0x0  }
0xa5: {  	[sflag:s6] =	ssyncadd.s32 $0xFFFFD800  }
0xa6: {  	[tilespmem:s24], [sflag:$0x2] =	stream.indirect.gather [hbm4b:s0+s29], $0x80, s11, s29, $0xb8;
	[tilespmem:$0x1BA00] =	vst v63  }
0xa7: {  	_ =	swait.ge [sflag:s1], $0x2800  }
0xa8: {  	[sflag:s1] =	ssyncset.done $0x0  }
0xa9: {  	[sflag:s1] =	ssyncadd.s32 $0xFFFFD800  }
0xaa: {  	[spmem:s3] =	stream.indirect.scatter.add.f32 [tilespmem:s31], [sflag:$0x3], $0x80, s12, s29, $0xb8;
	[tilespmem:$0x1BA00] =	vst v63  }
0xab: {  	v2 =	vld [tilespmem:$0x380];
	_ =	sdelay $0x7  }
0xac: {  	[tilespmem:v2+s5+$0x0] =	vst.idx.add.f32.msk $0xffff, v1  }
0xad: {  	v2 =	vld [tilespmem:$0x390];
	_ =	sdelay $0x7  }
0xae: {  	[tilespmem:v2+s5+$0x0] =	vst.idx.add.f32.msk $0xffff, v1  }
0xaf: {  	v2 =	vld [tilespmem:$0x3A0];
	_ =	sdelay $0x7  }
0xb0: {  	[tilespmem:v2+s5+$0x0] =	vst.idx.add.f32.msk $0xffff, v1  }
0xb1: {  	v2 =	vld [tilespmem:$0x3B0];
	_ =	sdelay $0x7  }
0xb2: {  	[tilespmem:v2+s5+$0x0] =	vst.idx.add.f32.msk $0xffff, v1  }
0xb3: {  	v2 =	vld [tilespmem:$0x3C0];
	_ =	sdelay $0x7  }
0xb4: {  	[tilespmem:v2+s5+$0x0] =	vst.idx.add.f32.msk $0xffff, v1  }
0xb5: {  	_ =	swait.ge [sflag:s1], $0x2800  }
0xb6: {  	[sflag:s1] =	ssyncset.done $0x0  }
0xb7: {  	[sflag:s1] =	ssyncadd.s32 $0xFFFFD800  }
0xb8: {  	[spmem:s3] =	stream.indirect.scatter.add.f32 [tilespmem:s24], [sflag:$0x3], $0x80, s17, s29, $0xb8;
	[tilespmem:$0x1BA00] =	vst v63  }
0xb9: {  	v2 =	vld [tilespmem:$0x480];
	_ =	sdelay $0x7  }
0xba: {  	[tilespmem:v2+s5+$0x0] =	vst.idx.add.f32.msk $0xffff, v1  }
0xbb: {  	v2 =	vld [tilespmem:$0x490];
	_ =	sdelay $0x7  }
0xbc: {  	[tilespmem:v2+s5+$0x0] =	vst.idx.add.f32.msk $0xffff, v1  }
0xbd: {  	v2 =	vld [tilespmem:$0x4A0];
	_ =	sdelay $0x7  }
0xbe: {  	[tilespmem:v2+s5+$0x0] =	vst.idx.add.f32.msk $0xffff, v1  }
0xbf: {  	v2 =	vld [tilespmem:$0x4B0];
	_ =	sdelay $0x7  }
0xc0: {  	[tilespmem:v2+s5+$0x0] =	vst.idx.add.f32.msk $0xffff, v1  }
0xc1: {  	v2 =	vld [tilespmem:$0x4C0];
	_ =	sdelay $0x7  }
0xc2: {  	[tilespmem:v2+s5+$0x0] =	vst.idx.add.f32.msk $0xffff, v1  }
0xc3: {  	_ =	swait.ge [sflag:s6], $0x2800  }
0xc4: {  	[sflag:s6] =	ssyncset.done $0x0  }
0xc5: {  	[sflag:s6] =	ssyncadd.s32 $0xFFFFD800  }
0xc6: {  	_ =	swait.ge [sflag:s6], $0x2800  }
0xc7: {  	[sflag:s6] =	ssyncset.done $0x0  }
0xc8: {  	[sflag:s6] =	ssyncadd.s32 $0xFFFFD800  }
0xc9: {  	_ =	swait.ge [sflag:s21], $0x500  }
0xca: {  	[sflag:s21] =	ssyncset.done $0x0  }
0xcb: {  	s19 =	sadd.s32 $0x1040, s19;
	[sflag:s21] =	ssyncadd.s32 $0xFFFFFB00  }
0xcc: {  	[tilespmem:s4], [sflag:$0x1] =	stream.linear.gather [hbm4b:s19+s4], $0x500, $0x38;
	[tilespmem:$0x1BA00] =	vst v63  }
0xcd: {  	_ = 	snop  }
0xce: {  	[tilespmem:s24], [sflag:$0x2] =	stream.indirect.gather [hbm4b:s0+s29], $0x80, s28, s29, $0xb8;
	[tilespmem:$0x1BA00] =	vst v63  }
0xcf: {  	s20 =	rddreg [dreg:$0x5]  }
0xd0: {  	[tilespmem:s31], [sflag:$0x2] =	stream.indirect.gather [hbm4b:s0+s29], $0x80, s20, s29, $0xb8;
	[tilespmem:$0x1BA00] =	vst v63  }
0xd1: {  	_ =	swait.ge [sflag:s1], $0x2800  }
0xd2: {  	[sflag:s1] =	ssyncset.done $0x0  }
0xd3: {  	s20 =	rddreg [dreg:$0x6];
	[sflag:s1] =	ssyncadd.s32 $0xFFFFD800  }
0xd4: {  	[spmem:s3] =	stream.indirect.scatter.add.f32 [tilespmem:s24], [sflag:$0x3], $0x80, s20, s29, $0xb8;
	[tilespmem:$0x1BA00] =	vst v63  }
0xd5: {  	v2 =	vld [tilespmem:$0x580];
	_ =	sdelay $0x7  }
0xd6: {  	[tilespmem:v2+s5+$0x0] =	vst.idx.add.f32.msk $0xffff, v1  }
0xd7: {  	v2 =	vld [tilespmem:$0x590];
	_ =	sdelay $0x7  }
0xd8: {  	[tilespmem:v2+s5+$0x0] =	vst.idx.add.f32.msk $0xffff, v1  }
0xd9: {  	v2 =	vld [tilespmem:$0x5A0];
	_ =	sdelay $0x7  }
0xda: {  	[tilespmem:v2+s5+$0x0] =	vst.idx.add.f32.msk $0xffff, v1  }
0xdb: {  	v2 =	vld [tilespmem:$0x5B0];
	_ =	sdelay $0x7  }
0xdc: {  	[tilespmem:v2+s5+$0x0] =	vst.idx.add.f32.msk $0xffff, v1  }
0xdd: {  	v2 =	vld [tilespmem:$0x5C0];
	_ =	sdelay $0x7  }
0xde: {  	[tilespmem:v2+s5+$0x0] =	vst.idx.add.f32.msk $0xffff, v1  }
0xdf: {  	_ =	swait.ge [sflag:s6], $0x2800  }
0xe0: {  	[sflag:s6] =	ssyncset.done $0x0  }
0xe1: {  	s20 =	rddreg [dreg:$0x7];
	[sflag:s6] =	ssyncadd.s32 $0xFFFFD800  }
0xe2: {  	[tilespmem:s24], [sflag:$0x2] =	stream.indirect.gather [hbm4b:s0+s29], $0x80, s20, s29, $0xb8;
	[tilespmem:$0x1BA00] =	vst v63  }
0xe3: {  	_ =	swait.ge [sflag:s1], $0x2800  }
0xe4: {  	[sflag:s1] =	ssyncset.done $0x0  }
0xe5: {  	[sflag:s1] =	ssyncadd.s32 $0xFFFFD800  }
0xe6: {  	[spmem:s3] =	stream.indirect.scatter.add.f32 [tilespmem:s31], [sflag:$0x3], $0x80, s22, s29, $0xb8;
	[tilespmem:$0x1BA00] =	vst v63  }
0xe7: {  	v2 =	vld [tilespmem:$0x680];
	_ =	sdelay $0x7  }
0xe8: {  	[tilespmem:v2+s5+$0x0] =	vst.idx.add.f32.msk $0xffff, v1  }
0xe9: {  	v2 =	vld [tilespmem:$0x690];
	_ =	sdelay $0x7  }
0xea: {  	[tilespmem:v2+s5+$0x0] =	vst.idx.add.f32.msk $0xffff, v1  }
0xeb: {  	v2 =	vld [tilespmem:$0x6A0];
	_ =	sdelay $0x7  }
0xec: {  	[tilespmem:v2+s5+$0x0] =	vst.idx.add.f32.msk $0xffff, v1  }
0xed: {  	v2 =	vld [tilespmem:$0x6B0];
	_ =	sdelay $0x7  }
0xee: {  	[tilespmem:v2+s5+$0x0] =	vst.idx.add.f32.msk $0xffff, v1  }
0xef: {  	v2 =	vld [tilespmem:$0x6C0];
	_ =	sdelay $0x7  }
0xf0: {  	[tilespmem:v2+s5+$0x0] =	vst.idx.add.f32.msk $0xffff, v1  }
0xf1: {  	_ =	swait.ge [sflag:s6], $0x2800  }
0xf2: {  	[sflag:s6] =	ssyncset.done $0x0  }
0xf3: {  	[sflag:s6] =	ssyncadd.s32 $0xFFFFD800  }
0xf4: {  	[tilespmem:s31], [sflag:$0x2] =	stream.indirect.gather [hbm4b:s0+s29], $0x80, s23, s29, $0xb8;
	[tilespmem:$0x1BA00] =	vst v63  }
0xf5: {  	_ =	swait.ge [sflag:s1], $0x2800  }
0xf6: {  	[sflag:s1] =	ssyncset.done $0x0  }
0xf7: {  	[sflag:s1] =	ssyncadd.s32 $0xFFFFD800  }
0xf8: {  	[spmem:s3] =	stream.indirect.scatter.add.f32 [tilespmem:s24], [sflag:$0x3], $0x80, s25, s29, $0xb8;
	[tilespmem:$0x1BA00] =	vst v63  }
0xf9: {  	v2 =	vld [tilespmem:$0x780];
	_ =	sdelay $0x7  }
0xfa: {  	[tilespmem:v2+s5+$0x0] =	vst.idx.add.f32.msk $0xffff, v1  }
0xfb: {  	v2 =	vld [tilespmem:$0x790];
	_ =	sdelay $0x7  }
0xfc: {  	[tilespmem:v2+s5+$0x0] =	vst.idx.add.f32.msk $0xffff, v1  }
0xfd: {  	v2 =	vld [tilespmem:$0x7A0];
	_ =	sdelay $0x7  }
0xfe: {  	[tilespmem:v2+s5+$0x0] =	vst.idx.add.f32.msk $0xffff, v1  }
0xff: {  	v2 =	vld [tilespmem:$0x7B0];
	_ =	sdelay $0x7  }
0x100: {  	[tilespmem:v2+s5+$0x0] =	vst.idx.add.f32.msk $0xffff, v1  }
0x101: {  	v2 =	vld [tilespmem:$0x7C0];
	_ =	sdelay $0x7  }
0x102: {  	[tilespmem:v2+s5+$0x0] =	vst.idx.add.f32.msk $0xffff, v1  }
0x103: {  	_ =	swait.ge [sflag:s6], $0x2800  }
0x104: {  	[sflag:s6] =	ssyncset.done $0x0  }
0x105: {  	[sflag:s6] =	ssyncadd.s32 $0xFFFFD800  }
0x106: {  	[tilespmem:s24], [sflag:$0x2] =	stream.indirect.gather [hbm4b:s0+s29], $0x80, s14, s29, $0xb8;
	[tilespmem:$0x1BA00] =	vst v63  }
0x107: {  	_ =	swait.ge [sflag:s1], $0x2800  }
0x108: {  	[sflag:s1] =	ssyncset.done $0x0  }
0x109: {  	[sflag:s1] =	ssyncadd.s32 $0xFFFFD800  }
0x10a: {  	[spmem:s3] =	stream.indirect.scatter.add.f32 [tilespmem:s31], [sflag:$0x3], $0x80, s15, s29, $0xb8;
	[tilespmem:$0x1BA00] =	vst v63  }
0x10b: {  	v2 =	vld [tilespmem:$0x880];
	_ =	sdelay $0x7  }
0x10c: {  	[tilespmem:v2+s5+$0x0] =	vst.idx.add.f32.msk $0xffff, v1  }
0x10d: {  	v2 =	vld [tilespmem:$0x890];
	_ =	sdelay $0x7  }
0x10e: {  	[tilespmem:v2+s5+$0x0] =	vst.idx.add.f32.msk $0xffff, v1  }
0x10f: {  	v2 =	vld [tilespmem:$0x8A0];
	_ =	sdelay $0x7  }
0x110: {  	[tilespmem:v2+s5+$0x0] =	vst.idx.add.f32.msk $0xffff, v1  }
0x111: {  	v2 =	vld [tilespmem:$0x8B0];
	_ =	sdelay $0x7  }
0x112: {  	[tilespmem:v2+s5+$0x0] =	vst.idx.add.f32.msk $0xffff, v1  }
0x113: {  	v2 =	vld [tilespmem:$0x8C0];
	_ =	sdelay $0x7  }
0x114: {  	[tilespmem:v2+s5+$0x0] =	vst.idx.add.f32.msk $0xffff, v1  }
0x115: {  	_ =	swait.ge [sflag:s1], $0x2800  }
0x116: {  	[sflag:s1] =	ssyncset.done $0x0  }
0x117: {  	[sflag:s1] =	ssyncadd.s32 $0xFFFFD800  }
0x118: {  	[spmem:s3] =	stream.indirect.scatter.add.f32 [tilespmem:s24], [sflag:$0x3], $0x80, s16, s29, $0xb8;
	[tilespmem:$0x1BA00] =	vst v63  }
0x119: {  	v2 =	vld [tilespmem:$0x980];
	_ =	sdelay $0x7  }
0x11a: {  	[tilespmem:v2+s5+$0x0] =	vst.idx.add.f32.msk $0xffff, v1  }
0x11b: {  	v2 =	vld [tilespmem:$0x990];
	_ =	sdelay $0x7  }
0x11c: {  	[tilespmem:v2+s5+$0x0] =	vst.idx.add.f32.msk $0xffff, v1  }
0x11d: {  	v2 =	vld [tilespmem:$0x9A0];
	_ =	sdelay $0x7  }
0x11e: {  	[tilespmem:v2+s5+$0x0] =	vst.idx.add.f32.msk $0xffff, v1  }
0x11f: {  	v2 =	vld [tilespmem:$0x9B0];
	_ =	sdelay $0x7  }
0x120: {  	[tilespmem:v2+s5+$0x0] =	vst.idx.add.f32.msk $0xffff, v1  }
0x121: {  	v2 =	vld [tilespmem:$0x9C0];
	_ =	sdelay $0x7  }
0x122: {  	[tilespmem:v2+s5+$0x0] =	vst.idx.add.f32.msk $0xffff, v1  }
0x123: {  	_ =	swait.ge [sflag:s6], $0x2800  }
0x124: {  	[sflag:s6] =	ssyncset.done $0x0  }
0x125: {  	[sflag:s6] =	ssyncadd.s32 $0xFFFFD800  }
0x126: {  	p1 =	sne.s32 s18, $0xFFFFFEC0;
	_ =	swait.ge [sflag:s6], $0x2800  }
.Ltmp2:
0x127: {  	[sflag:s6] =	ssyncset.done $0x0;
	(pc) =	sbr.rel @p1 .LBB2_6-.Ltmp2, $4  }
0x128: {  	[sflag:s6] =	ssyncadd.s32 $0xFFFFD800  }
0x129: {  	_ =	swait.ge [sflag:s21], $0x500  }
0x12a: {  	[sflag:s21] =	ssyncset.done $0x0  }
0x12b: {  	s18 =	sadd.s32 $0x140, s18;
	[sflag:s21] =	ssyncadd.s32 $0xFFFFFB00  }
0x12c: {  	[tilespmem:s24], [sflag:$0x2] =	stream.indirect.gather [hbm4b:s0+s29], $0x80, s4, s29, $0xb8;
	[tilespmem:$0x1BA00] =	vst v63  }
0x12d: {  	_ = 	snop  }
0x12e: {  	[tilespmem:s31], [sflag:$0x2] =	stream.indirect.gather [hbm4b:s0+s29], $0x80, s30, s29, $0xb8;
	[tilespmem:$0x1BA00] =	vst v63  }
0x12f: {  	_ =	swait.ge [sflag:s1], $0x2800  }
0x130: {  	[sflag:s1] =	ssyncset.done $0x0  }
0x131: {  	[sflag:s1] =	ssyncadd.s32 $0xFFFFD800  }
0x132: {  	[spmem:s3] =	stream.indirect.scatter.add.f32 [tilespmem:s24], [sflag:$0x3], $0x80, s2, s29, $0xb8;
	[tilespmem:$0x1BA00] =	vst v63  }
0x133: {  	v2 =	vld [tilespmem:$0x80];
	_ =	sdelay $0x7  }
0x134: {  	[tilespmem:v2+s5+$0x0] =	vst.idx.add.f32.msk $0xffff, v1  }
0x135: {  	v2 =	vld [tilespmem:$0x90];
	_ =	sdelay $0x7  }
0x136: {  	[tilespmem:v2+s5+$0x0] =	vst.idx.add.f32.msk $0xffff, v1  }
0x137: {  	v2 =	vld [tilespmem:$0xA0];
	_ =	sdelay $0x7  }
0x138: {  	[tilespmem:v2+s5+$0x0] =	vst.idx.add.f32.msk $0xffff, v1  }
0x139: {  	v2 =	vld [tilespmem:$0xB0];
	_ =	sdelay $0x7  }
0x13a: {  	[tilespmem:v2+s5+$0x0] =	vst.idx.add.f32.msk $0xffff, v1  }
0x13b: {  	v2 =	vld [tilespmem:$0xC0];
	_ =	sdelay $0x7  }
0x13c: {  	[tilespmem:v2+s5+$0x0] =	vst.idx.add.f32.msk $0xffff, v1  }
0x13d: {  	_ =	swait.ge [sflag:s6], $0x2800  }
0x13e: {  	[sflag:s6] =	ssyncset.done $0x0  }
0x13f: {  	[sflag:s6] =	ssyncadd.s32 $0xFFFFD800  }
0x140: {  	[tilespmem:s24], [sflag:$0x2] =	stream.indirect.gather [hbm4b:s0+s29], $0x80, s7, s29, $0xb8;
	[tilespmem:$0x1BA00] =	vst v63  }
0x141: {  	_ =	swait.ge [sflag:s1], $0x2800  }
0x142: {  	[sflag:s1] =	ssyncset.done $0x0  }
0x143: {  	[sflag:s1] =	ssyncadd.s32 $0xFFFFD800  }
0x144: {  	[spmem:s3] =	stream.indirect.scatter.add.f32 [tilespmem:s31], [sflag:$0x3], $0x80, s8, s29, $0xb8;
	[tilespmem:$0x1BA00] =	vst v63  }
0x145: {  	v2 =	vld [tilespmem:$0x180];
	_ =	sdelay $0x7  }
0x146: {  	[tilespmem:v2+s5+$0x0] =	vst.idx.add.f32.msk $0xffff, v1  }
0x147: {  	v2 =	vld [tilespmem:$0x190];
	_ =	sdelay $0x7  }
0x148: {  	[tilespmem:v2+s5+$0x0] =	vst.idx.add.f32.msk $0xffff, v1  }
0x149: {  	v2 =	vld [tilespmem:$0x1A0];
	_ =	sdelay $0x7  }
0x14a: {  	[tilespmem:v2+s5+$0x0] =	vst.idx.add.f32.msk $0xffff, v1  }
0x14b: {  	v2 =	vld [tilespmem:$0x1B0];
	_ =	sdelay $0x7  }
0x14c: {  	[tilespmem:v2+s5+$0x0] =	vst.idx.add.f32.msk $0xffff, v1  }
0x14d: {  	v2 =	vld [tilespmem:$0x1C0];
	_ =	sdelay $0x7  }
0x14e: {  	[tilespmem:v2+s5+$0x0] =	vst.idx.add.f32.msk $0xffff, v1  }
0x14f: {  	_ =	swait.ge [sflag:s6], $0x2800  }
0x150: {  	[sflag:s6] =	ssyncset.done $0x0  }
0x151: {  	[sflag:s6] =	ssyncadd.s32 $0xFFFFD800  }
0x152: {  	[tilespmem:s31], [sflag:$0x2] =	stream.indirect.gather [hbm4b:s0+s29], $0x80, s9, s29, $0xb8;
	[tilespmem:$0x1BA00] =	vst v63  }
0x153: {  	_ =	swait.ge [sflag:s1], $0x2800  }
0x154: {  	[sflag:s1] =	ssyncset.done $0x0  }
0x155: {  	[sflag:s1] =	ssyncadd.s32 $0xFFFFD800  }
0x156: {  	[spmem:s3] =	stream.indirect.scatter.add.f32 [tilespmem:s24], [sflag:$0x3], $0x80, s10, s29, $0xb8;
	[tilespmem:$0x1BA00] =	vst v63  }
0x157: {  	v2 =	vld [tilespmem:$0x280];
	_ =	sdelay $0x7  }
0x158: {  	[tilespmem:v2+s5+$0x0] =	vst.idx.add.f32.msk $0xffff, v1  }
0x159: {  	v2 =	vld [tilespmem:$0x290];
	_ =	sdelay $0x7  }
0x15a: {  	[tilespmem:v2+s5+$0x0] =	vst.idx.add.f32.msk $0xffff, v1  }
0x15b: {  	v2 =	vld [tilespmem:$0x2A0];
	_ =	sdelay $0x7  }
0x15c: {  	[tilespmem:v2+s5+$0x0] =	vst.idx.add.f32.msk $0xffff, v1  }
0x15d: {  	v2 =	vld [tilespmem:$0x2B0];
	_ =	sdelay $0x7  }
0x15e: {  	[tilespmem:v2+s5+$0x0] =	vst.idx.add.f32.msk $0xffff, v1  }
0x15f: {  	v2 =	vld [tilespmem:$0x2C0];
	_ =	sdelay $0x7  }
0x160: {  	[tilespmem:v2+s5+$0x0] =	vst.idx.add.f32.msk $0xffff, v1  }
0x161: {  	_ =	swait.ge [sflag:s6], $0x2800  }
0x162: {  	[sflag:s6] =	ssyncset.done $0x0  }
0x163: {  	[sflag:s6] =	ssyncadd.s32 $0xFFFFD800  }
0x164: {  	[tilespmem:s24], [sflag:$0x2] =	stream.indirect.gather [hbm4b:s0+s29], $0x80, s11, s29, $0xb8;
	[tilespmem:$0x1BA00] =	vst v63  }
0x165: {  	_ =	swait.ge [sflag:s1], $0x2800  }
0x166: {  	[sflag:s1] =	ssyncset.done $0x0  }
0x167: {  	[sflag:s1] =	ssyncadd.s32 $0xFFFFD800  }
0x168: {  	[spmem:s3] =	stream.indirect.scatter.add.f32 [tilespmem:s31], [sflag:$0x3], $0x80, s12, s29, $0xb8;
	[tilespmem:$0x1BA00] =	vst v63  }
0x169: {  	v2 =	vld [tilespmem:$0x380];
	_ =	sdelay $0x7  }
0x16a: {  	[tilespmem:v2+s5+$0x0] =	vst.idx.add.f32.msk $0xffff, v1  }
0x16b: {  	v2 =	vld [tilespmem:$0x390];
	_ =	sdelay $0x7  }
0x16c: {  	[tilespmem:v2+s5+$0x0] =	vst.idx.add.f32.msk $0xffff, v1  }
0x16d: {  	v2 =	vld [tilespmem:$0x3A0];
	_ =	sdelay $0x7  }
0x16e: {  	[tilespmem:v2+s5+$0x0] =	vst.idx.add.f32.msk $0xffff, v1  }
0x16f: {  	v2 =	vld [tilespmem:$0x3B0];
	_ =	sdelay $0x7  }
0x170: {  	[tilespmem:v2+s5+$0x0] =	vst.idx.add.f32.msk $0xffff, v1  }
0x171: {  	v2 =	vld [tilespmem:$0x3C0];
	_ =	sdelay $0x7  }
0x172: {  	[tilespmem:v2+s5+$0x0] =	vst.idx.add.f32.msk $0xffff, v1  }
0x173: {  	_ =	swait.ge [sflag:s1], $0x2800  }
0x174: {  	[sflag:s1] =	ssyncset.done $0x0  }
0x175: {  	[sflag:s1] =	ssyncadd.s32 $0xFFFFD800  }
0x176: {  	[spmem:s3] =	stream.indirect.scatter.add.f32 [tilespmem:s24], [sflag:$0x3], $0x80, s17, s29, $0xb8;
	[tilespmem:$0x1BA00] =	vst v63  }
0x177: {  	v2 =	vld [tilespmem:$0x480];
	_ =	sdelay $0x7  }
0x178: {  	[tilespmem:v2+s5+$0x0] =	vst.idx.add.f32.msk $0xffff, v1  }
0x179: {  	v2 =	vld [tilespmem:$0x490];
	_ =	sdelay $0x7  }
0x17a: {  	[tilespmem:v2+s5+$0x0] =	vst.idx.add.f32.msk $0xffff, v1  }
0x17b: {  	v2 =	vld [tilespmem:$0x4A0];
	_ =	sdelay $0x7  }
0x17c: {  	[tilespmem:v2+s5+$0x0] =	vst.idx.add.f32.msk $0xffff, v1  }
0x17d: {  	v2 =	vld [tilespmem:$0x4B0];
	_ =	sdelay $0x7  }
0x17e: {  	[tilespmem:v2+s5+$0x0] =	vst.idx.add.f32.msk $0xffff, v1  }
0x17f: {  	v2 =	vld [tilespmem:$0x4C0];
	_ =	sdelay $0x7  }
0x180: {  	[tilespmem:v2+s5+$0x0] =	vst.idx.add.f32.msk $0xffff, v1  }
0x181: {  	_ =	swait.ge [sflag:s6], $0x2800  }
0x182: {  	[sflag:s6] =	ssyncset.done $0x0  }
0x183: {  	[sflag:s6] =	ssyncadd.s32 $0xFFFFD800  }
0x184: {  	_ =	swait.ge [sflag:s6], $0x2800  }
0x185: {  	[sflag:s6] =	ssyncset.done $0x0  }
0x186: {  	[sflag:s6] =	ssyncadd.s32 $0xFFFFD800  }
0x187: {  	s18 =	stileid.u32;
	[bflag:$0x0] =	sbarrier.arrive $0xFFFF  }
0x188: {  	s18 =	sshll.u32 s18, $0x6;
	s19 =	rddreg [dreg:$0x10]  }
0x189: {  	s18 =	sor.u32 $0x1C04, s18;
	s20 =	rddreg [dreg:$0x8];
	s19 =	sshrl.u32 s19, $0x3  }
0x18a: {  	[hbm:s20], [sflag:s18] =	dma.local [spmem:s19], $0x500  }
0x18b: {  	_ =	swait.ge [sflag:s26], $0x500  }
0x18c: {  	[sflag:s26] =	ssyncset.done $0x0;
	s20 =	rddreg [dreg:$0x11]  }
0x18d: {  	[sflag:s26] =	ssyncadd.s32 $0xFFFFFB00;
	s19 =	sshrl.u32 s20, $0x3;
	s20 =	rddreg [dreg:$0x9]  }
0x18e: {  	[hbm:s20], [sflag:s18] =	dma.local [spmem:s19], $0x500  }
0x18f: {  	_ =	swait.ge [sflag:s26], $0x500  }
0x190: {  	[sflag:s26] =	ssyncset.done $0x0;
	s20 =	rddreg [dreg:$0x12]  }
0x191: {  	[sflag:s26] =	ssyncadd.s32 $0xFFFFFB00;
	s19 =	sshrl.u32 s20, $0x3;
	s20 =	rddreg [dreg:$0xa]  }
0x192: {  	[hbm:s20], [sflag:s18] =	dma.local [spmem:s19], $0x500  }
0x193: {  	_ =	swait.ge [sflag:s26], $0x500  }
0x194: {  	[sflag:s26] =	ssyncset.done $0x0;
	s20 =	rddreg [dreg:$0x13]  }
0x195: {  	[sflag:s26] =	ssyncadd.s32 $0xFFFFFB00;
	s19 =	sshrl.u32 s20, $0x3;
	s20 =	rddreg [dreg:$0xb]  }
0x196: {  	[hbm:s20], [sflag:s18] =	dma.local [spmem:s19], $0x500  }
0x197: {  	_ =	swait.ge [sflag:s26], $0x500  }
0x198: {  	[sflag:s26] =	ssyncset.done $0x0;
	s20 =	rddreg [dreg:$0x15]  }
0x199: {  	[sflag:s26] =	ssyncadd.s32 $0xFFFFFB00;
	s19 =	sshrl.u32 s20, $0x3;
	s20 =	rddreg [dreg:$0xc]  }
0x19a: {  	[hbm:s20], [sflag:s18] =	dma.local [spmem:s19], $0x500  }
0x19b: {  	_ =	swait.ge [sflag:s26], $0x500  }
0x19c: {  	[sflag:s26] =	ssyncset.done $0x0;
	s20 =	rddreg [dreg:$0x16]  }
0x19d: {  	[sflag:s26] =	ssyncadd.s32 $0xFFFFFB00;
	s19 =	sshrl.u32 s20, $0x3;
	s20 =	rddreg [dreg:$0xd]  }
0x19e: {  	[hbm:s20], [sflag:s18] =	dma.local [spmem:s19], $0x500  }
0x19f: {  	_ =	swait.ge [sflag:s26], $0x500  }
0x1a0: {  	[sflag:s26] =	ssyncset.done $0x0;
	s20 =	rddreg [dreg:$0x17]  }
0x1a1: {  	[sflag:s26] =	ssyncadd.s32 $0xFFFFFB00;
	s19 =	sshrl.u32 s20, $0x3;
	s20 =	rddreg [dreg:$0xe]  }
0x1a2: {  	[hbm:s20], [sflag:s18] =	dma.local [spmem:s19], $0x500  }
0x1a3: {  	_ =	swait.ge [sflag:s26], $0x500  }
0x1a4: {  	[sflag:s26] =	ssyncset.done $0x0;
	s19 =	rddreg [dreg:$0xf]  }
0x1a5: {  	s20 =	rddreg [dreg:$0x1b];
	[sflag:s26] =	ssyncadd.s32 $0xFFFFFB00  }
0x1a6: {  	[hbm:s19], [sflag:s18] =	dma.local @!p0 [spmem:s20], $0x500  }
0x1a7: {  	s18 =	simm.s32 @!p0 $0x4  }
0x1a8: {  	_ =	swait.ge @!p0 [sflag:s18], $0x500  }
0x1a9: {  	[sflag:s18] =	ssyncset.done @!p0 $0x0  }
0x1aa: {  	s19 =	rddreg [dreg:$0x19];
	[sflag:s18] =	ssyncadd.s32 @!p0 $0xFFFFFB00  }
0x1ab: {  	[hbm4b:s19+s4] =	stream.linear.scatter [tilespmem:s5], [sflag:$0x4], $0x2710, $0x38;
	[tilespmem:$0x1BA00] =	vst v63  }
0x1ac: {  	_ =	swait.ge [sflag:s26], $0x2710  }
0x1ad: {  	s13 =	sadd.s32 $0x1, s13;
	s20 =	rddreg [dreg:$0x1a]  }
0x1ae: {  	p1 =	sne.s32 s13, s20  }
.Ltmp3:
0x1af: {  	_ = 	snop;
	(pc) =	sbr.rel @p1 .LBB2_1-.Ltmp3, $3  }
0x1b0: {  	_ =	sdelay $0x1  }
0x1b1: {  	[sflag:s26] =	ssyncset.done $0x0  }
0x1b2: {  	[sflag:s26] =	ssyncadd.s32 $0xFFFFD8F0  }
0x1b3: {  	_ =	sfence.sel $0x180000  }
0x1b4: {  	[bflag:$0x0] =	sbarrier.arrive $0xFFFF  }
0x1b5: {  	_ =	strace $0x90000047  }
0x1b6: {  	s0 =	stileid.u32;
	[bflag:$0x2] =	sbarrier.arrive $0xFFFF  }
0x1b7: {  	p0 =	sne.s32 s0, $0x0;
	s0 =	rddreg [dreg:$0x3]  }
0x1b8: {  	s0 =	sadd.s32 @!p0 $0x100000, s0  }
0x1b9: {  	[sflag:s0] =	ssyncadd.tile.s32 @!p0 $0x1;
	_ =	shalt  }
.Lfunc_end2:
_tile_overlayer_lowered:
.L_overlay_start_2:
0x1ba: {  	(tag) =	ssettag $0x2  }
0x1bb: {  	s0 =	rddreg [dreg:$0x0];
	s2 =	stileid.u32  }
0x1bc: {  	s1 =	rddreg [dreg:$0x1];
	p0 =	sne.s32 s2, $0x0  }
0x1bd: {  	s3 =	rddreg [dreg:$0x2];
	[bflag:$0x3] =	sbarrier.arrive $0xFFFF;
	s2 =	simm.s32 @!p0 $0x1C04  }
0x1be: {  	[timem:s3], [sflag:s2] =	dma.local @!p0 [hbm:s0], s1  }
0x1bf: {  	s0 =	simm.s32 @!p0 $0x4  }
0x1c0: {  	_ =	swait.ge @!p0 [sflag:s0], s1  }
0x1c1: {  	s1 =	ssub.s32 @!p0 $0x0, s1;
	[sflag:s0] =	ssyncset.done @!p0 $0x0  }
0x1c2: {  	[sflag:s0] =	ssyncadd.s32 @!p0 s1  }
0x1c3: {  	[bflag:$0x3] =	sbarrier.arrive $0xFFFF  }
0x1c4: {  	_ =	shalt  }

</sc_bundles>
